<compile_context>
chip_gen: v7x
topology: tpu7x:2x2x1
jax: 0.10.2.dev20260603
libtpu: 0.0.44.dev20260713+nightly
codegen_flags: <defaults>
</compile_context>

<pallas_src>
import functools

import numpy as np
import jax
import jax.numpy as jnp
from jax import lax
from jax.experimental import pallas as pl
from jax.experimental.pallas import tpu as pltpu
from jax.experimental.pallas import tpu_sc as plsc

_EMB = 64
_LANES = 16
_SCALE = float(np.sqrt(np.float32(_EMB)))
_NBUF = 4
_AHEAD = 2


def _pos_encoding(length, depth):
    half = depth / 2
    positions = np.arange(length)[:, np.newaxis]
    depths = np.arange(half)[np.newaxis, :] / half
    angle_rates = 1 / 10000 ** depths
    angle_rads = positions * angle_rates
    return np.concatenate(
        [np.sin(angle_rads), np.cos(angle_rads)], axis=-1
    ).astype(np.float32)


@jax.jit
def _run(x2, table, pos):
    PP, NWB, S, LL = x2.shape
    L = PP * S

    mesh = plsc.VectorSubcoreMesh(core_axis_name="c", subcore_axis_name="s")
    NC = plsc.get_sparse_core_info().num_cores

    @functools.partial(
        pl.kernel,
        out_type=jax.ShapeDtypeStruct((L, _EMB // 8, NWB, 8, LL), jnp.float32),
        mesh=mesh,
        scratch_types=[
            pltpu.VMEM((PP, S, LL), jnp.int32),
            pltpu.VMEM((L, _EMB), jnp.float32),
        ]
        + [pltpu.VMEM((LL, _EMB), jnp.float32) for _ in range(_NBUF)]
        + [pltpu.VMEM((_EMB, LL + 1), jnp.float32) for _ in range(_NBUF)]
        + [
            pltpu.SemaphoreType.DMA((_NBUF,)),
            pltpu.SemaphoreType.DMA((_NBUF,)),
        ],
        compiler_params=pltpu.CompilerParams(
            use_tc_tiling_on_sc=False, needs_layout_passes=False),
    )
    def body(x2_hbm, table_hbm, pos_hbm, out_hbm, idxs, pos_v,
             r0, r1, r2, r3, t0, t1, t2, t3, gsem, osem):
        rows = [r0, r1, r2, r3]
        ts = [t0, t1, t2, t3]
        w = lax.axis_index("s") * NC + lax.axis_index("c")
        pltpu.sync_copy(pos_hbm, pos_v)
        pltpu.sync_copy(x2_hbm.at[:, w], idxs)
        iota = lax.iota(jnp.int32, _LANES)
        cvecs = [iota + _LANES * cc for cc in range(_EMB // _LANES)]

        def start_gather(p, b):
            pltpu.async_copy(
                table_hbm.at[idxs.at[p // S, p % S]], rows[b], gsem.at[b])

        def wait_gather(b):
            pltpu.make_async_copy(
                table_hbm.at[idxs.at[0, 0]], rows[b], gsem.at[b]).wait()

        def start_out(p, b):
            for g in range(_EMB // 8):
                pltpu.async_copy(
                    ts[b].at[pl.ds(g * 8, 8), pl.ds(0, LL)],
                    out_hbm.at[p, g, w], osem.at[b])

        def wait_out(p, b):
            for g in range(_EMB // 8):
                pltpu.make_async_copy(
                    ts[b].at[pl.ds(g * 8, 8), pl.ds(0, LL)],
                    out_hbm.at[p, g, w], osem.at[b]).wait()

        for b in range(_AHEAD):
            start_gather(b, b)

        def group(k, carry):
            for b in range(_NBUF):
                p = k * _NBUF + b
                wait_gather(b)

                @pl.when(p >= _NBUF)
                def _():
                    wait_out(p - _NBUF, b)

                pvs = [pos_v[p, pl.ds(_LANES * cc, _LANES)]
                       for cc in range(_EMB // _LANES)]

                def l_body(l, carry2):
                    lsplat = jnp.full((_LANES,), l, jnp.int32)
                    for cc in range(_EMB // _LANES):
                        v = (rows[b][l, pl.ds(_LANES * cc, _LANES)] * _SCALE
                             + pvs[cc])
                        plsc.store_scatter(ts[b], [cvecs[cc], lsplat], v)
                    return carry2

                lax.fori_loop(0, LL, l_body, 0, unroll=8)
                start_out(p, b)

                @pl.when(p + _AHEAD < L)
                def _():
                    start_gather(p + _AHEAD, (b + _AHEAD) % _NBUF)
            return carry

        lax.fori_loop(0, L // _NBUF, group, 0, unroll=False)
        for b in range(_NBUF):
            wait_out(L - _NBUF + b, b)

    return body(x2, table, pos)


def kernel(x, table):
    B, L = x.shape
    pos = jnp.asarray(_pos_encoding(L, _EMB))
    x2 = jnp.transpose(
        x.astype(jnp.int32).reshape(32, 128, L // 8, 8), (2, 0, 3, 1))
    y = _run(x2, table, pos)
    return jnp.transpose(y, (2, 4, 0, 1, 3)).reshape(B, L, _EMB)

# --- scband reference (transcript-rebuilt; emitter-appended) ---
"""Pipeline reference for scband-token-embedding-6485400617081 (READ-ONLY COPY).

The authoritative reference and input builder live on the scoring server;
editing this copy changes nothing except your own understanding.
"""

import jax, jax.numpy as jnp
import numpy as np

VOCAB_SIZE = 1000000
EMB_DIM = 64
MAX_LEN = 200


def positional_encoding(length, depth):
    depth = depth / 2
    positions = np.arange(length)[:, np.newaxis]
    depths = np.arange(depth)[np.newaxis, :] / depth
    angle_rates = 1 / 10000 ** depths
    angle_rads = positions * angle_rates
    pos_encoding = np.concatenate([np.sin(angle_rads), np.cos(angle_rads)], axis=-1)
    return jnp.asarray(pos_encoding, dtype=jnp.float32)


def setup_inputs(seed: int = 0) -> dict:
    key = jax.random.key(seed)
    k_idx, k_tab = jax.random.split(key)
    x = jax.random.randint(k_idx, (4096, MAX_LEN), 0, VOCAB_SIZE, dtype=jnp.int64 if jax.config.jax_enable_x64 else jnp.int32)
    table = jax.random.normal(k_tab, (VOCAB_SIZE, EMB_DIM), dtype=jnp.float32) * 0.02
    return {"x": x, "table": table}


def reference(x, table):
    length = x.shape[1]
    pos_enc = positional_encoding(MAX_LEN, EMB_DIM)
    token_emb = jnp.take(table, x, axis=0)
    token_emb = token_emb * jnp.sqrt(jnp.asarray(EMB_DIM, dtype=jnp.float32))
    token_emb = token_emb + pos_enc[jnp.newaxis, :length, :]
    return token_emb

if __name__ == "__main__":
    import jax
    _d = setup_inputs()
    print(jax.jit(kernel)(*tuple(_d.values())))

</pallas_src>

<mosaic_0001>
#map = affine_map<(d0, d1) -> (0, 0, 0, 0)>
#map1 = affine_map<(d0, d1) -> (0, 0)>
#map2 = affine_map<(d0, d1) -> (0, 0, 0, 0, 0)>
module attributes {stable_mosaic.version = 14 : i64} {
  func.func @body(%arg0: i32, %arg1: i32, %arg2: memref<25x32x8x128xi32, #tpu.memory_space<hbm>>, %arg3: memref<1000000x64xf32, #tpu.memory_space<hbm>>, %arg4: memref<200x64xf32, #tpu.memory_space<hbm>>, %arg5: memref<200x8x32x8x128xf32, #tpu.memory_space<hbm>>, %arg6: memref<25x8x128xi32, #tpu.memory_space<vmem>>, %arg7: memref<200x64xf32, #tpu.memory_space<vmem>>, %arg8: memref<128x64xf32, #tpu.memory_space<vmem>>, %arg9: memref<128x64xf32, #tpu.memory_space<vmem>>, %arg10: memref<128x64xf32, #tpu.memory_space<vmem>>, %arg11: memref<128x64xf32, #tpu.memory_space<vmem>>, %arg12: memref<64x129xf32, #tpu.memory_space<vmem>>, %arg13: memref<64x129xf32, #tpu.memory_space<vmem>>, %arg14: memref<64x129xf32, #tpu.memory_space<vmem>>, %arg15: memref<64x129xf32, #tpu.memory_space<vmem>>, %arg16: memref<4x!tpu.dma_semaphore, #tpu.memory_space<semaphore_mem>>, %arg17: memref<4x!tpu.dma_semaphore, #tpu.memory_space<semaphore_mem>>) attributes {dimension_semantics = [#tpu.dimension_semantics<core_parallel>, #tpu.dimension_semantics<subcore_parallel>], iteration_bounds = array<i64: 2, 16>, scalar_prefetch = 0 : i64, scratch_operands = 12 : i64, tpu.core_type = #tpu.core_type<sc_vector_subcore>, window_params = [{transform_indices = #map}, {transform_indices = #map1}, {transform_indices = #map1}, {transform_indices = #map2}]} {
    %mul3A = arith.constant 2 : i32
    %mul3A_0 = arith.muli %arg1, %mul3A : i32
    %add3A = arith.addi %mul3A_0, %arg0 : i32
    "tpu.region"() ({
      %run_scoped3A = tpu.sem_alloc : memref<!tpu.dma_semaphore, #tpu.memory_space<semaphore_mem>>
      tpu.enqueue_dma source(%arg4 : memref<200x64xf32, #tpu.memory_space<hbm>>) target(%arg7 : memref<200x64xf32, #tpu.memory_space<vmem>>) target_semaphore(%run_scoped3A : memref<!tpu.dma_semaphore, #tpu.memory_space<semaphore_mem>>)
      tpu.wait_dma2 semaphore(%run_scoped3A : memref<!tpu.dma_semaphore, #tpu.memory_space<semaphore_mem>>) src(%arg4 : memref<200x64xf32, #tpu.memory_space<hbm>>) dst(%arg7 : memref<200x64xf32, #tpu.memory_space<vmem>>)
      tpu.yield
    }) : () -> ()
    "tpu.region"() ({
      %run_scoped3A = tpu.sem_alloc : memref<!tpu.dma_semaphore, #tpu.memory_space<semaphore_mem>>
      %dma_start3A_646 = arith.constant 0 : i32
      %dma_start3A_647 = arith.constant 0 : i32
      %dma_start3A_648 = arith.constant 0 : i32
      %dma_start3A_649 = tpu.memref_slice %arg2[%dma_start3A_646, %add3A, %dma_start3A_647, %dma_start3A_648] : memref<25x32x8x128xi32, #tpu.memory_space<hbm>> -> memref<25x1x8x128xi32, #tpu.memory_space<hbm>>
      %dma_start3A_650 = tpu.memref_squeeze %dma_start3A_649 : memref<25x1x8x128xi32, #tpu.memory_space<hbm>> -> memref<25x8x128xi32, #tpu.memory_space<hbm>>
      %dma_start3A_651 = arith.constant 0 : i32
      %dma_start3A_652 = arith.constant 0 : i32
      %dma_start3A_653 = arith.constant 0 : i32
      %dma_start3A_654 = tpu.memref_slice %arg2[%dma_start3A_651, %add3A, %dma_start3A_652, %dma_start3A_653] : memref<25x32x8x128xi32, #tpu.memory_space<hbm>> -> memref<25x1x8x128xi32, #tpu.memory_space<hbm>>
      %dma_start3A_655 = tpu.memref_squeeze %dma_start3A_654 : memref<25x1x8x128xi32, #tpu.memory_space<hbm>> -> memref<25x8x128xi32, #tpu.memory_space<hbm>>
      tpu.enqueue_dma source(%dma_start3A_655 : memref<25x8x128xi32, #tpu.memory_space<hbm>>) target(%arg6 : memref<25x8x128xi32, #tpu.memory_space<vmem>>) target_semaphore(%run_scoped3A : memref<!tpu.dma_semaphore, #tpu.memory_space<semaphore_mem>>)
      %dma_wait3A_656 = arith.constant 0 : i32
      %dma_wait3A_657 = arith.constant 0 : i32
      %dma_wait3A_658 = arith.constant 0 : i32
      %dma_wait3A_659 = tpu.memref_slice %arg2[%dma_wait3A_656, %add3A, %dma_wait3A_657, %dma_wait3A_658] : memref<25x32x8x128xi32, #tpu.memory_space<hbm>> -> memref<25x1x8x128xi32, #tpu.memory_space<hbm>>
      %dma_wait3A_660 = tpu.memref_squeeze %dma_wait3A_659 : memref<25x1x8x128xi32, #tpu.memory_space<hbm>> -> memref<25x8x128xi32, #tpu.memory_space<hbm>>
      %dma_wait3A_661 = arith.constant 0 : i32
      %dma_wait3A_662 = arith.constant 0 : i32
      %dma_wait3A_663 = arith.constant 0 : i32
      %dma_wait3A_664 = tpu.memref_slice %arg2[%dma_wait3A_661, %add3A, %dma_wait3A_662, %dma_wait3A_663] : memref<25x32x8x128xi32, #tpu.memory_space<hbm>> -> memref<25x1x8x128xi32, #tpu.memory_space<hbm>>
      %dma_wait3A_665 = tpu.memref_squeeze %dma_wait3A_664 : memref<25x1x8x128xi32, #tpu.memory_space<hbm>> -> memref<25x8x128xi32, #tpu.memory_space<hbm>>
      tpu.wait_dma2 semaphore(%run_scoped3A : memref<!tpu.dma_semaphore, #tpu.memory_space<semaphore_mem>>) src(%dma_wait3A_665 : memref<25x8x128xi32, #tpu.memory_space<hbm>>) dst(%arg6 : memref<25x8x128xi32, #tpu.memory_space<vmem>>)
      tpu.yield
    }) : () -> ()
    %iota3A = tpu.iota {dimensions = array<i32: 0>} : vector<16xi32>
    %add3A_1 = arith.constant 0 : i32
    %add3A_2 = vector.broadcast %add3A_1 : i32 to vector<16xi32>
    %add3A_3 = arith.addi %iota3A, %add3A_2 : vector<16xi32>
    %add3A_4 = arith.constant 16 : i32
    %add3A_5 = vector.broadcast %add3A_4 : i32 to vector<16xi32>
    %add3A_6 = arith.addi %iota3A, %add3A_5 : vector<16xi32>
    %add3A_7 = arith.constant 32 : i32
    %add3A_8 = vector.broadcast %add3A_7 : i32 to vector<16xi32>
    %add3A_9 = arith.addi %iota3A, %add3A_8 : vector<16xi32>
    %add3A_10 = arith.constant 48 : i32
    %add3A_11 = vector.broadcast %add3A_10 : i32 to vector<16xi32>
    %add3A_12 = arith.addi %iota3A, %add3A_11 : vector<16xi32>
    %dma_start3A = arith.constant 0 : i32
    %dma_start3A_13 = arith.constant 0 : i32
    %dma_start3A_14 = arith.constant 0 : i32
    %dma_start3A_15 = arith.constant 0 : i32
    %dma_start3A_16 = tpu.memref_slice %arg6[%dma_start3A, %dma_start3A_13, %dma_start3A_15] : memref<25x8x128xi32, #tpu.memory_space<vmem>> -> memref<1x1x128xi32, #tpu.memory_space<vmem>>
    %dma_start3A_17 = tpu.memref_squeeze %dma_start3A_16 : memref<1x1x128xi32, #tpu.memory_space<vmem>> -> memref<128xi32, #tpu.memory_space<vmem>>
    %dma_start3A_18 = arith.constant 0 : i32
    %dma_start3A_19 = arith.constant 0 : i32
    %dma_start3A_20 = tpu.memref_slice %arg3[%dma_start3A_18, %dma_start3A_19] : memref<1000000x64xf32, #tpu.memory_space<hbm>> -> memref<1000000x64xf32, #tpu.memory_space<hbm>>
    %dma_start3A_21 = tpu.memref_slice %arg16[%dma_start3A_14] : memref<4x!tpu.dma_semaphore, #tpu.memory_space<semaphore_mem>> -> memref<1x!tpu.dma_semaphore, #tpu.memory_space<semaphore_mem>>
    %dma_start3A_22 = tpu.memref_squeeze %dma_start3A_21 : memref<1x!tpu.dma_semaphore, #tpu.memory_space<semaphore_mem>> -> memref<!tpu.dma_semaphore, #tpu.memory_space<semaphore_mem>>
    tpu.enqueue_indirect_dma source(%dma_start3A_20 : memref<1000000x64xf32, #tpu.memory_space<hbm>>) target(%arg8 : memref<128x64xf32, #tpu.memory_space<vmem>>) offsets(%dma_start3A_17 : memref<128xi32, #tpu.memory_space<vmem>>) semaphore(%dma_start3A_22 : memref<!tpu.dma_semaphore, #tpu.memory_space<semaphore_mem>>)
    %dma_start3A_23 = arith.constant 0 : i32
    %dma_start3A_24 = arith.constant 1 : i32
    %dma_start3A_25 = arith.constant 1 : i32
    %dma_start3A_26 = arith.constant 0 : i32
    %dma_start3A_27 = tpu.memref_slice %arg6[%dma_start3A_23, %dma_start3A_24, %dma_start3A_26] : memref<25x8x128xi32, #tpu.memory_space<vmem>> -> memref<1x1x128xi32, #tpu.memory_space<vmem>>
    %dma_start3A_28 = tpu.memref_squeeze %dma_start3A_27 : memref<1x1x128xi32, #tpu.memory_space<vmem>> -> memref<128xi32, #tpu.memory_space<vmem>>
    %dma_start3A_29 = arith.constant 0 : i32
    %dma_start3A_30 = arith.constant 0 : i32
    %dma_start3A_31 = tpu.memref_slice %arg3[%dma_start3A_29, %dma_start3A_30] : memref<1000000x64xf32, #tpu.memory_space<hbm>> -> memref<1000000x64xf32, #tpu.memory_space<hbm>>
    %dma_start3A_32 = tpu.memref_slice %arg16[%dma_start3A_25] : memref<4x!tpu.dma_semaphore, #tpu.memory_space<semaphore_mem>> -> memref<1x!tpu.dma_semaphore, #tpu.memory_space<semaphore_mem>>
    %dma_start3A_33 = tpu.memref_squeeze %dma_start3A_32 : memref<1x!tpu.dma_semaphore, #tpu.memory_space<semaphore_mem>> -> memref<!tpu.dma_semaphore, #tpu.memory_space<semaphore_mem>>
    tpu.enqueue_indirect_dma source(%dma_start3A_31 : memref<1000000x64xf32, #tpu.memory_space<hbm>>) target(%arg9 : memref<128x64xf32, #tpu.memory_space<vmem>>) offsets(%dma_start3A_28 : memref<128xi32, #tpu.memory_space<vmem>>) semaphore(%dma_start3A_33 : memref<!tpu.dma_semaphore, #tpu.memory_space<semaphore_mem>>)
    %scan3A = arith.constant 0 : i32
    %scan3A_34 = arith.constant 0 : i32
    %scan3A_35 = arith.constant 50 : i32
    %scan3A_36 = arith.addi %scan3A_34, %scan3A_35 : i32
    %scan3A_37 = arith.constant 1 : i32
    scf.for %scan3A_646 = %scan3A_34 to %scan3A_36 step %scan3A_37  : i32 {
      %mul3A_647 = arith.constant 4 : i32
      %mul3A_648 = arith.muli %scan3A_646, %mul3A_647 : i32
      %add3A_649 = arith.constant 0 : i32
      %add3A_650 = arith.addi %mul3A_648, %add3A_649 : i32
      %dma_wait3A_651 = arith.constant 0 : i32
      %dma_wait3A_652 = arith.constant 0 : i32
      %dma_wait3A_653 = arith.constant 0 : i32
      %dma_wait3A_654 = arith.constant 0 : i32
      %dma_wait3A_655 = tpu.memref_slice %arg6[%dma_wait3A_651, %dma_wait3A_652, %dma_wait3A_654] : memref<25x8x128xi32, #tpu.memory_space<vmem>> -> memref<1x1x128xi32, #tpu.memory_space<vmem>>
      %dma_wait3A_656 = tpu.memref_squeeze %dma_wait3A_655 : memref<1x1x128xi32, #tpu.memory_space<vmem>> -> memref<128xi32, #tpu.memory_space<vmem>>
      %dma_wait3A_657 = arith.constant 0 : i32
      %dma_wait3A_658 = arith.constant 0 : i32
      %dma_wait3A_659 = tpu.memref_slice %arg3[%dma_wait3A_657, %dma_wait3A_658] : memref<1000000x64xf32, #tpu.memory_space<hbm>> -> memref<1000000x64xf32, #tpu.memory_space<hbm>>
      %dma_wait3A_660 = tpu.memref_slice %arg16[%dma_wait3A_653] : memref<4x!tpu.dma_semaphore, #tpu.memory_space<semaphore_mem>> -> memref<1x!tpu.dma_semaphore, #tpu.memory_space<semaphore_mem>>
      %dma_wait3A_661 = tpu.memref_squeeze %dma_wait3A_660 : memref<1x!tpu.dma_semaphore, #tpu.memory_space<semaphore_mem>> -> memref<!tpu.dma_semaphore, #tpu.memory_space<semaphore_mem>>
      tpu.wait_indirect_dma semaphore(%dma_wait3A_661 : memref<!tpu.dma_semaphore, #tpu.memory_space<semaphore_mem>>) src(%dma_wait3A_659 : memref<1000000x64xf32, #tpu.memory_space<hbm>>) dst(%arg8 : memref<128x64xf32, #tpu.memory_space<vmem>>)
      %ge3A = arith.constant 4 : i32
      %ge3A_662 = arith.cmpi sge, %add3A_650, %ge3A : i32
      %convert_element_type3A = arith.extui %ge3A_662 : i1 to i32
      %cond3A = arith.constant 0 : i32
      %cond3A_663 = arith.cmpi ne, %convert_element_type3A, %cond3A : i32
      scf.if %cond3A_663 {
        %sub3A = arith.constant 4 : i32
        %sub3A_1398 = arith.subi %add3A_650, %sub3A : i32
        %dma_wait3A_1399 = arith.constant 0 : i32
        %dma_wait3A_1400 = arith.constant 0 : i32
        %dma_wait3A_1401 = arith.constant 0 : i32
        %dma_wait3A_1402 = arith.constant 0 : i32
        %dma_wait3A_1403 = tpu.memref_slice %arg12[%dma_wait3A_1401, %dma_wait3A_1402] : memref<64x129xf32, #tpu.memory_space<vmem>> -> memref<8x128xf32, #tpu.memory_space<vmem>>
        %dma_wait3A_1404 = arith.constant 0 : i32
        %dma_wait3A_1405 = arith.constant 0 : i32
        %dma_wait3A_1406 = tpu.memref_slice %arg5[%sub3A_1398, %dma_wait3A_1399, %add3A, %dma_wait3A_1404, %dma_wait3A_1405] : memref<200x8x32x8x128xf32, #tpu.memory_space<hbm>> -> memref<1x1x1x8x128xf32, #tpu.memory_space<hbm>>
        %dma_wait3A_1407 = tpu.memref_squeeze %dma_wait3A_1406 : memref<1x1x1x8x128xf32, #tpu.memory_space<hbm>> -> memref<8x128xf32, #tpu.memory_space<hbm>>
        %dma_wait3A_1408 = tpu.memref_slice %arg17[%dma_wait3A_1400] : memref<4x!tpu.dma_semaphore, #tpu.memory_space<semaphore_mem>> -> memref<1x!tpu.dma_semaphore, #tpu.memory_space<semaphore_mem>>
        %dma_wait3A_1409 = tpu.memref_squeeze %dma_wait3A_1408 : memref<1x!tpu.dma_semaphore, #tpu.memory_space<semaphore_mem>> -> memref<!tpu.dma_semaphore, #tpu.memory_space<semaphore_mem>>
        %dma_wait3A_1410 = arith.constant 0 : i32
        %dma_wait3A_1411 = arith.constant 0 : i32
        %dma_wait3A_1412 = tpu.memref_slice %arg5[%sub3A_1398, %dma_wait3A_1399, %add3A, %dma_wait3A_1410, %dma_wait3A_1411] : memref<200x8x32x8x128xf32, #tpu.memory_space<hbm>> -> memref<1x1x1x8x128xf32, #tpu.memory_space<hbm>>
        %dma_wait3A_1413 = tpu.memref_squeeze %dma_wait3A_1412 : memref<1x1x1x8x128xf32, #tpu.memory_space<hbm>> -> memref<8x128xf32, #tpu.memory_space<hbm>>
        %dma_wait3A_1414 = arith.constant 0 : i32
        %dma_wait3A_1415 = arith.constant 0 : i32
        %dma_wait3A_1416 = tpu.memref_slice %arg12[%dma_wait3A_1414, %dma_wait3A_1415] : memref<64x129xf32, #tpu.memory_space<vmem>> -> memref<8x128xf32, #tpu.memory_space<vmem>>
        tpu.wait_dma2 semaphore(%dma_wait3A_1409 : memref<!tpu.dma_semaphore, #tpu.memory_space<semaphore_mem>>) src(%dma_wait3A_1416 : memref<8x128xf32, #tpu.memory_space<vmem>>) dst(%dma_wait3A_1413 : memref<8x128xf32, #tpu.memory_space<hbm>>)
        %dma_wait3A_1417 = arith.constant 1 : i32
        %dma_wait3A_1418 = arith.constant 0 : i32
        %dma_wait3A_1419 = arith.constant 8 : i32
        %dma_wait3A_1420 = arith.constant 0 : i32
        %dma_wait3A_1421 = tpu.memref_slice %arg12[%dma_wait3A_1419, %dma_wait3A_1420] : memref<64x129xf32, #tpu.memory_space<vmem>> -> memref<8x128xf32, #tpu.memory_space<vmem>>
        %dma_wait3A_1422 = arith.constant 0 : i32
        %dma_wait3A_1423 = arith.constant 0 : i32
        %dma_wait3A_1424 = tpu.memref_slice %arg5[%sub3A_1398, %dma_wait3A_1417, %add3A, %dma_wait3A_1422, %dma_wait3A_1423] : memref<200x8x32x8x128xf32, #tpu.memory_space<hbm>> -> memref<1x1x1x8x128xf32, #tpu.memory_space<hbm>>
        %dma_wait3A_1425 = tpu.memref_squeeze %dma_wait3A_1424 : memref<1x1x1x8x128xf32, #tpu.memory_space<hbm>> -> memref<8x128xf32, #tpu.memory_space<hbm>>
        %dma_wait3A_1426 = tpu.memref_slice %arg17[%dma_wait3A_1418] : memref<4x!tpu.dma_semaphore, #tpu.memory_space<semaphore_mem>> -> memref<1x!tpu.dma_semaphore, #tpu.memory_space<semaphore_mem>>
        %dma_wait3A_1427 = tpu.memref_squeeze %dma_wait3A_1426 : memref<1x!tpu.dma_semaphore, #tpu.memory_space<semaphore_mem>> -> memref<!tpu.dma_semaphore, #tpu.memory_space<semaphore_mem>>
        %dma_wait3A_1428 = arith.constant 0 : i32
        %dma_wait3A_1429 = arith.constant 0 : i32
        %dma_wait3A_1430 = tpu.memref_slice %arg5[%sub3A_1398, %dma_wait3A_1417, %add3A, %dma_wait3A_1428, %dma_wait3A_1429] : memref<200x8x32x8x128xf32, #tpu.memory_space<hbm>> -> memref<1x1x1x8x128xf32, #tpu.memory_space<hbm>>
        %dma_wait3A_1431 = tpu.memref_squeeze %dma_wait3A_1430 : memref<1x1x1x8x128xf32, #tpu.memory_space<hbm>> -> memref<8x128xf32, #tpu.memory_space<hbm>>
        %dma_wait3A_1432 = arith.constant 8 : i32
        %dma_wait3A_1433 = arith.constant 0 : i32
        %dma_wait3A_1434 = tpu.memref_slice %arg12[%dma_wait3A_1432, %dma_wait3A_1433] : memref<64x129xf32, #tpu.memory_space<vmem>> -> memref<8x128xf32, #tpu.memory_space<vmem>>
        tpu.wait_dma2 semaphore(%dma_wait3A_1427 : memref<!tpu.dma_semaphore, #tpu.memory_space<semaphore_mem>>) src(%dma_wait3A_1434 : memref<8x128xf32, #tpu.memory_space<vmem>>) dst(%dma_wait3A_1431 : memref<8x128xf32, #tpu.memory_space<hbm>>)
        %dma_wait3A_1435 = arith.constant 2 : i32
        %dma_wait3A_1436 = arith.constant 0 : i32
        %dma_wait3A_1437 = arith.constant 16 : i32
        %dma_wait3A_1438 = arith.constant 0 : i32
        %dma_wait3A_1439 = tpu.memref_slice %arg12[%dma_wait3A_1437, %dma_wait3A_1438] : memref<64x129xf32, #tpu.memory_space<vmem>> -> memref<8x128xf32, #tpu.memory_space<vmem>>
        %dma_wait3A_1440 = arith.constant 0 : i32
        %dma_wait3A_1441 = arith.constant 0 : i32
        %dma_wait3A_1442 = tpu.memref_slice %arg5[%sub3A_1398, %dma_wait3A_1435, %add3A, %dma_wait3A_1440, %dma_wait3A_1441] : memref<200x8x32x8x128xf32, #tpu.memory_space<hbm>> -> memref<1x1x1x8x128xf32, #tpu.memory_space<hbm>>
        %dma_wait3A_1443 = tpu.memref_squeeze %dma_wait3A_1442 : memref<1x1x1x8x128xf32, #tpu.memory_space<hbm>> -> memref<8x128xf32, #tpu.memory_space<hbm>>
        %dma_wait3A_1444 = tpu.memref_slice %arg17[%dma_wait3A_1436] : memref<4x!tpu.dma_semaphore, #tpu.memory_space<semaphore_mem>> -> memref<1x!tpu.dma_semaphore, #tpu.memory_space<semaphore_mem>>
        %dma_wait3A_1445 = tpu.memref_squeeze %dma_wait3A_1444 : memref<1x!tpu.dma_semaphore, #tpu.memory_space<semaphore_mem>> -> memref<!tpu.dma_semaphore, #tpu.memory_space<semaphore_mem>>
        %dma_wait3A_1446 = arith.constant 0 : i32
        %dma_wait3A_1447 = arith.constant 0 : i32
        %dma_wait3A_1448 = tpu.memref_slice %arg5[%sub3A_1398, %dma_wait3A_1435, %add3A, %dma_wait3A_1446, %dma_wait3A_1447] : memref<200x8x32x8x128xf32, #tpu.memory_space<hbm>> -> memref<1x1x1x8x128xf32, #tpu.memory_space<hbm>>
        %dma_wait3A_1449 = tpu.memref_squeeze %dma_wait3A_1448 : memref<1x1x1x8x128xf32, #tpu.memory_space<hbm>> -> memref<8x128xf32, #tpu.memory_space<hbm>>
        %dma_wait3A_1450 = arith.constant 16 : i32
        %dma_wait3A_1451 = arith.constant 0 : i32
        %dma_wait3A_1452 = tpu.memref_slice %arg12[%dma_wait3A_1450, %dma_wait3A_1451] : memref<64x129xf32, #tpu.memory_space<vmem>> -> memref<8x128xf32, #tpu.memory_space<vmem>>
        tpu.wait_dma2 semaphore(%dma_wait3A_1445 : memref<!tpu.dma_semaphore, #tpu.memory_space<semaphore_mem>>) src(%dma_wait3A_1452 : memref<8x128xf32, #tpu.memory_space<vmem>>) dst(%dma_wait3A_1449 : memref<8x128xf32, #tpu.memory_space<hbm>>)
        %dma_wait3A_1453 = arith.constant 3 : i32
        %dma_wait3A_1454 = arith.constant 0 : i32
        %dma_wait3A_1455 = arith.constant 24 : i32
        %dma_wait3A_1456 = arith.constant 0 : i32
        %dma_wait3A_1457 = tpu.memref_slice %arg12[%dma_wait3A_1455, %dma_wait3A_1456] : memref<64x129xf32, #tpu.memory_space<vmem>> -> memref<8x128xf32, #tpu.memory_space<vmem>>
        %dma_wait3A_1458 = arith.constant 0 : i32
        %dma_wait3A_1459 = arith.constant 0 : i32
        %dma_wait3A_1460 = tpu.memref_slice %arg5[%sub3A_1398, %dma_wait3A_1453, %add3A, %dma_wait3A_1458, %dma_wait3A_1459] : memref<200x8x32x8x128xf32, #tpu.memory_space<hbm>> -> memref<1x1x1x8x128xf32, #tpu.memory_space<hbm>>
        %dma_wait3A_1461 = tpu.memref_squeeze %dma_wait3A_1460 : memref<1x1x1x8x128xf32, #tpu.memory_space<hbm>> -> memref<8x128xf32, #tpu.memory_space<hbm>>
        %dma_wait3A_1462 = tpu.memref_slice %arg17[%dma_wait3A_1454] : memref<4x!tpu.dma_semaphore, #tpu.memory_space<semaphore_mem>> -> memref<1x!tpu.dma_semaphore, #tpu.memory_space<semaphore_mem>>
        %dma_wait3A_1463 = tpu.memref_squeeze %dma_wait3A_1462 : memref<1x!tpu.dma_semaphore, #tpu.memory_space<semaphore_mem>> -> memref<!tpu.dma_semaphore, #tpu.memory_space<semaphore_mem>>
        %dma_wait3A_1464 = arith.constant 0 : i32
        %dma_wait3A_1465 = arith.constant 0 : i32
        %dma_wait3A_1466 = tpu.memref_slice %arg5[%sub3A_1398, %dma_wait3A_1453, %add3A, %dma_wait3A_1464, %dma_wait3A_1465] : memref<200x8x32x8x128xf32, #tpu.memory_space<hbm>> -> memref<1x1x1x8x128xf32, #tpu.memory_space<hbm>>
        %dma_wait3A_1467 = tpu.memref_squeeze %dma_wait3A_1466 : memref<1x1x1x8x128xf32, #tpu.memory_space<hbm>> -> memref<8x128xf32, #tpu.memory_space<hbm>>
        %dma_wait3A_1468 = arith.constant 24 : i32
        %dma_wait3A_1469 = arith.constant 0 : i32
        %dma_wait3A_1470 = tpu.memref_slice %arg12[%dma_wait3A_1468, %dma_wait3A_1469] : memref<64x129xf32, #tpu.memory_space<vmem>> -> memref<8x128xf32, #tpu.memory_space<vmem>>
        tpu.wait_dma2 semaphore(%dma_wait3A_1463 : memref<!tpu.dma_semaphore, #tpu.memory_space<semaphore_mem>>) src(%dma_wait3A_1470 : memref<8x128xf32, #tpu.memory_space<vmem>>) dst(%dma_wait3A_1467 : memref<8x128xf32, #tpu.memory_space<hbm>>)
        %dma_wait3A_1471 = arith.constant 4 : i32
        %dma_wait3A_1472 = arith.constant 0 : i32
        %dma_wait3A_1473 = arith.constant 32 : i32
        %dma_wait3A_1474 = arith.constant 0 : i32
        %dma_wait3A_1475 = tpu.memref_slice %arg12[%dma_wait3A_1473, %dma_wait3A_1474] : memref<64x129xf32, #tpu.memory_space<vmem>> -> memref<8x128xf32, #tpu.memory_space<vmem>>
        %dma_wait3A_1476 = arith.constant 0 : i32
        %dma_wait3A_1477 = arith.constant 0 : i32
        %dma_wait3A_1478 = tpu.memref_slice %arg5[%sub3A_1398, %dma_wait3A_1471, %add3A, %dma_wait3A_1476, %dma_wait3A_1477] : memref<200x8x32x8x128xf32, #tpu.memory_space<hbm>> -> memref<1x1x1x8x128xf32, #tpu.memory_space<hbm>>
        %dma_wait3A_1479 = tpu.memref_squeeze %dma_wait3A_1478 : memref<1x1x1x8x128xf32, #tpu.memory_space<hbm>> -> memref<8x128xf32, #tpu.memory_space<hbm>>
        %dma_wait3A_1480 = tpu.memref_slice %arg17[%dma_wait3A_1472] : memref<4x!tpu.dma_semaphore, #tpu.memory_space<semaphore_mem>> -> memref<1x!tpu.dma_semaphore, #tpu.memory_space<semaphore_mem>>
        %dma_wait3A_1481 = tpu.memref_squeeze %dma_wait3A_1480 : memref<1x!tpu.dma_semaphore, #tpu.memory_space<semaphore_mem>> -> memref<!tpu.dma_semaphore, #tpu.memory_space<semaphore_mem>>
        %dma_wait3A_1482 = arith.constant 0 : i32
        %dma_wait3A_1483 = arith.constant 0 : i32
        %dma_wait3A_1484 = tpu.memref_slice %arg5[%sub3A_1398, %dma_wait3A_1471, %add3A, %dma_wait3A_1482, %dma_wait3A_1483] : memref<200x8x32x8x128xf32, #tpu.memory_space<hbm>> -> memref<1x1x1x8x128xf32, #tpu.memory_space<hbm>>
        %dma_wait3A_1485 = tpu.memref_squeeze %dma_wait3A_1484 : memref<1x1x1x8x128xf32, #tpu.memory_space<hbm>> -> memref<8x128xf32, #tpu.memory_space<hbm>>
        %dma_wait3A_1486 = arith.constant 32 : i32
        %dma_wait3A_1487 = arith.constant 0 : i32
        %dma_wait3A_1488 = tpu.memref_slice %arg12[%dma_wait3A_1486, %dma_wait3A_1487] : memref<64x129xf32, #tpu.memory_space<vmem>> -> memref<8x128xf32, #tpu.memory_space<vmem>>
        tpu.wait_dma2 semaphore(%dma_wait3A_1481 : memref<!tpu.dma_semaphore, #tpu.memory_space<semaphore_mem>>) src(%dma_wait3A_1488 : memref<8x128xf32, #tpu.memory_space<vmem>>) dst(%dma_wait3A_1485 : memref<8x128xf32, #tpu.memory_space<hbm>>)
        %dma_wait3A_1489 = arith.constant 5 : i32
        %dma_wait3A_1490 = arith.constant 0 : i32
        %dma_wait3A_1491 = arith.constant 40 : i32
        %dma_wait3A_1492 = arith.constant 0 : i32
        %dma_wait3A_1493 = tpu.memref_slice %arg12[%dma_wait3A_1491, %dma_wait3A_1492] : memref<64x129xf32, #tpu.memory_space<vmem>> -> memref<8x128xf32, #tpu.memory_space<vmem>>
        %dma_wait3A_1494 = arith.constant 0 : i32
        %dma_wait3A_1495 = arith.constant 0 : i32
        %dma_wait3A_1496 = tpu.memref_slice %arg5[%sub3A_1398, %dma_wait3A_1489, %add3A, %dma_wait3A_1494, %dma_wait3A_1495] : memref<200x8x32x8x128xf32, #tpu.memory_space<hbm>> -> memref<1x1x1x8x128xf32, #tpu.memory_space<hbm>>
        %dma_wait3A_1497 = tpu.memref_squeeze %dma_wait3A_1496 : memref<1x1x1x8x128xf32, #tpu.memory_space<hbm>> -> memref<8x128xf32, #tpu.memory_space<hbm>>
        %dma_wait3A_1498 = tpu.memref_slice %arg17[%dma_wait3A_1490] : memref<4x!tpu.dma_semaphore, #tpu.memory_space<semaphore_mem>> -> memref<1x!tpu.dma_semaphore, #tpu.memory_space<semaphore_mem>>
        %dma_wait3A_1499 = tpu.memref_squeeze %dma_wait3A_1498 : memref<1x!tpu.dma_semaphore, #tpu.memory_space<semaphore_mem>> -> memref<!tpu.dma_semaphore, #tpu.memory_space<semaphore_mem>>
        %dma_wait3A_1500 = arith.constant 0 : i32
        %dma_wait3A_1501 = arith.constant 0 : i32
        %dma_wait3A_1502 = tpu.memref_slice %arg5[%sub3A_1398, %dma_wait3A_1489, %add3A, %dma_wait3A_1500, %dma_wait3A_1501] : memref<200x8x32x8x128xf32, #tpu.memory_space<hbm>> -> memref<1x1x1x8x128xf32, #tpu.memory_space<hbm>>
        %dma_wait3A_1503 = tpu.memref_squeeze %dma_wait3A_1502 : memref<1x1x1x8x128xf32, #tpu.memory_space<hbm>> -> memref<8x128xf32, #tpu.memory_space<hbm>>
        %dma_wait3A_1504 = arith.constant 40 : i32
        %dma_wait3A_1505 = arith.constant 0 : i32
        %dma_wait3A_1506 = tpu.memref_slice %arg12[%dma_wait3A_1504, %dma_wait3A_1505] : memref<64x129xf32, #tpu.memory_space<vmem>> -> memref<8x128xf32, #tpu.memory_space<vmem>>
        tpu.wait_dma2 semaphore(%dma_wait3A_1499 : memref<!tpu.dma_semaphore, #tpu.memory_space<semaphore_mem>>) src(%dma_wait3A_1506 : memref<8x128xf32, #tpu.memory_space<vmem>>) dst(%dma_wait3A_1503 : memref<8x128xf32, #tpu.memory_space<hbm>>)
        %dma_wait3A_1507 = arith.constant 6 : i32
        %dma_wait3A_1508 = arith.constant 0 : i32
        %dma_wait3A_1509 = arith.constant 48 : i32
        %dma_wait3A_1510 = arith.constant 0 : i32
        %dma_wait3A_1511 = tpu.memref_slice %arg12[%dma_wait3A_1509, %dma_wait3A_1510] : memref<64x129xf32, #tpu.memory_space<vmem>> -> memref<8x128xf32, #tpu.memory_space<vmem>>
        %dma_wait3A_1512 = arith.constant 0 : i32
        %dma_wait3A_1513 = arith.constant 0 : i32
        %dma_wait3A_1514 = tpu.memref_slice %arg5[%sub3A_1398, %dma_wait3A_1507, %add3A, %dma_wait3A_1512, %dma_wait3A_1513] : memref<200x8x32x8x128xf32, #tpu.memory_space<hbm>> -> memref<1x1x1x8x128xf32, #tpu.memory_space<hbm>>
        %dma_wait3A_1515 = tpu.memref_squeeze %dma_wait3A_1514 : memref<1x1x1x8x128xf32, #tpu.memory_space<hbm>> -> memref<8x128xf32, #tpu.memory_space<hbm>>
        %dma_wait3A_1516 = tpu.memref_slice %arg17[%dma_wait3A_1508] : memref<4x!tpu.dma_semaphore, #tpu.memory_space<semaphore_mem>> -> memref<1x!tpu.dma_semaphore, #tpu.memory_space<semaphore_mem>>
        %dma_wait3A_1517 = tpu.memref_squeeze %dma_wait3A_1516 : memref<1x!tpu.dma_semaphore, #tpu.memory_space<semaphore_mem>> -> memref<!tpu.dma_semaphore, #tpu.memory_space<semaphore_mem>>
        %dma_wait3A_1518 = arith.constant 0 : i32
        %dma_wait3A_1519 = arith.constant 0 : i32
        %dma_wait3A_1520 = tpu.memref_slice %arg5[%sub3A_1398, %dma_wait3A_1507, %add3A, %dma_wait3A_1518, %dma_wait3A_1519] : memref<200x8x32x8x128xf32, #tpu.memory_space<hbm>> -> memref<1x1x1x8x128xf32, #tpu.memory_space<hbm>>
        %dma_wait3A_1521 = tpu.memref_squeeze %dma_wait3A_1520 : memref<1x1x1x8x128xf32, #tpu.memory_space<hbm>> -> memref<8x128xf32, #tpu.memory_space<hbm>>
        %dma_wait3A_1522 = arith.constant 48 : i32
        %dma_wait3A_1523 = arith.constant 0 : i32
        %dma_wait3A_1524 = tpu.memref_slice %arg12[%dma_wait3A_1522, %dma_wait3A_1523] : memref<64x129xf32, #tpu.memory_space<vmem>> -> memref<8x128xf32, #tpu.memory_space<vmem>>
        tpu.wait_dma2 semaphore(%dma_wait3A_1517 : memref<!tpu.dma_semaphore, #tpu.memory_space<semaphore_mem>>) src(%dma_wait3A_1524 : memref<8x128xf32, #tpu.memory_space<vmem>>) dst(%dma_wait3A_1521 : memref<8x128xf32, #tpu.memory_space<hbm>>)
        %dma_wait3A_1525 = arith.constant 7 : i32
        %dma_wait3A_1526 = arith.constant 0 : i32
        %dma_wait3A_1527 = arith.constant 56 : i32
        %dma_wait3A_1528 = arith.constant 0 : i32
        %dma_wait3A_1529 = tpu.memref_slice %arg12[%dma_wait3A_1527, %dma_wait3A_1528] : memref<64x129xf32, #tpu.memory_space<vmem>> -> memref<8x128xf32, #tpu.memory_space<vmem>>
        %dma_wait3A_1530 = arith.constant 0 : i32
        %dma_wait3A_1531 = arith.constant 0 : i32
        %dma_wait3A_1532 = tpu.memref_slice %arg5[%sub3A_1398, %dma_wait3A_1525, %add3A, %dma_wait3A_1530, %dma_wait3A_1531] : memref<200x8x32x8x128xf32, #tpu.memory_space<hbm>> -> memref<1x1x1x8x128xf32, #tpu.memory_space<hbm>>
        %dma_wait3A_1533 = tpu.memref_squeeze %dma_wait3A_1532 : memref<1x1x1x8x128xf32, #tpu.memory_space<hbm>> -> memref<8x128xf32, #tpu.memory_space<hbm>>
        %dma_wait3A_1534 = tpu.memref_slice %arg17[%dma_wait3A_1526] : memref<4x!tpu.dma_semaphore, #tpu.memory_space<semaphore_mem>> -> memref<1x!tpu.dma_semaphore, #tpu.memory_space<semaphore_mem>>
        %dma_wait3A_1535 = tpu.memref_squeeze %dma_wait3A_1534 : memref<1x!tpu.dma_semaphore, #tpu.memory_space<semaphore_mem>> -> memref<!tpu.dma_semaphore, #tpu.memory_space<semaphore_mem>>
        %dma_wait3A_1536 = arith.constant 0 : i32
        %dma_wait3A_1537 = arith.constant 0 : i32
        %dma_wait3A_1538 = tpu.memref_slice %arg5[%sub3A_1398, %dma_wait3A_1525, %add3A, %dma_wait3A_1536, %dma_wait3A_1537] : memref<200x8x32x8x128xf32, #tpu.memory_space<hbm>> -> memref<1x1x1x8x128xf32, #tpu.memory_space<hbm>>
        %dma_wait3A_1539 = tpu.memref_squeeze %dma_wait3A_1538 : memref<1x1x1x8x128xf32, #tpu.memory_space<hbm>> -> memref<8x128xf32, #tpu.memory_space<hbm>>
        %dma_wait3A_1540 = arith.constant 56 : i32
        %dma_wait3A_1541 = arith.constant 0 : i32
        %dma_wait3A_1542 = tpu.memref_slice %arg12[%dma_wait3A_1540, %dma_wait3A_1541] : memref<64x129xf32, #tpu.memory_space<vmem>> -> memref<8x128xf32, #tpu.memory_space<vmem>>
        tpu.wait_dma2 semaphore(%dma_wait3A_1535 : memref<!tpu.dma_semaphore, #tpu.memory_space<semaphore_mem>>) src(%dma_wait3A_1542 : memref<8x128xf32, #tpu.memory_space<vmem>>) dst(%dma_wait3A_1539 : memref<8x128xf32, #tpu.memory_space<hbm>>)
      } else {
      }
      %get3A = arith.index_cast %add3A_650 : i32 to index
      %get3A_664 = arith.constant 0 : index
      %get3A_665 = tpu.vector_load %arg7[%get3A, %get3A_664] {strides = array<i32>} : memref<200x64xf32, #tpu.memory_space<vmem>>, vector<16xf32>,
      %get3A_666 = arith.index_cast %add3A_650 : i32 to index
      %get3A_667 = arith.constant 16 : index
      %get3A_668 = tpu.vector_load %arg7[%get3A_666, %get3A_667] {strides = array<i32>} : memref<200x64xf32, #tpu.memory_space<vmem>>, vector<16xf32>,
      %get3A_669 = arith.index_cast %add3A_650 : i32 to index
      %get3A_670 = arith.constant 32 : index
      %get3A_671 = tpu.vector_load %arg7[%get3A_669, %get3A_670] {strides = array<i32>} : memref<200x64xf32, #tpu.memory_space<vmem>>, vector<16xf32>,
      %get3A_672 = arith.index_cast %add3A_650 : i32 to index
      %get3A_673 = arith.constant 48 : index
      %get3A_674 = tpu.vector_load %arg7[%get3A_672, %get3A_673] {strides = array<i32>} : memref<200x64xf32, #tpu.memory_space<vmem>>, vector<16xf32>,
      %scan3A_675 = arith.constant 0 : i32
      %scan3A_676 = arith.constant 0 : i32
      %scan3A_677 = arith.constant 128 : i32
      %scan3A_678 = arith.addi %scan3A_676, %scan3A_677 : i32
      %scan3A_679 = arith.constant 8 : i32
      scf.for %scan3A_1398 = %scan3A_676 to %scan3A_678 step %scan3A_679  : i32 {
        %broadcast_in_dim3A = vector.broadcast %scan3A_1398 : i32 to vector<16xi32>
        %get3A_1399 = arith.index_cast %scan3A_1398 : i32 to index
        %get3A_1400 = arith.constant 0 : index
        %get3A_1401 = tpu.vector_load %arg8[%get3A_1399, %get3A_1400] {strides = array<i32>} : memref<128x64xf32, #tpu.memory_space<vmem>>, vector<16xf32>,
        %mul3A_1402 = arith.constant 8.000000e+00 : f32
        %mul3A_1403 = vector.broadcast %mul3A_1402 : f32 to vector<16xf32>
        %mul3A_1404 = arith.mulf %get3A_1401, %mul3A_1403 : vector<16xf32>
        %add3A_1405 = arith.addf %mul3A_1404, %get3A_665 : vector<16xf32>
        tpu.vector_store_idx %arg12[%add3A_3, %broadcast_in_dim3A], %add3A_1405 : memref<64x129xf32, #tpu.memory_space<vmem>>[vector<16xi32>, vector<16xi32>], vector<16xf32>,
        %get3A_1406 = arith.index_cast %scan3A_1398 : i32 to index
        %get3A_1407 = arith.constant 16 : index
        %get3A_1408 = tpu.vector_load %arg8[%get3A_1406, %get3A_1407] {strides = array<i32>} : memref<128x64xf32, #tpu.memory_space<vmem>>, vector<16xf32>,
        %mul3A_1409 = arith.constant 8.000000e+00 : f32
        %mul3A_1410 = vector.broadcast %mul3A_1409 : f32 to vector<16xf32>
        %mul3A_1411 = arith.mulf %get3A_1408, %mul3A_1410 : vector<16xf32>
        %add3A_1412 = arith.addf %mul3A_1411, %get3A_668 : vector<16xf32>
        tpu.vector_store_idx %arg12[%add3A_6, %broadcast_in_dim3A], %add3A_1412 : memref<64x129xf32, #tpu.memory_space<vmem>>[vector<16xi32>, vector<16xi32>], vector<16xf32>,
        %get3A_1413 = arith.index_cast %scan3A_1398 : i32 to index
        %get3A_1414 = arith.constant 32 : index
        %get3A_1415 = tpu.vector_load %arg8[%get3A_1413, %get3A_1414] {strides = array<i32>} : memref<128x64xf32, #tpu.memory_space<vmem>>, vector<16xf32>,
        %mul3A_1416 = arith.constant 8.000000e+00 : f32
        %mul3A_1417 = vector.broadcast %mul3A_1416 : f32 to vector<16xf32>
        %mul3A_1418 = arith.mulf %get3A_1415, %mul3A_1417 : vector<16xf32>
        %add3A_1419 = arith.addf %mul3A_1418, %get3A_671 : vector<16xf32>
        tpu.vector_store_idx %arg12[%add3A_9, %broadcast_in_dim3A], %add3A_1419 : memref<64x129xf32, #tpu.memory_space<vmem>>[vector<16xi32>, vector<16xi32>], vector<16xf32>,
        %get3A_1420 = arith.index_cast %scan3A_1398 : i32 to index
        %get3A_1421 = arith.constant 48 : index
        %get3A_1422 = tpu.vector_load %arg8[%get3A_1420, %get3A_1421] {strides = array<i32>} : memref<128x64xf32, #tpu.memory_space<vmem>>, vector<16xf32>,
        %mul3A_1423 = arith.constant 8.000000e+00 : f32
        %mul3A_1424 = vector.broadcast %mul3A_1423 : f32 to vector<16xf32>
        %mul3A_1425 = arith.mulf %get3A_1422, %mul3A_1424 : vector<16xf32>
        %add3A_1426 = arith.addf %mul3A_1425, %get3A_674 : vector<16xf32>
        tpu.vector_store_idx %arg12[%add3A_12, %broadcast_in_dim3A], %add3A_1426 : memref<64x129xf32, #tpu.memory_space<vmem>>[vector<16xi32>, vector<16xi32>], vector<16xf32>,
        %scan3A_1427 = arith.constant 1 : i32
        %scan3A_1428 = arith.addi %scan3A_1398, %scan3A_1427 : i32
        %broadcast_in_dim3A_1429 = vector.broadcast %scan3A_1428 : i32 to vector<16xi32>
        %get3A_1430 = arith.index_cast %scan3A_1428 : i32 to index
        %get3A_1431 = arith.constant 0 : index
        %get3A_1432 = tpu.vector_load %arg8[%get3A_1430, %get3A_1431] {strides = array<i32>} : memref<128x64xf32, #tpu.memory_space<vmem>>, vector<16xf32>,
        %mul3A_1433 = arith.constant 8.000000e+00 : f32
        %mul3A_1434 = vector.broadcast %mul3A_1433 : f32 to vector<16xf32>
        %mul3A_1435 = arith.mulf %get3A_1432, %mul3A_1434 : vector<16xf32>
        %add3A_1436 = arith.addf %mul3A_1435, %get3A_665 : vector<16xf32>
        tpu.vector_store_idx %arg12[%add3A_3, %broadcast_in_dim3A_1429], %add3A_1436 : memref<64x129xf32, #tpu.memory_space<vmem>>[vector<16xi32>, vector<16xi32>], vector<16xf32>,
        %get3A_1437 = arith.index_cast %scan3A_1428 : i32 to index
        %get3A_1438 = arith.constant 16 : index
        %get3A_1439 = tpu.vector_load %arg8[%get3A_1437, %get3A_1438] {strides = array<i32>} : memref<128x64xf32, #tpu.memory_space<vmem>>, vector<16xf32>,
        %mul3A_1440 = arith.constant 8.000000e+00 : f32
        %mul3A_1441 = vector.broadcast %mul3A_1440 : f32 to vector<16xf32>
        %mul3A_1442 = arith.mulf %get3A_1439, %mul3A_1441 : vector<16xf32>
        %add3A_1443 = arith.addf %mul3A_1442, %get3A_668 : vector<16xf32>
        tpu.vector_store_idx %arg12[%add3A_6, %broadcast_in_dim3A_1429], %add3A_1443 : memref<64x129xf32, #tpu.memory_space<vmem>>[vector<16xi32>, vector<16xi32>], vector<16xf32>,
        %get3A_1444 = arith.index_cast %scan3A_1428 : i32 to index
        %get3A_1445 = arith.constant 32 : index
        %get3A_1446 = tpu.vector_load %arg8[%get3A_1444, %get3A_1445] {strides = array<i32>} : memref<128x64xf32, #tpu.memory_space<vmem>>, vector<16xf32>,
        %mul3A_1447 = arith.constant 8.000000e+00 : f32
        %mul3A_1448 = vector.broadcast %mul3A_1447 : f32 to vector<16xf32>
        %mul3A_1449 = arith.mulf %get3A_1446, %mul3A_1448 : vector<16xf32>
        %add3A_1450 = arith.addf %mul3A_1449, %get3A_671 : vector<16xf32>
        tpu.vector_store_idx %arg12[%add3A_9, %broadcast_in_dim3A_1429], %add3A_1450 : memref<64x129xf32, #tpu.memory_space<vmem>>[vector<16xi32>, vector<16xi32>], vector<16xf32>,
        %get3A_1451 = arith.index_cast %scan3A_1428 : i32 to index
        %get3A_1452 = arith.constant 48 : index
        %get3A_1453 = tpu.vector_load %arg8[%get3A_1451, %get3A_1452] {strides = array<i32>} : memref<128x64xf32, #tpu.memory_space<vmem>>, vector<16xf32>,
        %mul3A_1454 = arith.constant 8.000000e+00 : f32
        %mul3A_1455 = vector.broadcast %mul3A_1454 : f32 to vector<16xf32>
        %mul3A_1456 = arith.mulf %get3A_1453, %mul3A_1455 : vector<16xf32>
        %add3A_1457 = arith.addf %mul3A_1456, %get3A_674 : vector<16xf32>
        tpu.vector_store_idx %arg12[%add3A_12, %broadcast_in_dim3A_1429], %add3A_1457 : memref<64x129xf32, #tpu.memory_space<vmem>>[vector<16xi32>, vector<16xi32>], vector<16xf32>,
        %scan3A_1458 = arith.constant 2 : i32
        %scan3A_1459 = arith.addi %scan3A_1398, %scan3A_1458 : i32
        %broadcast_in_dim3A_1460 = vector.broadcast %scan3A_1459 : i32 to vector<16xi32>
        %get3A_1461 = arith.index_cast %scan3A_1459 : i32 to index
        %get3A_1462 = arith.constant 0 : index
        %get3A_1463 = tpu.vector_load %arg8[%get3A_1461, %get3A_1462] {strides = array<i32>} : memref<128x64xf32, #tpu.memory_space<vmem>>, vector<16xf32>,
        %mul3A_1464 = arith.constant 8.000000e+00 : f32
        %mul3A_1465 = vector.broadcast %mul3A_1464 : f32 to vector<16xf32>
        %mul3A_1466 = arith.mulf %get3A_1463, %mul3A_1465 : vector<16xf32>
        %add3A_1467 = arith.addf %mul3A_1466, %get3A_665 : vector<16xf32>
        tpu.vector_store_idx %arg12[%add3A_3, %broadcast_in_dim3A_1460], %add3A_1467 : memref<64x129xf32, #tpu.memory_space<vmem>>[vector<16xi32>, vector<16xi32>], vector<16xf32>,
        %get3A_1468 = arith.index_cast %scan3A_1459 : i32 to index
        %get3A_1469 = arith.constant 16 : index
        %get3A_1470 = tpu.vector_load %arg8[%get3A_1468, %get3A_1469] {strides = array<i32>} : memref<128x64xf32, #tpu.memory_space<vmem>>, vector<16xf32>,
        %mul3A_1471 = arith.constant 8.000000e+00 : f32
        %mul3A_1472 = vector.broadcast %mul3A_1471 : f32 to vector<16xf32>
        %mul3A_1473 = arith.mulf %get3A_1470, %mul3A_1472 : vector<16xf32>
        %add3A_1474 = arith.addf %mul3A_1473, %get3A_668 : vector<16xf32>
        tpu.vector_store_idx %arg12[%add3A_6, %broadcast_in_dim3A_1460], %add3A_1474 : memref<64x129xf32, #tpu.memory_space<vmem>>[vector<16xi32>, vector<16xi32>], vector<16xf32>,
        %get3A_1475 = arith.index_cast %scan3A_1459 : i32 to index
        %get3A_1476 = arith.constant 32 : index
        %get3A_1477 = tpu.vector_load %arg8[%get3A_1475, %get3A_1476] {strides = array<i32>} : memref<128x64xf32, #tpu.memory_space<vmem>>, vector<16xf32>,
        %mul3A_1478 = arith.constant 8.000000e+00 : f32
        %mul3A_1479 = vector.broadcast %mul3A_1478 : f32 to vector<16xf32>
        %mul3A_1480 = arith.mulf %get3A_1477, %mul3A_1479 : vector<16xf32>
        %add3A_1481 = arith.addf %mul3A_1480, %get3A_671 : vector<16xf32>
        tpu.vector_store_idx %arg12[%add3A_9, %broadcast_in_dim3A_1460], %add3A_1481 : memref<64x129xf32, #tpu.memory_space<vmem>>[vector<16xi32>, vector<16xi32>], vector<16xf32>,
        %get3A_1482 = arith.index_cast %scan3A_1459 : i32 to index
        %get3A_1483 = arith.constant 48 : index
        %get3A_1484 = tpu.vector_load %arg8[%get3A_1482, %get3A_1483] {strides = array<i32>} : memref<128x64xf32, #tpu.memory_space<vmem>>, vector<16xf32>,
        %mul3A_1485 = arith.constant 8.000000e+00 : f32
        %mul3A_1486 = vector.broadcast %mul3A_1485 : f32 to vector<16xf32>
        %mul3A_1487 = arith.mulf %get3A_1484, %mul3A_1486 : vector<16xf32>
        %add3A_1488 = arith.addf %mul3A_1487, %get3A_674 : vector<16xf32>
        tpu.vector_store_idx %arg12[%add3A_12, %broadcast_in_dim3A_1460], %add3A_1488 : memref<64x129xf32, #tpu.memory_space<vmem>>[vector<16xi32>, vector<16xi32>], vector<16xf32>,
        %scan3A_1489 = arith.constant 3 : i32
        %scan3A_1490 = arith.addi %scan3A_1398, %scan3A_1489 : i32
        %broadcast_in_dim3A_1491 = vector.broadcast %scan3A_1490 : i32 to vector<16xi32>
        %get3A_1492 = arith.index_cast %scan3A_1490 : i32 to index
        %get3A_1493 = arith.constant 0 : index
        %get3A_1494 = tpu.vector_load %arg8[%get3A_1492, %get3A_1493] {strides = array<i32>} : memref<128x64xf32, #tpu.memory_space<vmem>>, vector<16xf32>,
        %mul3A_1495 = arith.constant 8.000000e+00 : f32
        %mul3A_1496 = vector.broadcast %mul3A_1495 : f32 to vector<16xf32>
        %mul3A_1497 = arith.mulf %get3A_1494, %mul3A_1496 : vector<16xf32>
        %add3A_1498 = arith.addf %mul3A_1497, %get3A_665 : vector<16xf32>
        tpu.vector_store_idx %arg12[%add3A_3, %broadcast_in_dim3A_1491], %add3A_1498 : memref<64x129xf32, #tpu.memory_space<vmem>>[vector<16xi32>, vector<16xi32>], vector<16xf32>,
        %get3A_1499 = arith.index_cast %scan3A_1490 : i32 to index
        %get3A_1500 = arith.constant 16 : index
        %get3A_1501 = tpu.vector_load %arg8[%get3A_1499, %get3A_1500] {strides = array<i32>} : memref<128x64xf32, #tpu.memory_space<vmem>>, vector<16xf32>,
        %mul3A_1502 = arith.constant 8.000000e+00 : f32
        %mul3A_1503 = vector.broadcast %mul3A_1502 : f32 to vector<16xf32>
        %mul3A_1504 = arith.mulf %get3A_1501, %mul3A_1503 : vector<16xf32>
        %add3A_1505 = arith.addf %mul3A_1504, %get3A_668 : vector<16xf32>
        tpu.vector_store_idx %arg12[%add3A_6, %broadcast_in_dim3A_1491], %add3A_1505 : memref<64x129xf32, #tpu.memory_space<vmem>>[vector<16xi32>, vector<16xi32>], vector<16xf32>,
        %get3A_1506 = arith.index_cast %scan3A_1490 : i32 to index
        %get3A_1507 = arith.constant 32 : index
        %get3A_1508 = tpu.vector_load %arg8[%get3A_1506, %get3A_1507] {strides = array<i32>} : memref<128x64xf32, #tpu.memory_space<vmem>>, vector<16xf32>,
        %mul3A_1509 = arith.constant 8.000000e+00 : f32
        %mul3A_1510 = vector.broadcast %mul3A_1509 : f32 to vector<16xf32>
        %mul3A_1511 = arith.mulf %get3A_1508, %mul3A_1510 : vector<16xf32>
        %add3A_1512 = arith.addf %mul3A_1511, %get3A_671 : vector<16xf32>
        tpu.vector_store_idx %arg12[%add3A_9, %broadcast_in_dim3A_1491], %add3A_1512 : memref<64x129xf32, #tpu.memory_space<vmem>>[vector<16xi32>, vector<16xi32>], vector<16xf32>,
        %get3A_1513 = arith.index_cast %scan3A_1490 : i32 to index
        %get3A_1514 = arith.constant 48 : index
        %get3A_1515 = tpu.vector_load %arg8[%get3A_1513, %get3A_1514] {strides = array<i32>} : memref<128x64xf32, #tpu.memory_space<vmem>>, vector<16xf32>,
        %mul3A_1516 = arith.constant 8.000000e+00 : f32
        %mul3A_1517 = vector.broadcast %mul3A_1516 : f32 to vector<16xf32>
        %mul3A_1518 = arith.mulf %get3A_1515, %mul3A_1517 : vector<16xf32>
        %add3A_1519 = arith.addf %mul3A_1518, %get3A_674 : vector<16xf32>
        tpu.vector_store_idx %arg12[%add3A_12, %broadcast_in_dim3A_1491], %add3A_1519 : memref<64x129xf32, #tpu.memory_space<vmem>>[vector<16xi32>, vector<16xi32>], vector<16xf32>,
        %scan3A_1520 = arith.constant 4 : i32
        %scan3A_1521 = arith.addi %scan3A_1398, %scan3A_1520 : i32
        %broadcast_in_dim3A_1522 = vector.broadcast %scan3A_1521 : i32 to vector<16xi32>
        %get3A_1523 = arith.index_cast %scan3A_1521 : i32 to index
        %get3A_1524 = arith.constant 0 : index
        %get3A_1525 = tpu.vector_load %arg8[%get3A_1523, %get3A_1524] {strides = array<i32>} : memref<128x64xf32, #tpu.memory_space<vmem>>, vector<16xf32>,
        %mul3A_1526 = arith.constant 8.000000e+00 : f32
        %mul3A_1527 = vector.broadcast %mul3A_1526 : f32 to vector<16xf32>
        %mul3A_1528 = arith.mulf %get3A_1525, %mul3A_1527 : vector<16xf32>
        %add3A_1529 = arith.addf %mul3A_1528, %get3A_665 : vector<16xf32>
        tpu.vector_store_idx %arg12[%add3A_3, %broadcast_in_dim3A_1522], %add3A_1529 : memref<64x129xf32, #tpu.memory_space<vmem>>[vector<16xi32>, vector<16xi32>], vector<16xf32>,
        %get3A_1530 = arith.index_cast %scan3A_1521 : i32 to index
        %get3A_1531 = arith.constant 16 : index
        %get3A_1532 = tpu.vector_load %arg8[%get3A_1530, %get3A_1531] {strides = array<i32>} : memref<128x64xf32, #tpu.memory_space<vmem>>, vector<16xf32>,
        %mul3A_1533 = arith.constant 8.000000e+00 : f32
        %mul3A_1534 = vector.broadcast %mul3A_1533 : f32 to vector<16xf32>
        %mul3A_1535 = arith.mulf %get3A_1532, %mul3A_1534 : vector<16xf32>
        %add3A_1536 = arith.addf %mul3A_1535, %get3A_668 : vector<16xf32>
        tpu.vector_store_idx %arg12[%add3A_6, %broadcast_in_dim3A_1522], %add3A_1536 : memref<64x129xf32, #tpu.memory_space<vmem>>[vector<16xi32>, vector<16xi32>], vector<16xf32>,
        %get3A_1537 = arith.index_cast %scan3A_1521 : i32 to index
        %get3A_1538 = arith.constant 32 : index
        %get3A_1539 = tpu.vector_load %arg8[%get3A_1537, %get3A_1538] {strides = array<i32>} : memref<128x64xf32, #tpu.memory_space<vmem>>, vector<16xf32>,
        %mul3A_1540 = arith.constant 8.000000e+00 : f32
        %mul3A_1541 = vector.broadcast %mul3A_1540 : f32 to vector<16xf32>
        %mul3A_1542 = arith.mulf %get3A_1539, %mul3A_1541 : vector<16xf32>
        %add3A_1543 = arith.addf %mul3A_1542, %get3A_671 : vector<16xf32>
        tpu.vector_store_idx %arg12[%add3A_9, %broadcast_in_dim3A_1522], %add3A_1543 : memref<64x129xf32, #tpu.memory_space<vmem>>[vector<16xi32>, vector<16xi32>], vector<16xf32>,
        %get3A_1544 = arith.index_cast %scan3A_1521 : i32 to index
        %get3A_1545 = arith.constant 48 : index
        %get3A_1546 = tpu.vector_load %arg8[%get3A_1544, %get3A_1545] {strides = array<i32>} : memref<128x64xf32, #tpu.memory_space<vmem>>, vector<16xf32>,
        %mul3A_1547 = arith.constant 8.000000e+00 : f32
        %mul3A_1548 = vector.broadcast %mul3A_1547 : f32 to vector<16xf32>
        %mul3A_1549 = arith.mulf %get3A_1546, %mul3A_1548 : vector<16xf32>
        %add3A_1550 = arith.addf %mul3A_1549, %get3A_674 : vector<16xf32>
        tpu.vector_store_idx %arg12[%add3A_12, %broadcast_in_dim3A_1522], %add3A_1550 : memref<64x129xf32, #tpu.memory_space<vmem>>[vector<16xi32>, vector<16xi32>], vector<16xf32>,
        %scan3A_1551 = arith.constant 5 : i32
        %scan3A_1552 = arith.addi %scan3A_1398, %scan3A_1551 : i32
        %broadcast_in_dim3A_1553 = vector.broadcast %scan3A_1552 : i32 to vector<16xi32>
        %get3A_1554 = arith.index_cast %scan3A_1552 : i32 to index
        %get3A_1555 = arith.constant 0 : index
        %get3A_1556 = tpu.vector_load %arg8[%get3A_1554, %get3A_1555] {strides = array<i32>} : memref<128x64xf32, #tpu.memory_space<vmem>>, vector<16xf32>,
        %mul3A_1557 = arith.constant 8.000000e+00 : f32
        %mul3A_1558 = vector.broadcast %mul3A_1557 : f32 to vector<16xf32>
        %mul3A_1559 = arith.mulf %get3A_1556, %mul3A_1558 : vector<16xf32>
        %add3A_1560 = arith.addf %mul3A_1559, %get3A_665 : vector<16xf32>
        tpu.vector_store_idx %arg12[%add3A_3, %broadcast_in_dim3A_1553], %add3A_1560 : memref<64x129xf32, #tpu.memory_space<vmem>>[vector<16xi32>, vector<16xi32>], vector<16xf32>,
        %get3A_1561 = arith.index_cast %scan3A_1552 : i32 to index
        %get3A_1562 = arith.constant 16 : index
        %get3A_1563 = tpu.vector_load %arg8[%get3A_1561, %get3A_1562] {strides = array<i32>} : memref<128x64xf32, #tpu.memory_space<vmem>>, vector<16xf32>,
        %mul3A_1564 = arith.constant 8.000000e+00 : f32
        %mul3A_1565 = vector.broadcast %mul3A_1564 : f32 to vector<16xf32>
        %mul3A_1566 = arith.mulf %get3A_1563, %mul3A_1565 : vector<16xf32>
        %add3A_1567 = arith.addf %mul3A_1566, %get3A_668 : vector<16xf32>
        tpu.vector_store_idx %arg12[%add3A_6, %broadcast_in_dim3A_1553], %add3A_1567 : memref<64x129xf32, #tpu.memory_space<vmem>>[vector<16xi32>, vector<16xi32>], vector<16xf32>,
        %get3A_1568 = arith.index_cast %scan3A_1552 : i32 to index
        %get3A_1569 = arith.constant 32 : index
        %get3A_1570 = tpu.vector_load %arg8[%get3A_1568, %get3A_1569] {strides = array<i32>} : memref<128x64xf32, #tpu.memory_space<vmem>>, vector<16xf32>,
        %mul3A_1571 = arith.constant 8.000000e+00 : f32
        %mul3A_1572 = vector.broadcast %mul3A_1571 : f32 to vector<16xf32>
        %mul3A_1573 = arith.mulf %get3A_1570, %mul3A_1572 : vector<16xf32>
        %add3A_1574 = arith.addf %mul3A_1573, %get3A_671 : vector<16xf32>
        tpu.vector_store_idx %arg12[%add3A_9, %broadcast_in_dim3A_1553], %add3A_1574 : memref<64x129xf32, #tpu.memory_space<vmem>>[vector<16xi32>, vector<16xi32>], vector<16xf32>,
        %get3A_1575 = arith.index_cast %scan3A_1552 : i32 to index
        %get3A_1576 = arith.constant 48 : index
        %get3A_1577 = tpu.vector_load %arg8[%get3A_1575, %get3A_1576] {strides = array<i32>} : memref<128x64xf32, #tpu.memory_space<vmem>>, vector<16xf32>,
        %mul3A_1578 = arith.constant 8.000000e+00 : f32
        %mul3A_1579 = vector.broadcast %mul3A_1578 : f32 to vector<16xf32>
        %mul3A_1580 = arith.mulf %get3A_1577, %mul3A_1579 : vector<16xf32>
        %add3A_1581 = arith.addf %mul3A_1580, %get3A_674 : vector<16xf32>
        tpu.vector_store_idx %arg12[%add3A_12, %broadcast_in_dim3A_1553], %add3A_1581 : memref<64x129xf32, #tpu.memory_space<vmem>>[vector<16xi32>, vector<16xi32>], vector<16xf32>,
        %scan3A_1582 = arith.constant 6 : i32
        %scan3A_1583 = arith.addi %scan3A_1398, %scan3A_1582 : i32
        %broadcast_in_dim3A_1584 = vector.broadcast %scan3A_1583 : i32 to vector<16xi32>
        %get3A_1585 = arith.index_cast %scan3A_1583 : i32 to index
        %get3A_1586 = arith.constant 0 : index
        %get3A_1587 = tpu.vector_load %arg8[%get3A_1585, %get3A_1586] {strides = array<i32>} : memref<128x64xf32, #tpu.memory_space<vmem>>, vector<16xf32>,
        %mul3A_1588 = arith.constant 8.000000e+00 : f32
        %mul3A_1589 = vector.broadcast %mul3A_1588 : f32 to vector<16xf32>
        %mul3A_1590 = arith.mulf %get3A_1587, %mul3A_1589 : vector<16xf32>
        %add3A_1591 = arith.addf %mul3A_1590, %get3A_665 : vector<16xf32>
        tpu.vector_store_idx %arg12[%add3A_3, %broadcast_in_dim3A_1584], %add3A_1591 : memref<64x129xf32, #tpu.memory_space<vmem>>[vector<16xi32>, vector<16xi32>], vector<16xf32>,
        %get3A_1592 = arith.index_cast %scan3A_1583 : i32 to index
        %get3A_1593 = arith.constant 16 : index
        %get3A_1594 = tpu.vector_load %arg8[%get3A_1592, %get3A_1593] {strides = array<i32>} : memref<128x64xf32, #tpu.memory_space<vmem>>, vector<16xf32>,
        %mul3A_1595 = arith.constant 8.000000e+00 : f32
        %mul3A_1596 = vector.broadcast %mul3A_1595 : f32 to vector<16xf32>
        %mul3A_1597 = arith.mulf %get3A_1594, %mul3A_1596 : vector<16xf32>
        %add3A_1598 = arith.addf %mul3A_1597, %get3A_668 : vector<16xf32>
        tpu.vector_store_idx %arg12[%add3A_6, %broadcast_in_dim3A_1584], %add3A_1598 : memref<64x129xf32, #tpu.memory_space<vmem>>[vector<16xi32>, vector<16xi32>], vector<16xf32>,
        %get3A_1599 = arith.index_cast %scan3A_1583 : i32 to index
        %get3A_1600 = arith.constant 32 : index
        %get3A_1601 = tpu.vector_load %arg8[%get3A_1599, %get3A_1600] {strides = array<i32>} : memref<128x64xf32, #tpu.memory_space<vmem>>, vector<16xf32>,
        %mul3A_1602 = arith.constant 8.000000e+00 : f32
        %mul3A_1603 = vector.broadcast %mul3A_1602 : f32 to vector<16xf32>
        %mul3A_1604 = arith.mulf %get3A_1601, %mul3A_1603 : vector<16xf32>
        %add3A_1605 = arith.addf %mul3A_1604, %get3A_671 : vector<16xf32>
        tpu.vector_store_idx %arg12[%add3A_9, %broadcast_in_dim3A_1584], %add3A_1605 : memref<64x129xf32, #tpu.memory_space<vmem>>[vector<16xi32>, vector<16xi32>], vector<16xf32>,
        %get3A_1606 = arith.index_cast %scan3A_1583 : i32 to index
        %get3A_1607 = arith.constant 48 : index
        %get3A_1608 = tpu.vector_load %arg8[%get3A_1606, %get3A_1607] {strides = array<i32>} : memref<128x64xf32, #tpu.memory_space<vmem>>, vector<16xf32>,
        %mul3A_1609 = arith.constant 8.000000e+00 : f32
        %mul3A_1610 = vector.broadcast %mul3A_1609 : f32 to vector<16xf32>
        %mul3A_1611 = arith.mulf %get3A_1608, %mul3A_1610 : vector<16xf32>
        %add3A_1612 = arith.addf %mul3A_1611, %get3A_674 : vector<16xf32>
        tpu.vector_store_idx %arg12[%add3A_12, %broadcast_in_dim3A_1584], %add3A_1612 : memref<64x129xf32, #tpu.memory_space<vmem>>[vector<16xi32>, vector<16xi32>], vector<16xf32>,
        %scan3A_1613 = arith.constant 7 : i32
        %scan3A_1614 = arith.addi %scan3A_1398, %scan3A_1613 : i32
        %broadcast_in_dim3A_1615 = vector.broadcast %scan3A_1614 : i32 to vector<16xi32>
        %get3A_1616 = arith.index_cast %scan3A_1614 : i32 to index
        %get3A_1617 = arith.constant 0 : index
        %get3A_1618 = tpu.vector_load %arg8[%get3A_1616, %get3A_1617] {strides = array<i32>} : memref<128x64xf32, #tpu.memory_space<vmem>>, vector<16xf32>,
        %mul3A_1619 = arith.constant 8.000000e+00 : f32
        %mul3A_1620 = vector.broadcast %mul3A_1619 : f32 to vector<16xf32>
        %mul3A_1621 = arith.mulf %get3A_1618, %mul3A_1620 : vector<16xf32>
        %add3A_1622 = arith.addf %mul3A_1621, %get3A_665 : vector<16xf32>
        tpu.vector_store_idx %arg12[%add3A_3, %broadcast_in_dim3A_1615], %add3A_1622 : memref<64x129xf32, #tpu.memory_space<vmem>>[vector<16xi32>, vector<16xi32>], vector<16xf32>,
        %get3A_1623 = arith.index_cast %scan3A_1614 : i32 to index
        %get3A_1624 = arith.constant 16 : index
        %get3A_1625 = tpu.vector_load %arg8[%get3A_1623, %get3A_1624] {strides = array<i32>} : memref<128x64xf32, #tpu.memory_space<vmem>>, vector<16xf32>,
        %mul3A_1626 = arith.constant 8.000000e+00 : f32
        %mul3A_1627 = vector.broadcast %mul3A_1626 : f32 to vector<16xf32>
        %mul3A_1628 = arith.mulf %get3A_1625, %mul3A_1627 : vector<16xf32>
        %add3A_1629 = arith.addf %mul3A_1628, %get3A_668 : vector<16xf32>
        tpu.vector_store_idx %arg12[%add3A_6, %broadcast_in_dim3A_1615], %add3A_1629 : memref<64x129xf32, #tpu.memory_space<vmem>>[vector<16xi32>, vector<16xi32>], vector<16xf32>,
        %get3A_1630 = arith.index_cast %scan3A_1614 : i32 to index
        %get3A_1631 = arith.constant 32 : index
        %get3A_1632 = tpu.vector_load %arg8[%get3A_1630, %get3A_1631] {strides = array<i32>} : memref<128x64xf32, #tpu.memory_space<vmem>>, vector<16xf32>,
        %mul3A_1633 = arith.constant 8.000000e+00 : f32
        %mul3A_1634 = vector.broadcast %mul3A_1633 : f32 to vector<16xf32>
        %mul3A_1635 = arith.mulf %get3A_1632, %mul3A_1634 : vector<16xf32>
        %add3A_1636 = arith.addf %mul3A_1635, %get3A_671 : vector<16xf32>
        tpu.vector_store_idx %arg12[%add3A_9, %broadcast_in_dim3A_1615], %add3A_1636 : memref<64x129xf32, #tpu.memory_space<vmem>>[vector<16xi32>, vector<16xi32>], vector<16xf32>,
        %get3A_1637 = arith.index_cast %scan3A_1614 : i32 to index
        %get3A_1638 = arith.constant 48 : index
        %get3A_1639 = tpu.vector_load %arg8[%get3A_1637, %get3A_1638] {strides = array<i32>} : memref<128x64xf32, #tpu.memory_space<vmem>>, vector<16xf32>,
        %mul3A_1640 = arith.constant 8.000000e+00 : f32
        %mul3A_1641 = vector.broadcast %mul3A_1640 : f32 to vector<16xf32>
        %mul3A_1642 = arith.mulf %get3A_1639, %mul3A_1641 : vector<16xf32>
        %add3A_1643 = arith.addf %mul3A_1642, %get3A_674 : vector<16xf32>
        tpu.vector_store_idx %arg12[%add3A_12, %broadcast_in_dim3A_1615], %add3A_1643 : memref<64x129xf32, #tpu.memory_space<vmem>>[vector<16xi32>, vector<16xi32>], vector<16xf32>,
      }
      %scan3A_680 = arith.constant 128 : i32
      %dma_start3A_681 = arith.constant 0 : i32
      %dma_start3A_682 = arith.constant 0 : i32
      %dma_start3A_683 = arith.constant 0 : i32
      %dma_start3A_684 = arith.constant 0 : i32
      %dma_start3A_685 = tpu.memref_slice %arg12[%dma_start3A_683, %dma_start3A_684] : memref<64x129xf32, #tpu.memory_space<vmem>> -> memref<8x128xf32, #tpu.memory_space<vmem>>
      %dma_start3A_686 = arith.constant 0 : i32
      %dma_start3A_687 = arith.constant 0 : i32
      %dma_start3A_688 = tpu.memref_slice %arg5[%add3A_650, %dma_start3A_681, %add3A, %dma_start3A_686, %dma_start3A_687] : memref<200x8x32x8x128xf32, #tpu.memory_space<hbm>> -> memref<1x1x1x8x128xf32, #tpu.memory_space<hbm>>
      %dma_start3A_689 = tpu.memref_squeeze %dma_start3A_688 : memref<1x1x1x8x128xf32, #tpu.memory_space<hbm>> -> memref<8x128xf32, #tpu.memory_space<hbm>>
      %dma_start3A_690 = tpu.memref_slice %arg17[%dma_start3A_682] : memref<4x!tpu.dma_semaphore, #tpu.memory_space<semaphore_mem>> -> memref<1x!tpu.dma_semaphore, #tpu.memory_space<semaphore_mem>>
      %dma_start3A_691 = tpu.memref_squeeze %dma_start3A_690 : memref<1x!tpu.dma_semaphore, #tpu.memory_space<semaphore_mem>> -> memref<!tpu.dma_semaphore, #tpu.memory_space<semaphore_mem>>
      %dma_start3A_692 = arith.constant 0 : i32
      %dma_start3A_693 = arith.constant 0 : i32
      %dma_start3A_694 = tpu.memref_slice %arg5[%add3A_650, %dma_start3A_681, %add3A, %dma_start3A_692, %dma_start3A_693] : memref<200x8x32x8x128xf32, #tpu.memory_space<hbm>> -> memref<1x1x1x8x128xf32, #tpu.memory_space<hbm>>
      %dma_start3A_695 = tpu.memref_squeeze %dma_start3A_694 : memref<1x1x1x8x128xf32, #tpu.memory_space<hbm>> -> memref<8x128xf32, #tpu.memory_space<hbm>>
      %dma_start3A_696 = arith.constant 0 : i32
      %dma_start3A_697 = arith.constant 0 : i32
      %dma_start3A_698 = tpu.memref_slice %arg12[%dma_start3A_696, %dma_start3A_697] : memref<64x129xf32, #tpu.memory_space<vmem>> -> memref<8x128xf32, #tpu.memory_space<vmem>>
      tpu.enqueue_dma source(%dma_start3A_698 : memref<8x128xf32, #tpu.memory_space<vmem>>) target(%dma_start3A_695 : memref<8x128xf32, #tpu.memory_space<hbm>>) target_semaphore(%dma_start3A_691 : memref<!tpu.dma_semaphore, #tpu.memory_space<semaphore_mem>>)
      %dma_start3A_699 = arith.constant 1 : i32
      %dma_start3A_700 = arith.constant 0 : i32
      %dma_start3A_701 = arith.constant 8 : i32
      %dma_start3A_702 = arith.constant 0 : i32
      %dma_start3A_703 = tpu.memref_slice %arg12[%dma_start3A_701, %dma_start3A_702] : memref<64x129xf32, #tpu.memory_space<vmem>> -> memref<8x128xf32, #tpu.memory_space<vmem>>
      %dma_start3A_704 = arith.constant 0 : i32
      %dma_start3A_705 = arith.constant 0 : i32
      %dma_start3A_706 = tpu.memref_slice %arg5[%add3A_650, %dma_start3A_699, %add3A, %dma_start3A_704, %dma_start3A_705] : memref<200x8x32x8x128xf32, #tpu.memory_space<hbm>> -> memref<1x1x1x8x128xf32, #tpu.memory_space<hbm>>
      %dma_start3A_707 = tpu.memref_squeeze %dma_start3A_706 : memref<1x1x1x8x128xf32, #tpu.memory_space<hbm>> -> memref<8x128xf32, #tpu.memory_space<hbm>>
      %dma_start3A_708 = tpu.memref_slice %arg17[%dma_start3A_700] : memref<4x!tpu.dma_semaphore, #tpu.memory_space<semaphore_mem>> -> memref<1x!tpu.dma_semaphore, #tpu.memory_space<semaphore_mem>>
      %dma_start3A_709 = tpu.memref_squeeze %dma_start3A_708 : memref<1x!tpu.dma_semaphore, #tpu.memory_space<semaphore_mem>> -> memref<!tpu.dma_semaphore, #tpu.memory_space<semaphore_mem>>
      %dma_start3A_710 = arith.constant 0 : i32
      %dma_start3A_711 = arith.constant 0 : i32
      %dma_start3A_712 = tpu.memref_slice %arg5[%add3A_650, %dma_start3A_699, %add3A, %dma_start3A_710, %dma_start3A_711] : memref<200x8x32x8x128xf32, #tpu.memory_space<hbm>> -> memref<1x1x1x8x128xf32, #tpu.memory_space<hbm>>
      %dma_start3A_713 = tpu.memref_squeeze %dma_start3A_712 : memref<1x1x1x8x128xf32, #tpu.memory_space<hbm>> -> memref<8x128xf32, #tpu.memory_space<hbm>>
      %dma_start3A_714 = arith.constant 8 : i32
      %dma_start3A_715 = arith.constant 0 : i32
      %dma_start3A_716 = tpu.memref_slice %arg12[%dma_start3A_714, %dma_start3A_715] : memref<64x129xf32, #tpu.memory_space<vmem>> -> memref<8x128xf32, #tpu.memory_space<vmem>>
      tpu.enqueue_dma source(%dma_start3A_716 : memref<8x128xf32, #tpu.memory_space<vmem>>) target(%dma_start3A_713 : memref<8x128xf32, #tpu.memory_space<hbm>>) target_semaphore(%dma_start3A_709 : memref<!tpu.dma_semaphore, #tpu.memory_space<semaphore_mem>>)
      %dma_start3A_717 = arith.constant 2 : i32
      %dma_start3A_718 = arith.constant 0 : i32
      %dma_start3A_719 = arith.constant 16 : i32
      %dma_start3A_720 = arith.constant 0 : i32
      %dma_start3A_721 = tpu.memref_slice %arg12[%dma_start3A_719, %dma_start3A_720] : memref<64x129xf32, #tpu.memory_space<vmem>> -> memref<8x128xf32, #tpu.memory_space<vmem>>
      %dma_start3A_722 = arith.constant 0 : i32
      %dma_start3A_723 = arith.constant 0 : i32
      %dma_start3A_724 = tpu.memref_slice %arg5[%add3A_650, %dma_start3A_717, %add3A, %dma_start3A_722, %dma_start3A_723] : memref<200x8x32x8x128xf32, #tpu.memory_space<hbm>> -> memref<1x1x1x8x128xf32, #tpu.memory_space<hbm>>
      %dma_start3A_725 = tpu.memref_squeeze %dma_start3A_724 : memref<1x1x1x8x128xf32, #tpu.memory_space<hbm>> -> memref<8x128xf32, #tpu.memory_space<hbm>>
      %dma_start3A_726 = tpu.memref_slice %arg17[%dma_start3A_718] : memref<4x!tpu.dma_semaphore, #tpu.memory_space<semaphore_mem>> -> memref<1x!tpu.dma_semaphore, #tpu.memory_space<semaphore_mem>>
      %dma_start3A_727 = tpu.memref_squeeze %dma_start3A_726 : memref<1x!tpu.dma_semaphore, #tpu.memory_space<semaphore_mem>> -> memref<!tpu.dma_semaphore, #tpu.memory_space<semaphore_mem>>
      %dma_start3A_728 = arith.constant 0 : i32
      %dma_start3A_729 = arith.constant 0 : i32
      %dma_start3A_730 = tpu.memref_slice %arg5[%add3A_650, %dma_start3A_717, %add3A, %dma_start3A_728, %dma_start3A_729] : memref<200x8x32x8x128xf32, #tpu.memory_space<hbm>> -> memref<1x1x1x8x128xf32, #tpu.memory_space<hbm>>
      %dma_start3A_731 = tpu.memref_squeeze %dma_start3A_730 : memref<1x1x1x8x128xf32, #tpu.memory_space<hbm>> -> memref<8x128xf32, #tpu.memory_space<hbm>>
      %dma_start3A_732 = arith.constant 16 : i32
      %dma_start3A_733 = arith.constant 0 : i32
      %dma_start3A_734 = tpu.memref_slice %arg12[%dma_start3A_732, %dma_start3A_733] : memref<64x129xf32, #tpu.memory_space<vmem>> -> memref<8x128xf32, #tpu.memory_space<vmem>>
      tpu.enqueue_dma source(%dma_start3A_734 : memref<8x128xf32, #tpu.memory_space<vmem>>) target(%dma_start3A_731 : memref<8x128xf32, #tpu.memory_space<hbm>>) target_semaphore(%dma_start3A_727 : memref<!tpu.dma_semaphore, #tpu.memory_space<semaphore_mem>>)
      %dma_start3A_735 = arith.constant 3 : i32
      %dma_start3A_736 = arith.constant 0 : i32
      %dma_start3A_737 = arith.constant 24 : i32
      %dma_start3A_738 = arith.constant 0 : i32
      %dma_start3A_739 = tpu.memref_slice %arg12[%dma_start3A_737, %dma_start3A_738] : memref<64x129xf32, #tpu.memory_space<vmem>> -> memref<8x128xf32, #tpu.memory_space<vmem>>
      %dma_start3A_740 = arith.constant 0 : i32
      %dma_start3A_741 = arith.constant 0 : i32
      %dma_start3A_742 = tpu.memref_slice %arg5[%add3A_650, %dma_start3A_735, %add3A, %dma_start3A_740, %dma_start3A_741] : memref<200x8x32x8x128xf32, #tpu.memory_space<hbm>> -> memref<1x1x1x8x128xf32, #tpu.memory_space<hbm>>
      %dma_start3A_743 = tpu.memref_squeeze %dma_start3A_742 : memref<1x1x1x8x128xf32, #tpu.memory_space<hbm>> -> memref<8x128xf32, #tpu.memory_space<hbm>>
      %dma_start3A_744 = tpu.memref_slice %arg17[%dma_start3A_736] : memref<4x!tpu.dma_semaphore, #tpu.memory_space<semaphore_mem>> -> memref<1x!tpu.dma_semaphore, #tpu.memory_space<semaphore_mem>>
      %dma_start3A_745 = tpu.memref_squeeze %dma_start3A_744 : memref<1x!tpu.dma_semaphore, #tpu.memory_space<semaphore_mem>> -> memref<!tpu.dma_semaphore, #tpu.memory_space<semaphore_mem>>
      %dma_start3A_746 = arith.constant 0 : i32
      %dma_start3A_747 = arith.constant 0 : i32
      %dma_start3A_748 = tpu.memref_slice %arg5[%add3A_650, %dma_start3A_735, %add3A, %dma_start3A_746, %dma_start3A_747] : memref<200x8x32x8x128xf32, #tpu.memory_space<hbm>> -> memref<1x1x1x8x128xf32, #tpu.memory_space<hbm>>
      %dma_start3A_749 = tpu.memref_squeeze %dma_start3A_748 : memref<1x1x1x8x128xf32, #tpu.memory_space<hbm>> -> memref<8x128xf32, #tpu.memory_space<hbm>>
      %dma_start3A_750 = arith.constant 24 : i32
      %dma_start3A_751 = arith.constant 0 : i32
      %dma_start3A_752 = tpu.memref_slice %arg12[%dma_start3A_750, %dma_start3A_751] : memref<64x129xf32, #tpu.memory_space<vmem>> -> memref<8x128xf32, #tpu.memory_space<vmem>>
      tpu.enqueue_dma source(%dma_start3A_752 : memref<8x128xf32, #tpu.memory_space<vmem>>) target(%dma_start3A_749 : memref<8x128xf32, #tpu.memory_space<hbm>>) target_semaphore(%dma_start3A_745 : memref<!tpu.dma_semaphore, #tpu.memory_space<semaphore_mem>>)
      %dma_start3A_753 = arith.constant 4 : i32
      %dma_start3A_754 = arith.constant 0 : i32
      %dma_start3A_755 = arith.constant 32 : i32
      %dma_start3A_756 = arith.constant 0 : i32
      %dma_start3A_757 = tpu.memref_slice %arg12[%dma_start3A_755, %dma_start3A_756] : memref<64x129xf32, #tpu.memory_space<vmem>> -> memref<8x128xf32, #tpu.memory_space<vmem>>
      %dma_start3A_758 = arith.constant 0 : i32
      %dma_start3A_759 = arith.constant 0 : i32
      %dma_start3A_760 = tpu.memref_slice %arg5[%add3A_650, %dma_start3A_753, %add3A, %dma_start3A_758, %dma_start3A_759] : memref<200x8x32x8x128xf32, #tpu.memory_space<hbm>> -> memref<1x1x1x8x128xf32, #tpu.memory_space<hbm>>
      %dma_start3A_761 = tpu.memref_squeeze %dma_start3A_760 : memref<1x1x1x8x128xf32, #tpu.memory_space<hbm>> -> memref<8x128xf32, #tpu.memory_space<hbm>>
      %dma_start3A_762 = tpu.memref_slice %arg17[%dma_start3A_754] : memref<4x!tpu.dma_semaphore, #tpu.memory_space<semaphore_mem>> -> memref<1x!tpu.dma_semaphore, #tpu.memory_space<semaphore_mem>>
      %dma_start3A_763 = tpu.memref_squeeze %dma_start3A_762 : memref<1x!tpu.dma_semaphore, #tpu.memory_space<semaphore_mem>> -> memref<!tpu.dma_semaphore, #tpu.memory_space<semaphore_mem>>
      %dma_start3A_764 = arith.constant 0 : i32
      %dma_start3A_765 = arith.constant 0 : i32
      %dma_start3A_766 = tpu.memref_slice %arg5[%add3A_650, %dma_start3A_753, %add3A, %dma_start3A_764, %dma_start3A_765] : memref<200x8x32x8x128xf32, #tpu.memory_space<hbm>> -> memref<1x1x1x8x128xf32, #tpu.memory_space<hbm>>
      %dma_start3A_767 = tpu.memref_squeeze %dma_start3A_766 : memref<1x1x1x8x128xf32, #tpu.memory_space<hbm>> -> memref<8x128xf32, #tpu.memory_space<hbm>>
      %dma_start3A_768 = arith.constant 32 : i32
      %dma_start3A_769 = arith.constant 0 : i32
      %dma_start3A_770 = tpu.memref_slice %arg12[%dma_start3A_768, %dma_start3A_769] : memref<64x129xf32, #tpu.memory_space<vmem>> -> memref<8x128xf32, #tpu.memory_space<vmem>>
      tpu.enqueue_dma source(%dma_start3A_770 : memref<8x128xf32, #tpu.memory_space<vmem>>) target(%dma_start3A_767 : memref<8x128xf32, #tpu.memory_space<hbm>>) target_semaphore(%dma_start3A_763 : memref<!tpu.dma_semaphore, #tpu.memory_space<semaphore_mem>>)
      %dma_start3A_771 = arith.constant 5 : i32
      %dma_start3A_772 = arith.constant 0 : i32
      %dma_start3A_773 = arith.constant 40 : i32
      %dma_start3A_774 = arith.constant 0 : i32
      %dma_start3A_775 = tpu.memref_slice %arg12[%dma_start3A_773, %dma_start3A_774] : memref<64x129xf32, #tpu.memory_space<vmem>> -> memref<8x128xf32, #tpu.memory_space<vmem>>
      %dma_start3A_776 = arith.constant 0 : i32
      %dma_start3A_777 = arith.constant 0 : i32
      %dma_start3A_778 = tpu.memref_slice %arg5[%add3A_650, %dma_start3A_771, %add3A, %dma_start3A_776, %dma_start3A_777] : memref<200x8x32x8x128xf32, #tpu.memory_space<hbm>> -> memref<1x1x1x8x128xf32, #tpu.memory_space<hbm>>
      %dma_start3A_779 = tpu.memref_squeeze %dma_start3A_778 : memref<1x1x1x8x128xf32, #tpu.memory_space<hbm>> -> memref<8x128xf32, #tpu.memory_space<hbm>>
      %dma_start3A_780 = tpu.memref_slice %arg17[%dma_start3A_772] : memref<4x!tpu.dma_semaphore, #tpu.memory_space<semaphore_mem>> -> memref<1x!tpu.dma_semaphore, #tpu.memory_space<semaphore_mem>>
      %dma_start3A_781 = tpu.memref_squeeze %dma_start3A_780 : memref<1x!tpu.dma_semaphore, #tpu.memory_space<semaphore_mem>> -> memref<!tpu.dma_semaphore, #tpu.memory_space<semaphore_mem>>
      %dma_start3A_782 = arith.constant 0 : i32
      %dma_start3A_783 = arith.constant 0 : i32
      %dma_start3A_784 = tpu.memref_slice %arg5[%add3A_650, %dma_start3A_771, %add3A, %dma_start3A_782, %dma_start3A_783] : memref<200x8x32x8x128xf32, #tpu.memory_space<hbm>> -> memref<1x1x1x8x128xf32, #tpu.memory_space<hbm>>
      %dma_start3A_785 = tpu.memref_squeeze %dma_start3A_784 : memref<1x1x1x8x128xf32, #tpu.memory_space<hbm>> -> memref<8x128xf32, #tpu.memory_space<hbm>>
      %dma_start3A_786 = arith.constant 40 : i32
      %dma_start3A_787 = arith.constant 0 : i32
      %dma_start3A_788 = tpu.memref_slice %arg12[%dma_start3A_786, %dma_start3A_787] : memref<64x129xf32, #tpu.memory_space<vmem>> -> memref<8x128xf32, #tpu.memory_space<vmem>>
      tpu.enqueue_dma source(%dma_start3A_788 : memref<8x128xf32, #tpu.memory_space<vmem>>) target(%dma_start3A_785 : memref<8x128xf32, #tpu.memory_space<hbm>>) target_semaphore(%dma_start3A_781 : memref<!tpu.dma_semaphore, #tpu.memory_space<semaphore_mem>>)
      %dma_start3A_789 = arith.constant 6 : i32
      %dma_start3A_790 = arith.constant 0 : i32
      %dma_start3A_791 = arith.constant 48 : i32
      %dma_start3A_792 = arith.constant 0 : i32
      %dma_start3A_793 = tpu.memref_slice %arg12[%dma_start3A_791, %dma_start3A_792] : memref<64x129xf32, #tpu.memory_space<vmem>> -> memref<8x128xf32, #tpu.memory_space<vmem>>
      %dma_start3A_794 = arith.constant 0 : i32
      %dma_start3A_795 = arith.constant 0 : i32
      %dma_start3A_796 = tpu.memref_slice %arg5[%add3A_650, %dma_start3A_789, %add3A, %dma_start3A_794, %dma_start3A_795] : memref<200x8x32x8x128xf32, #tpu.memory_space<hbm>> -> memref<1x1x1x8x128xf32, #tpu.memory_space<hbm>>
      %dma_start3A_797 = tpu.memref_squeeze %dma_start3A_796 : memref<1x1x1x8x128xf32, #tpu.memory_space<hbm>> -> memref<8x128xf32, #tpu.memory_space<hbm>>
      %dma_start3A_798 = tpu.memref_slice %arg17[%dma_start3A_790] : memref<4x!tpu.dma_semaphore, #tpu.memory_space<semaphore_mem>> -> memref<1x!tpu.dma_semaphore, #tpu.memory_space<semaphore_mem>>
      %dma_start3A_799 = tpu.memref_squeeze %dma_start3A_798 : memref<1x!tpu.dma_semaphore, #tpu.memory_space<semaphore_mem>> -> memref<!tpu.dma_semaphore, #tpu.memory_space<semaphore_mem>>
      %dma_start3A_800 = arith.constant 0 : i32
      %dma_start3A_801 = arith.constant 0 : i32
      %dma_start3A_802 = tpu.memref_slice %arg5[%add3A_650, %dma_start3A_789, %add3A, %dma_start3A_800, %dma_start3A_801] : memref<200x8x32x8x128xf32, #tpu.memory_space<hbm>> -> memref<1x1x1x8x128xf32, #tpu.memory_space<hbm>>
      %dma_start3A_803 = tpu.memref_squeeze %dma_start3A_802 : memref<1x1x1x8x128xf32, #tpu.memory_space<hbm>> -> memref<8x128xf32, #tpu.memory_space<hbm>>
      %dma_start3A_804 = arith.constant 48 : i32
      %dma_start3A_805 = arith.constant 0 : i32
      %dma_start3A_806 = tpu.memref_slice %arg12[%dma_start3A_804, %dma_start3A_805] : memref<64x129xf32, #tpu.memory_space<vmem>> -> memref<8x128xf32, #tpu.memory_space<vmem>>
      tpu.enqueue_dma source(%dma_start3A_806 : memref<8x128xf32, #tpu.memory_space<vmem>>) target(%dma_start3A_803 : memref<8x128xf32, #tpu.memory_space<hbm>>) target_semaphore(%dma_start3A_799 : memref<!tpu.dma_semaphore, #tpu.memory_space<semaphore_mem>>)
      %dma_start3A_807 = arith.constant 7 : i32
      %dma_start3A_808 = arith.constant 0 : i32
      %dma_start3A_809 = arith.constant 56 : i32
      %dma_start3A_810 = arith.constant 0 : i32
      %dma_start3A_811 = tpu.memref_slice %arg12[%dma_start3A_809, %dma_start3A_810] : memref<64x129xf32, #tpu.memory_space<vmem>> -> memref<8x128xf32, #tpu.memory_space<vmem>>
      %dma_start3A_812 = arith.constant 0 : i32
      %dma_start3A_813 = arith.constant 0 : i32
      %dma_start3A_814 = tpu.memref_slice %arg5[%add3A_650, %dma_start3A_807, %add3A, %dma_start3A_812, %dma_start3A_813] : memref<200x8x32x8x128xf32, #tpu.memory_space<hbm>> -> memref<1x1x1x8x128xf32, #tpu.memory_space<hbm>>
      %dma_start3A_815 = tpu.memref_squeeze %dma_start3A_814 : memref<1x1x1x8x128xf32, #tpu.memory_space<hbm>> -> memref<8x128xf32, #tpu.memory_space<hbm>>
      %dma_start3A_816 = tpu.memref_slice %arg17[%dma_start3A_808] : memref<4x!tpu.dma_semaphore, #tpu.memory_space<semaphore_mem>> -> memref<1x!tpu.dma_semaphore, #tpu.memory_space<semaphore_mem>>
      %dma_start3A_817 = tpu.memref_squeeze %dma_start3A_816 : memref<1x!tpu.dma_semaphore, #tpu.memory_space<semaphore_mem>> -> memref<!tpu.dma_semaphore, #tpu.memory_space<semaphore_mem>>
      %dma_start3A_818 = arith.constant 0 : i32
      %dma_start3A_819 = arith.constant 0 : i32
      %dma_start3A_820 = tpu.memref_slice %arg5[%add3A_650, %dma_start3A_807, %add3A, %dma_start3A_818, %dma_start3A_819] : memref<200x8x32x8x128xf32, #tpu.memory_space<hbm>> -> memref<1x1x1x8x128xf32, #tpu.memory_space<hbm>>
      %dma_start3A_821 = tpu.memref_squeeze %dma_start3A_820 : memref<1x1x1x8x128xf32, #tpu.memory_space<hbm>> -> memref<8x128xf32, #tpu.memory_space<hbm>>
      %dma_start3A_822 = arith.constant 56 : i32
      %dma_start3A_823 = arith.constant 0 : i32
      %dma_start3A_824 = tpu.memref_slice %arg12[%dma_start3A_822, %dma_start3A_823] : memref<64x129xf32, #tpu.memory_space<vmem>> -> memref<8x128xf32, #tpu.memory_space<vmem>>
      tpu.enqueue_dma source(%dma_start3A_824 : memref<8x128xf32, #tpu.memory_space<vmem>>) target(%dma_start3A_821 : memref<8x128xf32, #tpu.memory_space<hbm>>) target_semaphore(%dma_start3A_817 : memref<!tpu.dma_semaphore, #tpu.memory_space<semaphore_mem>>)
      %add3A_825 = arith.constant 2 : i32
      %add3A_826 = arith.addi %add3A_650, %add3A_825 : i32
      %lt3A = arith.constant 200 : i32
      %lt3A_827 = arith.cmpi slt, %add3A_826, %lt3A : i32
      %convert_element_type3A_828 = arith.extui %lt3A_827 : i1 to i32
      %cond3A_829 = arith.constant 0 : i32
      %cond3A_830 = arith.cmpi ne, %convert_element_type3A_828, %cond3A_829 : i32
      scf.if %cond3A_830 {
        %add3A_1398 = arith.constant 2 : i32
        %add3A_1399 = arith.addi %add3A_650, %add3A_1398 : i32
        %jit3A = arith.constant 8 : i32
        %div3A = arith.divsi %add3A_1399, %jit3A : i32
        %sign3A = arith.constant 0 : i32
        %sign3A_1400 = arith.cmpi sgt, %add3A_1399, %sign3A : i32
        %sign3A_1401 = arith.extui %sign3A_1400 : i1 to i32
        %sign3A_1402 = arith.constant 0 : i32
        %sign3A_1403 = arith.cmpi slt, %add3A_1399, %sign3A_1402 : i32
        %sign3A_1404 = arith.extui %sign3A_1403 : i1 to i32
        %sign3A_1405 = arith.subi %sign3A_1401, %sign3A_1404 : i32
        %sign3A_1406 = arith.constant 0 : i32
        %sign3A_1407 = arith.cmpi sgt, %jit3A, %sign3A_1406 : i32
        %sign3A_1408 = arith.extui %sign3A_1407 : i1 to i32
        %sign3A_1409 = arith.constant 0 : i32
        %sign3A_1410 = arith.cmpi slt, %jit3A, %sign3A_1409 : i32
        %sign3A_1411 = arith.extui %sign3A_1410 : i1 to i32
        %sign3A_1412 = arith.subi %sign3A_1408, %sign3A_1411 : i32
        %ne3A = arith.cmpi ne, %sign3A_1405, %sign3A_1412 : i32
        %rem3A = arith.remsi %add3A_1399, %jit3A : i32
        %ne3A_1413 = arith.constant 0 : i32
        %ne3A_1414 = arith.cmpi ne, %rem3A, %ne3A_1413 : i32
        %and3A = arith.andi %ne3A, %ne3A_1414 : i1
        %sub3A = arith.constant 1 : i32
        %sub3A_1415 = arith.subi %div3A, %sub3A : i32
        %select_n3A = arith.select %and3A, %sub3A_1415, %div3A : i32
        %jit3A_1416 = arith.constant 8 : i32
        %eq3A = arith.constant 0 : i32
        %eq3A_1417 = arith.cmpi eq, %jit3A_1416, %eq3A : i32
        %jit3A_1418 = arith.constant 1 : i32
        %select_n3A_1419 = arith.select %eq3A_1417, %jit3A_1418, %jit3A_1416 : i32
        %rem3A_1420 = arith.remsi %add3A_1399, %select_n3A_1419 : i32
        %ne3A_1421 = arith.constant 0 : i32
        %ne3A_1422 = arith.cmpi ne, %rem3A_1420, %ne3A_1421 : i32
        %lt3A_1423 = arith.constant 0 : i32
        %lt3A_1424 = arith.cmpi slt, %rem3A_1420, %lt3A_1423 : i32
        %lt3A_1425 = arith.constant 0 : i32
        %lt3A_1426 = arith.cmpi slt, %select_n3A_1419, %lt3A_1425 : i32
        %ne3A_1427 = arith.xori %lt3A_1424, %lt3A_1426 : i1
        %and3A_1428 = arith.andi %ne3A_1427, %ne3A_1422 : i1
        %add3A_1429 = arith.addi %rem3A_1420, %select_n3A_1419 : i32
        %select_n3A_1430 = arith.select %and3A_1428, %add3A_1429, %rem3A_1420 : i32
        %dma_start3A_1431 = arith.constant 2 : i32
        %dma_start3A_1432 = arith.constant 0 : i32
        %dma_start3A_1433 = tpu.memref_slice %arg6[%select_n3A, %select_n3A_1430, %dma_start3A_1432] : memref<25x8x128xi32, #tpu.memory_space<vmem>> -> memref<1x1x128xi32, #tpu.memory_space<vmem>>
        %dma_start3A_1434 = tpu.memref_squeeze %dma_start3A_1433 : memref<1x1x128xi32, #tpu.memory_space<vmem>> -> memref<128xi32, #tpu.memory_space<vmem>>
        %dma_start3A_1435 = arith.constant 0 : i32
        %dma_start3A_1436 = arith.constant 0 : i32
        %dma_start3A_1437 = tpu.memref_slice %arg3[%dma_start3A_1435, %dma_start3A_1436] : memref<1000000x64xf32, #tpu.memory_space<hbm>> -> memref<1000000x64xf32, #tpu.memory_space<hbm>>
        %dma_start3A_1438 = tpu.memref_slice %arg16[%dma_start3A_1431] : memref<4x!tpu.dma_semaphore, #tpu.memory_space<semaphore_mem>> -> memref<1x!tpu.dma_semaphore, #tpu.memory_space<semaphore_mem>>
        %dma_start3A_1439 = tpu.memref_squeeze %dma_start3A_1438 : memref<1x!tpu.dma_semaphore, #tpu.memory_space<semaphore_mem>> -> memref<!tpu.dma_semaphore, #tpu.memory_space<semaphore_mem>>
        tpu.enqueue_indirect_dma source(%dma_start3A_1437 : memref<1000000x64xf32, #tpu.memory_space<hbm>>) target(%arg10 : memref<128x64xf32, #tpu.memory_space<vmem>>) offsets(%dma_start3A_1434 : memref<128xi32, #tpu.memory_space<vmem>>) semaphore(%dma_start3A_1439 : memref<!tpu.dma_semaphore, #tpu.memory_space<semaphore_mem>>)
      } else {
      }
      %mul3A_831 = arith.constant 4 : i32
      %mul3A_832 = arith.muli %scan3A_646, %mul3A_831 : i32
      %add3A_833 = arith.constant 1 : i32
      %add3A_834 = arith.addi %mul3A_832, %add3A_833 : i32
      %dma_wait3A_835 = arith.constant 0 : i32
      %dma_wait3A_836 = arith.constant 0 : i32
      %dma_wait3A_837 = arith.constant 1 : i32
      %dma_wait3A_838 = arith.constant 0 : i32
      %dma_wait3A_839 = tpu.memref_slice %arg6[%dma_wait3A_835, %dma_wait3A_836, %dma_wait3A_838] : memref<25x8x128xi32, #tpu.memory_space<vmem>> -> memref<1x1x128xi32, #tpu.memory_space<vmem>>
      %dma_wait3A_840 = tpu.memref_squeeze %dma_wait3A_839 : memref<1x1x128xi32, #tpu.memory_space<vmem>> -> memref<128xi32, #tpu.memory_space<vmem>>
      %dma_wait3A_841 = arith.constant 0 : i32
      %dma_wait3A_842 = arith.constant 0 : i32
      %dma_wait3A_843 = tpu.memref_slice %arg3[%dma_wait3A_841, %dma_wait3A_842] : memref<1000000x64xf32, #tpu.memory_space<hbm>> -> memref<1000000x64xf32, #tpu.memory_space<hbm>>
      %dma_wait3A_844 = tpu.memref_slice %arg16[%dma_wait3A_837] : memref<4x!tpu.dma_semaphore, #tpu.memory_space<semaphore_mem>> -> memref<1x!tpu.dma_semaphore, #tpu.memory_space<semaphore_mem>>
      %dma_wait3A_845 = tpu.memref_squeeze %dma_wait3A_844 : memref<1x!tpu.dma_semaphore, #tpu.memory_space<semaphore_mem>> -> memref<!tpu.dma_semaphore, #tpu.memory_space<semaphore_mem>>
      tpu.wait_indirect_dma semaphore(%dma_wait3A_845 : memref<!tpu.dma_semaphore, #tpu.memory_space<semaphore_mem>>) src(%dma_wait3A_843 : memref<1000000x64xf32, #tpu.memory_space<hbm>>) dst(%arg9 : memref<128x64xf32, #tpu.memory_space<vmem>>)
      %ge3A_846 = arith.constant 4 : i32
      %ge3A_847 = arith.cmpi sge, %add3A_834, %ge3A_846 : i32
      %convert_element_type3A_848 = arith.extui %ge3A_847 : i1 to i32
      %cond3A_849 = arith.constant 0 : i32
      %cond3A_850 = arith.cmpi ne, %convert_element_type3A_848, %cond3A_849 : i32
      scf.if %cond3A_850 {
        %sub3A = arith.constant 4 : i32
        %sub3A_1398 = arith.subi %add3A_834, %sub3A : i32
        %dma_wait3A_1399 = arith.constant 0 : i32
        %dma_wait3A_1400 = arith.constant 1 : i32
        %dma_wait3A_1401 = arith.constant 0 : i32
        %dma_wait3A_1402 = arith.constant 0 : i32
        %dma_wait3A_1403 = tpu.memref_slice %arg13[%dma_wait3A_1401, %dma_wait3A_1402] : memref<64x129xf32, #tpu.memory_space<vmem>> -> memref<8x128xf32, #tpu.memory_space<vmem>>
        %dma_wait3A_1404 = arith.constant 0 : i32
        %dma_wait3A_1405 = arith.constant 0 : i32
        %dma_wait3A_1406 = tpu.memref_slice %arg5[%sub3A_1398, %dma_wait3A_1399, %add3A, %dma_wait3A_1404, %dma_wait3A_1405] : memref<200x8x32x8x128xf32, #tpu.memory_space<hbm>> -> memref<1x1x1x8x128xf32, #tpu.memory_space<hbm>>
        %dma_wait3A_1407 = tpu.memref_squeeze %dma_wait3A_1406 : memref<1x1x1x8x128xf32, #tpu.memory_space<hbm>> -> memref<8x128xf32, #tpu.memory_space<hbm>>
        %dma_wait3A_1408 = tpu.memref_slice %arg17[%dma_wait3A_1400] : memref<4x!tpu.dma_semaphore, #tpu.memory_space<semaphore_mem>> -> memref<1x!tpu.dma_semaphore, #tpu.memory_space<semaphore_mem>>
        %dma_wait3A_1409 = tpu.memref_squeeze %dma_wait3A_1408 : memref<1x!tpu.dma_semaphore, #tpu.memory_space<semaphore_mem>> -> memref<!tpu.dma_semaphore, #tpu.memory_space<semaphore_mem>>
        %dma_wait3A_1410 = arith.constant 0 : i32
        %dma_wait3A_1411 = arith.constant 0 : i32
        %dma_wait3A_1412 = tpu.memref_slice %arg5[%sub3A_1398, %dma_wait3A_1399, %add3A, %dma_wait3A_1410, %dma_wait3A_1411] : memref<200x8x32x8x128xf32, #tpu.memory_space<hbm>> -> memref<1x1x1x8x128xf32, #tpu.memory_space<hbm>>
        %dma_wait3A_1413 = tpu.memref_squeeze %dma_wait3A_1412 : memref<1x1x1x8x128xf32, #tpu.memory_space<hbm>> -> memref<8x128xf32, #tpu.memory_space<hbm>>
        %dma_wait3A_1414 = arith.constant 0 : i32
        %dma_wait3A_1415 = arith.constant 0 : i32
        %dma_wait3A_1416 = tpu.memref_slice %arg13[%dma_wait3A_1414, %dma_wait3A_1415] : memref<64x129xf32, #tpu.memory_space<vmem>> -> memref<8x128xf32, #tpu.memory_space<vmem>>
        tpu.wait_dma2 semaphore(%dma_wait3A_1409 : memref<!tpu.dma_semaphore, #tpu.memory_space<semaphore_mem>>) src(%dma_wait3A_1416 : memref<8x128xf32, #tpu.memory_space<vmem>>) dst(%dma_wait3A_1413 : memref<8x128xf32, #tpu.memory_space<hbm>>)
        %dma_wait3A_1417 = arith.constant 1 : i32
        %dma_wait3A_1418 = arith.constant 1 : i32
        %dma_wait3A_1419 = arith.constant 8 : i32
        %dma_wait3A_1420 = arith.constant 0 : i32
        %dma_wait3A_1421 = tpu.memref_slice %arg13[%dma_wait3A_1419, %dma_wait3A_1420] : memref<64x129xf32, #tpu.memory_space<vmem>> -> memref<8x128xf32, #tpu.memory_space<vmem>>
        %dma_wait3A_1422 = arith.constant 0 : i32
        %dma_wait3A_1423 = arith.constant 0 : i32
        %dma_wait3A_1424 = tpu.memref_slice %arg5[%sub3A_1398, %dma_wait3A_1417, %add3A, %dma_wait3A_1422, %dma_wait3A_1423] : memref<200x8x32x8x128xf32, #tpu.memory_space<hbm>> -> memref<1x1x1x8x128xf32, #tpu.memory_space<hbm>>
        %dma_wait3A_1425 = tpu.memref_squeeze %dma_wait3A_1424 : memref<1x1x1x8x128xf32, #tpu.memory_space<hbm>> -> memref<8x128xf32, #tpu.memory_space<hbm>>
        %dma_wait3A_1426 = tpu.memref_slice %arg17[%dma_wait3A_1418] : memref<4x!tpu.dma_semaphore, #tpu.memory_space<semaphore_mem>> -> memref<1x!tpu.dma_semaphore, #tpu.memory_space<semaphore_mem>>
        %dma_wait3A_1427 = tpu.memref_squeeze %dma_wait3A_1426 : memref<1x!tpu.dma_semaphore, #tpu.memory_space<semaphore_mem>> -> memref<!tpu.dma_semaphore, #tpu.memory_space<semaphore_mem>>
        %dma_wait3A_1428 = arith.constant 0 : i32
        %dma_wait3A_1429 = arith.constant 0 : i32
        %dma_wait3A_1430 = tpu.memref_slice %arg5[%sub3A_1398, %dma_wait3A_1417, %add3A, %dma_wait3A_1428, %dma_wait3A_1429] : memref<200x8x32x8x128xf32, #tpu.memory_space<hbm>> -> memref<1x1x1x8x128xf32, #tpu.memory_space<hbm>>
        %dma_wait3A_1431 = tpu.memref_squeeze %dma_wait3A_1430 : memref<1x1x1x8x128xf32, #tpu.memory_space<hbm>> -> memref<8x128xf32, #tpu.memory_space<hbm>>
        %dma_wait3A_1432 = arith.constant 8 : i32
        %dma_wait3A_1433 = arith.constant 0 : i32
        %dma_wait3A_1434 = tpu.memref_slice %arg13[%dma_wait3A_1432, %dma_wait3A_1433] : memref<64x129xf32, #tpu.memory_space<vmem>> -> memref<8x128xf32, #tpu.memory_space<vmem>>
        tpu.wait_dma2 semaphore(%dma_wait3A_1427 : memref<!tpu.dma_semaphore, #tpu.memory_space<semaphore_mem>>) src(%dma_wait3A_1434 : memref<8x128xf32, #tpu.memory_space<vmem>>) dst(%dma_wait3A_1431 : memref<8x128xf32, #tpu.memory_space<hbm>>)
        %dma_wait3A_1435 = arith.constant 2 : i32
        %dma_wait3A_1436 = arith.constant 1 : i32
        %dma_wait3A_1437 = arith.constant 16 : i32
        %dma_wait3A_1438 = arith.constant 0 : i32
        %dma_wait3A_1439 = tpu.memref_slice %arg13[%dma_wait3A_1437, %dma_wait3A_1438] : memref<64x129xf32, #tpu.memory_space<vmem>> -> memref<8x128xf32, #tpu.memory_space<vmem>>
        %dma_wait3A_1440 = arith.constant 0 : i32
        %dma_wait3A_1441 = arith.constant 0 : i32
        %dma_wait3A_1442 = tpu.memref_slice %arg5[%sub3A_1398, %dma_wait3A_1435, %add3A, %dma_wait3A_1440, %dma_wait3A_1441] : memref<200x8x32x8x128xf32, #tpu.memory_space<hbm>> -> memref<1x1x1x8x128xf32, #tpu.memory_space<hbm>>
        %dma_wait3A_1443 = tpu.memref_squeeze %dma_wait3A_1442 : memref<1x1x1x8x128xf32, #tpu.memory_space<hbm>> -> memref<8x128xf32, #tpu.memory_space<hbm>>
        %dma_wait3A_1444 = tpu.memref_slice %arg17[%dma_wait3A_1436] : memref<4x!tpu.dma_semaphore, #tpu.memory_space<semaphore_mem>> -> memref<1x!tpu.dma_semaphore, #tpu.memory_space<semaphore_mem>>
        %dma_wait3A_1445 = tpu.memref_squeeze %dma_wait3A_1444 : memref<1x!tpu.dma_semaphore, #tpu.memory_space<semaphore_mem>> -> memref<!tpu.dma_semaphore, #tpu.memory_space<semaphore_mem>>
        %dma_wait3A_1446 = arith.constant 0 : i32
        %dma_wait3A_1447 = arith.constant 0 : i32
        %dma_wait3A_1448 = tpu.memref_slice %arg5[%sub3A_1398, %dma_wait3A_1435, %add3A, %dma_wait3A_1446, %dma_wait3A_1447] : memref<200x8x32x8x128xf32, #tpu.memory_space<hbm>> -> memref<1x1x1x8x128xf32, #tpu.memory_space<hbm>>
        %dma_wait3A_1449 = tpu.memref_squeeze %dma_wait3A_1448 : memref<1x1x1x8x128xf32, #tpu.memory_space<hbm>> -> memref<8x128xf32, #tpu.memory_space<hbm>>
        %dma_wait3A_1450 = arith.constant 16 : i32
        %dma_wait3A_1451 = arith.constant 0 : i32
        %dma_wait3A_1452 = tpu.memref_slice %arg13[%dma_wait3A_1450, %dma_wait3A_1451] : memref<64x129xf32, #tpu.memory_space<vmem>> -> memref<8x128xf32, #tpu.memory_space<vmem>>
        tpu.wait_dma2 semaphore(%dma_wait3A_1445 : memref<!tpu.dma_semaphore, #tpu.memory_space<semaphore_mem>>) src(%dma_wait3A_1452 : memref<8x128xf32, #tpu.memory_space<vmem>>) dst(%dma_wait3A_1449 : memref<8x128xf32, #tpu.memory_space<hbm>>)
        %dma_wait3A_1453 = arith.constant 3 : i32
        %dma_wait3A_1454 = arith.constant 1 : i32
        %dma_wait3A_1455 = arith.constant 24 : i32
        %dma_wait3A_1456 = arith.constant 0 : i32
        %dma_wait3A_1457 = tpu.memref_slice %arg13[%dma_wait3A_1455, %dma_wait3A_1456] : memref<64x129xf32, #tpu.memory_space<vmem>> -> memref<8x128xf32, #tpu.memory_space<vmem>>
        %dma_wait3A_1458 = arith.constant 0 : i32
        %dma_wait3A_1459 = arith.constant 0 : i32
        %dma_wait3A_1460 = tpu.memref_slice %arg5[%sub3A_1398, %dma_wait3A_1453, %add3A, %dma_wait3A_1458, %dma_wait3A_1459] : memref<200x8x32x8x128xf32, #tpu.memory_space<hbm>> -> memref<1x1x1x8x128xf32, #tpu.memory_space<hbm>>
        %dma_wait3A_1461 = tpu.memref_squeeze %dma_wait3A_1460 : memref<1x1x1x8x128xf32, #tpu.memory_space<hbm>> -> memref<8x128xf32, #tpu.memory_space<hbm>>
        %dma_wait3A_1462 = tpu.memref_slice %arg17[%dma_wait3A_1454] : memref<4x!tpu.dma_semaphore, #tpu.memory_space<semaphore_mem>> -> memref<1x!tpu.dma_semaphore, #tpu.memory_space<semaphore_mem>>
        %dma_wait3A_1463 = tpu.memref_squeeze %dma_wait3A_1462 : memref<1x!tpu.dma_semaphore, #tpu.memory_space<semaphore_mem>> -> memref<!tpu.dma_semaphore, #tpu.memory_space<semaphore_mem>>
        %dma_wait3A_1464 = arith.constant 0 : i32
        %dma_wait3A_1465 = arith.constant 0 : i32
        %dma_wait3A_1466 = tpu.memref_slice %arg5[%sub3A_1398, %dma_wait3A_1453, %add3A, %dma_wait3A_1464, %dma_wait3A_1465] : memref<200x8x32x8x128xf32, #tpu.memory_space<hbm>> -> memref<1x1x1x8x128xf32, #tpu.memory_space<hbm>>
        %dma_wait3A_1467 = tpu.memref_squeeze %dma_wait3A_1466 : memref<1x1x1x8x128xf32, #tpu.memory_space<hbm>> -> memref<8x128xf32, #tpu.memory_space<hbm>>
        %dma_wait3A_1468 = arith.constant 24 : i32
        %dma_wait3A_1469 = arith.constant 0 : i32
        %dma_wait3A_1470 = tpu.memref_slice %arg13[%dma_wait3A_1468, %dma_wait3A_1469] : memref<64x129xf32, #tpu.memory_space<vmem>> -> memref<8x128xf32, #tpu.memory_space<vmem>>
        tpu.wait_dma2 semaphore(%dma_wait3A_1463 : memref<!tpu.dma_semaphore, #tpu.memory_space<semaphore_mem>>) src(%dma_wait3A_1470 : memref<8x128xf32, #tpu.memory_space<vmem>>) dst(%dma_wait3A_1467 : memref<8x128xf32, #tpu.memory_space<hbm>>)
        %dma_wait3A_1471 = arith.constant 4 : i32
        %dma_wait3A_1472 = arith.constant 1 : i32
        %dma_wait3A_1473 = arith.constant 32 : i32
        %dma_wait3A_1474 = arith.constant 0 : i32
        %dma_wait3A_1475 = tpu.memref_slice %arg13[%dma_wait3A_1473, %dma_wait3A_1474] : memref<64x129xf32, #tpu.memory_space<vmem>> -> memref<8x128xf32, #tpu.memory_space<vmem>>
        %dma_wait3A_1476 = arith.constant 0 : i32
        %dma_wait3A_1477 = arith.constant 0 : i32
        %dma_wait3A_1478 = tpu.memref_slice %arg5[%sub3A_1398, %dma_wait3A_1471, %add3A, %dma_wait3A_1476, %dma_wait3A_1477] : memref<200x8x32x8x128xf32, #tpu.memory_space<hbm>> -> memref<1x1x1x8x128xf32, #tpu.memory_space<hbm>>
        %dma_wait3A_1479 = tpu.memref_squeeze %dma_wait3A_1478 : memref<1x1x1x8x128xf32, #tpu.memory_space<hbm>> -> memref<8x128xf32, #tpu.memory_space<hbm>>
        %dma_wait3A_1480 = tpu.memref_slice %arg17[%dma_wait3A_1472] : memref<4x!tpu.dma_semaphore, #tpu.memory_space<semaphore_mem>> -> memref<1x!tpu.dma_semaphore, #tpu.memory_space<semaphore_mem>>
        %dma_wait3A_1481 = tpu.memref_squeeze %dma_wait3A_1480 : memref<1x!tpu.dma_semaphore, #tpu.memory_space<semaphore_mem>> -> memref<!tpu.dma_semaphore, #tpu.memory_space<semaphore_mem>>
        %dma_wait3A_1482 = arith.constant 0 : i32
        %dma_wait3A_1483 = arith.constant 0 : i32
        %dma_wait3A_1484 = tpu.memref_slice %arg5[%sub3A_1398, %dma_wait3A_1471, %add3A, %dma_wait3A_1482, %dma_wait3A_1483] : memref<200x8x32x8x128xf32, #tpu.memory_space<hbm>> -> memref<1x1x1x8x128xf32, #tpu.memory_space<hbm>>
        %dma_wait3A_1485 = tpu.memref_squeeze %dma_wait3A_1484 : memref<1x1x1x8x128xf32, #tpu.memory_space<hbm>> -> memref<8x128xf32, #tpu.memory_space<hbm>>
        %dma_wait3A_1486 = arith.constant 32 : i32
        %dma_wait3A_1487 = arith.constant 0 : i32
        %dma_wait3A_1488 = tpu.memref_slice %arg13[%dma_wait3A_1486, %dma_wait3A_1487] : memref<64x129xf32, #tpu.memory_space<vmem>> -> memref<8x128xf32, #tpu.memory_space<vmem>>
        tpu.wait_dma2 semaphore(%dma_wait3A_1481 : memref<!tpu.dma_semaphore, #tpu.memory_space<semaphore_mem>>) src(%dma_wait3A_1488 : memref<8x128xf32, #tpu.memory_space<vmem>>) dst(%dma_wait3A_1485 : memref<8x128xf32, #tpu.memory_space<hbm>>)
        %dma_wait3A_1489 = arith.constant 5 : i32
        %dma_wait3A_1490 = arith.constant 1 : i32
        %dma_wait3A_1491 = arith.constant 40 : i32
        %dma_wait3A_1492 = arith.constant 0 : i32
        %dma_wait3A_1493 = tpu.memref_slice %arg13[%dma_wait3A_1491, %dma_wait3A_1492] : memref<64x129xf32, #tpu.memory_space<vmem>> -> memref<8x128xf32, #tpu.memory_space<vmem>>
        %dma_wait3A_1494 = arith.constant 0 : i32
        %dma_wait3A_1495 = arith.constant 0 : i32
        %dma_wait3A_1496 = tpu.memref_slice %arg5[%sub3A_1398, %dma_wait3A_1489, %add3A, %dma_wait3A_1494, %dma_wait3A_1495] : memref<200x8x32x8x128xf32, #tpu.memory_space<hbm>> -> memref<1x1x1x8x128xf32, #tpu.memory_space<hbm>>
        %dma_wait3A_1497 = tpu.memref_squeeze %dma_wait3A_1496 : memref<1x1x1x8x128xf32, #tpu.memory_space<hbm>> -> memref<8x128xf32, #tpu.memory_space<hbm>>
        %dma_wait3A_1498 = tpu.memref_slice %arg17[%dma_wait3A_1490] : memref<4x!tpu.dma_semaphore, #tpu.memory_space<semaphore_mem>> -> memref<1x!tpu.dma_semaphore, #tpu.memory_space<semaphore_mem>>
        %dma_wait3A_1499 = tpu.memref_squeeze %dma_wait3A_1498 : memref<1x!tpu.dma_semaphore, #tpu.memory_space<semaphore_mem>> -> memref<!tpu.dma_semaphore, #tpu.memory_space<semaphore_mem>>
        %dma_wait3A_1500 = arith.constant 0 : i32
        %dma_wait3A_1501 = arith.constant 0 : i32
        %dma_wait3A_1502 = tpu.memref_slice %arg5[%sub3A_1398, %dma_wait3A_1489, %add3A, %dma_wait3A_1500, %dma_wait3A_1501] : memref<200x8x32x8x128xf32, #tpu.memory_space<hbm>> -> memref<1x1x1x8x128xf32, #tpu.memory_space<hbm>>
        %dma_wait3A_1503 = tpu.memref_squeeze %dma_wait3A_1502 : memref<1x1x1x8x128xf32, #tpu.memory_space<hbm>> -> memref<8x128xf32, #tpu.memory_space<hbm>>
        %dma_wait3A_1504 = arith.constant 40 : i32
        %dma_wait3A_1505 = arith.constant 0 : i32
        %dma_wait3A_1506 = tpu.memref_slice %arg13[%dma_wait3A_1504, %dma_wait3A_1505] : memref<64x129xf32, #tpu.memory_space<vmem>> -> memref<8x128xf32, #tpu.memory_space<vmem>>
        tpu.wait_dma2 semaphore(%dma_wait3A_1499 : memref<!tpu.dma_semaphore, #tpu.memory_space<semaphore_mem>>) src(%dma_wait3A_1506 : memref<8x128xf32, #tpu.memory_space<vmem>>) dst(%dma_wait3A_1503 : memref<8x128xf32, #tpu.memory_space<hbm>>)
        %dma_wait3A_1507 = arith.constant 6 : i32
        %dma_wait3A_1508 = arith.constant 1 : i32
        %dma_wait3A_1509 = arith.constant 48 : i32
        %dma_wait3A_1510 = arith.constant 0 : i32
        %dma_wait3A_1511 = tpu.memref_slice %arg13[%dma_wait3A_1509, %dma_wait3A_1510] : memref<64x129xf32, #tpu.memory_space<vmem>> -> memref<8x128xf32, #tpu.memory_space<vmem>>
        %dma_wait3A_1512 = arith.constant 0 : i32
        %dma_wait3A_1513 = arith.constant 0 : i32
        %dma_wait3A_1514 = tpu.memref_slice %arg5[%sub3A_1398, %dma_wait3A_1507, %add3A, %dma_wait3A_1512, %dma_wait3A_1513] : memref<200x8x32x8x128xf32, #tpu.memory_space<hbm>> -> memref<1x1x1x8x128xf32, #tpu.memory_space<hbm>>
        %dma_wait3A_1515 = tpu.memref_squeeze %dma_wait3A_1514 : memref<1x1x1x8x128xf32, #tpu.memory_space<hbm>> -> memref<8x128xf32, #tpu.memory_space<hbm>>
        %dma_wait3A_1516 = tpu.memref_slice %arg17[%dma_wait3A_1508] : memref<4x!tpu.dma_semaphore, #tpu.memory_space<semaphore_mem>> -> memref<1x!tpu.dma_semaphore, #tpu.memory_space<semaphore_mem>>
        %dma_wait3A_1517 = tpu.memref_squeeze %dma_wait3A_1516 : memref<1x!tpu.dma_semaphore, #tpu.memory_space<semaphore_mem>> -> memref<!tpu.dma_semaphore, #tpu.memory_space<semaphore_mem>>
        %dma_wait3A_1518 = arith.constant 0 : i32
        %dma_wait3A_1519 = arith.constant 0 : i32
        %dma_wait3A_1520 = tpu.memref_slice %arg5[%sub3A_1398, %dma_wait3A_1507, %add3A, %dma_wait3A_1518, %dma_wait3A_1519] : memref<200x8x32x8x128xf32, #tpu.memory_space<hbm>> -> memref<1x1x1x8x128xf32, #tpu.memory_space<hbm>>
        %dma_wait3A_1521 = tpu.memref_squeeze %dma_wait3A_1520 : memref<1x1x1x8x128xf32, #tpu.memory_space<hbm>> -> memref<8x128xf32, #tpu.memory_space<hbm>>
        %dma_wait3A_1522 = arith.constant 48 : i32
        %dma_wait3A_1523 = arith.constant 0 : i32
        %dma_wait3A_1524 = tpu.memref_slice %arg13[%dma_wait3A_1522, %dma_wait3A_1523] : memref<64x129xf32, #tpu.memory_space<vmem>> -> memref<8x128xf32, #tpu.memory_space<vmem>>
        tpu.wait_dma2 semaphore(%dma_wait3A_1517 : memref<!tpu.dma_semaphore, #tpu.memory_space<semaphore_mem>>) src(%dma_wait3A_1524 : memref<8x128xf32, #tpu.memory_space<vmem>>) dst(%dma_wait3A_1521 : memref<8x128xf32, #tpu.memory_space<hbm>>)
        %dma_wait3A_1525 = arith.constant 7 : i32
        %dma_wait3A_1526 = arith.constant 1 : i32
        %dma_wait3A_1527 = arith.constant 56 : i32
        %dma_wait3A_1528 = arith.constant 0 : i32
        %dma_wait3A_1529 = tpu.memref_slice %arg13[%dma_wait3A_1527, %dma_wait3A_1528] : memref<64x129xf32, #tpu.memory_space<vmem>> -> memref<8x128xf32, #tpu.memory_space<vmem>>
        %dma_wait3A_1530 = arith.constant 0 : i32
        %dma_wait3A_1531 = arith.constant 0 : i32
        %dma_wait3A_1532 = tpu.memref_slice %arg5[%sub3A_1398, %dma_wait3A_1525, %add3A, %dma_wait3A_1530, %dma_wait3A_1531] : memref<200x8x32x8x128xf32, #tpu.memory_space<hbm>> -> memref<1x1x1x8x128xf32, #tpu.memory_space<hbm>>
        %dma_wait3A_1533 = tpu.memref_squeeze %dma_wait3A_1532 : memref<1x1x1x8x128xf32, #tpu.memory_space<hbm>> -> memref<8x128xf32, #tpu.memory_space<hbm>>
        %dma_wait3A_1534 = tpu.memref_slice %arg17[%dma_wait3A_1526] : memref<4x!tpu.dma_semaphore, #tpu.memory_space<semaphore_mem>> -> memref<1x!tpu.dma_semaphore, #tpu.memory_space<semaphore_mem>>
        %dma_wait3A_1535 = tpu.memref_squeeze %dma_wait3A_1534 : memref<1x!tpu.dma_semaphore, #tpu.memory_space<semaphore_mem>> -> memref<!tpu.dma_semaphore, #tpu.memory_space<semaphore_mem>>
        %dma_wait3A_1536 = arith.constant 0 : i32
        %dma_wait3A_1537 = arith.constant 0 : i32
        %dma_wait3A_1538 = tpu.memref_slice %arg5[%sub3A_1398, %dma_wait3A_1525, %add3A, %dma_wait3A_1536, %dma_wait3A_1537] : memref<200x8x32x8x128xf32, #tpu.memory_space<hbm>> -> memref<1x1x1x8x128xf32, #tpu.memory_space<hbm>>
        %dma_wait3A_1539 = tpu.memref_squeeze %dma_wait3A_1538 : memref<1x1x1x8x128xf32, #tpu.memory_space<hbm>> -> memref<8x128xf32, #tpu.memory_space<hbm>>
        %dma_wait3A_1540 = arith.constant 56 : i32
        %dma_wait3A_1541 = arith.constant 0 : i32
        %dma_wait3A_1542 = tpu.memref_slice %arg13[%dma_wait3A_1540, %dma_wait3A_1541] : memref<64x129xf32, #tpu.memory_space<vmem>> -> memref<8x128xf32, #tpu.memory_space<vmem>>
        tpu.wait_dma2 semaphore(%dma_wait3A_1535 : memref<!tpu.dma_semaphore, #tpu.memory_space<semaphore_mem>>) src(%dma_wait3A_1542 : memref<8x128xf32, #tpu.memory_space<vmem>>) dst(%dma_wait3A_1539 : memref<8x128xf32, #tpu.memory_space<hbm>>)
      } else {
      }
      %get3A_851 = arith.index_cast %add3A_834 : i32 to index
      %get3A_852 = arith.constant 0 : index
      %get3A_853 = tpu.vector_load %arg7[%get3A_851, %get3A_852] {strides = array<i32>} : memref<200x64xf32, #tpu.memory_space<vmem>>, vector<16xf32>,
      %get3A_854 = arith.index_cast %add3A_834 : i32 to index
      %get3A_855 = arith.constant 16 : index
      %get3A_856 = tpu.vector_load %arg7[%get3A_854, %get3A_855] {strides = array<i32>} : memref<200x64xf32, #tpu.memory_space<vmem>>, vector<16xf32>,
      %get3A_857 = arith.index_cast %add3A_834 : i32 to index
      %get3A_858 = arith.constant 32 : index
      %get3A_859 = tpu.vector_load %arg7[%get3A_857, %get3A_858] {strides = array<i32>} : memref<200x64xf32, #tpu.memory_space<vmem>>, vector<16xf32>,
      %get3A_860 = arith.index_cast %add3A_834 : i32 to index
      %get3A_861 = arith.constant 48 : index
      %get3A_862 = tpu.vector_load %arg7[%get3A_860, %get3A_861] {strides = array<i32>} : memref<200x64xf32, #tpu.memory_space<vmem>>, vector<16xf32>,
      %scan3A_863 = arith.constant 0 : i32
      %scan3A_864 = arith.constant 0 : i32
      %scan3A_865 = arith.constant 128 : i32
      %scan3A_866 = arith.addi %scan3A_864, %scan3A_865 : i32
      %scan3A_867 = arith.constant 8 : i32
      scf.for %scan3A_1398 = %scan3A_864 to %scan3A_866 step %scan3A_867  : i32 {
        %broadcast_in_dim3A = vector.broadcast %scan3A_1398 : i32 to vector<16xi32>
        %get3A_1399 = arith.index_cast %scan3A_1398 : i32 to index
        %get3A_1400 = arith.constant 0 : index
        %get3A_1401 = tpu.vector_load %arg9[%get3A_1399, %get3A_1400] {strides = array<i32>} : memref<128x64xf32, #tpu.memory_space<vmem>>, vector<16xf32>,
        %mul3A_1402 = arith.constant 8.000000e+00 : f32
        %mul3A_1403 = vector.broadcast %mul3A_1402 : f32 to vector<16xf32>
        %mul3A_1404 = arith.mulf %get3A_1401, %mul3A_1403 : vector<16xf32>
        %add3A_1405 = arith.addf %mul3A_1404, %get3A_853 : vector<16xf32>
        tpu.vector_store_idx %arg13[%add3A_3, %broadcast_in_dim3A], %add3A_1405 : memref<64x129xf32, #tpu.memory_space<vmem>>[vector<16xi32>, vector<16xi32>], vector<16xf32>,
        %get3A_1406 = arith.index_cast %scan3A_1398 : i32 to index
        %get3A_1407 = arith.constant 16 : index
        %get3A_1408 = tpu.vector_load %arg9[%get3A_1406, %get3A_1407] {strides = array<i32>} : memref<128x64xf32, #tpu.memory_space<vmem>>, vector<16xf32>,
        %mul3A_1409 = arith.constant 8.000000e+00 : f32
        %mul3A_1410 = vector.broadcast %mul3A_1409 : f32 to vector<16xf32>
        %mul3A_1411 = arith.mulf %get3A_1408, %mul3A_1410 : vector<16xf32>
        %add3A_1412 = arith.addf %mul3A_1411, %get3A_856 : vector<16xf32>
        tpu.vector_store_idx %arg13[%add3A_6, %broadcast_in_dim3A], %add3A_1412 : memref<64x129xf32, #tpu.memory_space<vmem>>[vector<16xi32>, vector<16xi32>], vector<16xf32>,
        %get3A_1413 = arith.index_cast %scan3A_1398 : i32 to index
        %get3A_1414 = arith.constant 32 : index
        %get3A_1415 = tpu.vector_load %arg9[%get3A_1413, %get3A_1414] {strides = array<i32>} : memref<128x64xf32, #tpu.memory_space<vmem>>, vector<16xf32>,
        %mul3A_1416 = arith.constant 8.000000e+00 : f32
        %mul3A_1417 = vector.broadcast %mul3A_1416 : f32 to vector<16xf32>
        %mul3A_1418 = arith.mulf %get3A_1415, %mul3A_1417 : vector<16xf32>
        %add3A_1419 = arith.addf %mul3A_1418, %get3A_859 : vector<16xf32>
        tpu.vector_store_idx %arg13[%add3A_9, %broadcast_in_dim3A], %add3A_1419 : memref<64x129xf32, #tpu.memory_space<vmem>>[vector<16xi32>, vector<16xi32>], vector<16xf32>,
        %get3A_1420 = arith.index_cast %scan3A_1398 : i32 to index
        %get3A_1421 = arith.constant 48 : index
        %get3A_1422 = tpu.vector_load %arg9[%get3A_1420, %get3A_1421] {strides = array<i32>} : memref<128x64xf32, #tpu.memory_space<vmem>>, vector<16xf32>,
        %mul3A_1423 = arith.constant 8.000000e+00 : f32
        %mul3A_1424 = vector.broadcast %mul3A_1423 : f32 to vector<16xf32>
        %mul3A_1425 = arith.mulf %get3A_1422, %mul3A_1424 : vector<16xf32>
        %add3A_1426 = arith.addf %mul3A_1425, %get3A_862 : vector<16xf32>
        tpu.vector_store_idx %arg13[%add3A_12, %broadcast_in_dim3A], %add3A_1426 : memref<64x129xf32, #tpu.memory_space<vmem>>[vector<16xi32>, vector<16xi32>], vector<16xf32>,
        %scan3A_1427 = arith.constant 1 : i32
        %scan3A_1428 = arith.addi %scan3A_1398, %scan3A_1427 : i32
        %broadcast_in_dim3A_1429 = vector.broadcast %scan3A_1428 : i32 to vector<16xi32>
        %get3A_1430 = arith.index_cast %scan3A_1428 : i32 to index
        %get3A_1431 = arith.constant 0 : index
        %get3A_1432 = tpu.vector_load %arg9[%get3A_1430, %get3A_1431] {strides = array<i32>} : memref<128x64xf32, #tpu.memory_space<vmem>>, vector<16xf32>,
        %mul3A_1433 = arith.constant 8.000000e+00 : f32
        %mul3A_1434 = vector.broadcast %mul3A_1433 : f32 to vector<16xf32>
        %mul3A_1435 = arith.mulf %get3A_1432, %mul3A_1434 : vector<16xf32>
        %add3A_1436 = arith.addf %mul3A_1435, %get3A_853 : vector<16xf32>
        tpu.vector_store_idx %arg13[%add3A_3, %broadcast_in_dim3A_1429], %add3A_1436 : memref<64x129xf32, #tpu.memory_space<vmem>>[vector<16xi32>, vector<16xi32>], vector<16xf32>,
        %get3A_1437 = arith.index_cast %scan3A_1428 : i32 to index
        %get3A_1438 = arith.constant 16 : index
        %get3A_1439 = tpu.vector_load %arg9[%get3A_1437, %get3A_1438] {strides = array<i32>} : memref<128x64xf32, #tpu.memory_space<vmem>>, vector<16xf32>,
        %mul3A_1440 = arith.constant 8.000000e+00 : f32
        %mul3A_1441 = vector.broadcast %mul3A_1440 : f32 to vector<16xf32>
        %mul3A_1442 = arith.mulf %get3A_1439, %mul3A_1441 : vector<16xf32>
        %add3A_1443 = arith.addf %mul3A_1442, %get3A_856 : vector<16xf32>
        tpu.vector_store_idx %arg13[%add3A_6, %broadcast_in_dim3A_1429], %add3A_1443 : memref<64x129xf32, #tpu.memory_space<vmem>>[vector<16xi32>, vector<16xi32>], vector<16xf32>,
        %get3A_1444 = arith.index_cast %scan3A_1428 : i32 to index
        %get3A_1445 = arith.constant 32 : index
        %get3A_1446 = tpu.vector_load %arg9[%get3A_1444, %get3A_1445] {strides = array<i32>} : memref<128x64xf32, #tpu.memory_space<vmem>>, vector<16xf32>,
        %mul3A_1447 = arith.constant 8.000000e+00 : f32
        %mul3A_1448 = vector.broadcast %mul3A_1447 : f32 to vector<16xf32>
        %mul3A_1449 = arith.mulf %get3A_1446, %mul3A_1448 : vector<16xf32>
        %add3A_1450 = arith.addf %mul3A_1449, %get3A_859 : vector<16xf32>
        tpu.vector_store_idx %arg13[%add3A_9, %broadcast_in_dim3A_1429], %add3A_1450 : memref<64x129xf32, #tpu.memory_space<vmem>>[vector<16xi32>, vector<16xi32>], vector<16xf32>,
        %get3A_1451 = arith.index_cast %scan3A_1428 : i32 to index
        %get3A_1452 = arith.constant 48 : index
        %get3A_1453 = tpu.vector_load %arg9[%get3A_1451, %get3A_1452] {strides = array<i32>} : memref<128x64xf32, #tpu.memory_space<vmem>>, vector<16xf32>,
        %mul3A_1454 = arith.constant 8.000000e+00 : f32
        %mul3A_1455 = vector.broadcast %mul3A_1454 : f32 to vector<16xf32>
        %mul3A_1456 = arith.mulf %get3A_1453, %mul3A_1455 : vector<16xf32>
        %add3A_1457 = arith.addf %mul3A_1456, %get3A_862 : vector<16xf32>
        tpu.vector_store_idx %arg13[%add3A_12, %broadcast_in_dim3A_1429], %add3A_1457 : memref<64x129xf32, #tpu.memory_space<vmem>>[vector<16xi32>, vector<16xi32>], vector<16xf32>,
        %scan3A_1458 = arith.constant 2 : i32
        %scan3A_1459 = arith.addi %scan3A_1398, %scan3A_1458 : i32
        %broadcast_in_dim3A_1460 = vector.broadcast %scan3A_1459 : i32 to vector<16xi32>
        %get3A_1461 = arith.index_cast %scan3A_1459 : i32 to index
        %get3A_1462 = arith.constant 0 : index
        %get3A_1463 = tpu.vector_load %arg9[%get3A_1461, %get3A_1462] {strides = array<i32>} : memref<128x64xf32, #tpu.memory_space<vmem>>, vector<16xf32>,
        %mul3A_1464 = arith.constant 8.000000e+00 : f32
        %mul3A_1465 = vector.broadcast %mul3A_1464 : f32 to vector<16xf32>
        %mul3A_1466 = arith.mulf %get3A_1463, %mul3A_1465 : vector<16xf32>
        %add3A_1467 = arith.addf %mul3A_1466, %get3A_853 : vector<16xf32>
        tpu.vector_store_idx %arg13[%add3A_3, %broadcast_in_dim3A_1460], %add3A_1467 : memref<64x129xf32, #tpu.memory_space<vmem>>[vector<16xi32>, vector<16xi32>], vector<16xf32>,
        %get3A_1468 = arith.index_cast %scan3A_1459 : i32 to index
        %get3A_1469 = arith.constant 16 : index
        %get3A_1470 = tpu.vector_load %arg9[%get3A_1468, %get3A_1469] {strides = array<i32>} : memref<128x64xf32, #tpu.memory_space<vmem>>, vector<16xf32>,
        %mul3A_1471 = arith.constant 8.000000e+00 : f32
        %mul3A_1472 = vector.broadcast %mul3A_1471 : f32 to vector<16xf32>
        %mul3A_1473 = arith.mulf %get3A_1470, %mul3A_1472 : vector<16xf32>
        %add3A_1474 = arith.addf %mul3A_1473, %get3A_856 : vector<16xf32>
        tpu.vector_store_idx %arg13[%add3A_6, %broadcast_in_dim3A_1460], %add3A_1474 : memref<64x129xf32, #tpu.memory_space<vmem>>[vector<16xi32>, vector<16xi32>], vector<16xf32>,
        %get3A_1475 = arith.index_cast %scan3A_1459 : i32 to index
        %get3A_1476 = arith.constant 32 : index
        %get3A_1477 = tpu.vector_load %arg9[%get3A_1475, %get3A_1476] {strides = array<i32>} : memref<128x64xf32, #tpu.memory_space<vmem>>, vector<16xf32>,
        %mul3A_1478 = arith.constant 8.000000e+00 : f32
        %mul3A_1479 = vector.broadcast %mul3A_1478 : f32 to vector<16xf32>
        %mul3A_1480 = arith.mulf %get3A_1477, %mul3A_1479 : vector<16xf32>
        %add3A_1481 = arith.addf %mul3A_1480, %get3A_859 : vector<16xf32>
        tpu.vector_store_idx %arg13[%add3A_9, %broadcast_in_dim3A_1460], %add3A_1481 : memref<64x129xf32, #tpu.memory_space<vmem>>[vector<16xi32>, vector<16xi32>], vector<16xf32>,
        %get3A_1482 = arith.index_cast %scan3A_1459 : i32 to index
        %get3A_1483 = arith.constant 48 : index
        %get3A_1484 = tpu.vector_load %arg9[%get3A_1482, %get3A_1483] {strides = array<i32>} : memref<128x64xf32, #tpu.memory_space<vmem>>, vector<16xf32>,
        %mul3A_1485 = arith.constant 8.000000e+00 : f32
        %mul3A_1486 = vector.broadcast %mul3A_1485 : f32 to vector<16xf32>
        %mul3A_1487 = arith.mulf %get3A_1484, %mul3A_1486 : vector<16xf32>
        %add3A_1488 = arith.addf %mul3A_1487, %get3A_862 : vector<16xf32>
        tpu.vector_store_idx %arg13[%add3A_12, %broadcast_in_dim3A_1460], %add3A_1488 : memref<64x129xf32, #tpu.memory_space<vmem>>[vector<16xi32>, vector<16xi32>], vector<16xf32>,
        %scan3A_1489 = arith.constant 3 : i32
        %scan3A_1490 = arith.addi %scan3A_1398, %scan3A_1489 : i32
        %broadcast_in_dim3A_1491 = vector.broadcast %scan3A_1490 : i32 to vector<16xi32>
        %get3A_1492 = arith.index_cast %scan3A_1490 : i32 to index
        %get3A_1493 = arith.constant 0 : index
        %get3A_1494 = tpu.vector_load %arg9[%get3A_1492, %get3A_1493] {strides = array<i32>} : memref<128x64xf32, #tpu.memory_space<vmem>>, vector<16xf32>,
        %mul3A_1495 = arith.constant 8.000000e+00 : f32
        %mul3A_1496 = vector.broadcast %mul3A_1495 : f32 to vector<16xf32>
        %mul3A_1497 = arith.mulf %get3A_1494, %mul3A_1496 : vector<16xf32>
        %add3A_1498 = arith.addf %mul3A_1497, %get3A_853 : vector<16xf32>
        tpu.vector_store_idx %arg13[%add3A_3, %broadcast_in_dim3A_1491], %add3A_1498 : memref<64x129xf32, #tpu.memory_space<vmem>>[vector<16xi32>, vector<16xi32>], vector<16xf32>,
        %get3A_1499 = arith.index_cast %scan3A_1490 : i32 to index
        %get3A_1500 = arith.constant 16 : index
        %get3A_1501 = tpu.vector_load %arg9[%get3A_1499, %get3A_1500] {strides = array<i32>} : memref<128x64xf32, #tpu.memory_space<vmem>>, vector<16xf32>,
        %mul3A_1502 = arith.constant 8.000000e+00 : f32
        %mul3A_1503 = vector.broadcast %mul3A_1502 : f32 to vector<16xf32>
        %mul3A_1504 = arith.mulf %get3A_1501, %mul3A_1503 : vector<16xf32>
        %add3A_1505 = arith.addf %mul3A_1504, %get3A_856 : vector<16xf32>
        tpu.vector_store_idx %arg13[%add3A_6, %broadcast_in_dim3A_1491], %add3A_1505 : memref<64x129xf32, #tpu.memory_space<vmem>>[vector<16xi32>, vector<16xi32>], vector<16xf32>,
        %get3A_1506 = arith.index_cast %scan3A_1490 : i32 to index
        %get3A_1507 = arith.constant 32 : index
        %get3A_1508 = tpu.vector_load %arg9[%get3A_1506, %get3A_1507] {strides = array<i32>} : memref<128x64xf32, #tpu.memory_space<vmem>>, vector<16xf32>,
        %mul3A_1509 = arith.constant 8.000000e+00 : f32
        %mul3A_1510 = vector.broadcast %mul3A_1509 : f32 to vector<16xf32>
        %mul3A_1511 = arith.mulf %get3A_1508, %mul3A_1510 : vector<16xf32>
        %add3A_1512 = arith.addf %mul3A_1511, %get3A_859 : vector<16xf32>
        tpu.vector_store_idx %arg13[%add3A_9, %broadcast_in_dim3A_1491], %add3A_1512 : memref<64x129xf32, #tpu.memory_space<vmem>>[vector<16xi32>, vector<16xi32>], vector<16xf32>,
        %get3A_1513 = arith.index_cast %scan3A_1490 : i32 to index
        %get3A_1514 = arith.constant 48 : index
        %get3A_1515 = tpu.vector_load %arg9[%get3A_1513, %get3A_1514] {strides = array<i32>} : memref<128x64xf32, #tpu.memory_space<vmem>>, vector<16xf32>,
        %mul3A_1516 = arith.constant 8.000000e+00 : f32
        %mul3A_1517 = vector.broadcast %mul3A_1516 : f32 to vector<16xf32>
        %mul3A_1518 = arith.mulf %get3A_1515, %mul3A_1517 : vector<16xf32>
        %add3A_1519 = arith.addf %mul3A_1518, %get3A_862 : vector<16xf32>
        tpu.vector_store_idx %arg13[%add3A_12, %broadcast_in_dim3A_1491], %add3A_1519 : memref<64x129xf32, #tpu.memory_space<vmem>>[vector<16xi32>, vector<16xi32>], vector<16xf32>,
        %scan3A_1520 = arith.constant 4 : i32
        %scan3A_1521 = arith.addi %scan3A_1398, %scan3A_1520 : i32
        %broadcast_in_dim3A_1522 = vector.broadcast %scan3A_1521 : i32 to vector<16xi32>
        %get3A_1523 = arith.index_cast %scan3A_1521 : i32 to index
        %get3A_1524 = arith.constant 0 : index
        %get3A_1525 = tpu.vector_load %arg9[%get3A_1523, %get3A_1524] {strides = array<i32>} : memref<128x64xf32, #tpu.memory_space<vmem>>, vector<16xf32>,
        %mul3A_1526 = arith.constant 8.000000e+00 : f32
        %mul3A_1527 = vector.broadcast %mul3A_1526 : f32 to vector<16xf32>
        %mul3A_1528 = arith.mulf %get3A_1525, %mul3A_1527 : vector<16xf32>
        %add3A_1529 = arith.addf %mul3A_1528, %get3A_853 : vector<16xf32>
        tpu.vector_store_idx %arg13[%add3A_3, %broadcast_in_dim3A_1522], %add3A_1529 : memref<64x129xf32, #tpu.memory_space<vmem>>[vector<16xi32>, vector<16xi32>], vector<16xf32>,
        %get3A_1530 = arith.index_cast %scan3A_1521 : i32 to index
        %get3A_1531 = arith.constant 16 : index
        %get3A_1532 = tpu.vector_load %arg9[%get3A_1530, %get3A_1531] {strides = array<i32>} : memref<128x64xf32, #tpu.memory_space<vmem>>, vector<16xf32>,
        %mul3A_1533 = arith.constant 8.000000e+00 : f32
        %mul3A_1534 = vector.broadcast %mul3A_1533 : f32 to vector<16xf32>
        %mul3A_1535 = arith.mulf %get3A_1532, %mul3A_1534 : vector<16xf32>
        %add3A_1536 = arith.addf %mul3A_1535, %get3A_856 : vector<16xf32>
        tpu.vector_store_idx %arg13[%add3A_6, %broadcast_in_dim3A_1522], %add3A_1536 : memref<64x129xf32, #tpu.memory_space<vmem>>[vector<16xi32>, vector<16xi32>], vector<16xf32>,
        %get3A_1537 = arith.index_cast %scan3A_1521 : i32 to index
        %get3A_1538 = arith.constant 32 : index
        %get3A_1539 = tpu.vector_load %arg9[%get3A_1537, %get3A_1538] {strides = array<i32>} : memref<128x64xf32, #tpu.memory_space<vmem>>, vector<16xf32>,
        %mul3A_1540 = arith.constant 8.000000e+00 : f32
        %mul3A_1541 = vector.broadcast %mul3A_1540 : f32 to vector<16xf32>
        %mul3A_1542 = arith.mulf %get3A_1539, %mul3A_1541 : vector<16xf32>
        %add3A_1543 = arith.addf %mul3A_1542, %get3A_859 : vector<16xf32>
        tpu.vector_store_idx %arg13[%add3A_9, %broadcast_in_dim3A_1522], %add3A_1543 : memref<64x129xf32, #tpu.memory_space<vmem>>[vector<16xi32>, vector<16xi32>], vector<16xf32>,
        %get3A_1544 = arith.index_cast %scan3A_1521 : i32 to index
        %get3A_1545 = arith.constant 48 : index
        %get3A_1546 = tpu.vector_load %arg9[%get3A_1544, %get3A_1545] {strides = array<i32>} : memref<128x64xf32, #tpu.memory_space<vmem>>, vector<16xf32>,
        %mul3A_1547 = arith.constant 8.000000e+00 : f32
        %mul3A_1548 = vector.broadcast %mul3A_1547 : f32 to vector<16xf32>
        %mul3A_1549 = arith.mulf %get3A_1546, %mul3A_1548 : vector<16xf32>
        %add3A_1550 = arith.addf %mul3A_1549, %get3A_862 : vector<16xf32>
        tpu.vector_store_idx %arg13[%add3A_12, %broadcast_in_dim3A_1522], %add3A_1550 : memref<64x129xf32, #tpu.memory_space<vmem>>[vector<16xi32>, vector<16xi32>], vector<16xf32>,
        %scan3A_1551 = arith.constant 5 : i32
        %scan3A_1552 = arith.addi %scan3A_1398, %scan3A_1551 : i32
        %broadcast_in_dim3A_1553 = vector.broadcast %scan3A_1552 : i32 to vector<16xi32>
        %get3A_1554 = arith.index_cast %scan3A_1552 : i32 to index
        %get3A_1555 = arith.constant 0 : index
        %get3A_1556 = tpu.vector_load %arg9[%get3A_1554, %get3A_1555] {strides = array<i32>} : memref<128x64xf32, #tpu.memory_space<vmem>>, vector<16xf32>,
        %mul3A_1557 = arith.constant 8.000000e+00 : f32
        %mul3A_1558 = vector.broadcast %mul3A_1557 : f32 to vector<16xf32>
        %mul3A_1559 = arith.mulf %get3A_1556, %mul3A_1558 : vector<16xf32>
        %add3A_1560 = arith.addf %mul3A_1559, %get3A_853 : vector<16xf32>
        tpu.vector_store_idx %arg13[%add3A_3, %broadcast_in_dim3A_1553], %add3A_1560 : memref<64x129xf32, #tpu.memory_space<vmem>>[vector<16xi32>, vector<16xi32>], vector<16xf32>,
        %get3A_1561 = arith.index_cast %scan3A_1552 : i32 to index
        %get3A_1562 = arith.constant 16 : index
        %get3A_1563 = tpu.vector_load %arg9[%get3A_1561, %get3A_1562] {strides = array<i32>} : memref<128x64xf32, #tpu.memory_space<vmem>>, vector<16xf32>,
        %mul3A_1564 = arith.constant 8.000000e+00 : f32
        %mul3A_1565 = vector.broadcast %mul3A_1564 : f32 to vector<16xf32>
        %mul3A_1566 = arith.mulf %get3A_1563, %mul3A_1565 : vector<16xf32>
        %add3A_1567 = arith.addf %mul3A_1566, %get3A_856 : vector<16xf32>
        tpu.vector_store_idx %arg13[%add3A_6, %broadcast_in_dim3A_1553], %add3A_1567 : memref<64x129xf32, #tpu.memory_space<vmem>>[vector<16xi32>, vector<16xi32>], vector<16xf32>,
        %get3A_1568 = arith.index_cast %scan3A_1552 : i32 to index
        %get3A_1569 = arith.constant 32 : index
        %get3A_1570 = tpu.vector_load %arg9[%get3A_1568, %get3A_1569] {strides = array<i32>} : memref<128x64xf32, #tpu.memory_space<vmem>>, vector<16xf32>,
        %mul3A_1571 = arith.constant 8.000000e+00 : f32
        %mul3A_1572 = vector.broadcast %mul3A_1571 : f32 to vector<16xf32>
        %mul3A_1573 = arith.mulf %get3A_1570, %mul3A_1572 : vector<16xf32>
        %add3A_1574 = arith.addf %mul3A_1573, %get3A_859 : vector<16xf32>
        tpu.vector_store_idx %arg13[%add3A_9, %broadcast_in_dim3A_1553], %add3A_1574 : memref<64x129xf32, #tpu.memory_space<vmem>>[vector<16xi32>, vector<16xi32>], vector<16xf32>,
        %get3A_1575 = arith.index_cast %scan3A_1552 : i32 to index
        %get3A_1576 = arith.constant 48 : index
        %get3A_1577 = tpu.vector_load %arg9[%get3A_1575, %get3A_1576] {strides = array<i32>} : memref<128x64xf32, #tpu.memory_space<vmem>>, vector<16xf32>,
        %mul3A_1578 = arith.constant 8.000000e+00 : f32
        %mul3A_1579 = vector.broadcast %mul3A_1578 : f32 to vector<16xf32>
        %mul3A_1580 = arith.mulf %get3A_1577, %mul3A_1579 : vector<16xf32>
        %add3A_1581 = arith.addf %mul3A_1580, %get3A_862 : vector<16xf32>
        tpu.vector_store_idx %arg13[%add3A_12, %broadcast_in_dim3A_1553], %add3A_1581 : memref<64x129xf32, #tpu.memory_space<vmem>>[vector<16xi32>, vector<16xi32>], vector<16xf32>,
        %scan3A_1582 = arith.constant 6 : i32
        %scan3A_1583 = arith.addi %scan3A_1398, %scan3A_1582 : i32
        %broadcast_in_dim3A_1584 = vector.broadcast %scan3A_1583 : i32 to vector<16xi32>
        %get3A_1585 = arith.index_cast %scan3A_1583 : i32 to index
        %get3A_1586 = arith.constant 0 : index
        %get3A_1587 = tpu.vector_load %arg9[%get3A_1585, %get3A_1586] {strides = array<i32>} : memref<128x64xf32, #tpu.memory_space<vmem>>, vector<16xf32>,
        %mul3A_1588 = arith.constant 8.000000e+00 : f32
        %mul3A_1589 = vector.broadcast %mul3A_1588 : f32 to vector<16xf32>
        %mul3A_1590 = arith.mulf %get3A_1587, %mul3A_1589 : vector<16xf32>
        %add3A_1591 = arith.addf %mul3A_1590, %get3A_853 : vector<16xf32>
        tpu.vector_store_idx %arg13[%add3A_3, %broadcast_in_dim3A_1584], %add3A_1591 : memref<64x129xf32, #tpu.memory_space<vmem>>[vector<16xi32>, vector<16xi32>], vector<16xf32>,
        %get3A_1592 = arith.index_cast %scan3A_1583 : i32 to index
        %get3A_1593 = arith.constant 16 : index
        %get3A_1594 = tpu.vector_load %arg9[%get3A_1592, %get3A_1593] {strides = array<i32>} : memref<128x64xf32, #tpu.memory_space<vmem>>, vector<16xf32>,
        %mul3A_1595 = arith.constant 8.000000e+00 : f32
        %mul3A_1596 = vector.broadcast %mul3A_1595 : f32 to vector<16xf32>
        %mul3A_1597 = arith.mulf %get3A_1594, %mul3A_1596 : vector<16xf32>
        %add3A_1598 = arith.addf %mul3A_1597, %get3A_856 : vector<16xf32>
        tpu.vector_store_idx %arg13[%add3A_6, %broadcast_in_dim3A_1584], %add3A_1598 : memref<64x129xf32, #tpu.memory_space<vmem>>[vector<16xi32>, vector<16xi32>], vector<16xf32>,
        %get3A_1599 = arith.index_cast %scan3A_1583 : i32 to index
        %get3A_1600 = arith.constant 32 : index
        %get3A_1601 = tpu.vector_load %arg9[%get3A_1599, %get3A_1600] {strides = array<i32>} : memref<128x64xf32, #tpu.memory_space<vmem>>, vector<16xf32>,
        %mul3A_1602 = arith.constant 8.000000e+00 : f32
        %mul3A_1603 = vector.broadcast %mul3A_1602 : f32 to vector<16xf32>
        %mul3A_1604 = arith.mulf %get3A_1601, %mul3A_1603 : vector<16xf32>
        %add3A_1605 = arith.addf %mul3A_1604, %get3A_859 : vector<16xf32>
        tpu.vector_store_idx %arg13[%add3A_9, %broadcast_in_dim3A_1584], %add3A_1605 : memref<64x129xf32, #tpu.memory_space<vmem>>[vector<16xi32>, vector<16xi32>], vector<16xf32>,
        %get3A_1606 = arith.index_cast %scan3A_1583 : i32 to index
        %get3A_1607 = arith.constant 48 : index
        %get3A_1608 = tpu.vector_load %arg9[%get3A_1606, %get3A_1607] {strides = array<i32>} : memref<128x64xf32, #tpu.memory_space<vmem>>, vector<16xf32>,
        %mul3A_1609 = arith.constant 8.000000e+00 : f32
        %mul3A_1610 = vector.broadcast %mul3A_1609 : f32 to vector<16xf32>
        %mul3A_1611 = arith.mulf %get3A_1608, %mul3A_1610 : vector<16xf32>
        %add3A_1612 = arith.addf %mul3A_1611, %get3A_862 : vector<16xf32>
        tpu.vector_store_idx %arg13[%add3A_12, %broadcast_in_dim3A_1584], %add3A_1612 : memref<64x129xf32, #tpu.memory_space<vmem>>[vector<16xi32>, vector<16xi32>], vector<16xf32>,
        %scan3A_1613 = arith.constant 7 : i32
        %scan3A_1614 = arith.addi %scan3A_1398, %scan3A_1613 : i32
        %broadcast_in_dim3A_1615 = vector.broadcast %scan3A_1614 : i32 to vector<16xi32>
        %get3A_1616 = arith.index_cast %scan3A_1614 : i32 to index
        %get3A_1617 = arith.constant 0 : index
        %get3A_1618 = tpu.vector_load %arg9[%get3A_1616, %get3A_1617] {strides = array<i32>} : memref<128x64xf32, #tpu.memory_space<vmem>>, vector<16xf32>,
        %mul3A_1619 = arith.constant 8.000000e+00 : f32
        %mul3A_1620 = vector.broadcast %mul3A_1619 : f32 to vector<16xf32>
        %mul3A_1621 = arith.mulf %get3A_1618, %mul3A_1620 : vector<16xf32>
        %add3A_1622 = arith.addf %mul3A_1621, %get3A_853 : vector<16xf32>
        tpu.vector_store_idx %arg13[%add3A_3, %broadcast_in_dim3A_1615], %add3A_1622 : memref<64x129xf32, #tpu.memory_space<vmem>>[vector<16xi32>, vector<16xi32>], vector<16xf32>,
        %get3A_1623 = arith.index_cast %scan3A_1614 : i32 to index
        %get3A_1624 = arith.constant 16 : index
        %get3A_1625 = tpu.vector_load %arg9[%get3A_1623, %get3A_1624] {strides = array<i32>} : memref<128x64xf32, #tpu.memory_space<vmem>>, vector<16xf32>,
        %mul3A_1626 = arith.constant 8.000000e+00 : f32
        %mul3A_1627 = vector.broadcast %mul3A_1626 : f32 to vector<16xf32>
        %mul3A_1628 = arith.mulf %get3A_1625, %mul3A_1627 : vector<16xf32>
        %add3A_1629 = arith.addf %mul3A_1628, %get3A_856 : vector<16xf32>
        tpu.vector_store_idx %arg13[%add3A_6, %broadcast_in_dim3A_1615], %add3A_1629 : memref<64x129xf32, #tpu.memory_space<vmem>>[vector<16xi32>, vector<16xi32>], vector<16xf32>,
        %get3A_1630 = arith.index_cast %scan3A_1614 : i32 to index
        %get3A_1631 = arith.constant 32 : index
        %get3A_1632 = tpu.vector_load %arg9[%get3A_1630, %get3A_1631] {strides = array<i32>} : memref<128x64xf32, #tpu.memory_space<vmem>>, vector<16xf32>,
        %mul3A_1633 = arith.constant 8.000000e+00 : f32
        %mul3A_1634 = vector.broadcast %mul3A_1633 : f32 to vector<16xf32>
        %mul3A_1635 = arith.mulf %get3A_1632, %mul3A_1634 : vector<16xf32>
        %add3A_1636 = arith.addf %mul3A_1635, %get3A_859 : vector<16xf32>
        tpu.vector_store_idx %arg13[%add3A_9, %broadcast_in_dim3A_1615], %add3A_1636 : memref<64x129xf32, #tpu.memory_space<vmem>>[vector<16xi32>, vector<16xi32>], vector<16xf32>,
        %get3A_1637 = arith.index_cast %scan3A_1614 : i32 to index
        %get3A_1638 = arith.constant 48 : index
        %get3A_1639 = tpu.vector_load %arg9[%get3A_1637, %get3A_1638] {strides = array<i32>} : memref<128x64xf32, #tpu.memory_space<vmem>>, vector<16xf32>,
        %mul3A_1640 = arith.constant 8.000000e+00 : f32
        %mul3A_1641 = vector.broadcast %mul3A_1640 : f32 to vector<16xf32>
        %mul3A_1642 = arith.mulf %get3A_1639, %mul3A_1641 : vector<16xf32>
        %add3A_1643 = arith.addf %mul3A_1642, %get3A_862 : vector<16xf32>
        tpu.vector_store_idx %arg13[%add3A_12, %broadcast_in_dim3A_1615], %add3A_1643 : memref<64x129xf32, #tpu.memory_space<vmem>>[vector<16xi32>, vector<16xi32>], vector<16xf32>,
      }
      %scan3A_868 = arith.constant 128 : i32
      %dma_start3A_869 = arith.constant 0 : i32
      %dma_start3A_870 = arith.constant 1 : i32
      %dma_start3A_871 = arith.constant 0 : i32
      %dma_start3A_872 = arith.constant 0 : i32
      %dma_start3A_873 = tpu.memref_slice %arg13[%dma_start3A_871, %dma_start3A_872] : memref<64x129xf32, #tpu.memory_space<vmem>> -> memref<8x128xf32, #tpu.memory_space<vmem>>
      %dma_start3A_874 = arith.constant 0 : i32
      %dma_start3A_875 = arith.constant 0 : i32
      %dma_start3A_876 = tpu.memref_slice %arg5[%add3A_834, %dma_start3A_869, %add3A, %dma_start3A_874, %dma_start3A_875] : memref<200x8x32x8x128xf32, #tpu.memory_space<hbm>> -> memref<1x1x1x8x128xf32, #tpu.memory_space<hbm>>
      %dma_start3A_877 = tpu.memref_squeeze %dma_start3A_876 : memref<1x1x1x8x128xf32, #tpu.memory_space<hbm>> -> memref<8x128xf32, #tpu.memory_space<hbm>>
      %dma_start3A_878 = tpu.memref_slice %arg17[%dma_start3A_870] : memref<4x!tpu.dma_semaphore, #tpu.memory_space<semaphore_mem>> -> memref<1x!tpu.dma_semaphore, #tpu.memory_space<semaphore_mem>>
      %dma_start3A_879 = tpu.memref_squeeze %dma_start3A_878 : memref<1x!tpu.dma_semaphore, #tpu.memory_space<semaphore_mem>> -> memref<!tpu.dma_semaphore, #tpu.memory_space<semaphore_mem>>
      %dma_start3A_880 = arith.constant 0 : i32
      %dma_start3A_881 = arith.constant 0 : i32
      %dma_start3A_882 = tpu.memref_slice %arg5[%add3A_834, %dma_start3A_869, %add3A, %dma_start3A_880, %dma_start3A_881] : memref<200x8x32x8x128xf32, #tpu.memory_space<hbm>> -> memref<1x1x1x8x128xf32, #tpu.memory_space<hbm>>
      %dma_start3A_883 = tpu.memref_squeeze %dma_start3A_882 : memref<1x1x1x8x128xf32, #tpu.memory_space<hbm>> -> memref<8x128xf32, #tpu.memory_space<hbm>>
      %dma_start3A_884 = arith.constant 0 : i32
      %dma_start3A_885 = arith.constant 0 : i32
      %dma_start3A_886 = tpu.memref_slice %arg13[%dma_start3A_884, %dma_start3A_885] : memref<64x129xf32, #tpu.memory_space<vmem>> -> memref<8x128xf32, #tpu.memory_space<vmem>>
      tpu.enqueue_dma source(%dma_start3A_886 : memref<8x128xf32, #tpu.memory_space<vmem>>) target(%dma_start3A_883 : memref<8x128xf32, #tpu.memory_space<hbm>>) target_semaphore(%dma_start3A_879 : memref<!tpu.dma_semaphore, #tpu.memory_space<semaphore_mem>>)
      %dma_start3A_887 = arith.constant 1 : i32
      %dma_start3A_888 = arith.constant 1 : i32
      %dma_start3A_889 = arith.constant 8 : i32
      %dma_start3A_890 = arith.constant 0 : i32
      %dma_start3A_891 = tpu.memref_slice %arg13[%dma_start3A_889, %dma_start3A_890] : memref<64x129xf32, #tpu.memory_space<vmem>> -> memref<8x128xf32, #tpu.memory_space<vmem>>
      %dma_start3A_892 = arith.constant 0 : i32
      %dma_start3A_893 = arith.constant 0 : i32
      %dma_start3A_894 = tpu.memref_slice %arg5[%add3A_834, %dma_start3A_887, %add3A, %dma_start3A_892, %dma_start3A_893] : memref<200x8x32x8x128xf32, #tpu.memory_space<hbm>> -> memref<1x1x1x8x128xf32, #tpu.memory_space<hbm>>
      %dma_start3A_895 = tpu.memref_squeeze %dma_start3A_894 : memref<1x1x1x8x128xf32, #tpu.memory_space<hbm>> -> memref<8x128xf32, #tpu.memory_space<hbm>>
      %dma_start3A_896 = tpu.memref_slice %arg17[%dma_start3A_888] : memref<4x!tpu.dma_semaphore, #tpu.memory_space<semaphore_mem>> -> memref<1x!tpu.dma_semaphore, #tpu.memory_space<semaphore_mem>>
      %dma_start3A_897 = tpu.memref_squeeze %dma_start3A_896 : memref<1x!tpu.dma_semaphore, #tpu.memory_space<semaphore_mem>> -> memref<!tpu.dma_semaphore, #tpu.memory_space<semaphore_mem>>
      %dma_start3A_898 = arith.constant 0 : i32
      %dma_start3A_899 = arith.constant 0 : i32
      %dma_start3A_900 = tpu.memref_slice %arg5[%add3A_834, %dma_start3A_887, %add3A, %dma_start3A_898, %dma_start3A_899] : memref<200x8x32x8x128xf32, #tpu.memory_space<hbm>> -> memref<1x1x1x8x128xf32, #tpu.memory_space<hbm>>
      %dma_start3A_901 = tpu.memref_squeeze %dma_start3A_900 : memref<1x1x1x8x128xf32, #tpu.memory_space<hbm>> -> memref<8x128xf32, #tpu.memory_space<hbm>>
      %dma_start3A_902 = arith.constant 8 : i32
      %dma_start3A_903 = arith.constant 0 : i32
      %dma_start3A_904 = tpu.memref_slice %arg13[%dma_start3A_902, %dma_start3A_903] : memref<64x129xf32, #tpu.memory_space<vmem>> -> memref<8x128xf32, #tpu.memory_space<vmem>>
      tpu.enqueue_dma source(%dma_start3A_904 : memref<8x128xf32, #tpu.memory_space<vmem>>) target(%dma_start3A_901 : memref<8x128xf32, #tpu.memory_space<hbm>>) target_semaphore(%dma_start3A_897 : memref<!tpu.dma_semaphore, #tpu.memory_space<semaphore_mem>>)
      %dma_start3A_905 = arith.constant 2 : i32
      %dma_start3A_906 = arith.constant 1 : i32
      %dma_start3A_907 = arith.constant 16 : i32
      %dma_start3A_908 = arith.constant 0 : i32
      %dma_start3A_909 = tpu.memref_slice %arg13[%dma_start3A_907, %dma_start3A_908] : memref<64x129xf32, #tpu.memory_space<vmem>> -> memref<8x128xf32, #tpu.memory_space<vmem>>
      %dma_start3A_910 = arith.constant 0 : i32
      %dma_start3A_911 = arith.constant 0 : i32
      %dma_start3A_912 = tpu.memref_slice %arg5[%add3A_834, %dma_start3A_905, %add3A, %dma_start3A_910, %dma_start3A_911] : memref<200x8x32x8x128xf32, #tpu.memory_space<hbm>> -> memref<1x1x1x8x128xf32, #tpu.memory_space<hbm>>
      %dma_start3A_913 = tpu.memref_squeeze %dma_start3A_912 : memref<1x1x1x8x128xf32, #tpu.memory_space<hbm>> -> memref<8x128xf32, #tpu.memory_space<hbm>>
      %dma_start3A_914 = tpu.memref_slice %arg17[%dma_start3A_906] : memref<4x!tpu.dma_semaphore, #tpu.memory_space<semaphore_mem>> -> memref<1x!tpu.dma_semaphore, #tpu.memory_space<semaphore_mem>>
      %dma_start3A_915 = tpu.memref_squeeze %dma_start3A_914 : memref<1x!tpu.dma_semaphore, #tpu.memory_space<semaphore_mem>> -> memref<!tpu.dma_semaphore, #tpu.memory_space<semaphore_mem>>
      %dma_start3A_916 = arith.constant 0 : i32
      %dma_start3A_917 = arith.constant 0 : i32
      %dma_start3A_918 = tpu.memref_slice %arg5[%add3A_834, %dma_start3A_905, %add3A, %dma_start3A_916, %dma_start3A_917] : memref<200x8x32x8x128xf32, #tpu.memory_space<hbm>> -> memref<1x1x1x8x128xf32, #tpu.memory_space<hbm>>
      %dma_start3A_919 = tpu.memref_squeeze %dma_start3A_918 : memref<1x1x1x8x128xf32, #tpu.memory_space<hbm>> -> memref<8x128xf32, #tpu.memory_space<hbm>>
      %dma_start3A_920 = arith.constant 16 : i32
      %dma_start3A_921 = arith.constant 0 : i32
      %dma_start3A_922 = tpu.memref_slice %arg13[%dma_start3A_920, %dma_start3A_921] : memref<64x129xf32, #tpu.memory_space<vmem>> -> memref<8x128xf32, #tpu.memory_space<vmem>>
      tpu.enqueue_dma source(%dma_start3A_922 : memref<8x128xf32, #tpu.memory_space<vmem>>) target(%dma_start3A_919 : memref<8x128xf32, #tpu.memory_space<hbm>>) target_semaphore(%dma_start3A_915 : memref<!tpu.dma_semaphore, #tpu.memory_space<semaphore_mem>>)
      %dma_start3A_923 = arith.constant 3 : i32
      %dma_start3A_924 = arith.constant 1 : i32
      %dma_start3A_925 = arith.constant 24 : i32
      %dma_start3A_926 = arith.constant 0 : i32
      %dma_start3A_927 = tpu.memref_slice %arg13[%dma_start3A_925, %dma_start3A_926] : memref<64x129xf32, #tpu.memory_space<vmem>> -> memref<8x128xf32, #tpu.memory_space<vmem>>
      %dma_start3A_928 = arith.constant 0 : i32
      %dma_start3A_929 = arith.constant 0 : i32
      %dma_start3A_930 = tpu.memref_slice %arg5[%add3A_834, %dma_start3A_923, %add3A, %dma_start3A_928, %dma_start3A_929] : memref<200x8x32x8x128xf32, #tpu.memory_space<hbm>> -> memref<1x1x1x8x128xf32, #tpu.memory_space<hbm>>
      %dma_start3A_931 = tpu.memref_squeeze %dma_start3A_930 : memref<1x1x1x8x128xf32, #tpu.memory_space<hbm>> -> memref<8x128xf32, #tpu.memory_space<hbm>>
      %dma_start3A_932 = tpu.memref_slice %arg17[%dma_start3A_924] : memref<4x!tpu.dma_semaphore, #tpu.memory_space<semaphore_mem>> -> memref<1x!tpu.dma_semaphore, #tpu.memory_space<semaphore_mem>>
      %dma_start3A_933 = tpu.memref_squeeze %dma_start3A_932 : memref<1x!tpu.dma_semaphore, #tpu.memory_space<semaphore_mem>> -> memref<!tpu.dma_semaphore, #tpu.memory_space<semaphore_mem>>
      %dma_start3A_934 = arith.constant 0 : i32
      %dma_start3A_935 = arith.constant 0 : i32
      %dma_start3A_936 = tpu.memref_slice %arg5[%add3A_834, %dma_start3A_923, %add3A, %dma_start3A_934, %dma_start3A_935] : memref<200x8x32x8x128xf32, #tpu.memory_space<hbm>> -> memref<1x1x1x8x128xf32, #tpu.memory_space<hbm>>
      %dma_start3A_937 = tpu.memref_squeeze %dma_start3A_936 : memref<1x1x1x8x128xf32, #tpu.memory_space<hbm>> -> memref<8x128xf32, #tpu.memory_space<hbm>>
      %dma_start3A_938 = arith.constant 24 : i32
      %dma_start3A_939 = arith.constant 0 : i32
      %dma_start3A_940 = tpu.memref_slice %arg13[%dma_start3A_938, %dma_start3A_939] : memref<64x129xf32, #tpu.memory_space<vmem>> -> memref<8x128xf32, #tpu.memory_space<vmem>>
      tpu.enqueue_dma source(%dma_start3A_940 : memref<8x128xf32, #tpu.memory_space<vmem>>) target(%dma_start3A_937 : memref<8x128xf32, #tpu.memory_space<hbm>>) target_semaphore(%dma_start3A_933 : memref<!tpu.dma_semaphore, #tpu.memory_space<semaphore_mem>>)
      %dma_start3A_941 = arith.constant 4 : i32
      %dma_start3A_942 = arith.constant 1 : i32
      %dma_start3A_943 = arith.constant 32 : i32
      %dma_start3A_944 = arith.constant 0 : i32
      %dma_start3A_945 = tpu.memref_slice %arg13[%dma_start3A_943, %dma_start3A_944] : memref<64x129xf32, #tpu.memory_space<vmem>> -> memref<8x128xf32, #tpu.memory_space<vmem>>
      %dma_start3A_946 = arith.constant 0 : i32
      %dma_start3A_947 = arith.constant 0 : i32
      %dma_start3A_948 = tpu.memref_slice %arg5[%add3A_834, %dma_start3A_941, %add3A, %dma_start3A_946, %dma_start3A_947] : memref<200x8x32x8x128xf32, #tpu.memory_space<hbm>> -> memref<1x1x1x8x128xf32, #tpu.memory_space<hbm>>
      %dma_start3A_949 = tpu.memref_squeeze %dma_start3A_948 : memref<1x1x1x8x128xf32, #tpu.memory_space<hbm>> -> memref<8x128xf32, #tpu.memory_space<hbm>>
      %dma_start3A_950 = tpu.memref_slice %arg17[%dma_start3A_942] : memref<4x!tpu.dma_semaphore, #tpu.memory_space<semaphore_mem>> -> memref<1x!tpu.dma_semaphore, #tpu.memory_space<semaphore_mem>>
      %dma_start3A_951 = tpu.memref_squeeze %dma_start3A_950 : memref<1x!tpu.dma_semaphore, #tpu.memory_space<semaphore_mem>> -> memref<!tpu.dma_semaphore, #tpu.memory_space<semaphore_mem>>
      %dma_start3A_952 = arith.constant 0 : i32
      %dma_start3A_953 = arith.constant 0 : i32
      %dma_start3A_954 = tpu.memref_slice %arg5[%add3A_834, %dma_start3A_941, %add3A, %dma_start3A_952, %dma_start3A_953] : memref<200x8x32x8x128xf32, #tpu.memory_space<hbm>> -> memref<1x1x1x8x128xf32, #tpu.memory_space<hbm>>
      %dma_start3A_955 = tpu.memref_squeeze %dma_start3A_954 : memref<1x1x1x8x128xf32, #tpu.memory_space<hbm>> -> memref<8x128xf32, #tpu.memory_space<hbm>>
      %dma_start3A_956 = arith.constant 32 : i32
      %dma_start3A_957 = arith.constant 0 : i32
      %dma_start3A_958 = tpu.memref_slice %arg13[%dma_start3A_956, %dma_start3A_957] : memref<64x129xf32, #tpu.memory_space<vmem>> -> memref<8x128xf32, #tpu.memory_space<vmem>>
      tpu.enqueue_dma source(%dma_start3A_958 : memref<8x128xf32, #tpu.memory_space<vmem>>) target(%dma_start3A_955 : memref<8x128xf32, #tpu.memory_space<hbm>>) target_semaphore(%dma_start3A_951 : memref<!tpu.dma_semaphore, #tpu.memory_space<semaphore_mem>>)
      %dma_start3A_959 = arith.constant 5 : i32
      %dma_start3A_960 = arith.constant 1 : i32
      %dma_start3A_961 = arith.constant 40 : i32
      %dma_start3A_962 = arith.constant 0 : i32
      %dma_start3A_963 = tpu.memref_slice %arg13[%dma_start3A_961, %dma_start3A_962] : memref<64x129xf32, #tpu.memory_space<vmem>> -> memref<8x128xf32, #tpu.memory_space<vmem>>
      %dma_start3A_964 = arith.constant 0 : i32
      %dma_start3A_965 = arith.constant 0 : i32
      %dma_start3A_966 = tpu.memref_slice %arg5[%add3A_834, %dma_start3A_959, %add3A, %dma_start3A_964, %dma_start3A_965] : memref<200x8x32x8x128xf32, #tpu.memory_space<hbm>> -> memref<1x1x1x8x128xf32, #tpu.memory_space<hbm>>
      %dma_start3A_967 = tpu.memref_squeeze %dma_start3A_966 : memref<1x1x1x8x128xf32, #tpu.memory_space<hbm>> -> memref<8x128xf32, #tpu.memory_space<hbm>>
      %dma_start3A_968 = tpu.memref_slice %arg17[%dma_start3A_960] : memref<4x!tpu.dma_semaphore, #tpu.memory_space<semaphore_mem>> -> memref<1x!tpu.dma_semaphore, #tpu.memory_space<semaphore_mem>>
      %dma_start3A_969 = tpu.memref_squeeze %dma_start3A_968 : memref<1x!tpu.dma_semaphore, #tpu.memory_space<semaphore_mem>> -> memref<!tpu.dma_semaphore, #tpu.memory_space<semaphore_mem>>
      %dma_start3A_970 = arith.constant 0 : i32
      %dma_start3A_971 = arith.constant 0 : i32
      %dma_start3A_972 = tpu.memref_slice %arg5[%add3A_834, %dma_start3A_959, %add3A, %dma_start3A_970, %dma_start3A_971] : memref<200x8x32x8x128xf32, #tpu.memory_space<hbm>> -> memref<1x1x1x8x128xf32, #tpu.memory_space<hbm>>
      %dma_start3A_973 = tpu.memref_squeeze %dma_start3A_972 : memref<1x1x1x8x128xf32, #tpu.memory_space<hbm>> -> memref<8x128xf32, #tpu.memory_space<hbm>>
      %dma_start3A_974 = arith.constant 40 : i32
      %dma_start3A_975 = arith.constant 0 : i32
      %dma_start3A_976 = tpu.memref_slice %arg13[%dma_start3A_974, %dma_start3A_975] : memref<64x129xf32, #tpu.memory_space<vmem>> -> memref<8x128xf32, #tpu.memory_space<vmem>>
      tpu.enqueue_dma source(%dma_start3A_976 : memref<8x128xf32, #tpu.memory_space<vmem>>) target(%dma_start3A_973 : memref<8x128xf32, #tpu.memory_space<hbm>>) target_semaphore(%dma_start3A_969 : memref<!tpu.dma_semaphore, #tpu.memory_space<semaphore_mem>>)
      %dma_start3A_977 = arith.constant 6 : i32
      %dma_start3A_978 = arith.constant 1 : i32
      %dma_start3A_979 = arith.constant 48 : i32
      %dma_start3A_980 = arith.constant 0 : i32
      %dma_start3A_981 = tpu.memref_slice %arg13[%dma_start3A_979, %dma_start3A_980] : memref<64x129xf32, #tpu.memory_space<vmem>> -> memref<8x128xf32, #tpu.memory_space<vmem>>
      %dma_start3A_982 = arith.constant 0 : i32
      %dma_start3A_983 = arith.constant 0 : i32
      %dma_start3A_984 = tpu.memref_slice %arg5[%add3A_834, %dma_start3A_977, %add3A, %dma_start3A_982, %dma_start3A_983] : memref<200x8x32x8x128xf32, #tpu.memory_space<hbm>> -> memref<1x1x1x8x128xf32, #tpu.memory_space<hbm>>
      %dma_start3A_985 = tpu.memref_squeeze %dma_start3A_984 : memref<1x1x1x8x128xf32, #tpu.memory_space<hbm>> -> memref<8x128xf32, #tpu.memory_space<hbm>>
      %dma_start3A_986 = tpu.memref_slice %arg17[%dma_start3A_978] : memref<4x!tpu.dma_semaphore, #tpu.memory_space<semaphore_mem>> -> memref<1x!tpu.dma_semaphore, #tpu.memory_space<semaphore_mem>>
      %dma_start3A_987 = tpu.memref_squeeze %dma_start3A_986 : memref<1x!tpu.dma_semaphore, #tpu.memory_space<semaphore_mem>> -> memref<!tpu.dma_semaphore, #tpu.memory_space<semaphore_mem>>
      %dma_start3A_988 = arith.constant 0 : i32
      %dma_start3A_989 = arith.constant 0 : i32
      %dma_start3A_990 = tpu.memref_slice %arg5[%add3A_834, %dma_start3A_977, %add3A, %dma_start3A_988, %dma_start3A_989] : memref<200x8x32x8x128xf32, #tpu.memory_space<hbm>> -> memref<1x1x1x8x128xf32, #tpu.memory_space<hbm>>
      %dma_start3A_991 = tpu.memref_squeeze %dma_start3A_990 : memref<1x1x1x8x128xf32, #tpu.memory_space<hbm>> -> memref<8x128xf32, #tpu.memory_space<hbm>>
      %dma_start3A_992 = arith.constant 48 : i32
      %dma_start3A_993 = arith.constant 0 : i32
      %dma_start3A_994 = tpu.memref_slice %arg13[%dma_start3A_992, %dma_start3A_993] : memref<64x129xf32, #tpu.memory_space<vmem>> -> memref<8x128xf32, #tpu.memory_space<vmem>>
      tpu.enqueue_dma source(%dma_start3A_994 : memref<8x128xf32, #tpu.memory_space<vmem>>) target(%dma_start3A_991 : memref<8x128xf32, #tpu.memory_space<hbm>>) target_semaphore(%dma_start3A_987 : memref<!tpu.dma_semaphore, #tpu.memory_space<semaphore_mem>>)
      %dma_start3A_995 = arith.constant 7 : i32
      %dma_start3A_996 = arith.constant 1 : i32
      %dma_start3A_997 = arith.constant 56 : i32
      %dma_start3A_998 = arith.constant 0 : i32
      %dma_start3A_999 = tpu.memref_slice %arg13[%dma_start3A_997, %dma_start3A_998] : memref<64x129xf32, #tpu.memory_space<vmem>> -> memref<8x128xf32, #tpu.memory_space<vmem>>
      %dma_start3A_1000 = arith.constant 0 : i32
      %dma_start3A_1001 = arith.constant 0 : i32
      %dma_start3A_1002 = tpu.memref_slice %arg5[%add3A_834, %dma_start3A_995, %add3A, %dma_start3A_1000, %dma_start3A_1001] : memref<200x8x32x8x128xf32, #tpu.memory_space<hbm>> -> memref<1x1x1x8x128xf32, #tpu.memory_space<hbm>>
      %dma_start3A_1003 = tpu.memref_squeeze %dma_start3A_1002 : memref<1x1x1x8x128xf32, #tpu.memory_space<hbm>> -> memref<8x128xf32, #tpu.memory_space<hbm>>
      %dma_start3A_1004 = tpu.memref_slice %arg17[%dma_start3A_996] : memref<4x!tpu.dma_semaphore, #tpu.memory_space<semaphore_mem>> -> memref<1x!tpu.dma_semaphore, #tpu.memory_space<semaphore_mem>>
      %dma_start3A_1005 = tpu.memref_squeeze %dma_start3A_1004 : memref<1x!tpu.dma_semaphore, #tpu.memory_space<semaphore_mem>> -> memref<!tpu.dma_semaphore, #tpu.memory_space<semaphore_mem>>
      %dma_start3A_1006 = arith.constant 0 : i32
      %dma_start3A_1007 = arith.constant 0 : i32
      %dma_start3A_1008 = tpu.memref_slice %arg5[%add3A_834, %dma_start3A_995, %add3A, %dma_start3A_1006, %dma_start3A_1007] : memref<200x8x32x8x128xf32, #tpu.memory_space<hbm>> -> memref<1x1x1x8x128xf32, #tpu.memory_space<hbm>>
      %dma_start3A_1009 = tpu.memref_squeeze %dma_start3A_1008 : memref<1x1x1x8x128xf32, #tpu.memory_space<hbm>> -> memref<8x128xf32, #tpu.memory_space<hbm>>
      %dma_start3A_1010 = arith.constant 56 : i32
      %dma_start3A_1011 = arith.constant 0 : i32
      %dma_start3A_1012 = tpu.memref_slice %arg13[%dma_start3A_1010, %dma_start3A_1011] : memref<64x129xf32, #tpu.memory_space<vmem>> -> memref<8x128xf32, #tpu.memory_space<vmem>>
      tpu.enqueue_dma source(%dma_start3A_1012 : memref<8x128xf32, #tpu.memory_space<vmem>>) target(%dma_start3A_1009 : memref<8x128xf32, #tpu.memory_space<hbm>>) target_semaphore(%dma_start3A_1005 : memref<!tpu.dma_semaphore, #tpu.memory_space<semaphore_mem>>)
      %add3A_1013 = arith.constant 2 : i32
      %add3A_1014 = arith.addi %add3A_834, %add3A_1013 : i32
      %lt3A_1015 = arith.constant 200 : i32
      %lt3A_1016 = arith.cmpi slt, %add3A_1014, %lt3A_1015 : i32
      %convert_element_type3A_1017 = arith.extui %lt3A_1016 : i1 to i32
      %cond3A_1018 = arith.constant 0 : i32
      %cond3A_1019 = arith.cmpi ne, %convert_element_type3A_1017, %cond3A_1018 : i32
      scf.if %cond3A_1019 {
        %add3A_1398 = arith.constant 2 : i32
        %add3A_1399 = arith.addi %add3A_834, %add3A_1398 : i32
        %jit3A = arith.constant 8 : i32
        %div3A = arith.divsi %add3A_1399, %jit3A : i32
        %sign3A = arith.constant 0 : i32
        %sign3A_1400 = arith.cmpi sgt, %add3A_1399, %sign3A : i32
        %sign3A_1401 = arith.extui %sign3A_1400 : i1 to i32
        %sign3A_1402 = arith.constant 0 : i32
        %sign3A_1403 = arith.cmpi slt, %add3A_1399, %sign3A_1402 : i32
        %sign3A_1404 = arith.extui %sign3A_1403 : i1 to i32
        %sign3A_1405 = arith.subi %sign3A_1401, %sign3A_1404 : i32
        %sign3A_1406 = arith.constant 0 : i32
        %sign3A_1407 = arith.cmpi sgt, %jit3A, %sign3A_1406 : i32
        %sign3A_1408 = arith.extui %sign3A_1407 : i1 to i32
        %sign3A_1409 = arith.constant 0 : i32
        %sign3A_1410 = arith.cmpi slt, %jit3A, %sign3A_1409 : i32
        %sign3A_1411 = arith.extui %sign3A_1410 : i1 to i32
        %sign3A_1412 = arith.subi %sign3A_1408, %sign3A_1411 : i32
        %ne3A = arith.cmpi ne, %sign3A_1405, %sign3A_1412 : i32
        %rem3A = arith.remsi %add3A_1399, %jit3A : i32
        %ne3A_1413 = arith.constant 0 : i32
        %ne3A_1414 = arith.cmpi ne, %rem3A, %ne3A_1413 : i32
        %and3A = arith.andi %ne3A, %ne3A_1414 : i1
        %sub3A = arith.constant 1 : i32
        %sub3A_1415 = arith.subi %div3A, %sub3A : i32
        %select_n3A = arith.select %and3A, %sub3A_1415, %div3A : i32
        %jit3A_1416 = arith.constant 8 : i32
        %eq3A = arith.constant 0 : i32
        %eq3A_1417 = arith.cmpi eq, %jit3A_1416, %eq3A : i32
        %jit3A_1418 = arith.constant 1 : i32
        %select_n3A_1419 = arith.select %eq3A_1417, %jit3A_1418, %jit3A_1416 : i32
        %rem3A_1420 = arith.remsi %add3A_1399, %select_n3A_1419 : i32
        %ne3A_1421 = arith.constant 0 : i32
        %ne3A_1422 = arith.cmpi ne, %rem3A_1420, %ne3A_1421 : i32
        %lt3A_1423 = arith.constant 0 : i32
        %lt3A_1424 = arith.cmpi slt, %rem3A_1420, %lt3A_1423 : i32
        %lt3A_1425 = arith.constant 0 : i32
        %lt3A_1426 = arith.cmpi slt, %select_n3A_1419, %lt3A_1425 : i32
        %ne3A_1427 = arith.xori %lt3A_1424, %lt3A_1426 : i1
        %and3A_1428 = arith.andi %ne3A_1427, %ne3A_1422 : i1
        %add3A_1429 = arith.addi %rem3A_1420, %select_n3A_1419 : i32
        %select_n3A_1430 = arith.select %and3A_1428, %add3A_1429, %rem3A_1420 : i32
        %dma_start3A_1431 = arith.constant 3 : i32
        %dma_start3A_1432 = arith.constant 0 : i32
        %dma_start3A_1433 = tpu.memref_slice %arg6[%select_n3A, %select_n3A_1430, %dma_start3A_1432] : memref<25x8x128xi32, #tpu.memory_space<vmem>> -> memref<1x1x128xi32, #tpu.memory_space<vmem>>
        %dma_start3A_1434 = tpu.memref_squeeze %dma_start3A_1433 : memref<1x1x128xi32, #tpu.memory_space<vmem>> -> memref<128xi32, #tpu.memory_space<vmem>>
        %dma_start3A_1435 = arith.constant 0 : i32
        %dma_start3A_1436 = arith.constant 0 : i32
        %dma_start3A_1437 = tpu.memref_slice %arg3[%dma_start3A_1435, %dma_start3A_1436] : memref<1000000x64xf32, #tpu.memory_space<hbm>> -> memref<1000000x64xf32, #tpu.memory_space<hbm>>
        %dma_start3A_1438 = tpu.memref_slice %arg16[%dma_start3A_1431] : memref<4x!tpu.dma_semaphore, #tpu.memory_space<semaphore_mem>> -> memref<1x!tpu.dma_semaphore, #tpu.memory_space<semaphore_mem>>
        %dma_start3A_1439 = tpu.memref_squeeze %dma_start3A_1438 : memref<1x!tpu.dma_semaphore, #tpu.memory_space<semaphore_mem>> -> memref<!tpu.dma_semaphore, #tpu.memory_space<semaphore_mem>>
        tpu.enqueue_indirect_dma source(%dma_start3A_1437 : memref<1000000x64xf32, #tpu.memory_space<hbm>>) target(%arg11 : memref<128x64xf32, #tpu.memory_space<vmem>>) offsets(%dma_start3A_1434 : memref<128xi32, #tpu.memory_space<vmem>>) semaphore(%dma_start3A_1439 : memref<!tpu.dma_semaphore, #tpu.memory_space<semaphore_mem>>)
      } else {
      }
      %mul3A_1020 = arith.constant 4 : i32
      %mul3A_1021 = arith.muli %scan3A_646, %mul3A_1020 : i32
      %add3A_1022 = arith.constant 2 : i32
      %add3A_1023 = arith.addi %mul3A_1021, %add3A_1022 : i32
      %dma_wait3A_1024 = arith.constant 0 : i32
      %dma_wait3A_1025 = arith.constant 0 : i32
      %dma_wait3A_1026 = arith.constant 2 : i32
      %dma_wait3A_1027 = arith.constant 0 : i32
      %dma_wait3A_1028 = tpu.memref_slice %arg6[%dma_wait3A_1024, %dma_wait3A_1025, %dma_wait3A_1027] : memref<25x8x128xi32, #tpu.memory_space<vmem>> -> memref<1x1x128xi32, #tpu.memory_space<vmem>>
      %dma_wait3A_1029 = tpu.memref_squeeze %dma_wait3A_1028 : memref<1x1x128xi32, #tpu.memory_space<vmem>> -> memref<128xi32, #tpu.memory_space<vmem>>
      %dma_wait3A_1030 = arith.constant 0 : i32
      %dma_wait3A_1031 = arith.constant 0 : i32
      %dma_wait3A_1032 = tpu.memref_slice %arg3[%dma_wait3A_1030, %dma_wait3A_1031] : memref<1000000x64xf32, #tpu.memory_space<hbm>> -> memref<1000000x64xf32, #tpu.memory_space<hbm>>
      %dma_wait3A_1033 = tpu.memref_slice %arg16[%dma_wait3A_1026] : memref<4x!tpu.dma_semaphore, #tpu.memory_space<semaphore_mem>> -> memref<1x!tpu.dma_semaphore, #tpu.memory_space<semaphore_mem>>
      %dma_wait3A_1034 = tpu.memref_squeeze %dma_wait3A_1033 : memref<1x!tpu.dma_semaphore, #tpu.memory_space<semaphore_mem>> -> memref<!tpu.dma_semaphore, #tpu.memory_space<semaphore_mem>>
      tpu.wait_indirect_dma semaphore(%dma_wait3A_1034 : memref<!tpu.dma_semaphore, #tpu.memory_space<semaphore_mem>>) src(%dma_wait3A_1032 : memref<1000000x64xf32, #tpu.memory_space<hbm>>) dst(%arg10 : memref<128x64xf32, #tpu.memory_space<vmem>>)
      %ge3A_1035 = arith.constant 4 : i32
      %ge3A_1036 = arith.cmpi sge, %add3A_1023, %ge3A_1035 : i32
      %convert_element_type3A_1037 = arith.extui %ge3A_1036 : i1 to i32
      %cond3A_1038 = arith.constant 0 : i32
      %cond3A_1039 = arith.cmpi ne, %convert_element_type3A_1037, %cond3A_1038 : i32
      scf.if %cond3A_1039 {
        %sub3A = arith.constant 4 : i32
        %sub3A_1398 = arith.subi %add3A_1023, %sub3A : i32
        %dma_wait3A_1399 = arith.constant 0 : i32
        %dma_wait3A_1400 = arith.constant 2 : i32
        %dma_wait3A_1401 = arith.constant 0 : i32
        %dma_wait3A_1402 = arith.constant 0 : i32
        %dma_wait3A_1403 = tpu.memref_slice %arg14[%dma_wait3A_1401, %dma_wait3A_1402] : memref<64x129xf32, #tpu.memory_space<vmem>> -> memref<8x128xf32, #tpu.memory_space<vmem>>
        %dma_wait3A_1404 = arith.constant 0 : i32
        %dma_wait3A_1405 = arith.constant 0 : i32
        %dma_wait3A_1406 = tpu.memref_slice %arg5[%sub3A_1398, %dma_wait3A_1399, %add3A, %dma_wait3A_1404, %dma_wait3A_1405] : memref<200x8x32x8x128xf32, #tpu.memory_space<hbm>> -> memref<1x1x1x8x128xf32, #tpu.memory_space<hbm>>
        %dma_wait3A_1407 = tpu.memref_squeeze %dma_wait3A_1406 : memref<1x1x1x8x128xf32, #tpu.memory_space<hbm>> -> memref<8x128xf32, #tpu.memory_space<hbm>>
        %dma_wait3A_1408 = tpu.memref_slice %arg17[%dma_wait3A_1400] : memref<4x!tpu.dma_semaphore, #tpu.memory_space<semaphore_mem>> -> memref<1x!tpu.dma_semaphore, #tpu.memory_space<semaphore_mem>>
        %dma_wait3A_1409 = tpu.memref_squeeze %dma_wait3A_1408 : memref<1x!tpu.dma_semaphore, #tpu.memory_space<semaphore_mem>> -> memref<!tpu.dma_semaphore, #tpu.memory_space<semaphore_mem>>
        %dma_wait3A_1410 = arith.constant 0 : i32
        %dma_wait3A_1411 = arith.constant 0 : i32
        %dma_wait3A_1412 = tpu.memref_slice %arg5[%sub3A_1398, %dma_wait3A_1399, %add3A, %dma_wait3A_1410, %dma_wait3A_1411] : memref<200x8x32x8x128xf32, #tpu.memory_space<hbm>> -> memref<1x1x1x8x128xf32, #tpu.memory_space<hbm>>
        %dma_wait3A_1413 = tpu.memref_squeeze %dma_wait3A_1412 : memref<1x1x1x8x128xf32, #tpu.memory_space<hbm>> -> memref<8x128xf32, #tpu.memory_space<hbm>>
        %dma_wait3A_1414 = arith.constant 0 : i32
        %dma_wait3A_1415 = arith.constant 0 : i32
        %dma_wait3A_1416 = tpu.memref_slice %arg14[%dma_wait3A_1414, %dma_wait3A_1415] : memref<64x129xf32, #tpu.memory_space<vmem>> -> memref<8x128xf32, #tpu.memory_space<vmem>>
        tpu.wait_dma2 semaphore(%dma_wait3A_1409 : memref<!tpu.dma_semaphore, #tpu.memory_space<semaphore_mem>>) src(%dma_wait3A_1416 : memref<8x128xf32, #tpu.memory_space<vmem>>) dst(%dma_wait3A_1413 : memref<8x128xf32, #tpu.memory_space<hbm>>)
        %dma_wait3A_1417 = arith.constant 1 : i32
        %dma_wait3A_1418 = arith.constant 2 : i32
        %dma_wait3A_1419 = arith.constant 8 : i32
        %dma_wait3A_1420 = arith.constant 0 : i32
        %dma_wait3A_1421 = tpu.memref_slice %arg14[%dma_wait3A_1419, %dma_wait3A_1420] : memref<64x129xf32, #tpu.memory_space<vmem>> -> memref<8x128xf32, #tpu.memory_space<vmem>>
        %dma_wait3A_1422 = arith.constant 0 : i32
        %dma_wait3A_1423 = arith.constant 0 : i32
        %dma_wait3A_1424 = tpu.memref_slice %arg5[%sub3A_1398, %dma_wait3A_1417, %add3A, %dma_wait3A_1422, %dma_wait3A_1423] : memref<200x8x32x8x128xf32, #tpu.memory_space<hbm>> -> memref<1x1x1x8x128xf32, #tpu.memory_space<hbm>>
        %dma_wait3A_1425 = tpu.memref_squeeze %dma_wait3A_1424 : memref<1x1x1x8x128xf32, #tpu.memory_space<hbm>> -> memref<8x128xf32, #tpu.memory_space<hbm>>
        %dma_wait3A_1426 = tpu.memref_slice %arg17[%dma_wait3A_1418] : memref<4x!tpu.dma_semaphore, #tpu.memory_space<semaphore_mem>> -> memref<1x!tpu.dma_semaphore, #tpu.memory_space<semaphore_mem>>
        %dma_wait3A_1427 = tpu.memref_squeeze %dma_wait3A_1426 : memref<1x!tpu.dma_semaphore, #tpu.memory_space<semaphore_mem>> -> memref<!tpu.dma_semaphore, #tpu.memory_space<semaphore_mem>>
        %dma_wait3A_1428 = arith.constant 0 : i32
        %dma_wait3A_1429 = arith.constant 0 : i32
        %dma_wait3A_1430 = tpu.memref_slice %arg5[%sub3A_1398, %dma_wait3A_1417, %add3A, %dma_wait3A_1428, %dma_wait3A_1429] : memref<200x8x32x8x128xf32, #tpu.memory_space<hbm>> -> memref<1x1x1x8x128xf32, #tpu.memory_space<hbm>>
        %dma_wait3A_1431 = tpu.memref_squeeze %dma_wait3A_1430 : memref<1x1x1x8x128xf32, #tpu.memory_space<hbm>> -> memref<8x128xf32, #tpu.memory_space<hbm>>
        %dma_wait3A_1432 = arith.constant 8 : i32
        %dma_wait3A_1433 = arith.constant 0 : i32
        %dma_wait3A_1434 = tpu.memref_slice %arg14[%dma_wait3A_1432, %dma_wait3A_1433] : memref<64x129xf32, #tpu.memory_space<vmem>> -> memref<8x128xf32, #tpu.memory_space<vmem>>
        tpu.wait_dma2 semaphore(%dma_wait3A_1427 : memref<!tpu.dma_semaphore, #tpu.memory_space<semaphore_mem>>) src(%dma_wait3A_1434 : memref<8x128xf32, #tpu.memory_space<vmem>>) dst(%dma_wait3A_1431 : memref<8x128xf32, #tpu.memory_space<hbm>>)
        %dma_wait3A_1435 = arith.constant 2 : i32
        %dma_wait3A_1436 = arith.constant 2 : i32
        %dma_wait3A_1437 = arith.constant 16 : i32
        %dma_wait3A_1438 = arith.constant 0 : i32
        %dma_wait3A_1439 = tpu.memref_slice %arg14[%dma_wait3A_1437, %dma_wait3A_1438] : memref<64x129xf32, #tpu.memory_space<vmem>> -> memref<8x128xf32, #tpu.memory_space<vmem>>
        %dma_wait3A_1440 = arith.constant 0 : i32
        %dma_wait3A_1441 = arith.constant 0 : i32
        %dma_wait3A_1442 = tpu.memref_slice %arg5[%sub3A_1398, %dma_wait3A_1435, %add3A, %dma_wait3A_1440, %dma_wait3A_1441] : memref<200x8x32x8x128xf32, #tpu.memory_space<hbm>> -> memref<1x1x1x8x128xf32, #tpu.memory_space<hbm>>
        %dma_wait3A_1443 = tpu.memref_squeeze %dma_wait3A_1442 : memref<1x1x1x8x128xf32, #tpu.memory_space<hbm>> -> memref<8x128xf32, #tpu.memory_space<hbm>>
        %dma_wait3A_1444 = tpu.memref_slice %arg17[%dma_wait3A_1436] : memref<4x!tpu.dma_semaphore, #tpu.memory_space<semaphore_mem>> -> memref<1x!tpu.dma_semaphore, #tpu.memory_space<semaphore_mem>>
        %dma_wait3A_1445 = tpu.memref_squeeze %dma_wait3A_1444 : memref<1x!tpu.dma_semaphore, #tpu.memory_space<semaphore_mem>> -> memref<!tpu.dma_semaphore, #tpu.memory_space<semaphore_mem>>
        %dma_wait3A_1446 = arith.constant 0 : i32
        %dma_wait3A_1447 = arith.constant 0 : i32
        %dma_wait3A_1448 = tpu.memref_slice %arg5[%sub3A_1398, %dma_wait3A_1435, %add3A, %dma_wait3A_1446, %dma_wait3A_1447] : memref<200x8x32x8x128xf32, #tpu.memory_space<hbm>> -> memref<1x1x1x8x128xf32, #tpu.memory_space<hbm>>
        %dma_wait3A_1449 = tpu.memref_squeeze %dma_wait3A_1448 : memref<1x1x1x8x128xf32, #tpu.memory_space<hbm>> -> memref<8x128xf32, #tpu.memory_space<hbm>>
        %dma_wait3A_1450 = arith.constant 16 : i32
        %dma_wait3A_1451 = arith.constant 0 : i32
        %dma_wait3A_1452 = tpu.memref_slice %arg14[%dma_wait3A_1450, %dma_wait3A_1451] : memref<64x129xf32, #tpu.memory_space<vmem>> -> memref<8x128xf32, #tpu.memory_space<vmem>>
        tpu.wait_dma2 semaphore(%dma_wait3A_1445 : memref<!tpu.dma_semaphore, #tpu.memory_space<semaphore_mem>>) src(%dma_wait3A_1452 : memref<8x128xf32, #tpu.memory_space<vmem>>) dst(%dma_wait3A_1449 : memref<8x128xf32, #tpu.memory_space<hbm>>)
        %dma_wait3A_1453 = arith.constant 3 : i32
        %dma_wait3A_1454 = arith.constant 2 : i32
        %dma_wait3A_1455 = arith.constant 24 : i32
        %dma_wait3A_1456 = arith.constant 0 : i32
        %dma_wait3A_1457 = tpu.memref_slice %arg14[%dma_wait3A_1455, %dma_wait3A_1456] : memref<64x129xf32, #tpu.memory_space<vmem>> -> memref<8x128xf32, #tpu.memory_space<vmem>>
        %dma_wait3A_1458 = arith.constant 0 : i32
        %dma_wait3A_1459 = arith.constant 0 : i32
        %dma_wait3A_1460 = tpu.memref_slice %arg5[%sub3A_1398, %dma_wait3A_1453, %add3A, %dma_wait3A_1458, %dma_wait3A_1459] : memref<200x8x32x8x128xf32, #tpu.memory_space<hbm>> -> memref<1x1x1x8x128xf32, #tpu.memory_space<hbm>>
        %dma_wait3A_1461 = tpu.memref_squeeze %dma_wait3A_1460 : memref<1x1x1x8x128xf32, #tpu.memory_space<hbm>> -> memref<8x128xf32, #tpu.memory_space<hbm>>
        %dma_wait3A_1462 = tpu.memref_slice %arg17[%dma_wait3A_1454] : memref<4x!tpu.dma_semaphore, #tpu.memory_space<semaphore_mem>> -> memref<1x!tpu.dma_semaphore, #tpu.memory_space<semaphore_mem>>
        %dma_wait3A_1463 = tpu.memref_squeeze %dma_wait3A_1462 : memref<1x!tpu.dma_semaphore, #tpu.memory_space<semaphore_mem>> -> memref<!tpu.dma_semaphore, #tpu.memory_space<semaphore_mem>>
        %dma_wait3A_1464 = arith.constant 0 : i32
        %dma_wait3A_1465 = arith.constant 0 : i32
        %dma_wait3A_1466 = tpu.memref_slice %arg5[%sub3A_1398, %dma_wait3A_1453, %add3A, %dma_wait3A_1464, %dma_wait3A_1465] : memref<200x8x32x8x128xf32, #tpu.memory_space<hbm>> -> memref<1x1x1x8x128xf32, #tpu.memory_space<hbm>>
        %dma_wait3A_1467 = tpu.memref_squeeze %dma_wait3A_1466 : memref<1x1x1x8x128xf32, #tpu.memory_space<hbm>> -> memref<8x128xf32, #tpu.memory_space<hbm>>
        %dma_wait3A_1468 = arith.constant 24 : i32
        %dma_wait3A_1469 = arith.constant 0 : i32
        %dma_wait3A_1470 = tpu.memref_slice %arg14[%dma_wait3A_1468, %dma_wait3A_1469] : memref<64x129xf32, #tpu.memory_space<vmem>> -> memref<8x128xf32, #tpu.memory_space<vmem>>
        tpu.wait_dma2 semaphore(%dma_wait3A_1463 : memref<!tpu.dma_semaphore, #tpu.memory_space<semaphore_mem>>) src(%dma_wait3A_1470 : memref<8x128xf32, #tpu.memory_space<vmem>>) dst(%dma_wait3A_1467 : memref<8x128xf32, #tpu.memory_space<hbm>>)
        %dma_wait3A_1471 = arith.constant 4 : i32
        %dma_wait3A_1472 = arith.constant 2 : i32
        %dma_wait3A_1473 = arith.constant 32 : i32
        %dma_wait3A_1474 = arith.constant 0 : i32
        %dma_wait3A_1475 = tpu.memref_slice %arg14[%dma_wait3A_1473, %dma_wait3A_1474] : memref<64x129xf32, #tpu.memory_space<vmem>> -> memref<8x128xf32, #tpu.memory_space<vmem>>
        %dma_wait3A_1476 = arith.constant 0 : i32
        %dma_wait3A_1477 = arith.constant 0 : i32
        %dma_wait3A_1478 = tpu.memref_slice %arg5[%sub3A_1398, %dma_wait3A_1471, %add3A, %dma_wait3A_1476, %dma_wait3A_1477] : memref<200x8x32x8x128xf32, #tpu.memory_space<hbm>> -> memref<1x1x1x8x128xf32, #tpu.memory_space<hbm>>
        %dma_wait3A_1479 = tpu.memref_squeeze %dma_wait3A_1478 : memref<1x1x1x8x128xf32, #tpu.memory_space<hbm>> -> memref<8x128xf32, #tpu.memory_space<hbm>>
        %dma_wait3A_1480 = tpu.memref_slice %arg17[%dma_wait3A_1472] : memref<4x!tpu.dma_semaphore, #tpu.memory_space<semaphore_mem>> -> memref<1x!tpu.dma_semaphore, #tpu.memory_space<semaphore_mem>>
        %dma_wait3A_1481 = tpu.memref_squeeze %dma_wait3A_1480 : memref<1x!tpu.dma_semaphore, #tpu.memory_space<semaphore_mem>> -> memref<!tpu.dma_semaphore, #tpu.memory_space<semaphore_mem>>
        %dma_wait3A_1482 = arith.constant 0 : i32
        %dma_wait3A_1483 = arith.constant 0 : i32
        %dma_wait3A_1484 = tpu.memref_slice %arg5[%sub3A_1398, %dma_wait3A_1471, %add3A, %dma_wait3A_1482, %dma_wait3A_1483] : memref<200x8x32x8x128xf32, #tpu.memory_space<hbm>> -> memref<1x1x1x8x128xf32, #tpu.memory_space<hbm>>
        %dma_wait3A_1485 = tpu.memref_squeeze %dma_wait3A_1484 : memref<1x1x1x8x128xf32, #tpu.memory_space<hbm>> -> memref<8x128xf32, #tpu.memory_space<hbm>>
        %dma_wait3A_1486 = arith.constant 32 : i32
        %dma_wait3A_1487 = arith.constant 0 : i32
        %dma_wait3A_1488 = tpu.memref_slice %arg14[%dma_wait3A_1486, %dma_wait3A_1487] : memref<64x129xf32, #tpu.memory_space<vmem>> -> memref<8x128xf32, #tpu.memory_space<vmem>>
        tpu.wait_dma2 semaphore(%dma_wait3A_1481 : memref<!tpu.dma_semaphore, #tpu.memory_space<semaphore_mem>>) src(%dma_wait3A_1488 : memref<8x128xf32, #tpu.memory_space<vmem>>) dst(%dma_wait3A_1485 : memref<8x128xf32, #tpu.memory_space<hbm>>)
        %dma_wait3A_1489 = arith.constant 5 : i32
        %dma_wait3A_1490 = arith.constant 2 : i32
        %dma_wait3A_1491 = arith.constant 40 : i32
        %dma_wait3A_1492 = arith.constant 0 : i32
        %dma_wait3A_1493 = tpu.memref_slice %arg14[%dma_wait3A_1491, %dma_wait3A_1492] : memref<64x129xf32, #tpu.memory_space<vmem>> -> memref<8x128xf32, #tpu.memory_space<vmem>>
        %dma_wait3A_1494 = arith.constant 0 : i32
        %dma_wait3A_1495 = arith.constant 0 : i32
        %dma_wait3A_1496 = tpu.memref_slice %arg5[%sub3A_1398, %dma_wait3A_1489, %add3A, %dma_wait3A_1494, %dma_wait3A_1495] : memref<200x8x32x8x128xf32, #tpu.memory_space<hbm>> -> memref<1x1x1x8x128xf32, #tpu.memory_space<hbm>>
        %dma_wait3A_1497 = tpu.memref_squeeze %dma_wait3A_1496 : memref<1x1x1x8x128xf32, #tpu.memory_space<hbm>> -> memref<8x128xf32, #tpu.memory_space<hbm>>
        %dma_wait3A_1498 = tpu.memref_slice %arg17[%dma_wait3A_1490] : memref<4x!tpu.dma_semaphore, #tpu.memory_space<semaphore_mem>> -> memref<1x!tpu.dma_semaphore, #tpu.memory_space<semaphore_mem>>
        %dma_wait3A_1499 = tpu.memref_squeeze %dma_wait3A_1498 : memref<1x!tpu.dma_semaphore, #tpu.memory_space<semaphore_mem>> -> memref<!tpu.dma_semaphore, #tpu.memory_space<semaphore_mem>>
        %dma_wait3A_1500 = arith.constant 0 : i32
        %dma_wait3A_1501 = arith.constant 0 : i32
        %dma_wait3A_1502 = tpu.memref_slice %arg5[%sub3A_1398, %dma_wait3A_1489, %add3A, %dma_wait3A_1500, %dma_wait3A_1501] : memref<200x8x32x8x128xf32, #tpu.memory_space<hbm>> -> memref<1x1x1x8x128xf32, #tpu.memory_space<hbm>>
        %dma_wait3A_1503 = tpu.memref_squeeze %dma_wait3A_1502 : memref<1x1x1x8x128xf32, #tpu.memory_space<hbm>> -> memref<8x128xf32, #tpu.memory_space<hbm>>
        %dma_wait3A_1504 = arith.constant 40 : i32
        %dma_wait3A_1505 = arith.constant 0 : i32
        %dma_wait3A_1506 = tpu.memref_slice %arg14[%dma_wait3A_1504, %dma_wait3A_1505] : memref<64x129xf32, #tpu.memory_space<vmem>> -> memref<8x128xf32, #tpu.memory_space<vmem>>
        tpu.wait_dma2 semaphore(%dma_wait3A_1499 : memref<!tpu.dma_semaphore, #tpu.memory_space<semaphore_mem>>) src(%dma_wait3A_1506 : memref<8x128xf32, #tpu.memory_space<vmem>>) dst(%dma_wait3A_1503 : memref<8x128xf32, #tpu.memory_space<hbm>>)
        %dma_wait3A_1507 = arith.constant 6 : i32
        %dma_wait3A_1508 = arith.constant 2 : i32
        %dma_wait3A_1509 = arith.constant 48 : i32
        %dma_wait3A_1510 = arith.constant 0 : i32
        %dma_wait3A_1511 = tpu.memref_slice %arg14[%dma_wait3A_1509, %dma_wait3A_1510] : memref<64x129xf32, #tpu.memory_space<vmem>> -> memref<8x128xf32, #tpu.memory_space<vmem>>
        %dma_wait3A_1512 = arith.constant 0 : i32
        %dma_wait3A_1513 = arith.constant 0 : i32
        %dma_wait3A_1514 = tpu.memref_slice %arg5[%sub3A_1398, %dma_wait3A_1507, %add3A, %dma_wait3A_1512, %dma_wait3A_1513] : memref<200x8x32x8x128xf32, #tpu.memory_space<hbm>> -> memref<1x1x1x8x128xf32, #tpu.memory_space<hbm>>
        %dma_wait3A_1515 = tpu.memref_squeeze %dma_wait3A_1514 : memref<1x1x1x8x128xf32, #tpu.memory_space<hbm>> -> memref<8x128xf32, #tpu.memory_space<hbm>>
        %dma_wait3A_1516 = tpu.memref_slice %arg17[%dma_wait3A_1508] : memref<4x!tpu.dma_semaphore, #tpu.memory_space<semaphore_mem>> -> memref<1x!tpu.dma_semaphore, #tpu.memory_space<semaphore_mem>>
        %dma_wait3A_1517 = tpu.memref_squeeze %dma_wait3A_1516 : memref<1x!tpu.dma_semaphore, #tpu.memory_space<semaphore_mem>> -> memref<!tpu.dma_semaphore, #tpu.memory_space<semaphore_mem>>
        %dma_wait3A_1518 = arith.constant 0 : i32
        %dma_wait3A_1519 = arith.constant 0 : i32
        %dma_wait3A_1520 = tpu.memref_slice %arg5[%sub3A_1398, %dma_wait3A_1507, %add3A, %dma_wait3A_1518, %dma_wait3A_1519] : memref<200x8x32x8x128xf32, #tpu.memory_space<hbm>> -> memref<1x1x1x8x128xf32, #tpu.memory_space<hbm>>
        %dma_wait3A_1521 = tpu.memref_squeeze %dma_wait3A_1520 : memref<1x1x1x8x128xf32, #tpu.memory_space<hbm>> -> memref<8x128xf32, #tpu.memory_space<hbm>>
        %dma_wait3A_1522 = arith.constant 48 : i32
        %dma_wait3A_1523 = arith.constant 0 : i32
        %dma_wait3A_1524 = tpu.memref_slice %arg14[%dma_wait3A_1522, %dma_wait3A_1523] : memref<64x129xf32, #tpu.memory_space<vmem>> -> memref<8x128xf32, #tpu.memory_space<vmem>>
        tpu.wait_dma2 semaphore(%dma_wait3A_1517 : memref<!tpu.dma_semaphore, #tpu.memory_space<semaphore_mem>>) src(%dma_wait3A_1524 : memref<8x128xf32, #tpu.memory_space<vmem>>) dst(%dma_wait3A_1521 : memref<8x128xf32, #tpu.memory_space<hbm>>)
        %dma_wait3A_1525 = arith.constant 7 : i32
        %dma_wait3A_1526 = arith.constant 2 : i32
        %dma_wait3A_1527 = arith.constant 56 : i32
        %dma_wait3A_1528 = arith.constant 0 : i32
        %dma_wait3A_1529 = tpu.memref_slice %arg14[%dma_wait3A_1527, %dma_wait3A_1528] : memref<64x129xf32, #tpu.memory_space<vmem>> -> memref<8x128xf32, #tpu.memory_space<vmem>>
        %dma_wait3A_1530 = arith.constant 0 : i32
        %dma_wait3A_1531 = arith.constant 0 : i32
        %dma_wait3A_1532 = tpu.memref_slice %arg5[%sub3A_1398, %dma_wait3A_1525, %add3A, %dma_wait3A_1530, %dma_wait3A_1531] : memref<200x8x32x8x128xf32, #tpu.memory_space<hbm>> -> memref<1x1x1x8x128xf32, #tpu.memory_space<hbm>>
        %dma_wait3A_1533 = tpu.memref_squeeze %dma_wait3A_1532 : memref<1x1x1x8x128xf32, #tpu.memory_space<hbm>> -> memref<8x128xf32, #tpu.memory_space<hbm>>
        %dma_wait3A_1534 = tpu.memref_slice %arg17[%dma_wait3A_1526] : memref<4x!tpu.dma_semaphore, #tpu.memory_space<semaphore_mem>> -> memref<1x!tpu.dma_semaphore, #tpu.memory_space<semaphore_mem>>
        %dma_wait3A_1535 = tpu.memref_squeeze %dma_wait3A_1534 : memref<1x!tpu.dma_semaphore, #tpu.memory_space<semaphore_mem>> -> memref<!tpu.dma_semaphore, #tpu.memory_space<semaphore_mem>>
        %dma_wait3A_1536 = arith.constant 0 : i32
        %dma_wait3A_1537 = arith.constant 0 : i32
        %dma_wait3A_1538 = tpu.memref_slice %arg5[%sub3A_1398, %dma_wait3A_1525, %add3A, %dma_wait3A_1536, %dma_wait3A_1537] : memref<200x8x32x8x128xf32, #tpu.memory_space<hbm>> -> memref<1x1x1x8x128xf32, #tpu.memory_space<hbm>>
        %dma_wait3A_1539 = tpu.memref_squeeze %dma_wait3A_1538 : memref<1x1x1x8x128xf32, #tpu.memory_space<hbm>> -> memref<8x128xf32, #tpu.memory_space<hbm>>
        %dma_wait3A_1540 = arith.constant 56 : i32
        %dma_wait3A_1541 = arith.constant 0 : i32
        %dma_wait3A_1542 = tpu.memref_slice %arg14[%dma_wait3A_1540, %dma_wait3A_1541] : memref<64x129xf32, #tpu.memory_space<vmem>> -> memref<8x128xf32, #tpu.memory_space<vmem>>
        tpu.wait_dma2 semaphore(%dma_wait3A_1535 : memref<!tpu.dma_semaphore, #tpu.memory_space<semaphore_mem>>) src(%dma_wait3A_1542 : memref<8x128xf32, #tpu.memory_space<vmem>>) dst(%dma_wait3A_1539 : memref<8x128xf32, #tpu.memory_space<hbm>>)
      } else {
      }
      %get3A_1040 = arith.index_cast %add3A_1023 : i32 to index
      %get3A_1041 = arith.constant 0 : index
      %get3A_1042 = tpu.vector_load %arg7[%get3A_1040, %get3A_1041] {strides = array<i32>} : memref<200x64xf32, #tpu.memory_space<vmem>>, vector<16xf32>,
      %get3A_1043 = arith.index_cast %add3A_1023 : i32 to index
      %get3A_1044 = arith.constant 16 : index
      %get3A_1045 = tpu.vector_load %arg7[%get3A_1043, %get3A_1044] {strides = array<i32>} : memref<200x64xf32, #tpu.memory_space<vmem>>, vector<16xf32>,
      %get3A_1046 = arith.index_cast %add3A_1023 : i32 to index
      %get3A_1047 = arith.constant 32 : index
      %get3A_1048 = tpu.vector_load %arg7[%get3A_1046, %get3A_1047] {strides = array<i32>} : memref<200x64xf32, #tpu.memory_space<vmem>>, vector<16xf32>,
      %get3A_1049 = arith.index_cast %add3A_1023 : i32 to index
      %get3A_1050 = arith.constant 48 : index
      %get3A_1051 = tpu.vector_load %arg7[%get3A_1049, %get3A_1050] {strides = array<i32>} : memref<200x64xf32, #tpu.memory_space<vmem>>, vector<16xf32>,
      %scan3A_1052 = arith.constant 0 : i32
      %scan3A_1053 = arith.constant 0 : i32
      %scan3A_1054 = arith.constant 128 : i32
      %scan3A_1055 = arith.addi %scan3A_1053, %scan3A_1054 : i32
      %scan3A_1056 = arith.constant 8 : i32
      scf.for %scan3A_1398 = %scan3A_1053 to %scan3A_1055 step %scan3A_1056  : i32 {
        %broadcast_in_dim3A = vector.broadcast %scan3A_1398 : i32 to vector<16xi32>
        %get3A_1399 = arith.index_cast %scan3A_1398 : i32 to index
        %get3A_1400 = arith.constant 0 : index
        %get3A_1401 = tpu.vector_load %arg10[%get3A_1399, %get3A_1400] {strides = array<i32>} : memref<128x64xf32, #tpu.memory_space<vmem>>, vector<16xf32>,
        %mul3A_1402 = arith.constant 8.000000e+00 : f32
        %mul3A_1403 = vector.broadcast %mul3A_1402 : f32 to vector<16xf32>
        %mul3A_1404 = arith.mulf %get3A_1401, %mul3A_1403 : vector<16xf32>
        %add3A_1405 = arith.addf %mul3A_1404, %get3A_1042 : vector<16xf32>
        tpu.vector_store_idx %arg14[%add3A_3, %broadcast_in_dim3A], %add3A_1405 : memref<64x129xf32, #tpu.memory_space<vmem>>[vector<16xi32>, vector<16xi32>], vector<16xf32>,
        %get3A_1406 = arith.index_cast %scan3A_1398 : i32 to index
        %get3A_1407 = arith.constant 16 : index
        %get3A_1408 = tpu.vector_load %arg10[%get3A_1406, %get3A_1407] {strides = array<i32>} : memref<128x64xf32, #tpu.memory_space<vmem>>, vector<16xf32>,
        %mul3A_1409 = arith.constant 8.000000e+00 : f32
        %mul3A_1410 = vector.broadcast %mul3A_1409 : f32 to vector<16xf32>
        %mul3A_1411 = arith.mulf %get3A_1408, %mul3A_1410 : vector<16xf32>
        %add3A_1412 = arith.addf %mul3A_1411, %get3A_1045 : vector<16xf32>
        tpu.vector_store_idx %arg14[%add3A_6, %broadcast_in_dim3A], %add3A_1412 : memref<64x129xf32, #tpu.memory_space<vmem>>[vector<16xi32>, vector<16xi32>], vector<16xf32>,
        %get3A_1413 = arith.index_cast %scan3A_1398 : i32 to index
        %get3A_1414 = arith.constant 32 : index
        %get3A_1415 = tpu.vector_load %arg10[%get3A_1413, %get3A_1414] {strides = array<i32>} : memref<128x64xf32, #tpu.memory_space<vmem>>, vector<16xf32>,
        %mul3A_1416 = arith.constant 8.000000e+00 : f32
        %mul3A_1417 = vector.broadcast %mul3A_1416 : f32 to vector<16xf32>
        %mul3A_1418 = arith.mulf %get3A_1415, %mul3A_1417 : vector<16xf32>
        %add3A_1419 = arith.addf %mul3A_1418, %get3A_1048 : vector<16xf32>
        tpu.vector_store_idx %arg14[%add3A_9, %broadcast_in_dim3A], %add3A_1419 : memref<64x129xf32, #tpu.memory_space<vmem>>[vector<16xi32>, vector<16xi32>], vector<16xf32>,
        %get3A_1420 = arith.index_cast %scan3A_1398 : i32 to index
        %get3A_1421 = arith.constant 48 : index
        %get3A_1422 = tpu.vector_load %arg10[%get3A_1420, %get3A_1421] {strides = array<i32>} : memref<128x64xf32, #tpu.memory_space<vmem>>, vector<16xf32>,
        %mul3A_1423 = arith.constant 8.000000e+00 : f32
        %mul3A_1424 = vector.broadcast %mul3A_1423 : f32 to vector<16xf32>
        %mul3A_1425 = arith.mulf %get3A_1422, %mul3A_1424 : vector<16xf32>
        %add3A_1426 = arith.addf %mul3A_1425, %get3A_1051 : vector<16xf32>
        tpu.vector_store_idx %arg14[%add3A_12, %broadcast_in_dim3A], %add3A_1426 : memref<64x129xf32, #tpu.memory_space<vmem>>[vector<16xi32>, vector<16xi32>], vector<16xf32>,
        %scan3A_1427 = arith.constant 1 : i32
        %scan3A_1428 = arith.addi %scan3A_1398, %scan3A_1427 : i32
        %broadcast_in_dim3A_1429 = vector.broadcast %scan3A_1428 : i32 to vector<16xi32>
        %get3A_1430 = arith.index_cast %scan3A_1428 : i32 to index
        %get3A_1431 = arith.constant 0 : index
        %get3A_1432 = tpu.vector_load %arg10[%get3A_1430, %get3A_1431] {strides = array<i32>} : memref<128x64xf32, #tpu.memory_space<vmem>>, vector<16xf32>,
        %mul3A_1433 = arith.constant 8.000000e+00 : f32
        %mul3A_1434 = vector.broadcast %mul3A_1433 : f32 to vector<16xf32>
        %mul3A_1435 = arith.mulf %get3A_1432, %mul3A_1434 : vector<16xf32>
        %add3A_1436 = arith.addf %mul3A_1435, %get3A_1042 : vector<16xf32>
        tpu.vector_store_idx %arg14[%add3A_3, %broadcast_in_dim3A_1429], %add3A_1436 : memref<64x129xf32, #tpu.memory_space<vmem>>[vector<16xi32>, vector<16xi32>], vector<16xf32>,
        %get3A_1437 = arith.index_cast %scan3A_1428 : i32 to index
        %get3A_1438 = arith.constant 16 : index
        %get3A_1439 = tpu.vector_load %arg10[%get3A_1437, %get3A_1438] {strides = array<i32>} : memref<128x64xf32, #tpu.memory_space<vmem>>, vector<16xf32>,
        %mul3A_1440 = arith.constant 8.000000e+00 : f32
        %mul3A_1441 = vector.broadcast %mul3A_1440 : f32 to vector<16xf32>
        %mul3A_1442 = arith.mulf %get3A_1439, %mul3A_1441 : vector<16xf32>
        %add3A_1443 = arith.addf %mul3A_1442, %get3A_1045 : vector<16xf32>
        tpu.vector_store_idx %arg14[%add3A_6, %broadcast_in_dim3A_1429], %add3A_1443 : memref<64x129xf32, #tpu.memory_space<vmem>>[vector<16xi32>, vector<16xi32>], vector<16xf32>,
        %get3A_1444 = arith.index_cast %scan3A_1428 : i32 to index
        %get3A_1445 = arith.constant 32 : index
        %get3A_1446 = tpu.vector_load %arg10[%get3A_1444, %get3A_1445] {strides = array<i32>} : memref<128x64xf32, #tpu.memory_space<vmem>>, vector<16xf32>,
        %mul3A_1447 = arith.constant 8.000000e+00 : f32
        %mul3A_1448 = vector.broadcast %mul3A_1447 : f32 to vector<16xf32>
        %mul3A_1449 = arith.mulf %get3A_1446, %mul3A_1448 : vector<16xf32>
        %add3A_1450 = arith.addf %mul3A_1449, %get3A_1048 : vector<16xf32>
        tpu.vector_store_idx %arg14[%add3A_9, %broadcast_in_dim3A_1429], %add3A_1450 : memref<64x129xf32, #tpu.memory_space<vmem>>[vector<16xi32>, vector<16xi32>], vector<16xf32>,
        %get3A_1451 = arith.index_cast %scan3A_1428 : i32 to index
        %get3A_1452 = arith.constant 48 : index
        %get3A_1453 = tpu.vector_load %arg10[%get3A_1451, %get3A_1452] {strides = array<i32>} : memref<128x64xf32, #tpu.memory_space<vmem>>, vector<16xf32>,
        %mul3A_1454 = arith.constant 8.000000e+00 : f32
        %mul3A_1455 = vector.broadcast %mul3A_1454 : f32 to vector<16xf32>
        %mul3A_1456 = arith.mulf %get3A_1453, %mul3A_1455 : vector<16xf32>
        %add3A_1457 = arith.addf %mul3A_1456, %get3A_1051 : vector<16xf32>
        tpu.vector_store_idx %arg14[%add3A_12, %broadcast_in_dim3A_1429], %add3A_1457 : memref<64x129xf32, #tpu.memory_space<vmem>>[vector<16xi32>, vector<16xi32>], vector<16xf32>,
        %scan3A_1458 = arith.constant 2 : i32
        %scan3A_1459 = arith.addi %scan3A_1398, %scan3A_1458 : i32
        %broadcast_in_dim3A_1460 = vector.broadcast %scan3A_1459 : i32 to vector<16xi32>
        %get3A_1461 = arith.index_cast %scan3A_1459 : i32 to index
        %get3A_1462 = arith.constant 0 : index
        %get3A_1463 = tpu.vector_load %arg10[%get3A_1461, %get3A_1462] {strides = array<i32>} : memref<128x64xf32, #tpu.memory_space<vmem>>, vector<16xf32>,
        %mul3A_1464 = arith.constant 8.000000e+00 : f32
        %mul3A_1465 = vector.broadcast %mul3A_1464 : f32 to vector<16xf32>
        %mul3A_1466 = arith.mulf %get3A_1463, %mul3A_1465 : vector<16xf32>
        %add3A_1467 = arith.addf %mul3A_1466, %get3A_1042 : vector<16xf32>
        tpu.vector_store_idx %arg14[%add3A_3, %broadcast_in_dim3A_1460], %add3A_1467 : memref<64x129xf32, #tpu.memory_space<vmem>>[vector<16xi32>, vector<16xi32>], vector<16xf32>,
        %get3A_1468 = arith.index_cast %scan3A_1459 : i32 to index
        %get3A_1469 = arith.constant 16 : index
        %get3A_1470 = tpu.vector_load %arg10[%get3A_1468, %get3A_1469] {strides = array<i32>} : memref<128x64xf32, #tpu.memory_space<vmem>>, vector<16xf32>,
        %mul3A_1471 = arith.constant 8.000000e+00 : f32
        %mul3A_1472 = vector.broadcast %mul3A_1471 : f32 to vector<16xf32>
        %mul3A_1473 = arith.mulf %get3A_1470, %mul3A_1472 : vector<16xf32>
        %add3A_1474 = arith.addf %mul3A_1473, %get3A_1045 : vector<16xf32>
        tpu.vector_store_idx %arg14[%add3A_6, %broadcast_in_dim3A_1460], %add3A_1474 : memref<64x129xf32, #tpu.memory_space<vmem>>[vector<16xi32>, vector<16xi32>], vector<16xf32>,
        %get3A_1475 = arith.index_cast %scan3A_1459 : i32 to index
        %get3A_1476 = arith.constant 32 : index
        %get3A_1477 = tpu.vector_load %arg10[%get3A_1475, %get3A_1476] {strides = array<i32>} : memref<128x64xf32, #tpu.memory_space<vmem>>, vector<16xf32>,
        %mul3A_1478 = arith.constant 8.000000e+00 : f32
        %mul3A_1479 = vector.broadcast %mul3A_1478 : f32 to vector<16xf32>
        %mul3A_1480 = arith.mulf %get3A_1477, %mul3A_1479 : vector<16xf32>
        %add3A_1481 = arith.addf %mul3A_1480, %get3A_1048 : vector<16xf32>
        tpu.vector_store_idx %arg14[%add3A_9, %broadcast_in_dim3A_1460], %add3A_1481 : memref<64x129xf32, #tpu.memory_space<vmem>>[vector<16xi32>, vector<16xi32>], vector<16xf32>,
        %get3A_1482 = arith.index_cast %scan3A_1459 : i32 to index
        %get3A_1483 = arith.constant 48 : index
        %get3A_1484 = tpu.vector_load %arg10[%get3A_1482, %get3A_1483] {strides = array<i32>} : memref<128x64xf32, #tpu.memory_space<vmem>>, vector<16xf32>,
        %mul3A_1485 = arith.constant 8.000000e+00 : f32
        %mul3A_1486 = vector.broadcast %mul3A_1485 : f32 to vector<16xf32>
        %mul3A_1487 = arith.mulf %get3A_1484, %mul3A_1486 : vector<16xf32>
        %add3A_1488 = arith.addf %mul3A_1487, %get3A_1051 : vector<16xf32>
        tpu.vector_store_idx %arg14[%add3A_12, %broadcast_in_dim3A_1460], %add3A_1488 : memref<64x129xf32, #tpu.memory_space<vmem>>[vector<16xi32>, vector<16xi32>], vector<16xf32>,
        %scan3A_1489 = arith.constant 3 : i32
        %scan3A_1490 = arith.addi %scan3A_1398, %scan3A_1489 : i32
        %broadcast_in_dim3A_1491 = vector.broadcast %scan3A_1490 : i32 to vector<16xi32>
        %get3A_1492 = arith.index_cast %scan3A_1490 : i32 to index
        %get3A_1493 = arith.constant 0 : index
        %get3A_1494 = tpu.vector_load %arg10[%get3A_1492, %get3A_1493] {strides = array<i32>} : memref<128x64xf32, #tpu.memory_space<vmem>>, vector<16xf32>,
        %mul3A_1495 = arith.constant 8.000000e+00 : f32
        %mul3A_1496 = vector.broadcast %mul3A_1495 : f32 to vector<16xf32>
        %mul3A_1497 = arith.mulf %get3A_1494, %mul3A_1496 : vector<16xf32>
        %add3A_1498 = arith.addf %mul3A_1497, %get3A_1042 : vector<16xf32>
        tpu.vector_store_idx %arg14[%add3A_3, %broadcast_in_dim3A_1491], %add3A_1498 : memref<64x129xf32, #tpu.memory_space<vmem>>[vector<16xi32>, vector<16xi32>], vector<16xf32>,
        %get3A_1499 = arith.index_cast %scan3A_1490 : i32 to index
        %get3A_1500 = arith.constant 16 : index
        %get3A_1501 = tpu.vector_load %arg10[%get3A_1499, %get3A_1500] {strides = array<i32>} : memref<128x64xf32, #tpu.memory_space<vmem>>, vector<16xf32>,
        %mul3A_1502 = arith.constant 8.000000e+00 : f32
        %mul3A_1503 = vector.broadcast %mul3A_1502 : f32 to vector<16xf32>
        %mul3A_1504 = arith.mulf %get3A_1501, %mul3A_1503 : vector<16xf32>
        %add3A_1505 = arith.addf %mul3A_1504, %get3A_1045 : vector<16xf32>
        tpu.vector_store_idx %arg14[%add3A_6, %broadcast_in_dim3A_1491], %add3A_1505 : memref<64x129xf32, #tpu.memory_space<vmem>>[vector<16xi32>, vector<16xi32>], vector<16xf32>,
        %get3A_1506 = arith.index_cast %scan3A_1490 : i32 to index
        %get3A_1507 = arith.constant 32 : index
        %get3A_1508 = tpu.vector_load %arg10[%get3A_1506, %get3A_1507] {strides = array<i32>} : memref<128x64xf32, #tpu.memory_space<vmem>>, vector<16xf32>,
        %mul3A_1509 = arith.constant 8.000000e+00 : f32
        %mul3A_1510 = vector.broadcast %mul3A_1509 : f32 to vector<16xf32>
        %mul3A_1511 = arith.mulf %get3A_1508, %mul3A_1510 : vector<16xf32>
        %add3A_1512 = arith.addf %mul3A_1511, %get3A_1048 : vector<16xf32>
        tpu.vector_store_idx %arg14[%add3A_9, %broadcast_in_dim3A_1491], %add3A_1512 : memref<64x129xf32, #tpu.memory_space<vmem>>[vector<16xi32>, vector<16xi32>], vector<16xf32>,
        %get3A_1513 = arith.index_cast %scan3A_1490 : i32 to index
        %get3A_1514 = arith.constant 48 : index
        %get3A_1515 = tpu.vector_load %arg10[%get3A_1513, %get3A_1514] {strides = array<i32>} : memref<128x64xf32, #tpu.memory_space<vmem>>, vector<16xf32>,
        %mul3A_1516 = arith.constant 8.000000e+00 : f32
        %mul3A_1517 = vector.broadcast %mul3A_1516 : f32 to vector<16xf32>
        %mul3A_1518 = arith.mulf %get3A_1515, %mul3A_1517 : vector<16xf32>
        %add3A_1519 = arith.addf %mul3A_1518, %get3A_1051 : vector<16xf32>
        tpu.vector_store_idx %arg14[%add3A_12, %broadcast_in_dim3A_1491], %add3A_1519 : memref<64x129xf32, #tpu.memory_space<vmem>>[vector<16xi32>, vector<16xi32>], vector<16xf32>,
        %scan3A_1520 = arith.constant 4 : i32
        %scan3A_1521 = arith.addi %scan3A_1398, %scan3A_1520 : i32
        %broadcast_in_dim3A_1522 = vector.broadcast %scan3A_1521 : i32 to vector<16xi32>
        %get3A_1523 = arith.index_cast %scan3A_1521 : i32 to index
        %get3A_1524 = arith.constant 0 : index
        %get3A_1525 = tpu.vector_load %arg10[%get3A_1523, %get3A_1524] {strides = array<i32>} : memref<128x64xf32, #tpu.memory_space<vmem>>, vector<16xf32>,
        %mul3A_1526 = arith.constant 8.000000e+00 : f32
        %mul3A_1527 = vector.broadcast %mul3A_1526 : f32 to vector<16xf32>
        %mul3A_1528 = arith.mulf %get3A_1525, %mul3A_1527 : vector<16xf32>
        %add3A_1529 = arith.addf %mul3A_1528, %get3A_1042 : vector<16xf32>
        tpu.vector_store_idx %arg14[%add3A_3, %broadcast_in_dim3A_1522], %add3A_1529 : memref<64x129xf32, #tpu.memory_space<vmem>>[vector<16xi32>, vector<16xi32>], vector<16xf32>,
        %get3A_1530 = arith.index_cast %scan3A_1521 : i32 to index
        %get3A_1531 = arith.constant 16 : index
        %get3A_1532 = tpu.vector_load %arg10[%get3A_1530, %get3A_1531] {strides = array<i32>} : memref<128x64xf32, #tpu.memory_space<vmem>>, vector<16xf32>,
        %mul3A_1533 = arith.constant 8.000000e+00 : f32
        %mul3A_1534 = vector.broadcast %mul3A_1533 : f32 to vector<16xf32>
        %mul3A_1535 = arith.mulf %get3A_1532, %mul3A_1534 : vector<16xf32>
        %add3A_1536 = arith.addf %mul3A_1535, %get3A_1045 : vector<16xf32>
        tpu.vector_store_idx %arg14[%add3A_6, %broadcast_in_dim3A_1522], %add3A_1536 : memref<64x129xf32, #tpu.memory_space<vmem>>[vector<16xi32>, vector<16xi32>], vector<16xf32>,
        %get3A_1537 = arith.index_cast %scan3A_1521 : i32 to index
        %get3A_1538 = arith.constant 32 : index
        %get3A_1539 = tpu.vector_load %arg10[%get3A_1537, %get3A_1538] {strides = array<i32>} : memref<128x64xf32, #tpu.memory_space<vmem>>, vector<16xf32>,
        %mul3A_1540 = arith.constant 8.000000e+00 : f32
        %mul3A_1541 = vector.broadcast %mul3A_1540 : f32 to vector<16xf32>
        %mul3A_1542 = arith.mulf %get3A_1539, %mul3A_1541 : vector<16xf32>
        %add3A_1543 = arith.addf %mul3A_1542, %get3A_1048 : vector<16xf32>
        tpu.vector_store_idx %arg14[%add3A_9, %broadcast_in_dim3A_1522], %add3A_1543 : memref<64x129xf32, #tpu.memory_space<vmem>>[vector<16xi32>, vector<16xi32>], vector<16xf32>,
        %get3A_1544 = arith.index_cast %scan3A_1521 : i32 to index
        %get3A_1545 = arith.constant 48 : index
        %get3A_1546 = tpu.vector_load %arg10[%get3A_1544, %get3A_1545] {strides = array<i32>} : memref<128x64xf32, #tpu.memory_space<vmem>>, vector<16xf32>,
        %mul3A_1547 = arith.constant 8.000000e+00 : f32
        %mul3A_1548 = vector.broadcast %mul3A_1547 : f32 to vector<16xf32>
        %mul3A_1549 = arith.mulf %get3A_1546, %mul3A_1548 : vector<16xf32>
        %add3A_1550 = arith.addf %mul3A_1549, %get3A_1051 : vector<16xf32>
        tpu.vector_store_idx %arg14[%add3A_12, %broadcast_in_dim3A_1522], %add3A_1550 : memref<64x129xf32, #tpu.memory_space<vmem>>[vector<16xi32>, vector<16xi32>], vector<16xf32>,
        %scan3A_1551 = arith.constant 5 : i32
        %scan3A_1552 = arith.addi %scan3A_1398, %scan3A_1551 : i32
        %broadcast_in_dim3A_1553 = vector.broadcast %scan3A_1552 : i32 to vector<16xi32>
        %get3A_1554 = arith.index_cast %scan3A_1552 : i32 to index
        %get3A_1555 = arith.constant 0 : index
        %get3A_1556 = tpu.vector_load %arg10[%get3A_1554, %get3A_1555] {strides = array<i32>} : memref<128x64xf32, #tpu.memory_space<vmem>>, vector<16xf32>,
        %mul3A_1557 = arith.constant 8.000000e+00 : f32
        %mul3A_1558 = vector.broadcast %mul3A_1557 : f32 to vector<16xf32>
        %mul3A_1559 = arith.mulf %get3A_1556, %mul3A_1558 : vector<16xf32>
        %add3A_1560 = arith.addf %mul3A_1559, %get3A_1042 : vector<16xf32>
        tpu.vector_store_idx %arg14[%add3A_3, %broadcast_in_dim3A_1553], %add3A_1560 : memref<64x129xf32, #tpu.memory_space<vmem>>[vector<16xi32>, vector<16xi32>], vector<16xf32>,
        %get3A_1561 = arith.index_cast %scan3A_1552 : i32 to index
        %get3A_1562 = arith.constant 16 : index
        %get3A_1563 = tpu.vector_load %arg10[%get3A_1561, %get3A_1562] {strides = array<i32>} : memref<128x64xf32, #tpu.memory_space<vmem>>, vector<16xf32>,
        %mul3A_1564 = arith.constant 8.000000e+00 : f32
        %mul3A_1565 = vector.broadcast %mul3A_1564 : f32 to vector<16xf32>
        %mul3A_1566 = arith.mulf %get3A_1563, %mul3A_1565 : vector<16xf32>
        %add3A_1567 = arith.addf %mul3A_1566, %get3A_1045 : vector<16xf32>
        tpu.vector_store_idx %arg14[%add3A_6, %broadcast_in_dim3A_1553], %add3A_1567 : memref<64x129xf32, #tpu.memory_space<vmem>>[vector<16xi32>, vector<16xi32>], vector<16xf32>,
        %get3A_1568 = arith.index_cast %scan3A_1552 : i32 to index
        %get3A_1569 = arith.constant 32 : index
        %get3A_1570 = tpu.vector_load %arg10[%get3A_1568, %get3A_1569] {strides = array<i32>} : memref<128x64xf32, #tpu.memory_space<vmem>>, vector<16xf32>,
        %mul3A_1571 = arith.constant 8.000000e+00 : f32
        %mul3A_1572 = vector.broadcast %mul3A_1571 : f32 to vector<16xf32>
        %mul3A_1573 = arith.mulf %get3A_1570, %mul3A_1572 : vector<16xf32>
        %add3A_1574 = arith.addf %mul3A_1573, %get3A_1048 : vector<16xf32>
        tpu.vector_store_idx %arg14[%add3A_9, %broadcast_in_dim3A_1553], %add3A_1574 : memref<64x129xf32, #tpu.memory_space<vmem>>[vector<16xi32>, vector<16xi32>], vector<16xf32>,
        %get3A_1575 = arith.index_cast %scan3A_1552 : i32 to index
        %get3A_1576 = arith.constant 48 : index
        %get3A_1577 = tpu.vector_load %arg10[%get3A_1575, %get3A_1576] {strides = array<i32>} : memref<128x64xf32, #tpu.memory_space<vmem>>, vector<16xf32>,
        %mul3A_1578 = arith.constant 8.000000e+00 : f32
        %mul3A_1579 = vector.broadcast %mul3A_1578 : f32 to vector<16xf32>
        %mul3A_1580 = arith.mulf %get3A_1577, %mul3A_1579 : vector<16xf32>
        %add3A_1581 = arith.addf %mul3A_1580, %get3A_1051 : vector<16xf32>
        tpu.vector_store_idx %arg14[%add3A_12, %broadcast_in_dim3A_1553], %add3A_1581 : memref<64x129xf32, #tpu.memory_space<vmem>>[vector<16xi32>, vector<16xi32>], vector<16xf32>,
        %scan3A_1582 = arith.constant 6 : i32
        %scan3A_1583 = arith.addi %scan3A_1398, %scan3A_1582 : i32
        %broadcast_in_dim3A_1584 = vector.broadcast %scan3A_1583 : i32 to vector<16xi32>
        %get3A_1585 = arith.index_cast %scan3A_1583 : i32 to index
        %get3A_1586 = arith.constant 0 : index
        %get3A_1587 = tpu.vector_load %arg10[%get3A_1585, %get3A_1586] {strides = array<i32>} : memref<128x64xf32, #tpu.memory_space<vmem>>, vector<16xf32>,
        %mul3A_1588 = arith.constant 8.000000e+00 : f32
        %mul3A_1589 = vector.broadcast %mul3A_1588 : f32 to vector<16xf32>
        %mul3A_1590 = arith.mulf %get3A_1587, %mul3A_1589 : vector<16xf32>
        %add3A_1591 = arith.addf %mul3A_1590, %get3A_1042 : vector<16xf32>
        tpu.vector_store_idx %arg14[%add3A_3, %broadcast_in_dim3A_1584], %add3A_1591 : memref<64x129xf32, #tpu.memory_space<vmem>>[vector<16xi32>, vector<16xi32>], vector<16xf32>,
        %get3A_1592 = arith.index_cast %scan3A_1583 : i32 to index
        %get3A_1593 = arith.constant 16 : index
        %get3A_1594 = tpu.vector_load %arg10[%get3A_1592, %get3A_1593] {strides = array<i32>} : memref<128x64xf32, #tpu.memory_space<vmem>>, vector<16xf32>,
        %mul3A_1595 = arith.constant 8.000000e+00 : f32
        %mul3A_1596 = vector.broadcast %mul3A_1595 : f32 to vector<16xf32>
        %mul3A_1597 = arith.mulf %get3A_1594, %mul3A_1596 : vector<16xf32>
        %add3A_1598 = arith.addf %mul3A_1597, %get3A_1045 : vector<16xf32>
        tpu.vector_store_idx %arg14[%add3A_6, %broadcast_in_dim3A_1584], %add3A_1598 : memref<64x129xf32, #tpu.memory_space<vmem>>[vector<16xi32>, vector<16xi32>], vector<16xf32>,
        %get3A_1599 = arith.index_cast %scan3A_1583 : i32 to index
        %get3A_1600 = arith.constant 32 : index
        %get3A_1601 = tpu.vector_load %arg10[%get3A_1599, %get3A_1600] {strides = array<i32>} : memref<128x64xf32, #tpu.memory_space<vmem>>, vector<16xf32>,
        %mul3A_1602 = arith.constant 8.000000e+00 : f32
        %mul3A_1603 = vector.broadcast %mul3A_1602 : f32 to vector<16xf32>
        %mul3A_1604 = arith.mulf %get3A_1601, %mul3A_1603 : vector<16xf32>
        %add3A_1605 = arith.addf %mul3A_1604, %get3A_1048 : vector<16xf32>
        tpu.vector_store_idx %arg14[%add3A_9, %broadcast_in_dim3A_1584], %add3A_1605 : memref<64x129xf32, #tpu.memory_space<vmem>>[vector<16xi32>, vector<16xi32>], vector<16xf32>,
        %get3A_1606 = arith.index_cast %scan3A_1583 : i32 to index
        %get3A_1607 = arith.constant 48 : index
        %get3A_1608 = tpu.vector_load %arg10[%get3A_1606, %get3A_1607] {strides = array<i32>} : memref<128x64xf32, #tpu.memory_space<vmem>>, vector<16xf32>,
        %mul3A_1609 = arith.constant 8.000000e+00 : f32
        %mul3A_1610 = vector.broadcast %mul3A_1609 : f32 to vector<16xf32>
        %mul3A_1611 = arith.mulf %get3A_1608, %mul3A_1610 : vector<16xf32>
        %add3A_1612 = arith.addf %mul3A_1611, %get3A_1051 : vector<16xf32>
        tpu.vector_store_idx %arg14[%add3A_12, %broadcast_in_dim3A_1584], %add3A_1612 : memref<64x129xf32, #tpu.memory_space<vmem>>[vector<16xi32>, vector<16xi32>], vector<16xf32>,
        %scan3A_1613 = arith.constant 7 : i32
        %scan3A_1614 = arith.addi %scan3A_1398, %scan3A_1613 : i32
        %broadcast_in_dim3A_1615 = vector.broadcast %scan3A_1614 : i32 to vector<16xi32>
        %get3A_1616 = arith.index_cast %scan3A_1614 : i32 to index
        %get3A_1617 = arith.constant 0 : index
        %get3A_1618 = tpu.vector_load %arg10[%get3A_1616, %get3A_1617] {strides = array<i32>} : memref<128x64xf32, #tpu.memory_space<vmem>>, vector<16xf32>,
        %mul3A_1619 = arith.constant 8.000000e+00 : f32
        %mul3A_1620 = vector.broadcast %mul3A_1619 : f32 to vector<16xf32>
        %mul3A_1621 = arith.mulf %get3A_1618, %mul3A_1620 : vector<16xf32>
        %add3A_1622 = arith.addf %mul3A_1621, %get3A_1042 : vector<16xf32>
        tpu.vector_store_idx %arg14[%add3A_3, %broadcast_in_dim3A_1615], %add3A_1622 : memref<64x129xf32, #tpu.memory_space<vmem>>[vector<16xi32>, vector<16xi32>], vector<16xf32>,
        %get3A_1623 = arith.index_cast %scan3A_1614 : i32 to index
        %get3A_1624 = arith.constant 16 : index
        %get3A_1625 = tpu.vector_load %arg10[%get3A_1623, %get3A_1624] {strides = array<i32>} : memref<128x64xf32, #tpu.memory_space<vmem>>, vector<16xf32>,
        %mul3A_1626 = arith.constant 8.000000e+00 : f32
        %mul3A_1627 = vector.broadcast %mul3A_1626 : f32 to vector<16xf32>
        %mul3A_1628 = arith.mulf %get3A_1625, %mul3A_1627 : vector<16xf32>
        %add3A_1629 = arith.addf %mul3A_1628, %get3A_1045 : vector<16xf32>
        tpu.vector_store_idx %arg14[%add3A_6, %broadcast_in_dim3A_1615], %add3A_1629 : memref<64x129xf32, #tpu.memory_space<vmem>>[vector<16xi32>, vector<16xi32>], vector<16xf32>,
        %get3A_1630 = arith.index_cast %scan3A_1614 : i32 to index
        %get3A_1631 = arith.constant 32 : index
        %get3A_1632 = tpu.vector_load %arg10[%get3A_1630, %get3A_1631] {strides = array<i32>} : memref<128x64xf32, #tpu.memory_space<vmem>>, vector<16xf32>,
        %mul3A_1633 = arith.constant 8.000000e+00 : f32
        %mul3A_1634 = vector.broadcast %mul3A_1633 : f32 to vector<16xf32>
        %mul3A_1635 = arith.mulf %get3A_1632, %mul3A_1634 : vector<16xf32>
        %add3A_1636 = arith.addf %mul3A_1635, %get3A_1048 : vector<16xf32>
        tpu.vector_store_idx %arg14[%add3A_9, %broadcast_in_dim3A_1615], %add3A_1636 : memref<64x129xf32, #tpu.memory_space<vmem>>[vector<16xi32>, vector<16xi32>], vector<16xf32>,
        %get3A_1637 = arith.index_cast %scan3A_1614 : i32 to index
        %get3A_1638 = arith.constant 48 : index
        %get3A_1639 = tpu.vector_load %arg10[%get3A_1637, %get3A_1638] {strides = array<i32>} : memref<128x64xf32, #tpu.memory_space<vmem>>, vector<16xf32>,
        %mul3A_1640 = arith.constant 8.000000e+00 : f32
        %mul3A_1641 = vector.broadcast %mul3A_1640 : f32 to vector<16xf32>
        %mul3A_1642 = arith.mulf %get3A_1639, %mul3A_1641 : vector<16xf32>
        %add3A_1643 = arith.addf %mul3A_1642, %get3A_1051 : vector<16xf32>
        tpu.vector_store_idx %arg14[%add3A_12, %broadcast_in_dim3A_1615], %add3A_1643 : memref<64x129xf32, #tpu.memory_space<vmem>>[vector<16xi32>, vector<16xi32>], vector<16xf32>,
      }
      %scan3A_1057 = arith.constant 128 : i32
      %dma_start3A_1058 = arith.constant 0 : i32
      %dma_start3A_1059 = arith.constant 2 : i32
      %dma_start3A_1060 = arith.constant 0 : i32
      %dma_start3A_1061 = arith.constant 0 : i32
      %dma_start3A_1062 = tpu.memref_slice %arg14[%dma_start3A_1060, %dma_start3A_1061] : memref<64x129xf32, #tpu.memory_space<vmem>> -> memref<8x128xf32, #tpu.memory_space<vmem>>
      %dma_start3A_1063 = arith.constant 0 : i32
      %dma_start3A_1064 = arith.constant 0 : i32
      %dma_start3A_1065 = tpu.memref_slice %arg5[%add3A_1023, %dma_start3A_1058, %add3A, %dma_start3A_1063, %dma_start3A_1064] : memref<200x8x32x8x128xf32, #tpu.memory_space<hbm>> -> memref<1x1x1x8x128xf32, #tpu.memory_space<hbm>>
      %dma_start3A_1066 = tpu.memref_squeeze %dma_start3A_1065 : memref<1x1x1x8x128xf32, #tpu.memory_space<hbm>> -> memref<8x128xf32, #tpu.memory_space<hbm>>
      %dma_start3A_1067 = tpu.memref_slice %arg17[%dma_start3A_1059] : memref<4x!tpu.dma_semaphore, #tpu.memory_space<semaphore_mem>> -> memref<1x!tpu.dma_semaphore, #tpu.memory_space<semaphore_mem>>
      %dma_start3A_1068 = tpu.memref_squeeze %dma_start3A_1067 : memref<1x!tpu.dma_semaphore, #tpu.memory_space<semaphore_mem>> -> memref<!tpu.dma_semaphore, #tpu.memory_space<semaphore_mem>>
      %dma_start3A_1069 = arith.constant 0 : i32
      %dma_start3A_1070 = arith.constant 0 : i32
      %dma_start3A_1071 = tpu.memref_slice %arg5[%add3A_1023, %dma_start3A_1058, %add3A, %dma_start3A_1069, %dma_start3A_1070] : memref<200x8x32x8x128xf32, #tpu.memory_space<hbm>> -> memref<1x1x1x8x128xf32, #tpu.memory_space<hbm>>
      %dma_start3A_1072 = tpu.memref_squeeze %dma_start3A_1071 : memref<1x1x1x8x128xf32, #tpu.memory_space<hbm>> -> memref<8x128xf32, #tpu.memory_space<hbm>>
      %dma_start3A_1073 = arith.constant 0 : i32
      %dma_start3A_1074 = arith.constant 0 : i32
      %dma_start3A_1075 = tpu.memref_slice %arg14[%dma_start3A_1073, %dma_start3A_1074] : memref<64x129xf32, #tpu.memory_space<vmem>> -> memref<8x128xf32, #tpu.memory_space<vmem>>
      tpu.enqueue_dma source(%dma_start3A_1075 : memref<8x128xf32, #tpu.memory_space<vmem>>) target(%dma_start3A_1072 : memref<8x128xf32, #tpu.memory_space<hbm>>) target_semaphore(%dma_start3A_1068 : memref<!tpu.dma_semaphore, #tpu.memory_space<semaphore_mem>>)
      %dma_start3A_1076 = arith.constant 1 : i32
      %dma_start3A_1077 = arith.constant 2 : i32
      %dma_start3A_1078 = arith.constant 8 : i32
      %dma_start3A_1079 = arith.constant 0 : i32
      %dma_start3A_1080 = tpu.memref_slice %arg14[%dma_start3A_1078, %dma_start3A_1079] : memref<64x129xf32, #tpu.memory_space<vmem>> -> memref<8x128xf32, #tpu.memory_space<vmem>>
      %dma_start3A_1081 = arith.constant 0 : i32
      %dma_start3A_1082 = arith.constant 0 : i32
      %dma_start3A_1083 = tpu.memref_slice %arg5[%add3A_1023, %dma_start3A_1076, %add3A, %dma_start3A_1081, %dma_start3A_1082] : memref<200x8x32x8x128xf32, #tpu.memory_space<hbm>> -> memref<1x1x1x8x128xf32, #tpu.memory_space<hbm>>
      %dma_start3A_1084 = tpu.memref_squeeze %dma_start3A_1083 : memref<1x1x1x8x128xf32, #tpu.memory_space<hbm>> -> memref<8x128xf32, #tpu.memory_space<hbm>>
      %dma_start3A_1085 = tpu.memref_slice %arg17[%dma_start3A_1077] : memref<4x!tpu.dma_semaphore, #tpu.memory_space<semaphore_mem>> -> memref<1x!tpu.dma_semaphore, #tpu.memory_space<semaphore_mem>>
      %dma_start3A_1086 = tpu.memref_squeeze %dma_start3A_1085 : memref<1x!tpu.dma_semaphore, #tpu.memory_space<semaphore_mem>> -> memref<!tpu.dma_semaphore, #tpu.memory_space<semaphore_mem>>
      %dma_start3A_1087 = arith.constant 0 : i32
      %dma_start3A_1088 = arith.constant 0 : i32
      %dma_start3A_1089 = tpu.memref_slice %arg5[%add3A_1023, %dma_start3A_1076, %add3A, %dma_start3A_1087, %dma_start3A_1088] : memref<200x8x32x8x128xf32, #tpu.memory_space<hbm>> -> memref<1x1x1x8x128xf32, #tpu.memory_space<hbm>>
      %dma_start3A_1090 = tpu.memref_squeeze %dma_start3A_1089 : memref<1x1x1x8x128xf32, #tpu.memory_space<hbm>> -> memref<8x128xf32, #tpu.memory_space<hbm>>
      %dma_start3A_1091 = arith.constant 8 : i32
      %dma_start3A_1092 = arith.constant 0 : i32
      %dma_start3A_1093 = tpu.memref_slice %arg14[%dma_start3A_1091, %dma_start3A_1092] : memref<64x129xf32, #tpu.memory_space<vmem>> -> memref<8x128xf32, #tpu.memory_space<vmem>>
      tpu.enqueue_dma source(%dma_start3A_1093 : memref<8x128xf32, #tpu.memory_space<vmem>>) target(%dma_start3A_1090 : memref<8x128xf32, #tpu.memory_space<hbm>>) target_semaphore(%dma_start3A_1086 : memref<!tpu.dma_semaphore, #tpu.memory_space<semaphore_mem>>)
      %dma_start3A_1094 = arith.constant 2 : i32
      %dma_start3A_1095 = arith.constant 2 : i32
      %dma_start3A_1096 = arith.constant 16 : i32
      %dma_start3A_1097 = arith.constant 0 : i32
      %dma_start3A_1098 = tpu.memref_slice %arg14[%dma_start3A_1096, %dma_start3A_1097] : memref<64x129xf32, #tpu.memory_space<vmem>> -> memref<8x128xf32, #tpu.memory_space<vmem>>
      %dma_start3A_1099 = arith.constant 0 : i32
      %dma_start3A_1100 = arith.constant 0 : i32
      %dma_start3A_1101 = tpu.memref_slice %arg5[%add3A_1023, %dma_start3A_1094, %add3A, %dma_start3A_1099, %dma_start3A_1100] : memref<200x8x32x8x128xf32, #tpu.memory_space<hbm>> -> memref<1x1x1x8x128xf32, #tpu.memory_space<hbm>>
      %dma_start3A_1102 = tpu.memref_squeeze %dma_start3A_1101 : memref<1x1x1x8x128xf32, #tpu.memory_space<hbm>> -> memref<8x128xf32, #tpu.memory_space<hbm>>
      %dma_start3A_1103 = tpu.memref_slice %arg17[%dma_start3A_1095] : memref<4x!tpu.dma_semaphore, #tpu.memory_space<semaphore_mem>> -> memref<1x!tpu.dma_semaphore, #tpu.memory_space<semaphore_mem>>
      %dma_start3A_1104 = tpu.memref_squeeze %dma_start3A_1103 : memref<1x!tpu.dma_semaphore, #tpu.memory_space<semaphore_mem>> -> memref<!tpu.dma_semaphore, #tpu.memory_space<semaphore_mem>>
      %dma_start3A_1105 = arith.constant 0 : i32
      %dma_start3A_1106 = arith.constant 0 : i32
      %dma_start3A_1107 = tpu.memref_slice %arg5[%add3A_1023, %dma_start3A_1094, %add3A, %dma_start3A_1105, %dma_start3A_1106] : memref<200x8x32x8x128xf32, #tpu.memory_space<hbm>> -> memref<1x1x1x8x128xf32, #tpu.memory_space<hbm>>
      %dma_start3A_1108 = tpu.memref_squeeze %dma_start3A_1107 : memref<1x1x1x8x128xf32, #tpu.memory_space<hbm>> -> memref<8x128xf32, #tpu.memory_space<hbm>>
      %dma_start3A_1109 = arith.constant 16 : i32
      %dma_start3A_1110 = arith.constant 0 : i32
      %dma_start3A_1111 = tpu.memref_slice %arg14[%dma_start3A_1109, %dma_start3A_1110] : memref<64x129xf32, #tpu.memory_space<vmem>> -> memref<8x128xf32, #tpu.memory_space<vmem>>
      tpu.enqueue_dma source(%dma_start3A_1111 : memref<8x128xf32, #tpu.memory_space<vmem>>) target(%dma_start3A_1108 : memref<8x128xf32, #tpu.memory_space<hbm>>) target_semaphore(%dma_start3A_1104 : memref<!tpu.dma_semaphore, #tpu.memory_space<semaphore_mem>>)
      %dma_start3A_1112 = arith.constant 3 : i32
      %dma_start3A_1113 = arith.constant 2 : i32
      %dma_start3A_1114 = arith.constant 24 : i32
      %dma_start3A_1115 = arith.constant 0 : i32
      %dma_start3A_1116 = tpu.memref_slice %arg14[%dma_start3A_1114, %dma_start3A_1115] : memref<64x129xf32, #tpu.memory_space<vmem>> -> memref<8x128xf32, #tpu.memory_space<vmem>>
      %dma_start3A_1117 = arith.constant 0 : i32
      %dma_start3A_1118 = arith.constant 0 : i32
      %dma_start3A_1119 = tpu.memref_slice %arg5[%add3A_1023, %dma_start3A_1112, %add3A, %dma_start3A_1117, %dma_start3A_1118] : memref<200x8x32x8x128xf32, #tpu.memory_space<hbm>> -> memref<1x1x1x8x128xf32, #tpu.memory_space<hbm>>
      %dma_start3A_1120 = tpu.memref_squeeze %dma_start3A_1119 : memref<1x1x1x8x128xf32, #tpu.memory_space<hbm>> -> memref<8x128xf32, #tpu.memory_space<hbm>>
      %dma_start3A_1121 = tpu.memref_slice %arg17[%dma_start3A_1113] : memref<4x!tpu.dma_semaphore, #tpu.memory_space<semaphore_mem>> -> memref<1x!tpu.dma_semaphore, #tpu.memory_space<semaphore_mem>>
      %dma_start3A_1122 = tpu.memref_squeeze %dma_start3A_1121 : memref<1x!tpu.dma_semaphore, #tpu.memory_space<semaphore_mem>> -> memref<!tpu.dma_semaphore, #tpu.memory_space<semaphore_mem>>
      %dma_start3A_1123 = arith.constant 0 : i32
      %dma_start3A_1124 = arith.constant 0 : i32
      %dma_start3A_1125 = tpu.memref_slice %arg5[%add3A_1023, %dma_start3A_1112, %add3A, %dma_start3A_1123, %dma_start3A_1124] : memref<200x8x32x8x128xf32, #tpu.memory_space<hbm>> -> memref<1x1x1x8x128xf32, #tpu.memory_space<hbm>>
      %dma_start3A_1126 = tpu.memref_squeeze %dma_start3A_1125 : memref<1x1x1x8x128xf32, #tpu.memory_space<hbm>> -> memref<8x128xf32, #tpu.memory_space<hbm>>
      %dma_start3A_1127 = arith.constant 24 : i32
      %dma_start3A_1128 = arith.constant 0 : i32
      %dma_start3A_1129 = tpu.memref_slice %arg14[%dma_start3A_1127, %dma_start3A_1128] : memref<64x129xf32, #tpu.memory_space<vmem>> -> memref<8x128xf32, #tpu.memory_space<vmem>>
      tpu.enqueue_dma source(%dma_start3A_1129 : memref<8x128xf32, #tpu.memory_space<vmem>>) target(%dma_start3A_1126 : memref<8x128xf32, #tpu.memory_space<hbm>>) target_semaphore(%dma_start3A_1122 : memref<!tpu.dma_semaphore, #tpu.memory_space<semaphore_mem>>)
      %dma_start3A_1130 = arith.constant 4 : i32
      %dma_start3A_1131 = arith.constant 2 : i32
      %dma_start3A_1132 = arith.constant 32 : i32
      %dma_start3A_1133 = arith.constant 0 : i32
      %dma_start3A_1134 = tpu.memref_slice %arg14[%dma_start3A_1132, %dma_start3A_1133] : memref<64x129xf32, #tpu.memory_space<vmem>> -> memref<8x128xf32, #tpu.memory_space<vmem>>
      %dma_start3A_1135 = arith.constant 0 : i32
      %dma_start3A_1136 = arith.constant 0 : i32
      %dma_start3A_1137 = tpu.memref_slice %arg5[%add3A_1023, %dma_start3A_1130, %add3A, %dma_start3A_1135, %dma_start3A_1136] : memref<200x8x32x8x128xf32, #tpu.memory_space<hbm>> -> memref<1x1x1x8x128xf32, #tpu.memory_space<hbm>>
      %dma_start3A_1138 = tpu.memref_squeeze %dma_start3A_1137 : memref<1x1x1x8x128xf32, #tpu.memory_space<hbm>> -> memref<8x128xf32, #tpu.memory_space<hbm>>
      %dma_start3A_1139 = tpu.memref_slice %arg17[%dma_start3A_1131] : memref<4x!tpu.dma_semaphore, #tpu.memory_space<semaphore_mem>> -> memref<1x!tpu.dma_semaphore, #tpu.memory_space<semaphore_mem>>
      %dma_start3A_1140 = tpu.memref_squeeze %dma_start3A_1139 : memref<1x!tpu.dma_semaphore, #tpu.memory_space<semaphore_mem>> -> memref<!tpu.dma_semaphore, #tpu.memory_space<semaphore_mem>>
      %dma_start3A_1141 = arith.constant 0 : i32
      %dma_start3A_1142 = arith.constant 0 : i32
      %dma_start3A_1143 = tpu.memref_slice %arg5[%add3A_1023, %dma_start3A_1130, %add3A, %dma_start3A_1141, %dma_start3A_1142] : memref<200x8x32x8x128xf32, #tpu.memory_space<hbm>> -> memref<1x1x1x8x128xf32, #tpu.memory_space<hbm>>
      %dma_start3A_1144 = tpu.memref_squeeze %dma_start3A_1143 : memref<1x1x1x8x128xf32, #tpu.memory_space<hbm>> -> memref<8x128xf32, #tpu.memory_space<hbm>>
      %dma_start3A_1145 = arith.constant 32 : i32
      %dma_start3A_1146 = arith.constant 0 : i32
      %dma_start3A_1147 = tpu.memref_slice %arg14[%dma_start3A_1145, %dma_start3A_1146] : memref<64x129xf32, #tpu.memory_space<vmem>> -> memref<8x128xf32, #tpu.memory_space<vmem>>
      tpu.enqueue_dma source(%dma_start3A_1147 : memref<8x128xf32, #tpu.memory_space<vmem>>) target(%dma_start3A_1144 : memref<8x128xf32, #tpu.memory_space<hbm>>) target_semaphore(%dma_start3A_1140 : memref<!tpu.dma_semaphore, #tpu.memory_space<semaphore_mem>>)
      %dma_start3A_1148 = arith.constant 5 : i32
      %dma_start3A_1149 = arith.constant 2 : i32
      %dma_start3A_1150 = arith.constant 40 : i32
      %dma_start3A_1151 = arith.constant 0 : i32
      %dma_start3A_1152 = tpu.memref_slice %arg14[%dma_start3A_1150, %dma_start3A_1151] : memref<64x129xf32, #tpu.memory_space<vmem>> -> memref<8x128xf32, #tpu.memory_space<vmem>>
      %dma_start3A_1153 = arith.constant 0 : i32
      %dma_start3A_1154 = arith.constant 0 : i32
      %dma_start3A_1155 = tpu.memref_slice %arg5[%add3A_1023, %dma_start3A_1148, %add3A, %dma_start3A_1153, %dma_start3A_1154] : memref<200x8x32x8x128xf32, #tpu.memory_space<hbm>> -> memref<1x1x1x8x128xf32, #tpu.memory_space<hbm>>
      %dma_start3A_1156 = tpu.memref_squeeze %dma_start3A_1155 : memref<1x1x1x8x128xf32, #tpu.memory_space<hbm>> -> memref<8x128xf32, #tpu.memory_space<hbm>>
      %dma_start3A_1157 = tpu.memref_slice %arg17[%dma_start3A_1149] : memref<4x!tpu.dma_semaphore, #tpu.memory_space<semaphore_mem>> -> memref<1x!tpu.dma_semaphore, #tpu.memory_space<semaphore_mem>>
      %dma_start3A_1158 = tpu.memref_squeeze %dma_start3A_1157 : memref<1x!tpu.dma_semaphore, #tpu.memory_space<semaphore_mem>> -> memref<!tpu.dma_semaphore, #tpu.memory_space<semaphore_mem>>
      %dma_start3A_1159 = arith.constant 0 : i32
      %dma_start3A_1160 = arith.constant 0 : i32
      %dma_start3A_1161 = tpu.memref_slice %arg5[%add3A_1023, %dma_start3A_1148, %add3A, %dma_start3A_1159, %dma_start3A_1160] : memref<200x8x32x8x128xf32, #tpu.memory_space<hbm>> -> memref<1x1x1x8x128xf32, #tpu.memory_space<hbm>>
      %dma_start3A_1162 = tpu.memref_squeeze %dma_start3A_1161 : memref<1x1x1x8x128xf32, #tpu.memory_space<hbm>> -> memref<8x128xf32, #tpu.memory_space<hbm>>
      %dma_start3A_1163 = arith.constant 40 : i32
      %dma_start3A_1164 = arith.constant 0 : i32
      %dma_start3A_1165 = tpu.memref_slice %arg14[%dma_start3A_1163, %dma_start3A_1164] : memref<64x129xf32, #tpu.memory_space<vmem>> -> memref<8x128xf32, #tpu.memory_space<vmem>>
      tpu.enqueue_dma source(%dma_start3A_1165 : memref<8x128xf32, #tpu.memory_space<vmem>>) target(%dma_start3A_1162 : memref<8x128xf32, #tpu.memory_space<hbm>>) target_semaphore(%dma_start3A_1158 : memref<!tpu.dma_semaphore, #tpu.memory_space<semaphore_mem>>)
      %dma_start3A_1166 = arith.constant 6 : i32
      %dma_start3A_1167 = arith.constant 2 : i32
      %dma_start3A_1168 = arith.constant 48 : i32
      %dma_start3A_1169 = arith.constant 0 : i32
      %dma_start3A_1170 = tpu.memref_slice %arg14[%dma_start3A_1168, %dma_start3A_1169] : memref<64x129xf32, #tpu.memory_space<vmem>> -> memref<8x128xf32, #tpu.memory_space<vmem>>
      %dma_start3A_1171 = arith.constant 0 : i32
      %dma_start3A_1172 = arith.constant 0 : i32
      %dma_start3A_1173 = tpu.memref_slice %arg5[%add3A_1023, %dma_start3A_1166, %add3A, %dma_start3A_1171, %dma_start3A_1172] : memref<200x8x32x8x128xf32, #tpu.memory_space<hbm>> -> memref<1x1x1x8x128xf32, #tpu.memory_space<hbm>>
      %dma_start3A_1174 = tpu.memref_squeeze %dma_start3A_1173 : memref<1x1x1x8x128xf32, #tpu.memory_space<hbm>> -> memref<8x128xf32, #tpu.memory_space<hbm>>
      %dma_start3A_1175 = tpu.memref_slice %arg17[%dma_start3A_1167] : memref<4x!tpu.dma_semaphore, #tpu.memory_space<semaphore_mem>> -> memref<1x!tpu.dma_semaphore, #tpu.memory_space<semaphore_mem>>
      %dma_start3A_1176 = tpu.memref_squeeze %dma_start3A_1175 : memref<1x!tpu.dma_semaphore, #tpu.memory_space<semaphore_mem>> -> memref<!tpu.dma_semaphore, #tpu.memory_space<semaphore_mem>>
      %dma_start3A_1177 = arith.constant 0 : i32
      %dma_start3A_1178 = arith.constant 0 : i32
      %dma_start3A_1179 = tpu.memref_slice %arg5[%add3A_1023, %dma_start3A_1166, %add3A, %dma_start3A_1177, %dma_start3A_1178] : memref<200x8x32x8x128xf32, #tpu.memory_space<hbm>> -> memref<1x1x1x8x128xf32, #tpu.memory_space<hbm>>
      %dma_start3A_1180 = tpu.memref_squeeze %dma_start3A_1179 : memref<1x1x1x8x128xf32, #tpu.memory_space<hbm>> -> memref<8x128xf32, #tpu.memory_space<hbm>>
      %dma_start3A_1181 = arith.constant 48 : i32
      %dma_start3A_1182 = arith.constant 0 : i32
      %dma_start3A_1183 = tpu.memref_slice %arg14[%dma_start3A_1181, %dma_start3A_1182] : memref<64x129xf32, #tpu.memory_space<vmem>> -> memref<8x128xf32, #tpu.memory_space<vmem>>
      tpu.enqueue_dma source(%dma_start3A_1183 : memref<8x128xf32, #tpu.memory_space<vmem>>) target(%dma_start3A_1180 : memref<8x128xf32, #tpu.memory_space<hbm>>) target_semaphore(%dma_start3A_1176 : memref<!tpu.dma_semaphore, #tpu.memory_space<semaphore_mem>>)
      %dma_start3A_1184 = arith.constant 7 : i32
      %dma_start3A_1185 = arith.constant 2 : i32
      %dma_start3A_1186 = arith.constant 56 : i32
      %dma_start3A_1187 = arith.constant 0 : i32
      %dma_start3A_1188 = tpu.memref_slice %arg14[%dma_start3A_1186, %dma_start3A_1187] : memref<64x129xf32, #tpu.memory_space<vmem>> -> memref<8x128xf32, #tpu.memory_space<vmem>>
      %dma_start3A_1189 = arith.constant 0 : i32
      %dma_start3A_1190 = arith.constant 0 : i32
      %dma_start3A_1191 = tpu.memref_slice %arg5[%add3A_1023, %dma_start3A_1184, %add3A, %dma_start3A_1189, %dma_start3A_1190] : memref<200x8x32x8x128xf32, #tpu.memory_space<hbm>> -> memref<1x1x1x8x128xf32, #tpu.memory_space<hbm>>
      %dma_start3A_1192 = tpu.memref_squeeze %dma_start3A_1191 : memref<1x1x1x8x128xf32, #tpu.memory_space<hbm>> -> memref<8x128xf32, #tpu.memory_space<hbm>>
      %dma_start3A_1193 = tpu.memref_slice %arg17[%dma_start3A_1185] : memref<4x!tpu.dma_semaphore, #tpu.memory_space<semaphore_mem>> -> memref<1x!tpu.dma_semaphore, #tpu.memory_space<semaphore_mem>>
      %dma_start3A_1194 = tpu.memref_squeeze %dma_start3A_1193 : memref<1x!tpu.dma_semaphore, #tpu.memory_space<semaphore_mem>> -> memref<!tpu.dma_semaphore, #tpu.memory_space<semaphore_mem>>
      %dma_start3A_1195 = arith.constant 0 : i32
      %dma_start3A_1196 = arith.constant 0 : i32
      %dma_start3A_1197 = tpu.memref_slice %arg5[%add3A_1023, %dma_start3A_1184, %add3A, %dma_start3A_1195, %dma_start3A_1196] : memref<200x8x32x8x128xf32, #tpu.memory_space<hbm>> -> memref<1x1x1x8x128xf32, #tpu.memory_space<hbm>>
      %dma_start3A_1198 = tpu.memref_squeeze %dma_start3A_1197 : memref<1x1x1x8x128xf32, #tpu.memory_space<hbm>> -> memref<8x128xf32, #tpu.memory_space<hbm>>
      %dma_start3A_1199 = arith.constant 56 : i32
      %dma_start3A_1200 = arith.constant 0 : i32
      %dma_start3A_1201 = tpu.memref_slice %arg14[%dma_start3A_1199, %dma_start3A_1200] : memref<64x129xf32, #tpu.memory_space<vmem>> -> memref<8x128xf32, #tpu.memory_space<vmem>>
      tpu.enqueue_dma source(%dma_start3A_1201 : memref<8x128xf32, #tpu.memory_space<vmem>>) target(%dma_start3A_1198 : memref<8x128xf32, #tpu.memory_space<hbm>>) target_semaphore(%dma_start3A_1194 : memref<!tpu.dma_semaphore, #tpu.memory_space<semaphore_mem>>)
      %add3A_1202 = arith.constant 2 : i32
      %add3A_1203 = arith.addi %add3A_1023, %add3A_1202 : i32
      %lt3A_1204 = arith.constant 200 : i32
      %lt3A_1205 = arith.cmpi slt, %add3A_1203, %lt3A_1204 : i32
      %convert_element_type3A_1206 = arith.extui %lt3A_1205 : i1 to i32
      %cond3A_1207 = arith.constant 0 : i32
      %cond3A_1208 = arith.cmpi ne, %convert_element_type3A_1206, %cond3A_1207 : i32
      scf.if %cond3A_1208 {
        %add3A_1398 = arith.constant 2 : i32
        %add3A_1399 = arith.addi %add3A_1023, %add3A_1398 : i32
        %jit3A = arith.constant 8 : i32
        %div3A = arith.divsi %add3A_1399, %jit3A : i32
        %sign3A = arith.constant 0 : i32
        %sign3A_1400 = arith.cmpi sgt, %add3A_1399, %sign3A : i32
        %sign3A_1401 = arith.extui %sign3A_1400 : i1 to i32
        %sign3A_1402 = arith.constant 0 : i32
        %sign3A_1403 = arith.cmpi slt, %add3A_1399, %sign3A_1402 : i32
        %sign3A_1404 = arith.extui %sign3A_1403 : i1 to i32
        %sign3A_1405 = arith.subi %sign3A_1401, %sign3A_1404 : i32
        %sign3A_1406 = arith.constant 0 : i32
        %sign3A_1407 = arith.cmpi sgt, %jit3A, %sign3A_1406 : i32
        %sign3A_1408 = arith.extui %sign3A_1407 : i1 to i32
        %sign3A_1409 = arith.constant 0 : i32
        %sign3A_1410 = arith.cmpi slt, %jit3A, %sign3A_1409 : i32
        %sign3A_1411 = arith.extui %sign3A_1410 : i1 to i32
        %sign3A_1412 = arith.subi %sign3A_1408, %sign3A_1411 : i32
        %ne3A = arith.cmpi ne, %sign3A_1405, %sign3A_1412 : i32
        %rem3A = arith.remsi %add3A_1399, %jit3A : i32
        %ne3A_1413 = arith.constant 0 : i32
        %ne3A_1414 = arith.cmpi ne, %rem3A, %ne3A_1413 : i32
        %and3A = arith.andi %ne3A, %ne3A_1414 : i1
        %sub3A = arith.constant 1 : i32
        %sub3A_1415 = arith.subi %div3A, %sub3A : i32
        %select_n3A = arith.select %and3A, %sub3A_1415, %div3A : i32
        %jit3A_1416 = arith.constant 8 : i32
        %eq3A = arith.constant 0 : i32
        %eq3A_1417 = arith.cmpi eq, %jit3A_1416, %eq3A : i32
        %jit3A_1418 = arith.constant 1 : i32
        %select_n3A_1419 = arith.select %eq3A_1417, %jit3A_1418, %jit3A_1416 : i32
        %rem3A_1420 = arith.remsi %add3A_1399, %select_n3A_1419 : i32
        %ne3A_1421 = arith.constant 0 : i32
        %ne3A_1422 = arith.cmpi ne, %rem3A_1420, %ne3A_1421 : i32
        %lt3A_1423 = arith.constant 0 : i32
        %lt3A_1424 = arith.cmpi slt, %rem3A_1420, %lt3A_1423 : i32
        %lt3A_1425 = arith.constant 0 : i32
        %lt3A_1426 = arith.cmpi slt, %select_n3A_1419, %lt3A_1425 : i32
        %ne3A_1427 = arith.xori %lt3A_1424, %lt3A_1426 : i1
        %and3A_1428 = arith.andi %ne3A_1427, %ne3A_1422 : i1
        %add3A_1429 = arith.addi %rem3A_1420, %select_n3A_1419 : i32
        %select_n3A_1430 = arith.select %and3A_1428, %add3A_1429, %rem3A_1420 : i32
        %dma_start3A_1431 = arith.constant 0 : i32
        %dma_start3A_1432 = arith.constant 0 : i32
        %dma_start3A_1433 = tpu.memref_slice %arg6[%select_n3A, %select_n3A_1430, %dma_start3A_1432] : memref<25x8x128xi32, #tpu.memory_space<vmem>> -> memref<1x1x128xi32, #tpu.memory_space<vmem>>
        %dma_start3A_1434 = tpu.memref_squeeze %dma_start3A_1433 : memref<1x1x128xi32, #tpu.memory_space<vmem>> -> memref<128xi32, #tpu.memory_space<vmem>>
        %dma_start3A_1435 = arith.constant 0 : i32
        %dma_start3A_1436 = arith.constant 0 : i32
        %dma_start3A_1437 = tpu.memref_slice %arg3[%dma_start3A_1435, %dma_start3A_1436] : memref<1000000x64xf32, #tpu.memory_space<hbm>> -> memref<1000000x64xf32, #tpu.memory_space<hbm>>
        %dma_start3A_1438 = tpu.memref_slice %arg16[%dma_start3A_1431] : memref<4x!tpu.dma_semaphore, #tpu.memory_space<semaphore_mem>> -> memref<1x!tpu.dma_semaphore, #tpu.memory_space<semaphore_mem>>
        %dma_start3A_1439 = tpu.memref_squeeze %dma_start3A_1438 : memref<1x!tpu.dma_semaphore, #tpu.memory_space<semaphore_mem>> -> memref<!tpu.dma_semaphore, #tpu.memory_space<semaphore_mem>>
        tpu.enqueue_indirect_dma source(%dma_start3A_1437 : memref<1000000x64xf32, #tpu.memory_space<hbm>>) target(%arg8 : memref<128x64xf32, #tpu.memory_space<vmem>>) offsets(%dma_start3A_1434 : memref<128xi32, #tpu.memory_space<vmem>>) semaphore(%dma_start3A_1439 : memref<!tpu.dma_semaphore, #tpu.memory_space<semaphore_mem>>)
      } else {
      }
      %mul3A_1209 = arith.constant 4 : i32
      %mul3A_1210 = arith.muli %scan3A_646, %mul3A_1209 : i32
      %add3A_1211 = arith.constant 3 : i32
      %add3A_1212 = arith.addi %mul3A_1210, %add3A_1211 : i32
      %dma_wait3A_1213 = arith.constant 0 : i32
      %dma_wait3A_1214 = arith.constant 0 : i32
      %dma_wait3A_1215 = arith.constant 3 : i32
      %dma_wait3A_1216 = arith.constant 0 : i32
      %dma_wait3A_1217 = tpu.memref_slice %arg6[%dma_wait3A_1213, %dma_wait3A_1214, %dma_wait3A_1216] : memref<25x8x128xi32, #tpu.memory_space<vmem>> -> memref<1x1x128xi32, #tpu.memory_space<vmem>>
      %dma_wait3A_1218 = tpu.memref_squeeze %dma_wait3A_1217 : memref<1x1x128xi32, #tpu.memory_space<vmem>> -> memref<128xi32, #tpu.memory_space<vmem>>
      %dma_wait3A_1219 = arith.constant 0 : i32
      %dma_wait3A_1220 = arith.constant 0 : i32
      %dma_wait3A_1221 = tpu.memref_slice %arg3[%dma_wait3A_1219, %dma_wait3A_1220] : memref<1000000x64xf32, #tpu.memory_space<hbm>> -> memref<1000000x64xf32, #tpu.memory_space<hbm>>
      %dma_wait3A_1222 = tpu.memref_slice %arg16[%dma_wait3A_1215] : memref<4x!tpu.dma_semaphore, #tpu.memory_space<semaphore_mem>> -> memref<1x!tpu.dma_semaphore, #tpu.memory_space<semaphore_mem>>
      %dma_wait3A_1223 = tpu.memref_squeeze %dma_wait3A_1222 : memref<1x!tpu.dma_semaphore, #tpu.memory_space<semaphore_mem>> -> memref<!tpu.dma_semaphore, #tpu.memory_space<semaphore_mem>>
      tpu.wait_indirect_dma semaphore(%dma_wait3A_1223 : memref<!tpu.dma_semaphore, #tpu.memory_space<semaphore_mem>>) src(%dma_wait3A_1221 : memref<1000000x64xf32, #tpu.memory_space<hbm>>) dst(%arg11 : memref<128x64xf32, #tpu.memory_space<vmem>>)
      %ge3A_1224 = arith.constant 4 : i32
      %ge3A_1225 = arith.cmpi sge, %add3A_1212, %ge3A_1224 : i32
      %convert_element_type3A_1226 = arith.extui %ge3A_1225 : i1 to i32
      %cond3A_1227 = arith.constant 0 : i32
      %cond3A_1228 = arith.cmpi ne, %convert_element_type3A_1226, %cond3A_1227 : i32
      scf.if %cond3A_1228 {
        %sub3A = arith.constant 4 : i32
        %sub3A_1398 = arith.subi %add3A_1212, %sub3A : i32
        %dma_wait3A_1399 = arith.constant 0 : i32
        %dma_wait3A_1400 = arith.constant 3 : i32
        %dma_wait3A_1401 = arith.constant 0 : i32
        %dma_wait3A_1402 = arith.constant 0 : i32
        %dma_wait3A_1403 = tpu.memref_slice %arg15[%dma_wait3A_1401, %dma_wait3A_1402] : memref<64x129xf32, #tpu.memory_space<vmem>> -> memref<8x128xf32, #tpu.memory_space<vmem>>
        %dma_wait3A_1404 = arith.constant 0 : i32
        %dma_wait3A_1405 = arith.constant 0 : i32
        %dma_wait3A_1406 = tpu.memref_slice %arg5[%sub3A_1398, %dma_wait3A_1399, %add3A, %dma_wait3A_1404, %dma_wait3A_1405] : memref<200x8x32x8x128xf32, #tpu.memory_space<hbm>> -> memref<1x1x1x8x128xf32, #tpu.memory_space<hbm>>
        %dma_wait3A_1407 = tpu.memref_squeeze %dma_wait3A_1406 : memref<1x1x1x8x128xf32, #tpu.memory_space<hbm>> -> memref<8x128xf32, #tpu.memory_space<hbm>>
        %dma_wait3A_1408 = tpu.memref_slice %arg17[%dma_wait3A_1400] : memref<4x!tpu.dma_semaphore, #tpu.memory_space<semaphore_mem>> -> memref<1x!tpu.dma_semaphore, #tpu.memory_space<semaphore_mem>>
        %dma_wait3A_1409 = tpu.memref_squeeze %dma_wait3A_1408 : memref<1x!tpu.dma_semaphore, #tpu.memory_space<semaphore_mem>> -> memref<!tpu.dma_semaphore, #tpu.memory_space<semaphore_mem>>
        %dma_wait3A_1410 = arith.constant 0 : i32
        %dma_wait3A_1411 = arith.constant 0 : i32
        %dma_wait3A_1412 = tpu.memref_slice %arg5[%sub3A_1398, %dma_wait3A_1399, %add3A, %dma_wait3A_1410, %dma_wait3A_1411] : memref<200x8x32x8x128xf32, #tpu.memory_space<hbm>> -> memref<1x1x1x8x128xf32, #tpu.memory_space<hbm>>
        %dma_wait3A_1413 = tpu.memref_squeeze %dma_wait3A_1412 : memref<1x1x1x8x128xf32, #tpu.memory_space<hbm>> -> memref<8x128xf32, #tpu.memory_space<hbm>>
        %dma_wait3A_1414 = arith.constant 0 : i32
        %dma_wait3A_1415 = arith.constant 0 : i32
        %dma_wait3A_1416 = tpu.memref_slice %arg15[%dma_wait3A_1414, %dma_wait3A_1415] : memref<64x129xf32, #tpu.memory_space<vmem>> -> memref<8x128xf32, #tpu.memory_space<vmem>>
        tpu.wait_dma2 semaphore(%dma_wait3A_1409 : memref<!tpu.dma_semaphore, #tpu.memory_space<semaphore_mem>>) src(%dma_wait3A_1416 : memref<8x128xf32, #tpu.memory_space<vmem>>) dst(%dma_wait3A_1413 : memref<8x128xf32, #tpu.memory_space<hbm>>)
        %dma_wait3A_1417 = arith.constant 1 : i32
        %dma_wait3A_1418 = arith.constant 3 : i32
        %dma_wait3A_1419 = arith.constant 8 : i32
        %dma_wait3A_1420 = arith.constant 0 : i32
        %dma_wait3A_1421 = tpu.memref_slice %arg15[%dma_wait3A_1419, %dma_wait3A_1420] : memref<64x129xf32, #tpu.memory_space<vmem>> -> memref<8x128xf32, #tpu.memory_space<vmem>>
        %dma_wait3A_1422 = arith.constant 0 : i32
        %dma_wait3A_1423 = arith.constant 0 : i32
        %dma_wait3A_1424 = tpu.memref_slice %arg5[%sub3A_1398, %dma_wait3A_1417, %add3A, %dma_wait3A_1422, %dma_wait3A_1423] : memref<200x8x32x8x128xf32, #tpu.memory_space<hbm>> -> memref<1x1x1x8x128xf32, #tpu.memory_space<hbm>>
        %dma_wait3A_1425 = tpu.memref_squeeze %dma_wait3A_1424 : memref<1x1x1x8x128xf32, #tpu.memory_space<hbm>> -> memref<8x128xf32, #tpu.memory_space<hbm>>
        %dma_wait3A_1426 = tpu.memref_slice %arg17[%dma_wait3A_1418] : memref<4x!tpu.dma_semaphore, #tpu.memory_space<semaphore_mem>> -> memref<1x!tpu.dma_semaphore, #tpu.memory_space<semaphore_mem>>
        %dma_wait3A_1427 = tpu.memref_squeeze %dma_wait3A_1426 : memref<1x!tpu.dma_semaphore, #tpu.memory_space<semaphore_mem>> -> memref<!tpu.dma_semaphore, #tpu.memory_space<semaphore_mem>>
        %dma_wait3A_1428 = arith.constant 0 : i32
        %dma_wait3A_1429 = arith.constant 0 : i32
        %dma_wait3A_1430 = tpu.memref_slice %arg5[%sub3A_1398, %dma_wait3A_1417, %add3A, %dma_wait3A_1428, %dma_wait3A_1429] : memref<200x8x32x8x128xf32, #tpu.memory_space<hbm>> -> memref<1x1x1x8x128xf32, #tpu.memory_space<hbm>>
        %dma_wait3A_1431 = tpu.memref_squeeze %dma_wait3A_1430 : memref<1x1x1x8x128xf32, #tpu.memory_space<hbm>> -> memref<8x128xf32, #tpu.memory_space<hbm>>
        %dma_wait3A_1432 = arith.constant 8 : i32
        %dma_wait3A_1433 = arith.constant 0 : i32
        %dma_wait3A_1434 = tpu.memref_slice %arg15[%dma_wait3A_1432, %dma_wait3A_1433] : memref<64x129xf32, #tpu.memory_space<vmem>> -> memref<8x128xf32, #tpu.memory_space<vmem>>
        tpu.wait_dma2 semaphore(%dma_wait3A_1427 : memref<!tpu.dma_semaphore, #tpu.memory_space<semaphore_mem>>) src(%dma_wait3A_1434 : memref<8x128xf32, #tpu.memory_space<vmem>>) dst(%dma_wait3A_1431 : memref<8x128xf32, #tpu.memory_space<hbm>>)
        %dma_wait3A_1435 = arith.constant 2 : i32
        %dma_wait3A_1436 = arith.constant 3 : i32
        %dma_wait3A_1437 = arith.constant 16 : i32
        %dma_wait3A_1438 = arith.constant 0 : i32
        %dma_wait3A_1439 = tpu.memref_slice %arg15[%dma_wait3A_1437, %dma_wait3A_1438] : memref<64x129xf32, #tpu.memory_space<vmem>> -> memref<8x128xf32, #tpu.memory_space<vmem>>
        %dma_wait3A_1440 = arith.constant 0 : i32
        %dma_wait3A_1441 = arith.constant 0 : i32
        %dma_wait3A_1442 = tpu.memref_slice %arg5[%sub3A_1398, %dma_wait3A_1435, %add3A, %dma_wait3A_1440, %dma_wait3A_1441] : memref<200x8x32x8x128xf32, #tpu.memory_space<hbm>> -> memref<1x1x1x8x128xf32, #tpu.memory_space<hbm>>
        %dma_wait3A_1443 = tpu.memref_squeeze %dma_wait3A_1442 : memref<1x1x1x8x128xf32, #tpu.memory_space<hbm>> -> memref<8x128xf32, #tpu.memory_space<hbm>>
        %dma_wait3A_1444 = tpu.memref_slice %arg17[%dma_wait3A_1436] : memref<4x!tpu.dma_semaphore, #tpu.memory_space<semaphore_mem>> -> memref<1x!tpu.dma_semaphore, #tpu.memory_space<semaphore_mem>>
        %dma_wait3A_1445 = tpu.memref_squeeze %dma_wait3A_1444 : memref<1x!tpu.dma_semaphore, #tpu.memory_space<semaphore_mem>> -> memref<!tpu.dma_semaphore, #tpu.memory_space<semaphore_mem>>
        %dma_wait3A_1446 = arith.constant 0 : i32
        %dma_wait3A_1447 = arith.constant 0 : i32
        %dma_wait3A_1448 = tpu.memref_slice %arg5[%sub3A_1398, %dma_wait3A_1435, %add3A, %dma_wait3A_1446, %dma_wait3A_1447] : memref<200x8x32x8x128xf32, #tpu.memory_space<hbm>> -> memref<1x1x1x8x128xf32, #tpu.memory_space<hbm>>
        %dma_wait3A_1449 = tpu.memref_squeeze %dma_wait3A_1448 : memref<1x1x1x8x128xf32, #tpu.memory_space<hbm>> -> memref<8x128xf32, #tpu.memory_space<hbm>>
        %dma_wait3A_1450 = arith.constant 16 : i32
        %dma_wait3A_1451 = arith.constant 0 : i32
        %dma_wait3A_1452 = tpu.memref_slice %arg15[%dma_wait3A_1450, %dma_wait3A_1451] : memref<64x129xf32, #tpu.memory_space<vmem>> -> memref<8x128xf32, #tpu.memory_space<vmem>>
        tpu.wait_dma2 semaphore(%dma_wait3A_1445 : memref<!tpu.dma_semaphore, #tpu.memory_space<semaphore_mem>>) src(%dma_wait3A_1452 : memref<8x128xf32, #tpu.memory_space<vmem>>) dst(%dma_wait3A_1449 : memref<8x128xf32, #tpu.memory_space<hbm>>)
        %dma_wait3A_1453 = arith.constant 3 : i32
        %dma_wait3A_1454 = arith.constant 3 : i32
        %dma_wait3A_1455 = arith.constant 24 : i32
        %dma_wait3A_1456 = arith.constant 0 : i32
        %dma_wait3A_1457 = tpu.memref_slice %arg15[%dma_wait3A_1455, %dma_wait3A_1456] : memref<64x129xf32, #tpu.memory_space<vmem>> -> memref<8x128xf32, #tpu.memory_space<vmem>>
        %dma_wait3A_1458 = arith.constant 0 : i32
        %dma_wait3A_1459 = arith.constant 0 : i32
        %dma_wait3A_1460 = tpu.memref_slice %arg5[%sub3A_1398, %dma_wait3A_1453, %add3A, %dma_wait3A_1458, %dma_wait3A_1459] : memref<200x8x32x8x128xf32, #tpu.memory_space<hbm>> -> memref<1x1x1x8x128xf32, #tpu.memory_space<hbm>>
        %dma_wait3A_1461 = tpu.memref_squeeze %dma_wait3A_1460 : memref<1x1x1x8x128xf32, #tpu.memory_space<hbm>> -> memref<8x128xf32, #tpu.memory_space<hbm>>
        %dma_wait3A_1462 = tpu.memref_slice %arg17[%dma_wait3A_1454] : memref<4x!tpu.dma_semaphore, #tpu.memory_space<semaphore_mem>> -> memref<1x!tpu.dma_semaphore, #tpu.memory_space<semaphore_mem>>
        %dma_wait3A_1463 = tpu.memref_squeeze %dma_wait3A_1462 : memref<1x!tpu.dma_semaphore, #tpu.memory_space<semaphore_mem>> -> memref<!tpu.dma_semaphore, #tpu.memory_space<semaphore_mem>>
        %dma_wait3A_1464 = arith.constant 0 : i32
        %dma_wait3A_1465 = arith.constant 0 : i32
        %dma_wait3A_1466 = tpu.memref_slice %arg5[%sub3A_1398, %dma_wait3A_1453, %add3A, %dma_wait3A_1464, %dma_wait3A_1465] : memref<200x8x32x8x128xf32, #tpu.memory_space<hbm>> -> memref<1x1x1x8x128xf32, #tpu.memory_space<hbm>>
        %dma_wait3A_1467 = tpu.memref_squeeze %dma_wait3A_1466 : memref<1x1x1x8x128xf32, #tpu.memory_space<hbm>> -> memref<8x128xf32, #tpu.memory_space<hbm>>
        %dma_wait3A_1468 = arith.constant 24 : i32
        %dma_wait3A_1469 = arith.constant 0 : i32
        %dma_wait3A_1470 = tpu.memref_slice %arg15[%dma_wait3A_1468, %dma_wait3A_1469] : memref<64x129xf32, #tpu.memory_space<vmem>> -> memref<8x128xf32, #tpu.memory_space<vmem>>
        tpu.wait_dma2 semaphore(%dma_wait3A_1463 : memref<!tpu.dma_semaphore, #tpu.memory_space<semaphore_mem>>) src(%dma_wait3A_1470 : memref<8x128xf32, #tpu.memory_space<vmem>>) dst(%dma_wait3A_1467 : memref<8x128xf32, #tpu.memory_space<hbm>>)
        %dma_wait3A_1471 = arith.constant 4 : i32
        %dma_wait3A_1472 = arith.constant 3 : i32
        %dma_wait3A_1473 = arith.constant 32 : i32
        %dma_wait3A_1474 = arith.constant 0 : i32
        %dma_wait3A_1475 = tpu.memref_slice %arg15[%dma_wait3A_1473, %dma_wait3A_1474] : memref<64x129xf32, #tpu.memory_space<vmem>> -> memref<8x128xf32, #tpu.memory_space<vmem>>
        %dma_wait3A_1476 = arith.constant 0 : i32
        %dma_wait3A_1477 = arith.constant 0 : i32
        %dma_wait3A_1478 = tpu.memref_slice %arg5[%sub3A_1398, %dma_wait3A_1471, %add3A, %dma_wait3A_1476, %dma_wait3A_1477] : memref<200x8x32x8x128xf32, #tpu.memory_space<hbm>> -> memref<1x1x1x8x128xf32, #tpu.memory_space<hbm>>
        %dma_wait3A_1479 = tpu.memref_squeeze %dma_wait3A_1478 : memref<1x1x1x8x128xf32, #tpu.memory_space<hbm>> -> memref<8x128xf32, #tpu.memory_space<hbm>>
        %dma_wait3A_1480 = tpu.memref_slice %arg17[%dma_wait3A_1472] : memref<4x!tpu.dma_semaphore, #tpu.memory_space<semaphore_mem>> -> memref<1x!tpu.dma_semaphore, #tpu.memory_space<semaphore_mem>>
        %dma_wait3A_1481 = tpu.memref_squeeze %dma_wait3A_1480 : memref<1x!tpu.dma_semaphore, #tpu.memory_space<semaphore_mem>> -> memref<!tpu.dma_semaphore, #tpu.memory_space<semaphore_mem>>
        %dma_wait3A_1482 = arith.constant 0 : i32
        %dma_wait3A_1483 = arith.constant 0 : i32
        %dma_wait3A_1484 = tpu.memref_slice %arg5[%sub3A_1398, %dma_wait3A_1471, %add3A, %dma_wait3A_1482, %dma_wait3A_1483] : memref<200x8x32x8x128xf32, #tpu.memory_space<hbm>> -> memref<1x1x1x8x128xf32, #tpu.memory_space<hbm>>
        %dma_wait3A_1485 = tpu.memref_squeeze %dma_wait3A_1484 : memref<1x1x1x8x128xf32, #tpu.memory_space<hbm>> -> memref<8x128xf32, #tpu.memory_space<hbm>>
        %dma_wait3A_1486 = arith.constant 32 : i32
        %dma_wait3A_1487 = arith.constant 0 : i32
        %dma_wait3A_1488 = tpu.memref_slice %arg15[%dma_wait3A_1486, %dma_wait3A_1487] : memref<64x129xf32, #tpu.memory_space<vmem>> -> memref<8x128xf32, #tpu.memory_space<vmem>>
        tpu.wait_dma2 semaphore(%dma_wait3A_1481 : memref<!tpu.dma_semaphore, #tpu.memory_space<semaphore_mem>>) src(%dma_wait3A_1488 : memref<8x128xf32, #tpu.memory_space<vmem>>) dst(%dma_wait3A_1485 : memref<8x128xf32, #tpu.memory_space<hbm>>)
        %dma_wait3A_1489 = arith.constant 5 : i32
        %dma_wait3A_1490 = arith.constant 3 : i32
        %dma_wait3A_1491 = arith.constant 40 : i32
        %dma_wait3A_1492 = arith.constant 0 : i32
        %dma_wait3A_1493 = tpu.memref_slice %arg15[%dma_wait3A_1491, %dma_wait3A_1492] : memref<64x129xf32, #tpu.memory_space<vmem>> -> memref<8x128xf32, #tpu.memory_space<vmem>>
        %dma_wait3A_1494 = arith.constant 0 : i32
        %dma_wait3A_1495 = arith.constant 0 : i32
        %dma_wait3A_1496 = tpu.memref_slice %arg5[%sub3A_1398, %dma_wait3A_1489, %add3A, %dma_wait3A_1494, %dma_wait3A_1495] : memref<200x8x32x8x128xf32, #tpu.memory_space<hbm>> -> memref<1x1x1x8x128xf32, #tpu.memory_space<hbm>>
        %dma_wait3A_1497 = tpu.memref_squeeze %dma_wait3A_1496 : memref<1x1x1x8x128xf32, #tpu.memory_space<hbm>> -> memref<8x128xf32, #tpu.memory_space<hbm>>
        %dma_wait3A_1498 = tpu.memref_slice %arg17[%dma_wait3A_1490] : memref<4x!tpu.dma_semaphore, #tpu.memory_space<semaphore_mem>> -> memref<1x!tpu.dma_semaphore, #tpu.memory_space<semaphore_mem>>
        %dma_wait3A_1499 = tpu.memref_squeeze %dma_wait3A_1498 : memref<1x!tpu.dma_semaphore, #tpu.memory_space<semaphore_mem>> -> memref<!tpu.dma_semaphore, #tpu.memory_space<semaphore_mem>>
        %dma_wait3A_1500 = arith.constant 0 : i32
        %dma_wait3A_1501 = arith.constant 0 : i32
        %dma_wait3A_1502 = tpu.memref_slice %arg5[%sub3A_1398, %dma_wait3A_1489, %add3A, %dma_wait3A_1500, %dma_wait3A_1501] : memref<200x8x32x8x128xf32, #tpu.memory_space<hbm>> -> memref<1x1x1x8x128xf32, #tpu.memory_space<hbm>>
        %dma_wait3A_1503 = tpu.memref_squeeze %dma_wait3A_1502 : memref<1x1x1x8x128xf32, #tpu.memory_space<hbm>> -> memref<8x128xf32, #tpu.memory_space<hbm>>
        %dma_wait3A_1504 = arith.constant 40 : i32
        %dma_wait3A_1505 = arith.constant 0 : i32
        %dma_wait3A_1506 = tpu.memref_slice %arg15[%dma_wait3A_1504, %dma_wait3A_1505] : memref<64x129xf32, #tpu.memory_space<vmem>> -> memref<8x128xf32, #tpu.memory_space<vmem>>
        tpu.wait_dma2 semaphore(%dma_wait3A_1499 : memref<!tpu.dma_semaphore, #tpu.memory_space<semaphore_mem>>) src(%dma_wait3A_1506 : memref<8x128xf32, #tpu.memory_space<vmem>>) dst(%dma_wait3A_1503 : memref<8x128xf32, #tpu.memory_space<hbm>>)
        %dma_wait3A_1507 = arith.constant 6 : i32
        %dma_wait3A_1508 = arith.constant 3 : i32
        %dma_wait3A_1509 = arith.constant 48 : i32
        %dma_wait3A_1510 = arith.constant 0 : i32
        %dma_wait3A_1511 = tpu.memref_slice %arg15[%dma_wait3A_1509, %dma_wait3A_1510] : memref<64x129xf32, #tpu.memory_space<vmem>> -> memref<8x128xf32, #tpu.memory_space<vmem>>
        %dma_wait3A_1512 = arith.constant 0 : i32
        %dma_wait3A_1513 = arith.constant 0 : i32
        %dma_wait3A_1514 = tpu.memref_slice %arg5[%sub3A_1398, %dma_wait3A_1507, %add3A, %dma_wait3A_1512, %dma_wait3A_1513] : memref<200x8x32x8x128xf32, #tpu.memory_space<hbm>> -> memref<1x1x1x8x128xf32, #tpu.memory_space<hbm>>
        %dma_wait3A_1515 = tpu.memref_squeeze %dma_wait3A_1514 : memref<1x1x1x8x128xf32, #tpu.memory_space<hbm>> -> memref<8x128xf32, #tpu.memory_space<hbm>>
        %dma_wait3A_1516 = tpu.memref_slice %arg17[%dma_wait3A_1508] : memref<4x!tpu.dma_semaphore, #tpu.memory_space<semaphore_mem>> -> memref<1x!tpu.dma_semaphore, #tpu.memory_space<semaphore_mem>>
        %dma_wait3A_1517 = tpu.memref_squeeze %dma_wait3A_1516 : memref<1x!tpu.dma_semaphore, #tpu.memory_space<semaphore_mem>> -> memref<!tpu.dma_semaphore, #tpu.memory_space<semaphore_mem>>
        %dma_wait3A_1518 = arith.constant 0 : i32
        %dma_wait3A_1519 = arith.constant 0 : i32
        %dma_wait3A_1520 = tpu.memref_slice %arg5[%sub3A_1398, %dma_wait3A_1507, %add3A, %dma_wait3A_1518, %dma_wait3A_1519] : memref<200x8x32x8x128xf32, #tpu.memory_space<hbm>> -> memref<1x1x1x8x128xf32, #tpu.memory_space<hbm>>
        %dma_wait3A_1521 = tpu.memref_squeeze %dma_wait3A_1520 : memref<1x1x1x8x128xf32, #tpu.memory_space<hbm>> -> memref<8x128xf32, #tpu.memory_space<hbm>>
        %dma_wait3A_1522 = arith.constant 48 : i32
        %dma_wait3A_1523 = arith.constant 0 : i32
        %dma_wait3A_1524 = tpu.memref_slice %arg15[%dma_wait3A_1522, %dma_wait3A_1523] : memref<64x129xf32, #tpu.memory_space<vmem>> -> memref<8x128xf32, #tpu.memory_space<vmem>>
        tpu.wait_dma2 semaphore(%dma_wait3A_1517 : memref<!tpu.dma_semaphore, #tpu.memory_space<semaphore_mem>>) src(%dma_wait3A_1524 : memref<8x128xf32, #tpu.memory_space<vmem>>) dst(%dma_wait3A_1521 : memref<8x128xf32, #tpu.memory_space<hbm>>)
        %dma_wait3A_1525 = arith.constant 7 : i32
        %dma_wait3A_1526 = arith.constant 3 : i32
        %dma_wait3A_1527 = arith.constant 56 : i32
        %dma_wait3A_1528 = arith.constant 0 : i32
        %dma_wait3A_1529 = tpu.memref_slice %arg15[%dma_wait3A_1527, %dma_wait3A_1528] : memref<64x129xf32, #tpu.memory_space<vmem>> -> memref<8x128xf32, #tpu.memory_space<vmem>>
        %dma_wait3A_1530 = arith.constant 0 : i32
        %dma_wait3A_1531 = arith.constant 0 : i32
        %dma_wait3A_1532 = tpu.memref_slice %arg5[%sub3A_1398, %dma_wait3A_1525, %add3A, %dma_wait3A_1530, %dma_wait3A_1531] : memref<200x8x32x8x128xf32, #tpu.memory_space<hbm>> -> memref<1x1x1x8x128xf32, #tpu.memory_space<hbm>>
        %dma_wait3A_1533 = tpu.memref_squeeze %dma_wait3A_1532 : memref<1x1x1x8x128xf32, #tpu.memory_space<hbm>> -> memref<8x128xf32, #tpu.memory_space<hbm>>
        %dma_wait3A_1534 = tpu.memref_slice %arg17[%dma_wait3A_1526] : memref<4x!tpu.dma_semaphore, #tpu.memory_space<semaphore_mem>> -> memref<1x!tpu.dma_semaphore, #tpu.memory_space<semaphore_mem>>
        %dma_wait3A_1535 = tpu.memref_squeeze %dma_wait3A_1534 : memref<1x!tpu.dma_semaphore, #tpu.memory_space<semaphore_mem>> -> memref<!tpu.dma_semaphore, #tpu.memory_space<semaphore_mem>>
        %dma_wait3A_1536 = arith.constant 0 : i32
        %dma_wait3A_1537 = arith.constant 0 : i32
        %dma_wait3A_1538 = tpu.memref_slice %arg5[%sub3A_1398, %dma_wait3A_1525, %add3A, %dma_wait3A_1536, %dma_wait3A_1537] : memref<200x8x32x8x128xf32, #tpu.memory_space<hbm>> -> memref<1x1x1x8x128xf32, #tpu.memory_space<hbm>>
        %dma_wait3A_1539 = tpu.memref_squeeze %dma_wait3A_1538 : memref<1x1x1x8x128xf32, #tpu.memory_space<hbm>> -> memref<8x128xf32, #tpu.memory_space<hbm>>
        %dma_wait3A_1540 = arith.constant 56 : i32
        %dma_wait3A_1541 = arith.constant 0 : i32
        %dma_wait3A_1542 = tpu.memref_slice %arg15[%dma_wait3A_1540, %dma_wait3A_1541] : memref<64x129xf32, #tpu.memory_space<vmem>> -> memref<8x128xf32, #tpu.memory_space<vmem>>
        tpu.wait_dma2 semaphore(%dma_wait3A_1535 : memref<!tpu.dma_semaphore, #tpu.memory_space<semaphore_mem>>) src(%dma_wait3A_1542 : memref<8x128xf32, #tpu.memory_space<vmem>>) dst(%dma_wait3A_1539 : memref<8x128xf32, #tpu.memory_space<hbm>>)
      } else {
      }
      %get3A_1229 = arith.index_cast %add3A_1212 : i32 to index
      %get3A_1230 = arith.constant 0 : index
      %get3A_1231 = tpu.vector_load %arg7[%get3A_1229, %get3A_1230] {strides = array<i32>} : memref<200x64xf32, #tpu.memory_space<vmem>>, vector<16xf32>,
      %get3A_1232 = arith.index_cast %add3A_1212 : i32 to index
      %get3A_1233 = arith.constant 16 : index
      %get3A_1234 = tpu.vector_load %arg7[%get3A_1232, %get3A_1233] {strides = array<i32>} : memref<200x64xf32, #tpu.memory_space<vmem>>, vector<16xf32>,
      %get3A_1235 = arith.index_cast %add3A_1212 : i32 to index
      %get3A_1236 = arith.constant 32 : index
      %get3A_1237 = tpu.vector_load %arg7[%get3A_1235, %get3A_1236] {strides = array<i32>} : memref<200x64xf32, #tpu.memory_space<vmem>>, vector<16xf32>,
      %get3A_1238 = arith.index_cast %add3A_1212 : i32 to index
      %get3A_1239 = arith.constant 48 : index
      %get3A_1240 = tpu.vector_load %arg7[%get3A_1238, %get3A_1239] {strides = array<i32>} : memref<200x64xf32, #tpu.memory_space<vmem>>, vector<16xf32>,
      %scan3A_1241 = arith.constant 0 : i32
      %scan3A_1242 = arith.constant 0 : i32
      %scan3A_1243 = arith.constant 128 : i32
      %scan3A_1244 = arith.addi %scan3A_1242, %scan3A_1243 : i32
      %scan3A_1245 = arith.constant 8 : i32
      scf.for %scan3A_1398 = %scan3A_1242 to %scan3A_1244 step %scan3A_1245  : i32 {
        %broadcast_in_dim3A = vector.broadcast %scan3A_1398 : i32 to vector<16xi32>
        %get3A_1399 = arith.index_cast %scan3A_1398 : i32 to index
        %get3A_1400 = arith.constant 0 : index
        %get3A_1401 = tpu.vector_load %arg11[%get3A_1399, %get3A_1400] {strides = array<i32>} : memref<128x64xf32, #tpu.memory_space<vmem>>, vector<16xf32>,
        %mul3A_1402 = arith.constant 8.000000e+00 : f32
        %mul3A_1403 = vector.broadcast %mul3A_1402 : f32 to vector<16xf32>
        %mul3A_1404 = arith.mulf %get3A_1401, %mul3A_1403 : vector<16xf32>
        %add3A_1405 = arith.addf %mul3A_1404, %get3A_1231 : vector<16xf32>
        tpu.vector_store_idx %arg15[%add3A_3, %broadcast_in_dim3A], %add3A_1405 : memref<64x129xf32, #tpu.memory_space<vmem>>[vector<16xi32>, vector<16xi32>], vector<16xf32>,
        %get3A_1406 = arith.index_cast %scan3A_1398 : i32 to index
        %get3A_1407 = arith.constant 16 : index
        %get3A_1408 = tpu.vector_load %arg11[%get3A_1406, %get3A_1407] {strides = array<i32>} : memref<128x64xf32, #tpu.memory_space<vmem>>, vector<16xf32>,
        %mul3A_1409 = arith.constant 8.000000e+00 : f32
        %mul3A_1410 = vector.broadcast %mul3A_1409 : f32 to vector<16xf32>
        %mul3A_1411 = arith.mulf %get3A_1408, %mul3A_1410 : vector<16xf32>
        %add3A_1412 = arith.addf %mul3A_1411, %get3A_1234 : vector<16xf32>
        tpu.vector_store_idx %arg15[%add3A_6, %broadcast_in_dim3A], %add3A_1412 : memref<64x129xf32, #tpu.memory_space<vmem>>[vector<16xi32>, vector<16xi32>], vector<16xf32>,
        %get3A_1413 = arith.index_cast %scan3A_1398 : i32 to index
        %get3A_1414 = arith.constant 32 : index
        %get3A_1415 = tpu.vector_load %arg11[%get3A_1413, %get3A_1414] {strides = array<i32>} : memref<128x64xf32, #tpu.memory_space<vmem>>, vector<16xf32>,
        %mul3A_1416 = arith.constant 8.000000e+00 : f32
        %mul3A_1417 = vector.broadcast %mul3A_1416 : f32 to vector<16xf32>
        %mul3A_1418 = arith.mulf %get3A_1415, %mul3A_1417 : vector<16xf32>
        %add3A_1419 = arith.addf %mul3A_1418, %get3A_1237 : vector<16xf32>
        tpu.vector_store_idx %arg15[%add3A_9, %broadcast_in_dim3A], %add3A_1419 : memref<64x129xf32, #tpu.memory_space<vmem>>[vector<16xi32>, vector<16xi32>], vector<16xf32>,
        %get3A_1420 = arith.index_cast %scan3A_1398 : i32 to index
        %get3A_1421 = arith.constant 48 : index
        %get3A_1422 = tpu.vector_load %arg11[%get3A_1420, %get3A_1421] {strides = array<i32>} : memref<128x64xf32, #tpu.memory_space<vmem>>, vector<16xf32>,
        %mul3A_1423 = arith.constant 8.000000e+00 : f32
        %mul3A_1424 = vector.broadcast %mul3A_1423 : f32 to vector<16xf32>
        %mul3A_1425 = arith.mulf %get3A_1422, %mul3A_1424 : vector<16xf32>
        %add3A_1426 = arith.addf %mul3A_1425, %get3A_1240 : vector<16xf32>
        tpu.vector_store_idx %arg15[%add3A_12, %broadcast_in_dim3A], %add3A_1426 : memref<64x129xf32, #tpu.memory_space<vmem>>[vector<16xi32>, vector<16xi32>], vector<16xf32>,
        %scan3A_1427 = arith.constant 1 : i32
        %scan3A_1428 = arith.addi %scan3A_1398, %scan3A_1427 : i32
        %broadcast_in_dim3A_1429 = vector.broadcast %scan3A_1428 : i32 to vector<16xi32>
        %get3A_1430 = arith.index_cast %scan3A_1428 : i32 to index
        %get3A_1431 = arith.constant 0 : index
        %get3A_1432 = tpu.vector_load %arg11[%get3A_1430, %get3A_1431] {strides = array<i32>} : memref<128x64xf32, #tpu.memory_space<vmem>>, vector<16xf32>,
        %mul3A_1433 = arith.constant 8.000000e+00 : f32
        %mul3A_1434 = vector.broadcast %mul3A_1433 : f32 to vector<16xf32>
        %mul3A_1435 = arith.mulf %get3A_1432, %mul3A_1434 : vector<16xf32>
        %add3A_1436 = arith.addf %mul3A_1435, %get3A_1231 : vector<16xf32>
        tpu.vector_store_idx %arg15[%add3A_3, %broadcast_in_dim3A_1429], %add3A_1436 : memref<64x129xf32, #tpu.memory_space<vmem>>[vector<16xi32>, vector<16xi32>], vector<16xf32>,
        %get3A_1437 = arith.index_cast %scan3A_1428 : i32 to index
        %get3A_1438 = arith.constant 16 : index
        %get3A_1439 = tpu.vector_load %arg11[%get3A_1437, %get3A_1438] {strides = array<i32>} : memref<128x64xf32, #tpu.memory_space<vmem>>, vector<16xf32>,
        %mul3A_1440 = arith.constant 8.000000e+00 : f32
        %mul3A_1441 = vector.broadcast %mul3A_1440 : f32 to vector<16xf32>
        %mul3A_1442 = arith.mulf %get3A_1439, %mul3A_1441 : vector<16xf32>
        %add3A_1443 = arith.addf %mul3A_1442, %get3A_1234 : vector<16xf32>
        tpu.vector_store_idx %arg15[%add3A_6, %broadcast_in_dim3A_1429], %add3A_1443 : memref<64x129xf32, #tpu.memory_space<vmem>>[vector<16xi32>, vector<16xi32>], vector<16xf32>,
        %get3A_1444 = arith.index_cast %scan3A_1428 : i32 to index
        %get3A_1445 = arith.constant 32 : index
        %get3A_1446 = tpu.vector_load %arg11[%get3A_1444, %get3A_1445] {strides = array<i32>} : memref<128x64xf32, #tpu.memory_space<vmem>>, vector<16xf32>,
        %mul3A_1447 = arith.constant 8.000000e+00 : f32
        %mul3A_1448 = vector.broadcast %mul3A_1447 : f32 to vector<16xf32>
        %mul3A_1449 = arith.mulf %get3A_1446, %mul3A_1448 : vector<16xf32>
        %add3A_1450 = arith.addf %mul3A_1449, %get3A_1237 : vector<16xf32>
        tpu.vector_store_idx %arg15[%add3A_9, %broadcast_in_dim3A_1429], %add3A_1450 : memref<64x129xf32, #tpu.memory_space<vmem>>[vector<16xi32>, vector<16xi32>], vector<16xf32>,
        %get3A_1451 = arith.index_cast %scan3A_1428 : i32 to index
        %get3A_1452 = arith.constant 48 : index
        %get3A_1453 = tpu.vector_load %arg11[%get3A_1451, %get3A_1452] {strides = array<i32>} : memref<128x64xf32, #tpu.memory_space<vmem>>, vector<16xf32>,
        %mul3A_1454 = arith.constant 8.000000e+00 : f32
        %mul3A_1455 = vector.broadcast %mul3A_1454 : f32 to vector<16xf32>
        %mul3A_1456 = arith.mulf %get3A_1453, %mul3A_1455 : vector<16xf32>
        %add3A_1457 = arith.addf %mul3A_1456, %get3A_1240 : vector<16xf32>
        tpu.vector_store_idx %arg15[%add3A_12, %broadcast_in_dim3A_1429], %add3A_1457 : memref<64x129xf32, #tpu.memory_space<vmem>>[vector<16xi32>, vector<16xi32>], vector<16xf32>,
        %scan3A_1458 = arith.constant 2 : i32
        %scan3A_1459 = arith.addi %scan3A_1398, %scan3A_1458 : i32
        %broadcast_in_dim3A_1460 = vector.broadcast %scan3A_1459 : i32 to vector<16xi32>
        %get3A_1461 = arith.index_cast %scan3A_1459 : i32 to index
        %get3A_1462 = arith.constant 0 : index
        %get3A_1463 = tpu.vector_load %arg11[%get3A_1461, %get3A_1462] {strides = array<i32>} : memref<128x64xf32, #tpu.memory_space<vmem>>, vector<16xf32>,
        %mul3A_1464 = arith.constant 8.000000e+00 : f32
        %mul3A_1465 = vector.broadcast %mul3A_1464 : f32 to vector<16xf32>
        %mul3A_1466 = arith.mulf %get3A_1463, %mul3A_1465 : vector<16xf32>
        %add3A_1467 = arith.addf %mul3A_1466, %get3A_1231 : vector<16xf32>
        tpu.vector_store_idx %arg15[%add3A_3, %broadcast_in_dim3A_1460], %add3A_1467 : memref<64x129xf32, #tpu.memory_space<vmem>>[vector<16xi32>, vector<16xi32>], vector<16xf32>,
        %get3A_1468 = arith.index_cast %scan3A_1459 : i32 to index
        %get3A_1469 = arith.constant 16 : index
        %get3A_1470 = tpu.vector_load %arg11[%get3A_1468, %get3A_1469] {strides = array<i32>} : memref<128x64xf32, #tpu.memory_space<vmem>>, vector<16xf32>,
        %mul3A_1471 = arith.constant 8.000000e+00 : f32
        %mul3A_1472 = vector.broadcast %mul3A_1471 : f32 to vector<16xf32>
        %mul3A_1473 = arith.mulf %get3A_1470, %mul3A_1472 : vector<16xf32>
        %add3A_1474 = arith.addf %mul3A_1473, %get3A_1234 : vector<16xf32>
        tpu.vector_store_idx %arg15[%add3A_6, %broadcast_in_dim3A_1460], %add3A_1474 : memref<64x129xf32, #tpu.memory_space<vmem>>[vector<16xi32>, vector<16xi32>], vector<16xf32>,
        %get3A_1475 = arith.index_cast %scan3A_1459 : i32 to index
        %get3A_1476 = arith.constant 32 : index
        %get3A_1477 = tpu.vector_load %arg11[%get3A_1475, %get3A_1476] {strides = array<i32>} : memref<128x64xf32, #tpu.memory_space<vmem>>, vector<16xf32>,
        %mul3A_1478 = arith.constant 8.000000e+00 : f32
        %mul3A_1479 = vector.broadcast %mul3A_1478 : f32 to vector<16xf32>
        %mul3A_1480 = arith.mulf %get3A_1477, %mul3A_1479 : vector<16xf32>
        %add3A_1481 = arith.addf %mul3A_1480, %get3A_1237 : vector<16xf32>
        tpu.vector_store_idx %arg15[%add3A_9, %broadcast_in_dim3A_1460], %add3A_1481 : memref<64x129xf32, #tpu.memory_space<vmem>>[vector<16xi32>, vector<16xi32>], vector<16xf32>,
        %get3A_1482 = arith.index_cast %scan3A_1459 : i32 to index
        %get3A_1483 = arith.constant 48 : index
        %get3A_1484 = tpu.vector_load %arg11[%get3A_1482, %get3A_1483] {strides = array<i32>} : memref<128x64xf32, #tpu.memory_space<vmem>>, vector<16xf32>,
        %mul3A_1485 = arith.constant 8.000000e+00 : f32
        %mul3A_1486 = vector.broadcast %mul3A_1485 : f32 to vector<16xf32>
        %mul3A_1487 = arith.mulf %get3A_1484, %mul3A_1486 : vector<16xf32>
        %add3A_1488 = arith.addf %mul3A_1487, %get3A_1240 : vector<16xf32>
        tpu.vector_store_idx %arg15[%add3A_12, %broadcast_in_dim3A_1460], %add3A_1488 : memref<64x129xf32, #tpu.memory_space<vmem>>[vector<16xi32>, vector<16xi32>], vector<16xf32>,
        %scan3A_1489 = arith.constant 3 : i32
        %scan3A_1490 = arith.addi %scan3A_1398, %scan3A_1489 : i32
        %broadcast_in_dim3A_1491 = vector.broadcast %scan3A_1490 : i32 to vector<16xi32>
        %get3A_1492 = arith.index_cast %scan3A_1490 : i32 to index
        %get3A_1493 = arith.constant 0 : index
        %get3A_1494 = tpu.vector_load %arg11[%get3A_1492, %get3A_1493] {strides = array<i32>} : memref<128x64xf32, #tpu.memory_space<vmem>>, vector<16xf32>,
        %mul3A_1495 = arith.constant 8.000000e+00 : f32
        %mul3A_1496 = vector.broadcast %mul3A_1495 : f32 to vector<16xf32>
        %mul3A_1497 = arith.mulf %get3A_1494, %mul3A_1496 : vector<16xf32>
        %add3A_1498 = arith.addf %mul3A_1497, %get3A_1231 : vector<16xf32>
        tpu.vector_store_idx %arg15[%add3A_3, %broadcast_in_dim3A_1491], %add3A_1498 : memref<64x129xf32, #tpu.memory_space<vmem>>[vector<16xi32>, vector<16xi32>], vector<16xf32>,
        %get3A_1499 = arith.index_cast %scan3A_1490 : i32 to index
        %get3A_1500 = arith.constant 16 : index
        %get3A_1501 = tpu.vector_load %arg11[%get3A_1499, %get3A_1500] {strides = array<i32>} : memref<128x64xf32, #tpu.memory_space<vmem>>, vector<16xf32>,
        %mul3A_1502 = arith.constant 8.000000e+00 : f32
        %mul3A_1503 = vector.broadcast %mul3A_1502 : f32 to vector<16xf32>
        %mul3A_1504 = arith.mulf %get3A_1501, %mul3A_1503 : vector<16xf32>
        %add3A_1505 = arith.addf %mul3A_1504, %get3A_1234 : vector<16xf32>
        tpu.vector_store_idx %arg15[%add3A_6, %broadcast_in_dim3A_1491], %add3A_1505 : memref<64x129xf32, #tpu.memory_space<vmem>>[vector<16xi32>, vector<16xi32>], vector<16xf32>,
        %get3A_1506 = arith.index_cast %scan3A_1490 : i32 to index
        %get3A_1507 = arith.constant 32 : index
        %get3A_1508 = tpu.vector_load %arg11[%get3A_1506, %get3A_1507] {strides = array<i32>} : memref<128x64xf32, #tpu.memory_space<vmem>>, vector<16xf32>,
        %mul3A_1509 = arith.constant 8.000000e+00 : f32
        %mul3A_1510 = vector.broadcast %mul3A_1509 : f32 to vector<16xf32>
        %mul3A_1511 = arith.mulf %get3A_1508, %mul3A_1510 : vector<16xf32>
        %add3A_1512 = arith.addf %mul3A_1511, %get3A_1237 : vector<16xf32>
        tpu.vector_store_idx %arg15[%add3A_9, %broadcast_in_dim3A_1491], %add3A_1512 : memref<64x129xf32, #tpu.memory_space<vmem>>[vector<16xi32>, vector<16xi32>], vector<16xf32>,
        %get3A_1513 = arith.index_cast %scan3A_1490 : i32 to index
        %get3A_1514 = arith.constant 48 : index
        %get3A_1515 = tpu.vector_load %arg11[%get3A_1513, %get3A_1514] {strides = array<i32>} : memref<128x64xf32, #tpu.memory_space<vmem>>, vector<16xf32>,
        %mul3A_1516 = arith.constant 8.000000e+00 : f32
        %mul3A_1517 = vector.broadcast %mul3A_1516 : f32 to vector<16xf32>
        %mul3A_1518 = arith.mulf %get3A_1515, %mul3A_1517 : vector<16xf32>
        %add3A_1519 = arith.addf %mul3A_1518, %get3A_1240 : vector<16xf32>
        tpu.vector_store_idx %arg15[%add3A_12, %broadcast_in_dim3A_1491], %add3A_1519 : memref<64x129xf32, #tpu.memory_space<vmem>>[vector<16xi32>, vector<16xi32>], vector<16xf32>,
        %scan3A_1520 = arith.constant 4 : i32
        %scan3A_1521 = arith.addi %scan3A_1398, %scan3A_1520 : i32
        %broadcast_in_dim3A_1522 = vector.broadcast %scan3A_1521 : i32 to vector<16xi32>
        %get3A_1523 = arith.index_cast %scan3A_1521 : i32 to index
        %get3A_1524 = arith.constant 0 : index
        %get3A_1525 = tpu.vector_load %arg11[%get3A_1523, %get3A_1524] {strides = array<i32>} : memref<128x64xf32, #tpu.memory_space<vmem>>, vector<16xf32>,
        %mul3A_1526 = arith.constant 8.000000e+00 : f32
        %mul3A_1527 = vector.broadcast %mul3A_1526 : f32 to vector<16xf32>
        %mul3A_1528 = arith.mulf %get3A_1525, %mul3A_1527 : vector<16xf32>
        %add3A_1529 = arith.addf %mul3A_1528, %get3A_1231 : vector<16xf32>
        tpu.vector_store_idx %arg15[%add3A_3, %broadcast_in_dim3A_1522], %add3A_1529 : memref<64x129xf32, #tpu.memory_space<vmem>>[vector<16xi32>, vector<16xi32>], vector<16xf32>,
        %get3A_1530 = arith.index_cast %scan3A_1521 : i32 to index
        %get3A_1531 = arith.constant 16 : index
        %get3A_1532 = tpu.vector_load %arg11[%get3A_1530, %get3A_1531] {strides = array<i32>} : memref<128x64xf32, #tpu.memory_space<vmem>>, vector<16xf32>,
        %mul3A_1533 = arith.constant 8.000000e+00 : f32
        %mul3A_1534 = vector.broadcast %mul3A_1533 : f32 to vector<16xf32>
        %mul3A_1535 = arith.mulf %get3A_1532, %mul3A_1534 : vector<16xf32>
        %add3A_1536 = arith.addf %mul3A_1535, %get3A_1234 : vector<16xf32>
        tpu.vector_store_idx %arg15[%add3A_6, %broadcast_in_dim3A_1522], %add3A_1536 : memref<64x129xf32, #tpu.memory_space<vmem>>[vector<16xi32>, vector<16xi32>], vector<16xf32>,
        %get3A_1537 = arith.index_cast %scan3A_1521 : i32 to index
        %get3A_1538 = arith.constant 32 : index
        %get3A_1539 = tpu.vector_load %arg11[%get3A_1537, %get3A_1538] {strides = array<i32>} : memref<128x64xf32, #tpu.memory_space<vmem>>, vector<16xf32>,
        %mul3A_1540 = arith.constant 8.000000e+00 : f32
        %mul3A_1541 = vector.broadcast %mul3A_1540 : f32 to vector<16xf32>
        %mul3A_1542 = arith.mulf %get3A_1539, %mul3A_1541 : vector<16xf32>
        %add3A_1543 = arith.addf %mul3A_1542, %get3A_1237 : vector<16xf32>
        tpu.vector_store_idx %arg15[%add3A_9, %broadcast_in_dim3A_1522], %add3A_1543 : memref<64x129xf32, #tpu.memory_space<vmem>>[vector<16xi32>, vector<16xi32>], vector<16xf32>,
        %get3A_1544 = arith.index_cast %scan3A_1521 : i32 to index
        %get3A_1545 = arith.constant 48 : index
        %get3A_1546 = tpu.vector_load %arg11[%get3A_1544, %get3A_1545] {strides = array<i32>} : memref<128x64xf32, #tpu.memory_space<vmem>>, vector<16xf32>,
        %mul3A_1547 = arith.constant 8.000000e+00 : f32
        %mul3A_1548 = vector.broadcast %mul3A_1547 : f32 to vector<16xf32>
        %mul3A_1549 = arith.mulf %get3A_1546, %mul3A_1548 : vector<16xf32>
        %add3A_1550 = arith.addf %mul3A_1549, %get3A_1240 : vector<16xf32>
        tpu.vector_store_idx %arg15[%add3A_12, %broadcast_in_dim3A_1522], %add3A_1550 : memref<64x129xf32, #tpu.memory_space<vmem>>[vector<16xi32>, vector<16xi32>], vector<16xf32>,
        %scan3A_1551 = arith.constant 5 : i32
        %scan3A_1552 = arith.addi %scan3A_1398, %scan3A_1551 : i32
        %broadcast_in_dim3A_1553 = vector.broadcast %scan3A_1552 : i32 to vector<16xi32>
        %get3A_1554 = arith.index_cast %scan3A_1552 : i32 to index
        %get3A_1555 = arith.constant 0 : index
        %get3A_1556 = tpu.vector_load %arg11[%get3A_1554, %get3A_1555] {strides = array<i32>} : memref<128x64xf32, #tpu.memory_space<vmem>>, vector<16xf32>,
        %mul3A_1557 = arith.constant 8.000000e+00 : f32
        %mul3A_1558 = vector.broadcast %mul3A_1557 : f32 to vector<16xf32>
        %mul3A_1559 = arith.mulf %get3A_1556, %mul3A_1558 : vector<16xf32>
        %add3A_1560 = arith.addf %mul3A_1559, %get3A_1231 : vector<16xf32>
        tpu.vector_store_idx %arg15[%add3A_3, %broadcast_in_dim3A_1553], %add3A_1560 : memref<64x129xf32, #tpu.memory_space<vmem>>[vector<16xi32>, vector<16xi32>], vector<16xf32>,
        %get3A_1561 = arith.index_cast %scan3A_1552 : i32 to index
        %get3A_1562 = arith.constant 16 : index
        %get3A_1563 = tpu.vector_load %arg11[%get3A_1561, %get3A_1562] {strides = array<i32>} : memref<128x64xf32, #tpu.memory_space<vmem>>, vector<16xf32>,
        %mul3A_1564 = arith.constant 8.000000e+00 : f32
        %mul3A_1565 = vector.broadcast %mul3A_1564 : f32 to vector<16xf32>
        %mul3A_1566 = arith.mulf %get3A_1563, %mul3A_1565 : vector<16xf32>
        %add3A_1567 = arith.addf %mul3A_1566, %get3A_1234 : vector<16xf32>
        tpu.vector_store_idx %arg15[%add3A_6, %broadcast_in_dim3A_1553], %add3A_1567 : memref<64x129xf32, #tpu.memory_space<vmem>>[vector<16xi32>, vector<16xi32>], vector<16xf32>,
        %get3A_1568 = arith.index_cast %scan3A_1552 : i32 to index
        %get3A_1569 = arith.constant 32 : index
        %get3A_1570 = tpu.vector_load %arg11[%get3A_1568, %get3A_1569] {strides = array<i32>} : memref<128x64xf32, #tpu.memory_space<vmem>>, vector<16xf32>,
        %mul3A_1571 = arith.constant 8.000000e+00 : f32
        %mul3A_1572 = vector.broadcast %mul3A_1571 : f32 to vector<16xf32>
        %mul3A_1573 = arith.mulf %get3A_1570, %mul3A_1572 : vector<16xf32>
        %add3A_1574 = arith.addf %mul3A_1573, %get3A_1237 : vector<16xf32>
        tpu.vector_store_idx %arg15[%add3A_9, %broadcast_in_dim3A_1553], %add3A_1574 : memref<64x129xf32, #tpu.memory_space<vmem>>[vector<16xi32>, vector<16xi32>], vector<16xf32>,
        %get3A_1575 = arith.index_cast %scan3A_1552 : i32 to index
        %get3A_1576 = arith.constant 48 : index
        %get3A_1577 = tpu.vector_load %arg11[%get3A_1575, %get3A_1576] {strides = array<i32>} : memref<128x64xf32, #tpu.memory_space<vmem>>, vector<16xf32>,
        %mul3A_1578 = arith.constant 8.000000e+00 : f32
        %mul3A_1579 = vector.broadcast %mul3A_1578 : f32 to vector<16xf32>
        %mul3A_1580 = arith.mulf %get3A_1577, %mul3A_1579 : vector<16xf32>
        %add3A_1581 = arith.addf %mul3A_1580, %get3A_1240 : vector<16xf32>
        tpu.vector_store_idx %arg15[%add3A_12, %broadcast_in_dim3A_1553], %add3A_1581 : memref<64x129xf32, #tpu.memory_space<vmem>>[vector<16xi32>, vector<16xi32>], vector<16xf32>,
        %scan3A_1582 = arith.constant 6 : i32
        %scan3A_1583 = arith.addi %scan3A_1398, %scan3A_1582 : i32
        %broadcast_in_dim3A_1584 = vector.broadcast %scan3A_1583 : i32 to vector<16xi32>
        %get3A_1585 = arith.index_cast %scan3A_1583 : i32 to index
        %get3A_1586 = arith.constant 0 : index
        %get3A_1587 = tpu.vector_load %arg11[%get3A_1585, %get3A_1586] {strides = array<i32>} : memref<128x64xf32, #tpu.memory_space<vmem>>, vector<16xf32>,
        %mul3A_1588 = arith.constant 8.000000e+00 : f32
        %mul3A_1589 = vector.broadcast %mul3A_1588 : f32 to vector<16xf32>
        %mul3A_1590 = arith.mulf %get3A_1587, %mul3A_1589 : vector<16xf32>
        %add3A_1591 = arith.addf %mul3A_1590, %get3A_1231 : vector<16xf32>
        tpu.vector_store_idx %arg15[%add3A_3, %broadcast_in_dim3A_1584], %add3A_1591 : memref<64x129xf32, #tpu.memory_space<vmem>>[vector<16xi32>, vector<16xi32>], vector<16xf32>,
        %get3A_1592 = arith.index_cast %scan3A_1583 : i32 to index
        %get3A_1593 = arith.constant 16 : index
        %get3A_1594 = tpu.vector_load %arg11[%get3A_1592, %get3A_1593] {strides = array<i32>} : memref<128x64xf32, #tpu.memory_space<vmem>>, vector<16xf32>,
        %mul3A_1595 = arith.constant 8.000000e+00 : f32
        %mul3A_1596 = vector.broadcast %mul3A_1595 : f32 to vector<16xf32>
        %mul3A_1597 = arith.mulf %get3A_1594, %mul3A_1596 : vector<16xf32>
        %add3A_1598 = arith.addf %mul3A_1597, %get3A_1234 : vector<16xf32>
        tpu.vector_store_idx %arg15[%add3A_6, %broadcast_in_dim3A_1584], %add3A_1598 : memref<64x129xf32, #tpu.memory_space<vmem>>[vector<16xi32>, vector<16xi32>], vector<16xf32>,
        %get3A_1599 = arith.index_cast %scan3A_1583 : i32 to index
        %get3A_1600 = arith.constant 32 : index
        %get3A_1601 = tpu.vector_load %arg11[%get3A_1599, %get3A_1600] {strides = array<i32>} : memref<128x64xf32, #tpu.memory_space<vmem>>, vector<16xf32>,
        %mul3A_1602 = arith.constant 8.000000e+00 : f32
        %mul3A_1603 = vector.broadcast %mul3A_1602 : f32 to vector<16xf32>
        %mul3A_1604 = arith.mulf %get3A_1601, %mul3A_1603 : vector<16xf32>
        %add3A_1605 = arith.addf %mul3A_1604, %get3A_1237 : vector<16xf32>
        tpu.vector_store_idx %arg15[%add3A_9, %broadcast_in_dim3A_1584], %add3A_1605 : memref<64x129xf32, #tpu.memory_space<vmem>>[vector<16xi32>, vector<16xi32>], vector<16xf32>,
        %get3A_1606 = arith.index_cast %scan3A_1583 : i32 to index
        %get3A_1607 = arith.constant 48 : index
        %get3A_1608 = tpu.vector_load %arg11[%get3A_1606, %get3A_1607] {strides = array<i32>} : memref<128x64xf32, #tpu.memory_space<vmem>>, vector<16xf32>,
        %mul3A_1609 = arith.constant 8.000000e+00 : f32
        %mul3A_1610 = vector.broadcast %mul3A_1609 : f32 to vector<16xf32>
        %mul3A_1611 = arith.mulf %get3A_1608, %mul3A_1610 : vector<16xf32>
        %add3A_1612 = arith.addf %mul3A_1611, %get3A_1240 : vector<16xf32>
        tpu.vector_store_idx %arg15[%add3A_12, %broadcast_in_dim3A_1584], %add3A_1612 : memref<64x129xf32, #tpu.memory_space<vmem>>[vector<16xi32>, vector<16xi32>], vector<16xf32>,
        %scan3A_1613 = arith.constant 7 : i32
        %scan3A_1614 = arith.addi %scan3A_1398, %scan3A_1613 : i32
        %broadcast_in_dim3A_1615 = vector.broadcast %scan3A_1614 : i32 to vector<16xi32>
        %get3A_1616 = arith.index_cast %scan3A_1614 : i32 to index
        %get3A_1617 = arith.constant 0 : index
        %get3A_1618 = tpu.vector_load %arg11[%get3A_1616, %get3A_1617] {strides = array<i32>} : memref<128x64xf32, #tpu.memory_space<vmem>>, vector<16xf32>,
        %mul3A_1619 = arith.constant 8.000000e+00 : f32
        %mul3A_1620 = vector.broadcast %mul3A_1619 : f32 to vector<16xf32>
        %mul3A_1621 = arith.mulf %get3A_1618, %mul3A_1620 : vector<16xf32>
        %add3A_1622 = arith.addf %mul3A_1621, %get3A_1231 : vector<16xf32>
        tpu.vector_store_idx %arg15[%add3A_3, %broadcast_in_dim3A_1615], %add3A_1622 : memref<64x129xf32, #tpu.memory_space<vmem>>[vector<16xi32>, vector<16xi32>], vector<16xf32>,
        %get3A_1623 = arith.index_cast %scan3A_1614 : i32 to index
        %get3A_1624 = arith.constant 16 : index
        %get3A_1625 = tpu.vector_load %arg11[%get3A_1623, %get3A_1624] {strides = array<i32>} : memref<128x64xf32, #tpu.memory_space<vmem>>, vector<16xf32>,
        %mul3A_1626 = arith.constant 8.000000e+00 : f32
        %mul3A_1627 = vector.broadcast %mul3A_1626 : f32 to vector<16xf32>
        %mul3A_1628 = arith.mulf %get3A_1625, %mul3A_1627 : vector<16xf32>
        %add3A_1629 = arith.addf %mul3A_1628, %get3A_1234 : vector<16xf32>
        tpu.vector_store_idx %arg15[%add3A_6, %broadcast_in_dim3A_1615], %add3A_1629 : memref<64x129xf32, #tpu.memory_space<vmem>>[vector<16xi32>, vector<16xi32>], vector<16xf32>,
        %get3A_1630 = arith.index_cast %scan3A_1614 : i32 to index
        %get3A_1631 = arith.constant 32 : index
        %get3A_1632 = tpu.vector_load %arg11[%get3A_1630, %get3A_1631] {strides = array<i32>} : memref<128x64xf32, #tpu.memory_space<vmem>>, vector<16xf32>,
        %mul3A_1633 = arith.constant 8.000000e+00 : f32
        %mul3A_1634 = vector.broadcast %mul3A_1633 : f32 to vector<16xf32>
        %mul3A_1635 = arith.mulf %get3A_1632, %mul3A_1634 : vector<16xf32>
        %add3A_1636 = arith.addf %mul3A_1635, %get3A_1237 : vector<16xf32>
        tpu.vector_store_idx %arg15[%add3A_9, %broadcast_in_dim3A_1615], %add3A_1636 : memref<64x129xf32, #tpu.memory_space<vmem>>[vector<16xi32>, vector<16xi32>], vector<16xf32>,
        %get3A_1637 = arith.index_cast %scan3A_1614 : i32 to index
        %get3A_1638 = arith.constant 48 : index
        %get3A_1639 = tpu.vector_load %arg11[%get3A_1637, %get3A_1638] {strides = array<i32>} : memref<128x64xf32, #tpu.memory_space<vmem>>, vector<16xf32>,
        %mul3A_1640 = arith.constant 8.000000e+00 : f32
        %mul3A_1641 = vector.broadcast %mul3A_1640 : f32 to vector<16xf32>
        %mul3A_1642 = arith.mulf %get3A_1639, %mul3A_1641 : vector<16xf32>
        %add3A_1643 = arith.addf %mul3A_1642, %get3A_1240 : vector<16xf32>
        tpu.vector_store_idx %arg15[%add3A_12, %broadcast_in_dim3A_1615], %add3A_1643 : memref<64x129xf32, #tpu.memory_space<vmem>>[vector<16xi32>, vector<16xi32>], vector<16xf32>,
      }
      %scan3A_1246 = arith.constant 128 : i32
      %dma_start3A_1247 = arith.constant 0 : i32
      %dma_start3A_1248 = arith.constant 3 : i32
      %dma_start3A_1249 = arith.constant 0 : i32
      %dma_start3A_1250 = arith.constant 0 : i32
      %dma_start3A_1251 = tpu.memref_slice %arg15[%dma_start3A_1249, %dma_start3A_1250] : memref<64x129xf32, #tpu.memory_space<vmem>> -> memref<8x128xf32, #tpu.memory_space<vmem>>
      %dma_start3A_1252 = arith.constant 0 : i32
      %dma_start3A_1253 = arith.constant 0 : i32
      %dma_start3A_1254 = tpu.memref_slice %arg5[%add3A_1212, %dma_start3A_1247, %add3A, %dma_start3A_1252, %dma_start3A_1253] : memref<200x8x32x8x128xf32, #tpu.memory_space<hbm>> -> memref<1x1x1x8x128xf32, #tpu.memory_space<hbm>>
      %dma_start3A_1255 = tpu.memref_squeeze %dma_start3A_1254 : memref<1x1x1x8x128xf32, #tpu.memory_space<hbm>> -> memref<8x128xf32, #tpu.memory_space<hbm>>
      %dma_start3A_1256 = tpu.memref_slice %arg17[%dma_start3A_1248] : memref<4x!tpu.dma_semaphore, #tpu.memory_space<semaphore_mem>> -> memref<1x!tpu.dma_semaphore, #tpu.memory_space<semaphore_mem>>
      %dma_start3A_1257 = tpu.memref_squeeze %dma_start3A_1256 : memref<1x!tpu.dma_semaphore, #tpu.memory_space<semaphore_mem>> -> memref<!tpu.dma_semaphore, #tpu.memory_space<semaphore_mem>>
      %dma_start3A_1258 = arith.constant 0 : i32
      %dma_start3A_1259 = arith.constant 0 : i32
      %dma_start3A_1260 = tpu.memref_slice %arg5[%add3A_1212, %dma_start3A_1247, %add3A, %dma_start3A_1258, %dma_start3A_1259] : memref<200x8x32x8x128xf32, #tpu.memory_space<hbm>> -> memref<1x1x1x8x128xf32, #tpu.memory_space<hbm>>
      %dma_start3A_1261 = tpu.memref_squeeze %dma_start3A_1260 : memref<1x1x1x8x128xf32, #tpu.memory_space<hbm>> -> memref<8x128xf32, #tpu.memory_space<hbm>>
      %dma_start3A_1262 = arith.constant 0 : i32
      %dma_start3A_1263 = arith.constant 0 : i32
      %dma_start3A_1264 = tpu.memref_slice %arg15[%dma_start3A_1262, %dma_start3A_1263] : memref<64x129xf32, #tpu.memory_space<vmem>> -> memref<8x128xf32, #tpu.memory_space<vmem>>
      tpu.enqueue_dma source(%dma_start3A_1264 : memref<8x128xf32, #tpu.memory_space<vmem>>) target(%dma_start3A_1261 : memref<8x128xf32, #tpu.memory_space<hbm>>) target_semaphore(%dma_start3A_1257 : memref<!tpu.dma_semaphore, #tpu.memory_space<semaphore_mem>>)
      %dma_start3A_1265 = arith.constant 1 : i32
      %dma_start3A_1266 = arith.constant 3 : i32
      %dma_start3A_1267 = arith.constant 8 : i32
      %dma_start3A_1268 = arith.constant 0 : i32
      %dma_start3A_1269 = tpu.memref_slice %arg15[%dma_start3A_1267, %dma_start3A_1268] : memref<64x129xf32, #tpu.memory_space<vmem>> -> memref<8x128xf32, #tpu.memory_space<vmem>>
      %dma_start3A_1270 = arith.constant 0 : i32
      %dma_start3A_1271 = arith.constant 0 : i32
      %dma_start3A_1272 = tpu.memref_slice %arg5[%add3A_1212, %dma_start3A_1265, %add3A, %dma_start3A_1270, %dma_start3A_1271] : memref<200x8x32x8x128xf32, #tpu.memory_space<hbm>> -> memref<1x1x1x8x128xf32, #tpu.memory_space<hbm>>
      %dma_start3A_1273 = tpu.memref_squeeze %dma_start3A_1272 : memref<1x1x1x8x128xf32, #tpu.memory_space<hbm>> -> memref<8x128xf32, #tpu.memory_space<hbm>>
      %dma_start3A_1274 = tpu.memref_slice %arg17[%dma_start3A_1266] : memref<4x!tpu.dma_semaphore, #tpu.memory_space<semaphore_mem>> -> memref<1x!tpu.dma_semaphore, #tpu.memory_space<semaphore_mem>>
      %dma_start3A_1275 = tpu.memref_squeeze %dma_start3A_1274 : memref<1x!tpu.dma_semaphore, #tpu.memory_space<semaphore_mem>> -> memref<!tpu.dma_semaphore, #tpu.memory_space<semaphore_mem>>
      %dma_start3A_1276 = arith.constant 0 : i32
      %dma_start3A_1277 = arith.constant 0 : i32
      %dma_start3A_1278 = tpu.memref_slice %arg5[%add3A_1212, %dma_start3A_1265, %add3A, %dma_start3A_1276, %dma_start3A_1277] : memref<200x8x32x8x128xf32, #tpu.memory_space<hbm>> -> memref<1x1x1x8x128xf32, #tpu.memory_space<hbm>>
      %dma_start3A_1279 = tpu.memref_squeeze %dma_start3A_1278 : memref<1x1x1x8x128xf32, #tpu.memory_space<hbm>> -> memref<8x128xf32, #tpu.memory_space<hbm>>
      %dma_start3A_1280 = arith.constant 8 : i32
      %dma_start3A_1281 = arith.constant 0 : i32
      %dma_start3A_1282 = tpu.memref_slice %arg15[%dma_start3A_1280, %dma_start3A_1281] : memref<64x129xf32, #tpu.memory_space<vmem>> -> memref<8x128xf32, #tpu.memory_space<vmem>>
      tpu.enqueue_dma source(%dma_start3A_1282 : memref<8x128xf32, #tpu.memory_space<vmem>>) target(%dma_start3A_1279 : memref<8x128xf32, #tpu.memory_space<hbm>>) target_semaphore(%dma_start3A_1275 : memref<!tpu.dma_semaphore, #tpu.memory_space<semaphore_mem>>)
      %dma_start3A_1283 = arith.constant 2 : i32
      %dma_start3A_1284 = arith.constant 3 : i32
      %dma_start3A_1285 = arith.constant 16 : i32
      %dma_start3A_1286 = arith.constant 0 : i32
      %dma_start3A_1287 = tpu.memref_slice %arg15[%dma_start3A_1285, %dma_start3A_1286] : memref<64x129xf32, #tpu.memory_space<vmem>> -> memref<8x128xf32, #tpu.memory_space<vmem>>
      %dma_start3A_1288 = arith.constant 0 : i32
      %dma_start3A_1289 = arith.constant 0 : i32
      %dma_start3A_1290 = tpu.memref_slice %arg5[%add3A_1212, %dma_start3A_1283, %add3A, %dma_start3A_1288, %dma_start3A_1289] : memref<200x8x32x8x128xf32, #tpu.memory_space<hbm>> -> memref<1x1x1x8x128xf32, #tpu.memory_space<hbm>>
      %dma_start3A_1291 = tpu.memref_squeeze %dma_start3A_1290 : memref<1x1x1x8x128xf32, #tpu.memory_space<hbm>> -> memref<8x128xf32, #tpu.memory_space<hbm>>
      %dma_start3A_1292 = tpu.memref_slice %arg17[%dma_start3A_1284] : memref<4x!tpu.dma_semaphore, #tpu.memory_space<semaphore_mem>> -> memref<1x!tpu.dma_semaphore, #tpu.memory_space<semaphore_mem>>
      %dma_start3A_1293 = tpu.memref_squeeze %dma_start3A_1292 : memref<1x!tpu.dma_semaphore, #tpu.memory_space<semaphore_mem>> -> memref<!tpu.dma_semaphore, #tpu.memory_space<semaphore_mem>>
      %dma_start3A_1294 = arith.constant 0 : i32
      %dma_start3A_1295 = arith.constant 0 : i32
      %dma_start3A_1296 = tpu.memref_slice %arg5[%add3A_1212, %dma_start3A_1283, %add3A, %dma_start3A_1294, %dma_start3A_1295] : memref<200x8x32x8x128xf32, #tpu.memory_space<hbm>> -> memref<1x1x1x8x128xf32, #tpu.memory_space<hbm>>
      %dma_start3A_1297 = tpu.memref_squeeze %dma_start3A_1296 : memref<1x1x1x8x128xf32, #tpu.memory_space<hbm>> -> memref<8x128xf32, #tpu.memory_space<hbm>>
      %dma_start3A_1298 = arith.constant 16 : i32
      %dma_start3A_1299 = arith.constant 0 : i32
      %dma_start3A_1300 = tpu.memref_slice %arg15[%dma_start3A_1298, %dma_start3A_1299] : memref<64x129xf32, #tpu.memory_space<vmem>> -> memref<8x128xf32, #tpu.memory_space<vmem>>
      tpu.enqueue_dma source(%dma_start3A_1300 : memref<8x128xf32, #tpu.memory_space<vmem>>) target(%dma_start3A_1297 : memref<8x128xf32, #tpu.memory_space<hbm>>) target_semaphore(%dma_start3A_1293 : memref<!tpu.dma_semaphore, #tpu.memory_space<semaphore_mem>>)
      %dma_start3A_1301 = arith.constant 3 : i32
      %dma_start3A_1302 = arith.constant 3 : i32
      %dma_start3A_1303 = arith.constant 24 : i32
      %dma_start3A_1304 = arith.constant 0 : i32
      %dma_start3A_1305 = tpu.memref_slice %arg15[%dma_start3A_1303, %dma_start3A_1304] : memref<64x129xf32, #tpu.memory_space<vmem>> -> memref<8x128xf32, #tpu.memory_space<vmem>>
      %dma_start3A_1306 = arith.constant 0 : i32
      %dma_start3A_1307 = arith.constant 0 : i32
      %dma_start3A_1308 = tpu.memref_slice %arg5[%add3A_1212, %dma_start3A_1301, %add3A, %dma_start3A_1306, %dma_start3A_1307] : memref<200x8x32x8x128xf32, #tpu.memory_space<hbm>> -> memref<1x1x1x8x128xf32, #tpu.memory_space<hbm>>
      %dma_start3A_1309 = tpu.memref_squeeze %dma_start3A_1308 : memref<1x1x1x8x128xf32, #tpu.memory_space<hbm>> -> memref<8x128xf32, #tpu.memory_space<hbm>>
      %dma_start3A_1310 = tpu.memref_slice %arg17[%dma_start3A_1302] : memref<4x!tpu.dma_semaphore, #tpu.memory_space<semaphore_mem>> -> memref<1x!tpu.dma_semaphore, #tpu.memory_space<semaphore_mem>>
      %dma_start3A_1311 = tpu.memref_squeeze %dma_start3A_1310 : memref<1x!tpu.dma_semaphore, #tpu.memory_space<semaphore_mem>> -> memref<!tpu.dma_semaphore, #tpu.memory_space<semaphore_mem>>
      %dma_start3A_1312 = arith.constant 0 : i32
      %dma_start3A_1313 = arith.constant 0 : i32
      %dma_start3A_1314 = tpu.memref_slice %arg5[%add3A_1212, %dma_start3A_1301, %add3A, %dma_start3A_1312, %dma_start3A_1313] : memref<200x8x32x8x128xf32, #tpu.memory_space<hbm>> -> memref<1x1x1x8x128xf32, #tpu.memory_space<hbm>>
      %dma_start3A_1315 = tpu.memref_squeeze %dma_start3A_1314 : memref<1x1x1x8x128xf32, #tpu.memory_space<hbm>> -> memref<8x128xf32, #tpu.memory_space<hbm>>
      %dma_start3A_1316 = arith.constant 24 : i32
      %dma_start3A_1317 = arith.constant 0 : i32
      %dma_start3A_1318 = tpu.memref_slice %arg15[%dma_start3A_1316, %dma_start3A_1317] : memref<64x129xf32, #tpu.memory_space<vmem>> -> memref<8x128xf32, #tpu.memory_space<vmem>>
      tpu.enqueue_dma source(%dma_start3A_1318 : memref<8x128xf32, #tpu.memory_space<vmem>>) target(%dma_start3A_1315 : memref<8x128xf32, #tpu.memory_space<hbm>>) target_semaphore(%dma_start3A_1311 : memref<!tpu.dma_semaphore, #tpu.memory_space<semaphore_mem>>)
      %dma_start3A_1319 = arith.constant 4 : i32
      %dma_start3A_1320 = arith.constant 3 : i32
      %dma_start3A_1321 = arith.constant 32 : i32
      %dma_start3A_1322 = arith.constant 0 : i32
      %dma_start3A_1323 = tpu.memref_slice %arg15[%dma_start3A_1321, %dma_start3A_1322] : memref<64x129xf32, #tpu.memory_space<vmem>> -> memref<8x128xf32, #tpu.memory_space<vmem>>
      %dma_start3A_1324 = arith.constant 0 : i32
      %dma_start3A_1325 = arith.constant 0 : i32
      %dma_start3A_1326 = tpu.memref_slice %arg5[%add3A_1212, %dma_start3A_1319, %add3A, %dma_start3A_1324, %dma_start3A_1325] : memref<200x8x32x8x128xf32, #tpu.memory_space<hbm>> -> memref<1x1x1x8x128xf32, #tpu.memory_space<hbm>>
      %dma_start3A_1327 = tpu.memref_squeeze %dma_start3A_1326 : memref<1x1x1x8x128xf32, #tpu.memory_space<hbm>> -> memref<8x128xf32, #tpu.memory_space<hbm>>
      %dma_start3A_1328 = tpu.memref_slice %arg17[%dma_start3A_1320] : memref<4x!tpu.dma_semaphore, #tpu.memory_space<semaphore_mem>> -> memref<1x!tpu.dma_semaphore, #tpu.memory_space<semaphore_mem>>
      %dma_start3A_1329 = tpu.memref_squeeze %dma_start3A_1328 : memref<1x!tpu.dma_semaphore, #tpu.memory_space<semaphore_mem>> -> memref<!tpu.dma_semaphore, #tpu.memory_space<semaphore_mem>>
      %dma_start3A_1330 = arith.constant 0 : i32
      %dma_start3A_1331 = arith.constant 0 : i32
      %dma_start3A_1332 = tpu.memref_slice %arg5[%add3A_1212, %dma_start3A_1319, %add3A, %dma_start3A_1330, %dma_start3A_1331] : memref<200x8x32x8x128xf32, #tpu.memory_space<hbm>> -> memref<1x1x1x8x128xf32, #tpu.memory_space<hbm>>
      %dma_start3A_1333 = tpu.memref_squeeze %dma_start3A_1332 : memref<1x1x1x8x128xf32, #tpu.memory_space<hbm>> -> memref<8x128xf32, #tpu.memory_space<hbm>>
      %dma_start3A_1334 = arith.constant 32 : i32
      %dma_start3A_1335 = arith.constant 0 : i32
      %dma_start3A_1336 = tpu.memref_slice %arg15[%dma_start3A_1334, %dma_start3A_1335] : memref<64x129xf32, #tpu.memory_space<vmem>> -> memref<8x128xf32, #tpu.memory_space<vmem>>
      tpu.enqueue_dma source(%dma_start3A_1336 : memref<8x128xf32, #tpu.memory_space<vmem>>) target(%dma_start3A_1333 : memref<8x128xf32, #tpu.memory_space<hbm>>) target_semaphore(%dma_start3A_1329 : memref<!tpu.dma_semaphore, #tpu.memory_space<semaphore_mem>>)
      %dma_start3A_1337 = arith.constant 5 : i32
      %dma_start3A_1338 = arith.constant 3 : i32
      %dma_start3A_1339 = arith.constant 40 : i32
      %dma_start3A_1340 = arith.constant 0 : i32
      %dma_start3A_1341 = tpu.memref_slice %arg15[%dma_start3A_1339, %dma_start3A_1340] : memref<64x129xf32, #tpu.memory_space<vmem>> -> memref<8x128xf32, #tpu.memory_space<vmem>>
      %dma_start3A_1342 = arith.constant 0 : i32
      %dma_start3A_1343 = arith.constant 0 : i32
      %dma_start3A_1344 = tpu.memref_slice %arg5[%add3A_1212, %dma_start3A_1337, %add3A, %dma_start3A_1342, %dma_start3A_1343] : memref<200x8x32x8x128xf32, #tpu.memory_space<hbm>> -> memref<1x1x1x8x128xf32, #tpu.memory_space<hbm>>
      %dma_start3A_1345 = tpu.memref_squeeze %dma_start3A_1344 : memref<1x1x1x8x128xf32, #tpu.memory_space<hbm>> -> memref<8x128xf32, #tpu.memory_space<hbm>>
      %dma_start3A_1346 = tpu.memref_slice %arg17[%dma_start3A_1338] : memref<4x!tpu.dma_semaphore, #tpu.memory_space<semaphore_mem>> -> memref<1x!tpu.dma_semaphore, #tpu.memory_space<semaphore_mem>>
      %dma_start3A_1347 = tpu.memref_squeeze %dma_start3A_1346 : memref<1x!tpu.dma_semaphore, #tpu.memory_space<semaphore_mem>> -> memref<!tpu.dma_semaphore, #tpu.memory_space<semaphore_mem>>
      %dma_start3A_1348 = arith.constant 0 : i32
      %dma_start3A_1349 = arith.constant 0 : i32
      %dma_start3A_1350 = tpu.memref_slice %arg5[%add3A_1212, %dma_start3A_1337, %add3A, %dma_start3A_1348, %dma_start3A_1349] : memref<200x8x32x8x128xf32, #tpu.memory_space<hbm>> -> memref<1x1x1x8x128xf32, #tpu.memory_space<hbm>>
      %dma_start3A_1351 = tpu.memref_squeeze %dma_start3A_1350 : memref<1x1x1x8x128xf32, #tpu.memory_space<hbm>> -> memref<8x128xf32, #tpu.memory_space<hbm>>
      %dma_start3A_1352 = arith.constant 40 : i32
      %dma_start3A_1353 = arith.constant 0 : i32
      %dma_start3A_1354 = tpu.memref_slice %arg15[%dma_start3A_1352, %dma_start3A_1353] : memref<64x129xf32, #tpu.memory_space<vmem>> -> memref<8x128xf32, #tpu.memory_space<vmem>>
      tpu.enqueue_dma source(%dma_start3A_1354 : memref<8x128xf32, #tpu.memory_space<vmem>>) target(%dma_start3A_1351 : memref<8x128xf32, #tpu.memory_space<hbm>>) target_semaphore(%dma_start3A_1347 : memref<!tpu.dma_semaphore, #tpu.memory_space<semaphore_mem>>)
      %dma_start3A_1355 = arith.constant 6 : i32
      %dma_start3A_1356 = arith.constant 3 : i32
      %dma_start3A_1357 = arith.constant 48 : i32
      %dma_start3A_1358 = arith.constant 0 : i32
      %dma_start3A_1359 = tpu.memref_slice %arg15[%dma_start3A_1357, %dma_start3A_1358] : memref<64x129xf32, #tpu.memory_space<vmem>> -> memref<8x128xf32, #tpu.memory_space<vmem>>
      %dma_start3A_1360 = arith.constant 0 : i32
      %dma_start3A_1361 = arith.constant 0 : i32
      %dma_start3A_1362 = tpu.memref_slice %arg5[%add3A_1212, %dma_start3A_1355, %add3A, %dma_start3A_1360, %dma_start3A_1361] : memref<200x8x32x8x128xf32, #tpu.memory_space<hbm>> -> memref<1x1x1x8x128xf32, #tpu.memory_space<hbm>>
      %dma_start3A_1363 = tpu.memref_squeeze %dma_start3A_1362 : memref<1x1x1x8x128xf32, #tpu.memory_space<hbm>> -> memref<8x128xf32, #tpu.memory_space<hbm>>
      %dma_start3A_1364 = tpu.memref_slice %arg17[%dma_start3A_1356] : memref<4x!tpu.dma_semaphore, #tpu.memory_space<semaphore_mem>> -> memref<1x!tpu.dma_semaphore, #tpu.memory_space<semaphore_mem>>
      %dma_start3A_1365 = tpu.memref_squeeze %dma_start3A_1364 : memref<1x!tpu.dma_semaphore, #tpu.memory_space<semaphore_mem>> -> memref<!tpu.dma_semaphore, #tpu.memory_space<semaphore_mem>>
      %dma_start3A_1366 = arith.constant 0 : i32
      %dma_start3A_1367 = arith.constant 0 : i32
      %dma_start3A_1368 = tpu.memref_slice %arg5[%add3A_1212, %dma_start3A_1355, %add3A, %dma_start3A_1366, %dma_start3A_1367] : memref<200x8x32x8x128xf32, #tpu.memory_space<hbm>> -> memref<1x1x1x8x128xf32, #tpu.memory_space<hbm>>
      %dma_start3A_1369 = tpu.memref_squeeze %dma_start3A_1368 : memref<1x1x1x8x128xf32, #tpu.memory_space<hbm>> -> memref<8x128xf32, #tpu.memory_space<hbm>>
      %dma_start3A_1370 = arith.constant 48 : i32
      %dma_start3A_1371 = arith.constant 0 : i32
      %dma_start3A_1372 = tpu.memref_slice %arg15[%dma_start3A_1370, %dma_start3A_1371] : memref<64x129xf32, #tpu.memory_space<vmem>> -> memref<8x128xf32, #tpu.memory_space<vmem>>
      tpu.enqueue_dma source(%dma_start3A_1372 : memref<8x128xf32, #tpu.memory_space<vmem>>) target(%dma_start3A_1369 : memref<8x128xf32, #tpu.memory_space<hbm>>) target_semaphore(%dma_start3A_1365 : memref<!tpu.dma_semaphore, #tpu.memory_space<semaphore_mem>>)
      %dma_start3A_1373 = arith.constant 7 : i32
      %dma_start3A_1374 = arith.constant 3 : i32
      %dma_start3A_1375 = arith.constant 56 : i32
      %dma_start3A_1376 = arith.constant 0 : i32
      %dma_start3A_1377 = tpu.memref_slice %arg15[%dma_start3A_1375, %dma_start3A_1376] : memref<64x129xf32, #tpu.memory_space<vmem>> -> memref<8x128xf32, #tpu.memory_space<vmem>>
      %dma_start3A_1378 = arith.constant 0 : i32
      %dma_start3A_1379 = arith.constant 0 : i32
      %dma_start3A_1380 = tpu.memref_slice %arg5[%add3A_1212, %dma_start3A_1373, %add3A, %dma_start3A_1378, %dma_start3A_1379] : memref<200x8x32x8x128xf32, #tpu.memory_space<hbm>> -> memref<1x1x1x8x128xf32, #tpu.memory_space<hbm>>
      %dma_start3A_1381 = tpu.memref_squeeze %dma_start3A_1380 : memref<1x1x1x8x128xf32, #tpu.memory_space<hbm>> -> memref<8x128xf32, #tpu.memory_space<hbm>>
      %dma_start3A_1382 = tpu.memref_slice %arg17[%dma_start3A_1374] : memref<4x!tpu.dma_semaphore, #tpu.memory_space<semaphore_mem>> -> memref<1x!tpu.dma_semaphore, #tpu.memory_space<semaphore_mem>>
      %dma_start3A_1383 = tpu.memref_squeeze %dma_start3A_1382 : memref<1x!tpu.dma_semaphore, #tpu.memory_space<semaphore_mem>> -> memref<!tpu.dma_semaphore, #tpu.memory_space<semaphore_mem>>
      %dma_start3A_1384 = arith.constant 0 : i32
      %dma_start3A_1385 = arith.constant 0 : i32
      %dma_start3A_1386 = tpu.memref_slice %arg5[%add3A_1212, %dma_start3A_1373, %add3A, %dma_start3A_1384, %dma_start3A_1385] : memref<200x8x32x8x128xf32, #tpu.memory_space<hbm>> -> memref<1x1x1x8x128xf32, #tpu.memory_space<hbm>>
      %dma_start3A_1387 = tpu.memref_squeeze %dma_start3A_1386 : memref<1x1x1x8x128xf32, #tpu.memory_space<hbm>> -> memref<8x128xf32, #tpu.memory_space<hbm>>
      %dma_start3A_1388 = arith.constant 56 : i32
      %dma_start3A_1389 = arith.constant 0 : i32
      %dma_start3A_1390 = tpu.memref_slice %arg15[%dma_start3A_1388, %dma_start3A_1389] : memref<64x129xf32, #tpu.memory_space<vmem>> -> memref<8x128xf32, #tpu.memory_space<vmem>>
      tpu.enqueue_dma source(%dma_start3A_1390 : memref<8x128xf32, #tpu.memory_space<vmem>>) target(%dma_start3A_1387 : memref<8x128xf32, #tpu.memory_space<hbm>>) target_semaphore(%dma_start3A_1383 : memref<!tpu.dma_semaphore, #tpu.memory_space<semaphore_mem>>)
      %add3A_1391 = arith.constant 2 : i32
      %add3A_1392 = arith.addi %add3A_1212, %add3A_1391 : i32
      %lt3A_1393 = arith.constant 200 : i32
      %lt3A_1394 = arith.cmpi slt, %add3A_1392, %lt3A_1393 : i32
      %convert_element_type3A_1395 = arith.extui %lt3A_1394 : i1 to i32
      %cond3A_1396 = arith.constant 0 : i32
      %cond3A_1397 = arith.cmpi ne, %convert_element_type3A_1395, %cond3A_1396 : i32
      scf.if %cond3A_1397 {
        %add3A_1398 = arith.constant 2 : i32
        %add3A_1399 = arith.addi %add3A_1212, %add3A_1398 : i32
        %jit3A = arith.constant 8 : i32
        %div3A = arith.divsi %add3A_1399, %jit3A : i32
        %sign3A = arith.constant 0 : i32
        %sign3A_1400 = arith.cmpi sgt, %add3A_1399, %sign3A : i32
        %sign3A_1401 = arith.extui %sign3A_1400 : i1 to i32
        %sign3A_1402 = arith.constant 0 : i32
        %sign3A_1403 = arith.cmpi slt, %add3A_1399, %sign3A_1402 : i32
        %sign3A_1404 = arith.extui %sign3A_1403 : i1 to i32
        %sign3A_1405 = arith.subi %sign3A_1401, %sign3A_1404 : i32
        %sign3A_1406 = arith.constant 0 : i32
        %sign3A_1407 = arith.cmpi sgt, %jit3A, %sign3A_1406 : i32
        %sign3A_1408 = arith.extui %sign3A_1407 : i1 to i32
        %sign3A_1409 = arith.constant 0 : i32
        %sign3A_1410 = arith.cmpi slt, %jit3A, %sign3A_1409 : i32
        %sign3A_1411 = arith.extui %sign3A_1410 : i1 to i32
        %sign3A_1412 = arith.subi %sign3A_1408, %sign3A_1411 : i32
        %ne3A = arith.cmpi ne, %sign3A_1405, %sign3A_1412 : i32
        %rem3A = arith.remsi %add3A_1399, %jit3A : i32
        %ne3A_1413 = arith.constant 0 : i32
        %ne3A_1414 = arith.cmpi ne, %rem3A, %ne3A_1413 : i32
        %and3A = arith.andi %ne3A, %ne3A_1414 : i1
        %sub3A = arith.constant 1 : i32
        %sub3A_1415 = arith.subi %div3A, %sub3A : i32
        %select_n3A = arith.select %and3A, %sub3A_1415, %div3A : i32
        %jit3A_1416 = arith.constant 8 : i32
        %eq3A = arith.constant 0 : i32
        %eq3A_1417 = arith.cmpi eq, %jit3A_1416, %eq3A : i32
        %jit3A_1418 = arith.constant 1 : i32
        %select_n3A_1419 = arith.select %eq3A_1417, %jit3A_1418, %jit3A_1416 : i32
        %rem3A_1420 = arith.remsi %add3A_1399, %select_n3A_1419 : i32
        %ne3A_1421 = arith.constant 0 : i32
        %ne3A_1422 = arith.cmpi ne, %rem3A_1420, %ne3A_1421 : i32
        %lt3A_1423 = arith.constant 0 : i32
        %lt3A_1424 = arith.cmpi slt, %rem3A_1420, %lt3A_1423 : i32
        %lt3A_1425 = arith.constant 0 : i32
        %lt3A_1426 = arith.cmpi slt, %select_n3A_1419, %lt3A_1425 : i32
        %ne3A_1427 = arith.xori %lt3A_1424, %lt3A_1426 : i1
        %and3A_1428 = arith.andi %ne3A_1427, %ne3A_1422 : i1
        %add3A_1429 = arith.addi %rem3A_1420, %select_n3A_1419 : i32
        %select_n3A_1430 = arith.select %and3A_1428, %add3A_1429, %rem3A_1420 : i32
        %dma_start3A_1431 = arith.constant 1 : i32
        %dma_start3A_1432 = arith.constant 0 : i32
        %dma_start3A_1433 = tpu.memref_slice %arg6[%select_n3A, %select_n3A_1430, %dma_start3A_1432] : memref<25x8x128xi32, #tpu.memory_space<vmem>> -> memref<1x1x128xi32, #tpu.memory_space<vmem>>
        %dma_start3A_1434 = tpu.memref_squeeze %dma_start3A_1433 : memref<1x1x128xi32, #tpu.memory_space<vmem>> -> memref<128xi32, #tpu.memory_space<vmem>>
        %dma_start3A_1435 = arith.constant 0 : i32
        %dma_start3A_1436 = arith.constant 0 : i32
        %dma_start3A_1437 = tpu.memref_slice %arg3[%dma_start3A_1435, %dma_start3A_1436] : memref<1000000x64xf32, #tpu.memory_space<hbm>> -> memref<1000000x64xf32, #tpu.memory_space<hbm>>
        %dma_start3A_1438 = tpu.memref_slice %arg16[%dma_start3A_1431] : memref<4x!tpu.dma_semaphore, #tpu.memory_space<semaphore_mem>> -> memref<1x!tpu.dma_semaphore, #tpu.memory_space<semaphore_mem>>
        %dma_start3A_1439 = tpu.memref_squeeze %dma_start3A_1438 : memref<1x!tpu.dma_semaphore, #tpu.memory_space<semaphore_mem>> -> memref<!tpu.dma_semaphore, #tpu.memory_space<semaphore_mem>>
        tpu.enqueue_indirect_dma source(%dma_start3A_1437 : memref<1000000x64xf32, #tpu.memory_space<hbm>>) target(%arg9 : memref<128x64xf32, #tpu.memory_space<vmem>>) offsets(%dma_start3A_1434 : memref<128xi32, #tpu.memory_space<vmem>>) semaphore(%dma_start3A_1439 : memref<!tpu.dma_semaphore, #tpu.memory_space<semaphore_mem>>)
      } else {
      }
    }
    %scan3A_38 = arith.constant 50 : i32
    %dma_wait3A = arith.constant 196 : i32
    %dma_wait3A_39 = arith.constant 0 : i32
    %dma_wait3A_40 = arith.constant 0 : i32
    %dma_wait3A_41 = arith.constant 0 : i32
    %dma_wait3A_42 = arith.constant 0 : i32
    %dma_wait3A_43 = tpu.memref_slice %arg12[%dma_wait3A_41, %dma_wait3A_42] : memref<64x129xf32, #tpu.memory_space<vmem>> -> memref<8x128xf32, #tpu.memory_space<vmem>>
    %dma_wait3A_44 = arith.constant 0 : i32
    %dma_wait3A_45 = arith.constant 0 : i32
    %dma_wait3A_46 = tpu.memref_slice %arg5[%dma_wait3A, %dma_wait3A_39, %add3A, %dma_wait3A_44, %dma_wait3A_45] : memref<200x8x32x8x128xf32, #tpu.memory_space<hbm>> -> memref<1x1x1x8x128xf32, #tpu.memory_space<hbm>>
    %dma_wait3A_47 = tpu.memref_squeeze %dma_wait3A_46 : memref<1x1x1x8x128xf32, #tpu.memory_space<hbm>> -> memref<8x128xf32, #tpu.memory_space<hbm>>
    %dma_wait3A_48 = tpu.memref_slice %arg17[%dma_wait3A_40] : memref<4x!tpu.dma_semaphore, #tpu.memory_space<semaphore_mem>> -> memref<1x!tpu.dma_semaphore, #tpu.memory_space<semaphore_mem>>
    %dma_wait3A_49 = tpu.memref_squeeze %dma_wait3A_48 : memref<1x!tpu.dma_semaphore, #tpu.memory_space<semaphore_mem>> -> memref<!tpu.dma_semaphore, #tpu.memory_space<semaphore_mem>>
    %dma_wait3A_50 = arith.constant 0 : i32
    %dma_wait3A_51 = arith.constant 0 : i32
    %dma_wait3A_52 = tpu.memref_slice %arg5[%dma_wait3A, %dma_wait3A_39, %add3A, %dma_wait3A_50, %dma_wait3A_51] : memref<200x8x32x8x128xf32, #tpu.memory_space<hbm>> -> memref<1x1x1x8x128xf32, #tpu.memory_space<hbm>>
    %dma_wait3A_53 = tpu.memref_squeeze %dma_wait3A_52 : memref<1x1x1x8x128xf32, #tpu.memory_space<hbm>> -> memref<8x128xf32, #tpu.memory_space<hbm>>
    %dma_wait3A_54 = arith.constant 0 : i32
    %dma_wait3A_55 = arith.constant 0 : i32
    %dma_wait3A_56 = tpu.memref_slice %arg12[%dma_wait3A_54, %dma_wait3A_55] : memref<64x129xf32, #tpu.memory_space<vmem>> -> memref<8x128xf32, #tpu.memory_space<vmem>>
    tpu.wait_dma2 semaphore(%dma_wait3A_49 : memref<!tpu.dma_semaphore, #tpu.memory_space<semaphore_mem>>) src(%dma_wait3A_56 : memref<8x128xf32, #tpu.memory_space<vmem>>) dst(%dma_wait3A_53 : memref<8x128xf32, #tpu.memory_space<hbm>>)
    %dma_wait3A_57 = arith.constant 196 : i32
    %dma_wait3A_58 = arith.constant 1 : i32
    %dma_wait3A_59 = arith.constant 0 : i32
    %dma_wait3A_60 = arith.constant 8 : i32
    %dma_wait3A_61 = arith.constant 0 : i32
    %dma_wait3A_62 = tpu.memref_slice %arg12[%dma_wait3A_60, %dma_wait3A_61] : memref<64x129xf32, #tpu.memory_space<vmem>> -> memref<8x128xf32, #tpu.memory_space<vmem>>
    %dma_wait3A_63 = arith.constant 0 : i32
    %dma_wait3A_64 = arith.constant 0 : i32
    %dma_wait3A_65 = tpu.memref_slice %arg5[%dma_wait3A_57, %dma_wait3A_58, %add3A, %dma_wait3A_63, %dma_wait3A_64] : memref<200x8x32x8x128xf32, #tpu.memory_space<hbm>> -> memref<1x1x1x8x128xf32, #tpu.memory_space<hbm>>
    %dma_wait3A_66 = tpu.memref_squeeze %dma_wait3A_65 : memref<1x1x1x8x128xf32, #tpu.memory_space<hbm>> -> memref<8x128xf32, #tpu.memory_space<hbm>>
    %dma_wait3A_67 = tpu.memref_slice %arg17[%dma_wait3A_59] : memref<4x!tpu.dma_semaphore, #tpu.memory_space<semaphore_mem>> -> memref<1x!tpu.dma_semaphore, #tpu.memory_space<semaphore_mem>>
    %dma_wait3A_68 = tpu.memref_squeeze %dma_wait3A_67 : memref<1x!tpu.dma_semaphore, #tpu.memory_space<semaphore_mem>> -> memref<!tpu.dma_semaphore, #tpu.memory_space<semaphore_mem>>
    %dma_wait3A_69 = arith.constant 0 : i32
    %dma_wait3A_70 = arith.constant 0 : i32
    %dma_wait3A_71 = tpu.memref_slice %arg5[%dma_wait3A_57, %dma_wait3A_58, %add3A, %dma_wait3A_69, %dma_wait3A_70] : memref<200x8x32x8x128xf32, #tpu.memory_space<hbm>> -> memref<1x1x1x8x128xf32, #tpu.memory_space<hbm>>
    %dma_wait3A_72 = tpu.memref_squeeze %dma_wait3A_71 : memref<1x1x1x8x128xf32, #tpu.memory_space<hbm>> -> memref<8x128xf32, #tpu.memory_space<hbm>>
    %dma_wait3A_73 = arith.constant 8 : i32
    %dma_wait3A_74 = arith.constant 0 : i32
    %dma_wait3A_75 = tpu.memref_slice %arg12[%dma_wait3A_73, %dma_wait3A_74] : memref<64x129xf32, #tpu.memory_space<vmem>> -> memref<8x128xf32, #tpu.memory_space<vmem>>
    tpu.wait_dma2 semaphore(%dma_wait3A_68 : memref<!tpu.dma_semaphore, #tpu.memory_space<semaphore_mem>>) src(%dma_wait3A_75 : memref<8x128xf32, #tpu.memory_space<vmem>>) dst(%dma_wait3A_72 : memref<8x128xf32, #tpu.memory_space<hbm>>)
    %dma_wait3A_76 = arith.constant 196 : i32
    %dma_wait3A_77 = arith.constant 2 : i32
    %dma_wait3A_78 = arith.constant 0 : i32
    %dma_wait3A_79 = arith.constant 16 : i32
    %dma_wait3A_80 = arith.constant 0 : i32
    %dma_wait3A_81 = tpu.memref_slice %arg12[%dma_wait3A_79, %dma_wait3A_80] : memref<64x129xf32, #tpu.memory_space<vmem>> -> memref<8x128xf32, #tpu.memory_space<vmem>>
    %dma_wait3A_82 = arith.constant 0 : i32
    %dma_wait3A_83 = arith.constant 0 : i32
    %dma_wait3A_84 = tpu.memref_slice %arg5[%dma_wait3A_76, %dma_wait3A_77, %add3A, %dma_wait3A_82, %dma_wait3A_83] : memref<200x8x32x8x128xf32, #tpu.memory_space<hbm>> -> memref<1x1x1x8x128xf32, #tpu.memory_space<hbm>>
    %dma_wait3A_85 = tpu.memref_squeeze %dma_wait3A_84 : memref<1x1x1x8x128xf32, #tpu.memory_space<hbm>> -> memref<8x128xf32, #tpu.memory_space<hbm>>
    %dma_wait3A_86 = tpu.memref_slice %arg17[%dma_wait3A_78] : memref<4x!tpu.dma_semaphore, #tpu.memory_space<semaphore_mem>> -> memref<1x!tpu.dma_semaphore, #tpu.memory_space<semaphore_mem>>
    %dma_wait3A_87 = tpu.memref_squeeze %dma_wait3A_86 : memref<1x!tpu.dma_semaphore, #tpu.memory_space<semaphore_mem>> -> memref<!tpu.dma_semaphore, #tpu.memory_space<semaphore_mem>>
    %dma_wait3A_88 = arith.constant 0 : i32
    %dma_wait3A_89 = arith.constant 0 : i32
    %dma_wait3A_90 = tpu.memref_slice %arg5[%dma_wait3A_76, %dma_wait3A_77, %add3A, %dma_wait3A_88, %dma_wait3A_89] : memref<200x8x32x8x128xf32, #tpu.memory_space<hbm>> -> memref<1x1x1x8x128xf32, #tpu.memory_space<hbm>>
    %dma_wait3A_91 = tpu.memref_squeeze %dma_wait3A_90 : memref<1x1x1x8x128xf32, #tpu.memory_space<hbm>> -> memref<8x128xf32, #tpu.memory_space<hbm>>
    %dma_wait3A_92 = arith.constant 16 : i32
    %dma_wait3A_93 = arith.constant 0 : i32
    %dma_wait3A_94 = tpu.memref_slice %arg12[%dma_wait3A_92, %dma_wait3A_93] : memref<64x129xf32, #tpu.memory_space<vmem>> -> memref<8x128xf32, #tpu.memory_space<vmem>>
    tpu.wait_dma2 semaphore(%dma_wait3A_87 : memref<!tpu.dma_semaphore, #tpu.memory_space<semaphore_mem>>) src(%dma_wait3A_94 : memref<8x128xf32, #tpu.memory_space<vmem>>) dst(%dma_wait3A_91 : memref<8x128xf32, #tpu.memory_space<hbm>>)
    %dma_wait3A_95 = arith.constant 196 : i32
    %dma_wait3A_96 = arith.constant 3 : i32
    %dma_wait3A_97 = arith.constant 0 : i32
    %dma_wait3A_98 = arith.constant 24 : i32
    %dma_wait3A_99 = arith.constant 0 : i32
    %dma_wait3A_100 = tpu.memref_slice %arg12[%dma_wait3A_98, %dma_wait3A_99] : memref<64x129xf32, #tpu.memory_space<vmem>> -> memref<8x128xf32, #tpu.memory_space<vmem>>
    %dma_wait3A_101 = arith.constant 0 : i32
    %dma_wait3A_102 = arith.constant 0 : i32
    %dma_wait3A_103 = tpu.memref_slice %arg5[%dma_wait3A_95, %dma_wait3A_96, %add3A, %dma_wait3A_101, %dma_wait3A_102] : memref<200x8x32x8x128xf32, #tpu.memory_space<hbm>> -> memref<1x1x1x8x128xf32, #tpu.memory_space<hbm>>
    %dma_wait3A_104 = tpu.memref_squeeze %dma_wait3A_103 : memref<1x1x1x8x128xf32, #tpu.memory_space<hbm>> -> memref<8x128xf32, #tpu.memory_space<hbm>>
    %dma_wait3A_105 = tpu.memref_slice %arg17[%dma_wait3A_97] : memref<4x!tpu.dma_semaphore, #tpu.memory_space<semaphore_mem>> -> memref<1x!tpu.dma_semaphore, #tpu.memory_space<semaphore_mem>>
    %dma_wait3A_106 = tpu.memref_squeeze %dma_wait3A_105 : memref<1x!tpu.dma_semaphore, #tpu.memory_space<semaphore_mem>> -> memref<!tpu.dma_semaphore, #tpu.memory_space<semaphore_mem>>
    %dma_wait3A_107 = arith.constant 0 : i32
    %dma_wait3A_108 = arith.constant 0 : i32
    %dma_wait3A_109 = tpu.memref_slice %arg5[%dma_wait3A_95, %dma_wait3A_96, %add3A, %dma_wait3A_107, %dma_wait3A_108] : memref<200x8x32x8x128xf32, #tpu.memory_space<hbm>> -> memref<1x1x1x8x128xf32, #tpu.memory_space<hbm>>
    %dma_wait3A_110 = tpu.memref_squeeze %dma_wait3A_109 : memref<1x1x1x8x128xf32, #tpu.memory_space<hbm>> -> memref<8x128xf32, #tpu.memory_space<hbm>>
    %dma_wait3A_111 = arith.constant 24 : i32
    %dma_wait3A_112 = arith.constant 0 : i32
    %dma_wait3A_113 = tpu.memref_slice %arg12[%dma_wait3A_111, %dma_wait3A_112] : memref<64x129xf32, #tpu.memory_space<vmem>> -> memref<8x128xf32, #tpu.memory_space<vmem>>
    tpu.wait_dma2 semaphore(%dma_wait3A_106 : memref<!tpu.dma_semaphore, #tpu.memory_space<semaphore_mem>>) src(%dma_wait3A_113 : memref<8x128xf32, #tpu.memory_space<vmem>>) dst(%dma_wait3A_110 : memref<8x128xf32, #tpu.memory_space<hbm>>)
    %dma_wait3A_114 = arith.constant 196 : i32
    %dma_wait3A_115 = arith.constant 4 : i32
    %dma_wait3A_116 = arith.constant 0 : i32
    %dma_wait3A_117 = arith.constant 32 : i32
    %dma_wait3A_118 = arith.constant 0 : i32
    %dma_wait3A_119 = tpu.memref_slice %arg12[%dma_wait3A_117, %dma_wait3A_118] : memref<64x129xf32, #tpu.memory_space<vmem>> -> memref<8x128xf32, #tpu.memory_space<vmem>>
    %dma_wait3A_120 = arith.constant 0 : i32
    %dma_wait3A_121 = arith.constant 0 : i32
    %dma_wait3A_122 = tpu.memref_slice %arg5[%dma_wait3A_114, %dma_wait3A_115, %add3A, %dma_wait3A_120, %dma_wait3A_121] : memref<200x8x32x8x128xf32, #tpu.memory_space<hbm>> -> memref<1x1x1x8x128xf32, #tpu.memory_space<hbm>>
    %dma_wait3A_123 = tpu.memref_squeeze %dma_wait3A_122 : memref<1x1x1x8x128xf32, #tpu.memory_space<hbm>> -> memref<8x128xf32, #tpu.memory_space<hbm>>
    %dma_wait3A_124 = tpu.memref_slice %arg17[%dma_wait3A_116] : memref<4x!tpu.dma_semaphore, #tpu.memory_space<semaphore_mem>> -> memref<1x!tpu.dma_semaphore, #tpu.memory_space<semaphore_mem>>
    %dma_wait3A_125 = tpu.memref_squeeze %dma_wait3A_124 : memref<1x!tpu.dma_semaphore, #tpu.memory_space<semaphore_mem>> -> memref<!tpu.dma_semaphore, #tpu.memory_space<semaphore_mem>>
    %dma_wait3A_126 = arith.constant 0 : i32
    %dma_wait3A_127 = arith.constant 0 : i32
    %dma_wait3A_128 = tpu.memref_slice %arg5[%dma_wait3A_114, %dma_wait3A_115, %add3A, %dma_wait3A_126, %dma_wait3A_127] : memref<200x8x32x8x128xf32, #tpu.memory_space<hbm>> -> memref<1x1x1x8x128xf32, #tpu.memory_space<hbm>>
    %dma_wait3A_129 = tpu.memref_squeeze %dma_wait3A_128 : memref<1x1x1x8x128xf32, #tpu.memory_space<hbm>> -> memref<8x128xf32, #tpu.memory_space<hbm>>
    %dma_wait3A_130 = arith.constant 32 : i32
    %dma_wait3A_131 = arith.constant 0 : i32
    %dma_wait3A_132 = tpu.memref_slice %arg12[%dma_wait3A_130, %dma_wait3A_131] : memref<64x129xf32, #tpu.memory_space<vmem>> -> memref<8x128xf32, #tpu.memory_space<vmem>>
    tpu.wait_dma2 semaphore(%dma_wait3A_125 : memref<!tpu.dma_semaphore, #tpu.memory_space<semaphore_mem>>) src(%dma_wait3A_132 : memref<8x128xf32, #tpu.memory_space<vmem>>) dst(%dma_wait3A_129 : memref<8x128xf32, #tpu.memory_space<hbm>>)
    %dma_wait3A_133 = arith.constant 196 : i32
    %dma_wait3A_134 = arith.constant 5 : i32
    %dma_wait3A_135 = arith.constant 0 : i32
    %dma_wait3A_136 = arith.constant 40 : i32
    %dma_wait3A_137 = arith.constant 0 : i32
    %dma_wait3A_138 = tpu.memref_slice %arg12[%dma_wait3A_136, %dma_wait3A_137] : memref<64x129xf32, #tpu.memory_space<vmem>> -> memref<8x128xf32, #tpu.memory_space<vmem>>
    %dma_wait3A_139 = arith.constant 0 : i32
    %dma_wait3A_140 = arith.constant 0 : i32
    %dma_wait3A_141 = tpu.memref_slice %arg5[%dma_wait3A_133, %dma_wait3A_134, %add3A, %dma_wait3A_139, %dma_wait3A_140] : memref<200x8x32x8x128xf32, #tpu.memory_space<hbm>> -> memref<1x1x1x8x128xf32, #tpu.memory_space<hbm>>
    %dma_wait3A_142 = tpu.memref_squeeze %dma_wait3A_141 : memref<1x1x1x8x128xf32, #tpu.memory_space<hbm>> -> memref<8x128xf32, #tpu.memory_space<hbm>>
    %dma_wait3A_143 = tpu.memref_slice %arg17[%dma_wait3A_135] : memref<4x!tpu.dma_semaphore, #tpu.memory_space<semaphore_mem>> -> memref<1x!tpu.dma_semaphore, #tpu.memory_space<semaphore_mem>>
    %dma_wait3A_144 = tpu.memref_squeeze %dma_wait3A_143 : memref<1x!tpu.dma_semaphore, #tpu.memory_space<semaphore_mem>> -> memref<!tpu.dma_semaphore, #tpu.memory_space<semaphore_mem>>
    %dma_wait3A_145 = arith.constant 0 : i32
    %dma_wait3A_146 = arith.constant 0 : i32
    %dma_wait3A_147 = tpu.memref_slice %arg5[%dma_wait3A_133, %dma_wait3A_134, %add3A, %dma_wait3A_145, %dma_wait3A_146] : memref<200x8x32x8x128xf32, #tpu.memory_space<hbm>> -> memref<1x1x1x8x128xf32, #tpu.memory_space<hbm>>
    %dma_wait3A_148 = tpu.memref_squeeze %dma_wait3A_147 : memref<1x1x1x8x128xf32, #tpu.memory_space<hbm>> -> memref<8x128xf32, #tpu.memory_space<hbm>>
    %dma_wait3A_149 = arith.constant 40 : i32
    %dma_wait3A_150 = arith.constant 0 : i32
    %dma_wait3A_151 = tpu.memref_slice %arg12[%dma_wait3A_149, %dma_wait3A_150] : memref<64x129xf32, #tpu.memory_space<vmem>> -> memref<8x128xf32, #tpu.memory_space<vmem>>
    tpu.wait_dma2 semaphore(%dma_wait3A_144 : memref<!tpu.dma_semaphore, #tpu.memory_space<semaphore_mem>>) src(%dma_wait3A_151 : memref<8x128xf32, #tpu.memory_space<vmem>>) dst(%dma_wait3A_148 : memref<8x128xf32, #tpu.memory_space<hbm>>)
    %dma_wait3A_152 = arith.constant 196 : i32
    %dma_wait3A_153 = arith.constant 6 : i32
    %dma_wait3A_154 = arith.constant 0 : i32
    %dma_wait3A_155 = arith.constant 48 : i32
    %dma_wait3A_156 = arith.constant 0 : i32
    %dma_wait3A_157 = tpu.memref_slice %arg12[%dma_wait3A_155, %dma_wait3A_156] : memref<64x129xf32, #tpu.memory_space<vmem>> -> memref<8x128xf32, #tpu.memory_space<vmem>>
    %dma_wait3A_158 = arith.constant 0 : i32
    %dma_wait3A_159 = arith.constant 0 : i32
    %dma_wait3A_160 = tpu.memref_slice %arg5[%dma_wait3A_152, %dma_wait3A_153, %add3A, %dma_wait3A_158, %dma_wait3A_159] : memref<200x8x32x8x128xf32, #tpu.memory_space<hbm>> -> memref<1x1x1x8x128xf32, #tpu.memory_space<hbm>>
    %dma_wait3A_161 = tpu.memref_squeeze %dma_wait3A_160 : memref<1x1x1x8x128xf32, #tpu.memory_space<hbm>> -> memref<8x128xf32, #tpu.memory_space<hbm>>
    %dma_wait3A_162 = tpu.memref_slice %arg17[%dma_wait3A_154] : memref<4x!tpu.dma_semaphore, #tpu.memory_space<semaphore_mem>> -> memref<1x!tpu.dma_semaphore, #tpu.memory_space<semaphore_mem>>
    %dma_wait3A_163 = tpu.memref_squeeze %dma_wait3A_162 : memref<1x!tpu.dma_semaphore, #tpu.memory_space<semaphore_mem>> -> memref<!tpu.dma_semaphore, #tpu.memory_space<semaphore_mem>>
    %dma_wait3A_164 = arith.constant 0 : i32
    %dma_wait3A_165 = arith.constant 0 : i32
    %dma_wait3A_166 = tpu.memref_slice %arg5[%dma_wait3A_152, %dma_wait3A_153, %add3A, %dma_wait3A_164, %dma_wait3A_165] : memref<200x8x32x8x128xf32, #tpu.memory_space<hbm>> -> memref<1x1x1x8x128xf32, #tpu.memory_space<hbm>>
    %dma_wait3A_167 = tpu.memref_squeeze %dma_wait3A_166 : memref<1x1x1x8x128xf32, #tpu.memory_space<hbm>> -> memref<8x128xf32, #tpu.memory_space<hbm>>
    %dma_wait3A_168 = arith.constant 48 : i32
    %dma_wait3A_169 = arith.constant 0 : i32
    %dma_wait3A_170 = tpu.memref_slice %arg12[%dma_wait3A_168, %dma_wait3A_169] : memref<64x129xf32, #tpu.memory_space<vmem>> -> memref<8x128xf32, #tpu.memory_space<vmem>>
    tpu.wait_dma2 semaphore(%dma_wait3A_163 : memref<!tpu.dma_semaphore, #tpu.memory_space<semaphore_mem>>) src(%dma_wait3A_170 : memref<8x128xf32, #tpu.memory_space<vmem>>) dst(%dma_wait3A_167 : memref<8x128xf32, #tpu.memory_space<hbm>>)
    %dma_wait3A_171 = arith.constant 196 : i32
    %dma_wait3A_172 = arith.constant 7 : i32
    %dma_wait3A_173 = arith.constant 0 : i32
    %dma_wait3A_174 = arith.constant 56 : i32
    %dma_wait3A_175 = arith.constant 0 : i32
    %dma_wait3A_176 = tpu.memref_slice %arg12[%dma_wait3A_174, %dma_wait3A_175] : memref<64x129xf32, #tpu.memory_space<vmem>> -> memref<8x128xf32, #tpu.memory_space<vmem>>
    %dma_wait3A_177 = arith.constant 0 : i32
    %dma_wait3A_178 = arith.constant 0 : i32
    %dma_wait3A_179 = tpu.memref_slice %arg5[%dma_wait3A_171, %dma_wait3A_172, %add3A, %dma_wait3A_177, %dma_wait3A_178] : memref<200x8x32x8x128xf32, #tpu.memory_space<hbm>> -> memref<1x1x1x8x128xf32, #tpu.memory_space<hbm>>
    %dma_wait3A_180 = tpu.memref_squeeze %dma_wait3A_179 : memref<1x1x1x8x128xf32, #tpu.memory_space<hbm>> -> memref<8x128xf32, #tpu.memory_space<hbm>>
    %dma_wait3A_181 = tpu.memref_slice %arg17[%dma_wait3A_173] : memref<4x!tpu.dma_semaphore, #tpu.memory_space<semaphore_mem>> -> memref<1x!tpu.dma_semaphore, #tpu.memory_space<semaphore_mem>>
    %dma_wait3A_182 = tpu.memref_squeeze %dma_wait3A_181 : memref<1x!tpu.dma_semaphore, #tpu.memory_space<semaphore_mem>> -> memref<!tpu.dma_semaphore, #tpu.memory_space<semaphore_mem>>
    %dma_wait3A_183 = arith.constant 0 : i32
    %dma_wait3A_184 = arith.constant 0 : i32
    %dma_wait3A_185 = tpu.memref_slice %arg5[%dma_wait3A_171, %dma_wait3A_172, %add3A, %dma_wait3A_183, %dma_wait3A_184] : memref<200x8x32x8x128xf32, #tpu.memory_space<hbm>> -> memref<1x1x1x8x128xf32, #tpu.memory_space<hbm>>
    %dma_wait3A_186 = tpu.memref_squeeze %dma_wait3A_185 : memref<1x1x1x8x128xf32, #tpu.memory_space<hbm>> -> memref<8x128xf32, #tpu.memory_space<hbm>>
    %dma_wait3A_187 = arith.constant 56 : i32
    %dma_wait3A_188 = arith.constant 0 : i32
    %dma_wait3A_189 = tpu.memref_slice %arg12[%dma_wait3A_187, %dma_wait3A_188] : memref<64x129xf32, #tpu.memory_space<vmem>> -> memref<8x128xf32, #tpu.memory_space<vmem>>
    tpu.wait_dma2 semaphore(%dma_wait3A_182 : memref<!tpu.dma_semaphore, #tpu.memory_space<semaphore_mem>>) src(%dma_wait3A_189 : memref<8x128xf32, #tpu.memory_space<vmem>>) dst(%dma_wait3A_186 : memref<8x128xf32, #tpu.memory_space<hbm>>)
    %dma_wait3A_190 = arith.constant 197 : i32
    %dma_wait3A_191 = arith.constant 0 : i32
    %dma_wait3A_192 = arith.constant 1 : i32
    %dma_wait3A_193 = arith.constant 0 : i32
    %dma_wait3A_194 = arith.constant 0 : i32
    %dma_wait3A_195 = tpu.memref_slice %arg13[%dma_wait3A_193, %dma_wait3A_194] : memref<64x129xf32, #tpu.memory_space<vmem>> -> memref<8x128xf32, #tpu.memory_space<vmem>>
    %dma_wait3A_196 = arith.constant 0 : i32
    %dma_wait3A_197 = arith.constant 0 : i32
    %dma_wait3A_198 = tpu.memref_slice %arg5[%dma_wait3A_190, %dma_wait3A_191, %add3A, %dma_wait3A_196, %dma_wait3A_197] : memref<200x8x32x8x128xf32, #tpu.memory_space<hbm>> -> memref<1x1x1x8x128xf32, #tpu.memory_space<hbm>>
    %dma_wait3A_199 = tpu.memref_squeeze %dma_wait3A_198 : memref<1x1x1x8x128xf32, #tpu.memory_space<hbm>> -> memref<8x128xf32, #tpu.memory_space<hbm>>
    %dma_wait3A_200 = tpu.memref_slice %arg17[%dma_wait3A_192] : memref<4x!tpu.dma_semaphore, #tpu.memory_space<semaphore_mem>> -> memref<1x!tpu.dma_semaphore, #tpu.memory_space<semaphore_mem>>
    %dma_wait3A_201 = tpu.memref_squeeze %dma_wait3A_200 : memref<1x!tpu.dma_semaphore, #tpu.memory_space<semaphore_mem>> -> memref<!tpu.dma_semaphore, #tpu.memory_space<semaphore_mem>>
    %dma_wait3A_202 = arith.constant 0 : i32
    %dma_wait3A_203 = arith.constant 0 : i32
    %dma_wait3A_204 = tpu.memref_slice %arg5[%dma_wait3A_190, %dma_wait3A_191, %add3A, %dma_wait3A_202, %dma_wait3A_203] : memref<200x8x32x8x128xf32, #tpu.memory_space<hbm>> -> memref<1x1x1x8x128xf32, #tpu.memory_space<hbm>>
    %dma_wait3A_205 = tpu.memref_squeeze %dma_wait3A_204 : memref<1x1x1x8x128xf32, #tpu.memory_space<hbm>> -> memref<8x128xf32, #tpu.memory_space<hbm>>
    %dma_wait3A_206 = arith.constant 0 : i32
    %dma_wait3A_207 = arith.constant 0 : i32
    %dma_wait3A_208 = tpu.memref_slice %arg13[%dma_wait3A_206, %dma_wait3A_207] : memref<64x129xf32, #tpu.memory_space<vmem>> -> memref<8x128xf32, #tpu.memory_space<vmem>>
    tpu.wait_dma2 semaphore(%dma_wait3A_201 : memref<!tpu.dma_semaphore, #tpu.memory_space<semaphore_mem>>) src(%dma_wait3A_208 : memref<8x128xf32, #tpu.memory_space<vmem>>) dst(%dma_wait3A_205 : memref<8x128xf32, #tpu.memory_space<hbm>>)
    %dma_wait3A_209 = arith.constant 197 : i32
    %dma_wait3A_210 = arith.constant 1 : i32
    %dma_wait3A_211 = arith.constant 1 : i32
    %dma_wait3A_212 = arith.constant 8 : i32
    %dma_wait3A_213 = arith.constant 0 : i32
    %dma_wait3A_214 = tpu.memref_slice %arg13[%dma_wait3A_212, %dma_wait3A_213] : memref<64x129xf32, #tpu.memory_space<vmem>> -> memref<8x128xf32, #tpu.memory_space<vmem>>
    %dma_wait3A_215 = arith.constant 0 : i32
    %dma_wait3A_216 = arith.constant 0 : i32
    %dma_wait3A_217 = tpu.memref_slice %arg5[%dma_wait3A_209, %dma_wait3A_210, %add3A, %dma_wait3A_215, %dma_wait3A_216] : memref<200x8x32x8x128xf32, #tpu.memory_space<hbm>> -> memref<1x1x1x8x128xf32, #tpu.memory_space<hbm>>
    %dma_wait3A_218 = tpu.memref_squeeze %dma_wait3A_217 : memref<1x1x1x8x128xf32, #tpu.memory_space<hbm>> -> memref<8x128xf32, #tpu.memory_space<hbm>>
    %dma_wait3A_219 = tpu.memref_slice %arg17[%dma_wait3A_211] : memref<4x!tpu.dma_semaphore, #tpu.memory_space<semaphore_mem>> -> memref<1x!tpu.dma_semaphore, #tpu.memory_space<semaphore_mem>>
    %dma_wait3A_220 = tpu.memref_squeeze %dma_wait3A_219 : memref<1x!tpu.dma_semaphore, #tpu.memory_space<semaphore_mem>> -> memref<!tpu.dma_semaphore, #tpu.memory_space<semaphore_mem>>
    %dma_wait3A_221 = arith.constant 0 : i32
    %dma_wait3A_222 = arith.constant 0 : i32
    %dma_wait3A_223 = tpu.memref_slice %arg5[%dma_wait3A_209, %dma_wait3A_210, %add3A, %dma_wait3A_221, %dma_wait3A_222] : memref<200x8x32x8x128xf32, #tpu.memory_space<hbm>> -> memref<1x1x1x8x128xf32, #tpu.memory_space<hbm>>
    %dma_wait3A_224 = tpu.memref_squeeze %dma_wait3A_223 : memref<1x1x1x8x128xf32, #tpu.memory_space<hbm>> -> memref<8x128xf32, #tpu.memory_space<hbm>>
    %dma_wait3A_225 = arith.constant 8 : i32
    %dma_wait3A_226 = arith.constant 0 : i32
    %dma_wait3A_227 = tpu.memref_slice %arg13[%dma_wait3A_225, %dma_wait3A_226] : memref<64x129xf32, #tpu.memory_space<vmem>> -> memref<8x128xf32, #tpu.memory_space<vmem>>
    tpu.wait_dma2 semaphore(%dma_wait3A_220 : memref<!tpu.dma_semaphore, #tpu.memory_space<semaphore_mem>>) src(%dma_wait3A_227 : memref<8x128xf32, #tpu.memory_space<vmem>>) dst(%dma_wait3A_224 : memref<8x128xf32, #tpu.memory_space<hbm>>)
    %dma_wait3A_228 = arith.constant 197 : i32
    %dma_wait3A_229 = arith.constant 2 : i32
    %dma_wait3A_230 = arith.constant 1 : i32
    %dma_wait3A_231 = arith.constant 16 : i32
    %dma_wait3A_232 = arith.constant 0 : i32
    %dma_wait3A_233 = tpu.memref_slice %arg13[%dma_wait3A_231, %dma_wait3A_232] : memref<64x129xf32, #tpu.memory_space<vmem>> -> memref<8x128xf32, #tpu.memory_space<vmem>>
    %dma_wait3A_234 = arith.constant 0 : i32
    %dma_wait3A_235 = arith.constant 0 : i32
    %dma_wait3A_236 = tpu.memref_slice %arg5[%dma_wait3A_228, %dma_wait3A_229, %add3A, %dma_wait3A_234, %dma_wait3A_235] : memref<200x8x32x8x128xf32, #tpu.memory_space<hbm>> -> memref<1x1x1x8x128xf32, #tpu.memory_space<hbm>>
    %dma_wait3A_237 = tpu.memref_squeeze %dma_wait3A_236 : memref<1x1x1x8x128xf32, #tpu.memory_space<hbm>> -> memref<8x128xf32, #tpu.memory_space<hbm>>
    %dma_wait3A_238 = tpu.memref_slice %arg17[%dma_wait3A_230] : memref<4x!tpu.dma_semaphore, #tpu.memory_space<semaphore_mem>> -> memref<1x!tpu.dma_semaphore, #tpu.memory_space<semaphore_mem>>
    %dma_wait3A_239 = tpu.memref_squeeze %dma_wait3A_238 : memref<1x!tpu.dma_semaphore, #tpu.memory_space<semaphore_mem>> -> memref<!tpu.dma_semaphore, #tpu.memory_space<semaphore_mem>>
    %dma_wait3A_240 = arith.constant 0 : i32
    %dma_wait3A_241 = arith.constant 0 : i32
    %dma_wait3A_242 = tpu.memref_slice %arg5[%dma_wait3A_228, %dma_wait3A_229, %add3A, %dma_wait3A_240, %dma_wait3A_241] : memref<200x8x32x8x128xf32, #tpu.memory_space<hbm>> -> memref<1x1x1x8x128xf32, #tpu.memory_space<hbm>>
    %dma_wait3A_243 = tpu.memref_squeeze %dma_wait3A_242 : memref<1x1x1x8x128xf32, #tpu.memory_space<hbm>> -> memref<8x128xf32, #tpu.memory_space<hbm>>
    %dma_wait3A_244 = arith.constant 16 : i32
    %dma_wait3A_245 = arith.constant 0 : i32
    %dma_wait3A_246 = tpu.memref_slice %arg13[%dma_wait3A_244, %dma_wait3A_245] : memref<64x129xf32, #tpu.memory_space<vmem>> -> memref<8x128xf32, #tpu.memory_space<vmem>>
    tpu.wait_dma2 semaphore(%dma_wait3A_239 : memref<!tpu.dma_semaphore, #tpu.memory_space<semaphore_mem>>) src(%dma_wait3A_246 : memref<8x128xf32, #tpu.memory_space<vmem>>) dst(%dma_wait3A_243 : memref<8x128xf32, #tpu.memory_space<hbm>>)
    %dma_wait3A_247 = arith.constant 197 : i32
    %dma_wait3A_248 = arith.constant 3 : i32
    %dma_wait3A_249 = arith.constant 1 : i32
    %dma_wait3A_250 = arith.constant 24 : i32
    %dma_wait3A_251 = arith.constant 0 : i32
    %dma_wait3A_252 = tpu.memref_slice %arg13[%dma_wait3A_250, %dma_wait3A_251] : memref<64x129xf32, #tpu.memory_space<vmem>> -> memref<8x128xf32, #tpu.memory_space<vmem>>
    %dma_wait3A_253 = arith.constant 0 : i32
    %dma_wait3A_254 = arith.constant 0 : i32
    %dma_wait3A_255 = tpu.memref_slice %arg5[%dma_wait3A_247, %dma_wait3A_248, %add3A, %dma_wait3A_253, %dma_wait3A_254] : memref<200x8x32x8x128xf32, #tpu.memory_space<hbm>> -> memref<1x1x1x8x128xf32, #tpu.memory_space<hbm>>
    %dma_wait3A_256 = tpu.memref_squeeze %dma_wait3A_255 : memref<1x1x1x8x128xf32, #tpu.memory_space<hbm>> -> memref<8x128xf32, #tpu.memory_space<hbm>>
    %dma_wait3A_257 = tpu.memref_slice %arg17[%dma_wait3A_249] : memref<4x!tpu.dma_semaphore, #tpu.memory_space<semaphore_mem>> -> memref<1x!tpu.dma_semaphore, #tpu.memory_space<semaphore_mem>>
    %dma_wait3A_258 = tpu.memref_squeeze %dma_wait3A_257 : memref<1x!tpu.dma_semaphore, #tpu.memory_space<semaphore_mem>> -> memref<!tpu.dma_semaphore, #tpu.memory_space<semaphore_mem>>
    %dma_wait3A_259 = arith.constant 0 : i32
    %dma_wait3A_260 = arith.constant 0 : i32
    %dma_wait3A_261 = tpu.memref_slice %arg5[%dma_wait3A_247, %dma_wait3A_248, %add3A, %dma_wait3A_259, %dma_wait3A_260] : memref<200x8x32x8x128xf32, #tpu.memory_space<hbm>> -> memref<1x1x1x8x128xf32, #tpu.memory_space<hbm>>
    %dma_wait3A_262 = tpu.memref_squeeze %dma_wait3A_261 : memref<1x1x1x8x128xf32, #tpu.memory_space<hbm>> -> memref<8x128xf32, #tpu.memory_space<hbm>>
    %dma_wait3A_263 = arith.constant 24 : i32
    %dma_wait3A_264 = arith.constant 0 : i32
    %dma_wait3A_265 = tpu.memref_slice %arg13[%dma_wait3A_263, %dma_wait3A_264] : memref<64x129xf32, #tpu.memory_space<vmem>> -> memref<8x128xf32, #tpu.memory_space<vmem>>
    tpu.wait_dma2 semaphore(%dma_wait3A_258 : memref<!tpu.dma_semaphore, #tpu.memory_space<semaphore_mem>>) src(%dma_wait3A_265 : memref<8x128xf32, #tpu.memory_space<vmem>>) dst(%dma_wait3A_262 : memref<8x128xf32, #tpu.memory_space<hbm>>)
    %dma_wait3A_266 = arith.constant 197 : i32
    %dma_wait3A_267 = arith.constant 4 : i32
    %dma_wait3A_268 = arith.constant 1 : i32
    %dma_wait3A_269 = arith.constant 32 : i32
    %dma_wait3A_270 = arith.constant 0 : i32
    %dma_wait3A_271 = tpu.memref_slice %arg13[%dma_wait3A_269, %dma_wait3A_270] : memref<64x129xf32, #tpu.memory_space<vmem>> -> memref<8x128xf32, #tpu.memory_space<vmem>>
    %dma_wait3A_272 = arith.constant 0 : i32
    %dma_wait3A_273 = arith.constant 0 : i32
    %dma_wait3A_274 = tpu.memref_slice %arg5[%dma_wait3A_266, %dma_wait3A_267, %add3A, %dma_wait3A_272, %dma_wait3A_273] : memref<200x8x32x8x128xf32, #tpu.memory_space<hbm>> -> memref<1x1x1x8x128xf32, #tpu.memory_space<hbm>>
    %dma_wait3A_275 = tpu.memref_squeeze %dma_wait3A_274 : memref<1x1x1x8x128xf32, #tpu.memory_space<hbm>> -> memref<8x128xf32, #tpu.memory_space<hbm>>
    %dma_wait3A_276 = tpu.memref_slice %arg17[%dma_wait3A_268] : memref<4x!tpu.dma_semaphore, #tpu.memory_space<semaphore_mem>> -> memref<1x!tpu.dma_semaphore, #tpu.memory_space<semaphore_mem>>
    %dma_wait3A_277 = tpu.memref_squeeze %dma_wait3A_276 : memref<1x!tpu.dma_semaphore, #tpu.memory_space<semaphore_mem>> -> memref<!tpu.dma_semaphore, #tpu.memory_space<semaphore_mem>>
    %dma_wait3A_278 = arith.constant 0 : i32
    %dma_wait3A_279 = arith.constant 0 : i32
    %dma_wait3A_280 = tpu.memref_slice %arg5[%dma_wait3A_266, %dma_wait3A_267, %add3A, %dma_wait3A_278, %dma_wait3A_279] : memref<200x8x32x8x128xf32, #tpu.memory_space<hbm>> -> memref<1x1x1x8x128xf32, #tpu.memory_space<hbm>>
    %dma_wait3A_281 = tpu.memref_squeeze %dma_wait3A_280 : memref<1x1x1x8x128xf32, #tpu.memory_space<hbm>> -> memref<8x128xf32, #tpu.memory_space<hbm>>
    %dma_wait3A_282 = arith.constant 32 : i32
    %dma_wait3A_283 = arith.constant 0 : i32
    %dma_wait3A_284 = tpu.memref_slice %arg13[%dma_wait3A_282, %dma_wait3A_283] : memref<64x129xf32, #tpu.memory_space<vmem>> -> memref<8x128xf32, #tpu.memory_space<vmem>>
    tpu.wait_dma2 semaphore(%dma_wait3A_277 : memref<!tpu.dma_semaphore, #tpu.memory_space<semaphore_mem>>) src(%dma_wait3A_284 : memref<8x128xf32, #tpu.memory_space<vmem>>) dst(%dma_wait3A_281 : memref<8x128xf32, #tpu.memory_space<hbm>>)
    %dma_wait3A_285 = arith.constant 197 : i32
    %dma_wait3A_286 = arith.constant 5 : i32
    %dma_wait3A_287 = arith.constant 1 : i32
    %dma_wait3A_288 = arith.constant 40 : i32
    %dma_wait3A_289 = arith.constant 0 : i32
    %dma_wait3A_290 = tpu.memref_slice %arg13[%dma_wait3A_288, %dma_wait3A_289] : memref<64x129xf32, #tpu.memory_space<vmem>> -> memref<8x128xf32, #tpu.memory_space<vmem>>
    %dma_wait3A_291 = arith.constant 0 : i32
    %dma_wait3A_292 = arith.constant 0 : i32
    %dma_wait3A_293 = tpu.memref_slice %arg5[%dma_wait3A_285, %dma_wait3A_286, %add3A, %dma_wait3A_291, %dma_wait3A_292] : memref<200x8x32x8x128xf32, #tpu.memory_space<hbm>> -> memref<1x1x1x8x128xf32, #tpu.memory_space<hbm>>
    %dma_wait3A_294 = tpu.memref_squeeze %dma_wait3A_293 : memref<1x1x1x8x128xf32, #tpu.memory_space<hbm>> -> memref<8x128xf32, #tpu.memory_space<hbm>>
    %dma_wait3A_295 = tpu.memref_slice %arg17[%dma_wait3A_287] : memref<4x!tpu.dma_semaphore, #tpu.memory_space<semaphore_mem>> -> memref<1x!tpu.dma_semaphore, #tpu.memory_space<semaphore_mem>>
    %dma_wait3A_296 = tpu.memref_squeeze %dma_wait3A_295 : memref<1x!tpu.dma_semaphore, #tpu.memory_space<semaphore_mem>> -> memref<!tpu.dma_semaphore, #tpu.memory_space<semaphore_mem>>
    %dma_wait3A_297 = arith.constant 0 : i32
    %dma_wait3A_298 = arith.constant 0 : i32
    %dma_wait3A_299 = tpu.memref_slice %arg5[%dma_wait3A_285, %dma_wait3A_286, %add3A, %dma_wait3A_297, %dma_wait3A_298] : memref<200x8x32x8x128xf32, #tpu.memory_space<hbm>> -> memref<1x1x1x8x128xf32, #tpu.memory_space<hbm>>
    %dma_wait3A_300 = tpu.memref_squeeze %dma_wait3A_299 : memref<1x1x1x8x128xf32, #tpu.memory_space<hbm>> -> memref<8x128xf32, #tpu.memory_space<hbm>>
    %dma_wait3A_301 = arith.constant 40 : i32
    %dma_wait3A_302 = arith.constant 0 : i32
    %dma_wait3A_303 = tpu.memref_slice %arg13[%dma_wait3A_301, %dma_wait3A_302] : memref<64x129xf32, #tpu.memory_space<vmem>> -> memref<8x128xf32, #tpu.memory_space<vmem>>
    tpu.wait_dma2 semaphore(%dma_wait3A_296 : memref<!tpu.dma_semaphore, #tpu.memory_space<semaphore_mem>>) src(%dma_wait3A_303 : memref<8x128xf32, #tpu.memory_space<vmem>>) dst(%dma_wait3A_300 : memref<8x128xf32, #tpu.memory_space<hbm>>)
    %dma_wait3A_304 = arith.constant 197 : i32
    %dma_wait3A_305 = arith.constant 6 : i32
    %dma_wait3A_306 = arith.constant 1 : i32
    %dma_wait3A_307 = arith.constant 48 : i32
    %dma_wait3A_308 = arith.constant 0 : i32
    %dma_wait3A_309 = tpu.memref_slice %arg13[%dma_wait3A_307, %dma_wait3A_308] : memref<64x129xf32, #tpu.memory_space<vmem>> -> memref<8x128xf32, #tpu.memory_space<vmem>>
    %dma_wait3A_310 = arith.constant 0 : i32
    %dma_wait3A_311 = arith.constant 0 : i32
    %dma_wait3A_312 = tpu.memref_slice %arg5[%dma_wait3A_304, %dma_wait3A_305, %add3A, %dma_wait3A_310, %dma_wait3A_311] : memref<200x8x32x8x128xf32, #tpu.memory_space<hbm>> -> memref<1x1x1x8x128xf32, #tpu.memory_space<hbm>>
    %dma_wait3A_313 = tpu.memref_squeeze %dma_wait3A_312 : memref<1x1x1x8x128xf32, #tpu.memory_space<hbm>> -> memref<8x128xf32, #tpu.memory_space<hbm>>
    %dma_wait3A_314 = tpu.memref_slice %arg17[%dma_wait3A_306] : memref<4x!tpu.dma_semaphore, #tpu.memory_space<semaphore_mem>> -> memref<1x!tpu.dma_semaphore, #tpu.memory_space<semaphore_mem>>
    %dma_wait3A_315 = tpu.memref_squeeze %dma_wait3A_314 : memref<1x!tpu.dma_semaphore, #tpu.memory_space<semaphore_mem>> -> memref<!tpu.dma_semaphore, #tpu.memory_space<semaphore_mem>>
    %dma_wait3A_316 = arith.constant 0 : i32
    %dma_wait3A_317 = arith.constant 0 : i32
    %dma_wait3A_318 = tpu.memref_slice %arg5[%dma_wait3A_304, %dma_wait3A_305, %add3A, %dma_wait3A_316, %dma_wait3A_317] : memref<200x8x32x8x128xf32, #tpu.memory_space<hbm>> -> memref<1x1x1x8x128xf32, #tpu.memory_space<hbm>>
    %dma_wait3A_319 = tpu.memref_squeeze %dma_wait3A_318 : memref<1x1x1x8x128xf32, #tpu.memory_space<hbm>> -> memref<8x128xf32, #tpu.memory_space<hbm>>
    %dma_wait3A_320 = arith.constant 48 : i32
    %dma_wait3A_321 = arith.constant 0 : i32
    %dma_wait3A_322 = tpu.memref_slice %arg13[%dma_wait3A_320, %dma_wait3A_321] : memref<64x129xf32, #tpu.memory_space<vmem>> -> memref<8x128xf32, #tpu.memory_space<vmem>>
    tpu.wait_dma2 semaphore(%dma_wait3A_315 : memref<!tpu.dma_semaphore, #tpu.memory_space<semaphore_mem>>) src(%dma_wait3A_322 : memref<8x128xf32, #tpu.memory_space<vmem>>) dst(%dma_wait3A_319 : memref<8x128xf32, #tpu.memory_space<hbm>>)
    %dma_wait3A_323 = arith.constant 197 : i32
    %dma_wait3A_324 = arith.constant 7 : i32
    %dma_wait3A_325 = arith.constant 1 : i32
    %dma_wait3A_326 = arith.constant 56 : i32
    %dma_wait3A_327 = arith.constant 0 : i32
    %dma_wait3A_328 = tpu.memref_slice %arg13[%dma_wait3A_326, %dma_wait3A_327] : memref<64x129xf32, #tpu.memory_space<vmem>> -> memref<8x128xf32, #tpu.memory_space<vmem>>
    %dma_wait3A_329 = arith.constant 0 : i32
    %dma_wait3A_330 = arith.constant 0 : i32
    %dma_wait3A_331 = tpu.memref_slice %arg5[%dma_wait3A_323, %dma_wait3A_324, %add3A, %dma_wait3A_329, %dma_wait3A_330] : memref<200x8x32x8x128xf32, #tpu.memory_space<hbm>> -> memref<1x1x1x8x128xf32, #tpu.memory_space<hbm>>
    %dma_wait3A_332 = tpu.memref_squeeze %dma_wait3A_331 : memref<1x1x1x8x128xf32, #tpu.memory_space<hbm>> -> memref<8x128xf32, #tpu.memory_space<hbm>>
    %dma_wait3A_333 = tpu.memref_slice %arg17[%dma_wait3A_325] : memref<4x!tpu.dma_semaphore, #tpu.memory_space<semaphore_mem>> -> memref<1x!tpu.dma_semaphore, #tpu.memory_space<semaphore_mem>>
    %dma_wait3A_334 = tpu.memref_squeeze %dma_wait3A_333 : memref<1x!tpu.dma_semaphore, #tpu.memory_space<semaphore_mem>> -> memref<!tpu.dma_semaphore, #tpu.memory_space<semaphore_mem>>
    %dma_wait3A_335 = arith.constant 0 : i32
    %dma_wait3A_336 = arith.constant 0 : i32
    %dma_wait3A_337 = tpu.memref_slice %arg5[%dma_wait3A_323, %dma_wait3A_324, %add3A, %dma_wait3A_335, %dma_wait3A_336] : memref<200x8x32x8x128xf32, #tpu.memory_space<hbm>> -> memref<1x1x1x8x128xf32, #tpu.memory_space<hbm>>
    %dma_wait3A_338 = tpu.memref_squeeze %dma_wait3A_337 : memref<1x1x1x8x128xf32, #tpu.memory_space<hbm>> -> memref<8x128xf32, #tpu.memory_space<hbm>>
    %dma_wait3A_339 = arith.constant 56 : i32
    %dma_wait3A_340 = arith.constant 0 : i32
    %dma_wait3A_341 = tpu.memref_slice %arg13[%dma_wait3A_339, %dma_wait3A_340] : memref<64x129xf32, #tpu.memory_space<vmem>> -> memref<8x128xf32, #tpu.memory_space<vmem>>
    tpu.wait_dma2 semaphore(%dma_wait3A_334 : memref<!tpu.dma_semaphore, #tpu.memory_space<semaphore_mem>>) src(%dma_wait3A_341 : memref<8x128xf32, #tpu.memory_space<vmem>>) dst(%dma_wait3A_338 : memref<8x128xf32, #tpu.memory_space<hbm>>)
    %dma_wait3A_342 = arith.constant 198 : i32
    %dma_wait3A_343 = arith.constant 0 : i32
    %dma_wait3A_344 = arith.constant 2 : i32
    %dma_wait3A_345 = arith.constant 0 : i32
    %dma_wait3A_346 = arith.constant 0 : i32
    %dma_wait3A_347 = tpu.memref_slice %arg14[%dma_wait3A_345, %dma_wait3A_346] : memref<64x129xf32, #tpu.memory_space<vmem>> -> memref<8x128xf32, #tpu.memory_space<vmem>>
    %dma_wait3A_348 = arith.constant 0 : i32
    %dma_wait3A_349 = arith.constant 0 : i32
    %dma_wait3A_350 = tpu.memref_slice %arg5[%dma_wait3A_342, %dma_wait3A_343, %add3A, %dma_wait3A_348, %dma_wait3A_349] : memref<200x8x32x8x128xf32, #tpu.memory_space<hbm>> -> memref<1x1x1x8x128xf32, #tpu.memory_space<hbm>>
    %dma_wait3A_351 = tpu.memref_squeeze %dma_wait3A_350 : memref<1x1x1x8x128xf32, #tpu.memory_space<hbm>> -> memref<8x128xf32, #tpu.memory_space<hbm>>
    %dma_wait3A_352 = tpu.memref_slice %arg17[%dma_wait3A_344] : memref<4x!tpu.dma_semaphore, #tpu.memory_space<semaphore_mem>> -> memref<1x!tpu.dma_semaphore, #tpu.memory_space<semaphore_mem>>
    %dma_wait3A_353 = tpu.memref_squeeze %dma_wait3A_352 : memref<1x!tpu.dma_semaphore, #tpu.memory_space<semaphore_mem>> -> memref<!tpu.dma_semaphore, #tpu.memory_space<semaphore_mem>>
    %dma_wait3A_354 = arith.constant 0 : i32
    %dma_wait3A_355 = arith.constant 0 : i32
    %dma_wait3A_356 = tpu.memref_slice %arg5[%dma_wait3A_342, %dma_wait3A_343, %add3A, %dma_wait3A_354, %dma_wait3A_355] : memref<200x8x32x8x128xf32, #tpu.memory_space<hbm>> -> memref<1x1x1x8x128xf32, #tpu.memory_space<hbm>>
    %dma_wait3A_357 = tpu.memref_squeeze %dma_wait3A_356 : memref<1x1x1x8x128xf32, #tpu.memory_space<hbm>> -> memref<8x128xf32, #tpu.memory_space<hbm>>
    %dma_wait3A_358 = arith.constant 0 : i32
    %dma_wait3A_359 = arith.constant 0 : i32
    %dma_wait3A_360 = tpu.memref_slice %arg14[%dma_wait3A_358, %dma_wait3A_359] : memref<64x129xf32, #tpu.memory_space<vmem>> -> memref<8x128xf32, #tpu.memory_space<vmem>>
    tpu.wait_dma2 semaphore(%dma_wait3A_353 : memref<!tpu.dma_semaphore, #tpu.memory_space<semaphore_mem>>) src(%dma_wait3A_360 : memref<8x128xf32, #tpu.memory_space<vmem>>) dst(%dma_wait3A_357 : memref<8x128xf32, #tpu.memory_space<hbm>>)
    %dma_wait3A_361 = arith.constant 198 : i32
    %dma_wait3A_362 = arith.constant 1 : i32
    %dma_wait3A_363 = arith.constant 2 : i32
    %dma_wait3A_364 = arith.constant 8 : i32
    %dma_wait3A_365 = arith.constant 0 : i32
    %dma_wait3A_366 = tpu.memref_slice %arg14[%dma_wait3A_364, %dma_wait3A_365] : memref<64x129xf32, #tpu.memory_space<vmem>> -> memref<8x128xf32, #tpu.memory_space<vmem>>
    %dma_wait3A_367 = arith.constant 0 : i32
    %dma_wait3A_368 = arith.constant 0 : i32
    %dma_wait3A_369 = tpu.memref_slice %arg5[%dma_wait3A_361, %dma_wait3A_362, %add3A, %dma_wait3A_367, %dma_wait3A_368] : memref<200x8x32x8x128xf32, #tpu.memory_space<hbm>> -> memref<1x1x1x8x128xf32, #tpu.memory_space<hbm>>
    %dma_wait3A_370 = tpu.memref_squeeze %dma_wait3A_369 : memref<1x1x1x8x128xf32, #tpu.memory_space<hbm>> -> memref<8x128xf32, #tpu.memory_space<hbm>>
    %dma_wait3A_371 = tpu.memref_slice %arg17[%dma_wait3A_363] : memref<4x!tpu.dma_semaphore, #tpu.memory_space<semaphore_mem>> -> memref<1x!tpu.dma_semaphore, #tpu.memory_space<semaphore_mem>>
    %dma_wait3A_372 = tpu.memref_squeeze %dma_wait3A_371 : memref<1x!tpu.dma_semaphore, #tpu.memory_space<semaphore_mem>> -> memref<!tpu.dma_semaphore, #tpu.memory_space<semaphore_mem>>
    %dma_wait3A_373 = arith.constant 0 : i32
    %dma_wait3A_374 = arith.constant 0 : i32
    %dma_wait3A_375 = tpu.memref_slice %arg5[%dma_wait3A_361, %dma_wait3A_362, %add3A, %dma_wait3A_373, %dma_wait3A_374] : memref<200x8x32x8x128xf32, #tpu.memory_space<hbm>> -> memref<1x1x1x8x128xf32, #tpu.memory_space<hbm>>
    %dma_wait3A_376 = tpu.memref_squeeze %dma_wait3A_375 : memref<1x1x1x8x128xf32, #tpu.memory_space<hbm>> -> memref<8x128xf32, #tpu.memory_space<hbm>>
    %dma_wait3A_377 = arith.constant 8 : i32
    %dma_wait3A_378 = arith.constant 0 : i32
    %dma_wait3A_379 = tpu.memref_slice %arg14[%dma_wait3A_377, %dma_wait3A_378] : memref<64x129xf32, #tpu.memory_space<vmem>> -> memref<8x128xf32, #tpu.memory_space<vmem>>
    tpu.wait_dma2 semaphore(%dma_wait3A_372 : memref<!tpu.dma_semaphore, #tpu.memory_space<semaphore_mem>>) src(%dma_wait3A_379 : memref<8x128xf32, #tpu.memory_space<vmem>>) dst(%dma_wait3A_376 : memref<8x128xf32, #tpu.memory_space<hbm>>)
    %dma_wait3A_380 = arith.constant 198 : i32
    %dma_wait3A_381 = arith.constant 2 : i32
    %dma_wait3A_382 = arith.constant 2 : i32
    %dma_wait3A_383 = arith.constant 16 : i32
    %dma_wait3A_384 = arith.constant 0 : i32
    %dma_wait3A_385 = tpu.memref_slice %arg14[%dma_wait3A_383, %dma_wait3A_384] : memref<64x129xf32, #tpu.memory_space<vmem>> -> memref<8x128xf32, #tpu.memory_space<vmem>>
    %dma_wait3A_386 = arith.constant 0 : i32
    %dma_wait3A_387 = arith.constant 0 : i32
    %dma_wait3A_388 = tpu.memref_slice %arg5[%dma_wait3A_380, %dma_wait3A_381, %add3A, %dma_wait3A_386, %dma_wait3A_387] : memref<200x8x32x8x128xf32, #tpu.memory_space<hbm>> -> memref<1x1x1x8x128xf32, #tpu.memory_space<hbm>>
    %dma_wait3A_389 = tpu.memref_squeeze %dma_wait3A_388 : memref<1x1x1x8x128xf32, #tpu.memory_space<hbm>> -> memref<8x128xf32, #tpu.memory_space<hbm>>
    %dma_wait3A_390 = tpu.memref_slice %arg17[%dma_wait3A_382] : memref<4x!tpu.dma_semaphore, #tpu.memory_space<semaphore_mem>> -> memref<1x!tpu.dma_semaphore, #tpu.memory_space<semaphore_mem>>
    %dma_wait3A_391 = tpu.memref_squeeze %dma_wait3A_390 : memref<1x!tpu.dma_semaphore, #tpu.memory_space<semaphore_mem>> -> memref<!tpu.dma_semaphore, #tpu.memory_space<semaphore_mem>>
    %dma_wait3A_392 = arith.constant 0 : i32
    %dma_wait3A_393 = arith.constant 0 : i32
    %dma_wait3A_394 = tpu.memref_slice %arg5[%dma_wait3A_380, %dma_wait3A_381, %add3A, %dma_wait3A_392, %dma_wait3A_393] : memref<200x8x32x8x128xf32, #tpu.memory_space<hbm>> -> memref<1x1x1x8x128xf32, #tpu.memory_space<hbm>>
    %dma_wait3A_395 = tpu.memref_squeeze %dma_wait3A_394 : memref<1x1x1x8x128xf32, #tpu.memory_space<hbm>> -> memref<8x128xf32, #tpu.memory_space<hbm>>
    %dma_wait3A_396 = arith.constant 16 : i32
    %dma_wait3A_397 = arith.constant 0 : i32
    %dma_wait3A_398 = tpu.memref_slice %arg14[%dma_wait3A_396, %dma_wait3A_397] : memref<64x129xf32, #tpu.memory_space<vmem>> -> memref<8x128xf32, #tpu.memory_space<vmem>>
    tpu.wait_dma2 semaphore(%dma_wait3A_391 : memref<!tpu.dma_semaphore, #tpu.memory_space<semaphore_mem>>) src(%dma_wait3A_398 : memref<8x128xf32, #tpu.memory_space<vmem>>) dst(%dma_wait3A_395 : memref<8x128xf32, #tpu.memory_space<hbm>>)
    %dma_wait3A_399 = arith.constant 198 : i32
    %dma_wait3A_400 = arith.constant 3 : i32
    %dma_wait3A_401 = arith.constant 2 : i32
    %dma_wait3A_402 = arith.constant 24 : i32
    %dma_wait3A_403 = arith.constant 0 : i32
    %dma_wait3A_404 = tpu.memref_slice %arg14[%dma_wait3A_402, %dma_wait3A_403] : memref<64x129xf32, #tpu.memory_space<vmem>> -> memref<8x128xf32, #tpu.memory_space<vmem>>
    %dma_wait3A_405 = arith.constant 0 : i32
    %dma_wait3A_406 = arith.constant 0 : i32
    %dma_wait3A_407 = tpu.memref_slice %arg5[%dma_wait3A_399, %dma_wait3A_400, %add3A, %dma_wait3A_405, %dma_wait3A_406] : memref<200x8x32x8x128xf32, #tpu.memory_space<hbm>> -> memref<1x1x1x8x128xf32, #tpu.memory_space<hbm>>
    %dma_wait3A_408 = tpu.memref_squeeze %dma_wait3A_407 : memref<1x1x1x8x128xf32, #tpu.memory_space<hbm>> -> memref<8x128xf32, #tpu.memory_space<hbm>>
    %dma_wait3A_409 = tpu.memref_slice %arg17[%dma_wait3A_401] : memref<4x!tpu.dma_semaphore, #tpu.memory_space<semaphore_mem>> -> memref<1x!tpu.dma_semaphore, #tpu.memory_space<semaphore_mem>>
    %dma_wait3A_410 = tpu.memref_squeeze %dma_wait3A_409 : memref<1x!tpu.dma_semaphore, #tpu.memory_space<semaphore_mem>> -> memref<!tpu.dma_semaphore, #tpu.memory_space<semaphore_mem>>
    %dma_wait3A_411 = arith.constant 0 : i32
    %dma_wait3A_412 = arith.constant 0 : i32
    %dma_wait3A_413 = tpu.memref_slice %arg5[%dma_wait3A_399, %dma_wait3A_400, %add3A, %dma_wait3A_411, %dma_wait3A_412] : memref<200x8x32x8x128xf32, #tpu.memory_space<hbm>> -> memref<1x1x1x8x128xf32, #tpu.memory_space<hbm>>
    %dma_wait3A_414 = tpu.memref_squeeze %dma_wait3A_413 : memref<1x1x1x8x128xf32, #tpu.memory_space<hbm>> -> memref<8x128xf32, #tpu.memory_space<hbm>>
    %dma_wait3A_415 = arith.constant 24 : i32
    %dma_wait3A_416 = arith.constant 0 : i32
    %dma_wait3A_417 = tpu.memref_slice %arg14[%dma_wait3A_415, %dma_wait3A_416] : memref<64x129xf32, #tpu.memory_space<vmem>> -> memref<8x128xf32, #tpu.memory_space<vmem>>
    tpu.wait_dma2 semaphore(%dma_wait3A_410 : memref<!tpu.dma_semaphore, #tpu.memory_space<semaphore_mem>>) src(%dma_wait3A_417 : memref<8x128xf32, #tpu.memory_space<vmem>>) dst(%dma_wait3A_414 : memref<8x128xf32, #tpu.memory_space<hbm>>)
    %dma_wait3A_418 = arith.constant 198 : i32
    %dma_wait3A_419 = arith.constant 4 : i32
    %dma_wait3A_420 = arith.constant 2 : i32
    %dma_wait3A_421 = arith.constant 32 : i32
    %dma_wait3A_422 = arith.constant 0 : i32
    %dma_wait3A_423 = tpu.memref_slice %arg14[%dma_wait3A_421, %dma_wait3A_422] : memref<64x129xf32, #tpu.memory_space<vmem>> -> memref<8x128xf32, #tpu.memory_space<vmem>>
    %dma_wait3A_424 = arith.constant 0 : i32
    %dma_wait3A_425 = arith.constant 0 : i32
    %dma_wait3A_426 = tpu.memref_slice %arg5[%dma_wait3A_418, %dma_wait3A_419, %add3A, %dma_wait3A_424, %dma_wait3A_425] : memref<200x8x32x8x128xf32, #tpu.memory_space<hbm>> -> memref<1x1x1x8x128xf32, #tpu.memory_space<hbm>>
    %dma_wait3A_427 = tpu.memref_squeeze %dma_wait3A_426 : memref<1x1x1x8x128xf32, #tpu.memory_space<hbm>> -> memref<8x128xf32, #tpu.memory_space<hbm>>
    %dma_wait3A_428 = tpu.memref_slice %arg17[%dma_wait3A_420] : memref<4x!tpu.dma_semaphore, #tpu.memory_space<semaphore_mem>> -> memref<1x!tpu.dma_semaphore, #tpu.memory_space<semaphore_mem>>
    %dma_wait3A_429 = tpu.memref_squeeze %dma_wait3A_428 : memref<1x!tpu.dma_semaphore, #tpu.memory_space<semaphore_mem>> -> memref<!tpu.dma_semaphore, #tpu.memory_space<semaphore_mem>>
    %dma_wait3A_430 = arith.constant 0 : i32
    %dma_wait3A_431 = arith.constant 0 : i32
    %dma_wait3A_432 = tpu.memref_slice %arg5[%dma_wait3A_418, %dma_wait3A_419, %add3A, %dma_wait3A_430, %dma_wait3A_431] : memref<200x8x32x8x128xf32, #tpu.memory_space<hbm>> -> memref<1x1x1x8x128xf32, #tpu.memory_space<hbm>>
    %dma_wait3A_433 = tpu.memref_squeeze %dma_wait3A_432 : memref<1x1x1x8x128xf32, #tpu.memory_space<hbm>> -> memref<8x128xf32, #tpu.memory_space<hbm>>
    %dma_wait3A_434 = arith.constant 32 : i32
    %dma_wait3A_435 = arith.constant 0 : i32
    %dma_wait3A_436 = tpu.memref_slice %arg14[%dma_wait3A_434, %dma_wait3A_435] : memref<64x129xf32, #tpu.memory_space<vmem>> -> memref<8x128xf32, #tpu.memory_space<vmem>>
    tpu.wait_dma2 semaphore(%dma_wait3A_429 : memref<!tpu.dma_semaphore, #tpu.memory_space<semaphore_mem>>) src(%dma_wait3A_436 : memref<8x128xf32, #tpu.memory_space<vmem>>) dst(%dma_wait3A_433 : memref<8x128xf32, #tpu.memory_space<hbm>>)
    %dma_wait3A_437 = arith.constant 198 : i32
    %dma_wait3A_438 = arith.constant 5 : i32
    %dma_wait3A_439 = arith.constant 2 : i32
    %dma_wait3A_440 = arith.constant 40 : i32
    %dma_wait3A_441 = arith.constant 0 : i32
    %dma_wait3A_442 = tpu.memref_slice %arg14[%dma_wait3A_440, %dma_wait3A_441] : memref<64x129xf32, #tpu.memory_space<vmem>> -> memref<8x128xf32, #tpu.memory_space<vmem>>
    %dma_wait3A_443 = arith.constant 0 : i32
    %dma_wait3A_444 = arith.constant 0 : i32
    %dma_wait3A_445 = tpu.memref_slice %arg5[%dma_wait3A_437, %dma_wait3A_438, %add3A, %dma_wait3A_443, %dma_wait3A_444] : memref<200x8x32x8x128xf32, #tpu.memory_space<hbm>> -> memref<1x1x1x8x128xf32, #tpu.memory_space<hbm>>
    %dma_wait3A_446 = tpu.memref_squeeze %dma_wait3A_445 : memref<1x1x1x8x128xf32, #tpu.memory_space<hbm>> -> memref<8x128xf32, #tpu.memory_space<hbm>>
    %dma_wait3A_447 = tpu.memref_slice %arg17[%dma_wait3A_439] : memref<4x!tpu.dma_semaphore, #tpu.memory_space<semaphore_mem>> -> memref<1x!tpu.dma_semaphore, #tpu.memory_space<semaphore_mem>>
    %dma_wait3A_448 = tpu.memref_squeeze %dma_wait3A_447 : memref<1x!tpu.dma_semaphore, #tpu.memory_space<semaphore_mem>> -> memref<!tpu.dma_semaphore, #tpu.memory_space<semaphore_mem>>
    %dma_wait3A_449 = arith.constant 0 : i32
    %dma_wait3A_450 = arith.constant 0 : i32
    %dma_wait3A_451 = tpu.memref_slice %arg5[%dma_wait3A_437, %dma_wait3A_438, %add3A, %dma_wait3A_449, %dma_wait3A_450] : memref<200x8x32x8x128xf32, #tpu.memory_space<hbm>> -> memref<1x1x1x8x128xf32, #tpu.memory_space<hbm>>
    %dma_wait3A_452 = tpu.memref_squeeze %dma_wait3A_451 : memref<1x1x1x8x128xf32, #tpu.memory_space<hbm>> -> memref<8x128xf32, #tpu.memory_space<hbm>>
    %dma_wait3A_453 = arith.constant 40 : i32
    %dma_wait3A_454 = arith.constant 0 : i32
    %dma_wait3A_455 = tpu.memref_slice %arg14[%dma_wait3A_453, %dma_wait3A_454] : memref<64x129xf32, #tpu.memory_space<vmem>> -> memref<8x128xf32, #tpu.memory_space<vmem>>
    tpu.wait_dma2 semaphore(%dma_wait3A_448 : memref<!tpu.dma_semaphore, #tpu.memory_space<semaphore_mem>>) src(%dma_wait3A_455 : memref<8x128xf32, #tpu.memory_space<vmem>>) dst(%dma_wait3A_452 : memref<8x128xf32, #tpu.memory_space<hbm>>)
    %dma_wait3A_456 = arith.constant 198 : i32
    %dma_wait3A_457 = arith.constant 6 : i32
    %dma_wait3A_458 = arith.constant 2 : i32
    %dma_wait3A_459 = arith.constant 48 : i32
    %dma_wait3A_460 = arith.constant 0 : i32
    %dma_wait3A_461 = tpu.memref_slice %arg14[%dma_wait3A_459, %dma_wait3A_460] : memref<64x129xf32, #tpu.memory_space<vmem>> -> memref<8x128xf32, #tpu.memory_space<vmem>>
    %dma_wait3A_462 = arith.constant 0 : i32
    %dma_wait3A_463 = arith.constant 0 : i32
    %dma_wait3A_464 = tpu.memref_slice %arg5[%dma_wait3A_456, %dma_wait3A_457, %add3A, %dma_wait3A_462, %dma_wait3A_463] : memref<200x8x32x8x128xf32, #tpu.memory_space<hbm>> -> memref<1x1x1x8x128xf32, #tpu.memory_space<hbm>>
    %dma_wait3A_465 = tpu.memref_squeeze %dma_wait3A_464 : memref<1x1x1x8x128xf32, #tpu.memory_space<hbm>> -> memref<8x128xf32, #tpu.memory_space<hbm>>
    %dma_wait3A_466 = tpu.memref_slice %arg17[%dma_wait3A_458] : memref<4x!tpu.dma_semaphore, #tpu.memory_space<semaphore_mem>> -> memref<1x!tpu.dma_semaphore, #tpu.memory_space<semaphore_mem>>
    %dma_wait3A_467 = tpu.memref_squeeze %dma_wait3A_466 : memref<1x!tpu.dma_semaphore, #tpu.memory_space<semaphore_mem>> -> memref<!tpu.dma_semaphore, #tpu.memory_space<semaphore_mem>>
    %dma_wait3A_468 = arith.constant 0 : i32
    %dma_wait3A_469 = arith.constant 0 : i32
    %dma_wait3A_470 = tpu.memref_slice %arg5[%dma_wait3A_456, %dma_wait3A_457, %add3A, %dma_wait3A_468, %dma_wait3A_469] : memref<200x8x32x8x128xf32, #tpu.memory_space<hbm>> -> memref<1x1x1x8x128xf32, #tpu.memory_space<hbm>>
    %dma_wait3A_471 = tpu.memref_squeeze %dma_wait3A_470 : memref<1x1x1x8x128xf32, #tpu.memory_space<hbm>> -> memref<8x128xf32, #tpu.memory_space<hbm>>
    %dma_wait3A_472 = arith.constant 48 : i32
    %dma_wait3A_473 = arith.constant 0 : i32
    %dma_wait3A_474 = tpu.memref_slice %arg14[%dma_wait3A_472, %dma_wait3A_473] : memref<64x129xf32, #tpu.memory_space<vmem>> -> memref<8x128xf32, #tpu.memory_space<vmem>>
    tpu.wait_dma2 semaphore(%dma_wait3A_467 : memref<!tpu.dma_semaphore, #tpu.memory_space<semaphore_mem>>) src(%dma_wait3A_474 : memref<8x128xf32, #tpu.memory_space<vmem>>) dst(%dma_wait3A_471 : memref<8x128xf32, #tpu.memory_space<hbm>>)
    %dma_wait3A_475 = arith.constant 198 : i32
    %dma_wait3A_476 = arith.constant 7 : i32
    %dma_wait3A_477 = arith.constant 2 : i32
    %dma_wait3A_478 = arith.constant 56 : i32
    %dma_wait3A_479 = arith.constant 0 : i32
    %dma_wait3A_480 = tpu.memref_slice %arg14[%dma_wait3A_478, %dma_wait3A_479] : memref<64x129xf32, #tpu.memory_space<vmem>> -> memref<8x128xf32, #tpu.memory_space<vmem>>
    %dma_wait3A_481 = arith.constant 0 : i32
    %dma_wait3A_482 = arith.constant 0 : i32
    %dma_wait3A_483 = tpu.memref_slice %arg5[%dma_wait3A_475, %dma_wait3A_476, %add3A, %dma_wait3A_481, %dma_wait3A_482] : memref<200x8x32x8x128xf32, #tpu.memory_space<hbm>> -> memref<1x1x1x8x128xf32, #tpu.memory_space<hbm>>
    %dma_wait3A_484 = tpu.memref_squeeze %dma_wait3A_483 : memref<1x1x1x8x128xf32, #tpu.memory_space<hbm>> -> memref<8x128xf32, #tpu.memory_space<hbm>>
    %dma_wait3A_485 = tpu.memref_slice %arg17[%dma_wait3A_477] : memref<4x!tpu.dma_semaphore, #tpu.memory_space<semaphore_mem>> -> memref<1x!tpu.dma_semaphore, #tpu.memory_space<semaphore_mem>>
    %dma_wait3A_486 = tpu.memref_squeeze %dma_wait3A_485 : memref<1x!tpu.dma_semaphore, #tpu.memory_space<semaphore_mem>> -> memref<!tpu.dma_semaphore, #tpu.memory_space<semaphore_mem>>
    %dma_wait3A_487 = arith.constant 0 : i32
    %dma_wait3A_488 = arith.constant 0 : i32
    %dma_wait3A_489 = tpu.memref_slice %arg5[%dma_wait3A_475, %dma_wait3A_476, %add3A, %dma_wait3A_487, %dma_wait3A_488] : memref<200x8x32x8x128xf32, #tpu.memory_space<hbm>> -> memref<1x1x1x8x128xf32, #tpu.memory_space<hbm>>
    %dma_wait3A_490 = tpu.memref_squeeze %dma_wait3A_489 : memref<1x1x1x8x128xf32, #tpu.memory_space<hbm>> -> memref<8x128xf32, #tpu.memory_space<hbm>>
    %dma_wait3A_491 = arith.constant 56 : i32
    %dma_wait3A_492 = arith.constant 0 : i32
    %dma_wait3A_493 = tpu.memref_slice %arg14[%dma_wait3A_491, %dma_wait3A_492] : memref<64x129xf32, #tpu.memory_space<vmem>> -> memref<8x128xf32, #tpu.memory_space<vmem>>
    tpu.wait_dma2 semaphore(%dma_wait3A_486 : memref<!tpu.dma_semaphore, #tpu.memory_space<semaphore_mem>>) src(%dma_wait3A_493 : memref<8x128xf32, #tpu.memory_space<vmem>>) dst(%dma_wait3A_490 : memref<8x128xf32, #tpu.memory_space<hbm>>)
    %dma_wait3A_494 = arith.constant 199 : i32
    %dma_wait3A_495 = arith.constant 0 : i32
    %dma_wait3A_496 = arith.constant 3 : i32
    %dma_wait3A_497 = arith.constant 0 : i32
    %dma_wait3A_498 = arith.constant 0 : i32
    %dma_wait3A_499 = tpu.memref_slice %arg15[%dma_wait3A_497, %dma_wait3A_498] : memref<64x129xf32, #tpu.memory_space<vmem>> -> memref<8x128xf32, #tpu.memory_space<vmem>>
    %dma_wait3A_500 = arith.constant 0 : i32
    %dma_wait3A_501 = arith.constant 0 : i32
    %dma_wait3A_502 = tpu.memref_slice %arg5[%dma_wait3A_494, %dma_wait3A_495, %add3A, %dma_wait3A_500, %dma_wait3A_501] : memref<200x8x32x8x128xf32, #tpu.memory_space<hbm>> -> memref<1x1x1x8x128xf32, #tpu.memory_space<hbm>>
    %dma_wait3A_503 = tpu.memref_squeeze %dma_wait3A_502 : memref<1x1x1x8x128xf32, #tpu.memory_space<hbm>> -> memref<8x128xf32, #tpu.memory_space<hbm>>
    %dma_wait3A_504 = tpu.memref_slice %arg17[%dma_wait3A_496] : memref<4x!tpu.dma_semaphore, #tpu.memory_space<semaphore_mem>> -> memref<1x!tpu.dma_semaphore, #tpu.memory_space<semaphore_mem>>
    %dma_wait3A_505 = tpu.memref_squeeze %dma_wait3A_504 : memref<1x!tpu.dma_semaphore, #tpu.memory_space<semaphore_mem>> -> memref<!tpu.dma_semaphore, #tpu.memory_space<semaphore_mem>>
    %dma_wait3A_506 = arith.constant 0 : i32
    %dma_wait3A_507 = arith.constant 0 : i32
    %dma_wait3A_508 = tpu.memref_slice %arg5[%dma_wait3A_494, %dma_wait3A_495, %add3A, %dma_wait3A_506, %dma_wait3A_507] : memref<200x8x32x8x128xf32, #tpu.memory_space<hbm>> -> memref<1x1x1x8x128xf32, #tpu.memory_space<hbm>>
    %dma_wait3A_509 = tpu.memref_squeeze %dma_wait3A_508 : memref<1x1x1x8x128xf32, #tpu.memory_space<hbm>> -> memref<8x128xf32, #tpu.memory_space<hbm>>
    %dma_wait3A_510 = arith.constant 0 : i32
    %dma_wait3A_511 = arith.constant 0 : i32
    %dma_wait3A_512 = tpu.memref_slice %arg15[%dma_wait3A_510, %dma_wait3A_511] : memref<64x129xf32, #tpu.memory_space<vmem>> -> memref<8x128xf32, #tpu.memory_space<vmem>>
    tpu.wait_dma2 semaphore(%dma_wait3A_505 : memref<!tpu.dma_semaphore, #tpu.memory_space<semaphore_mem>>) src(%dma_wait3A_512 : memref<8x128xf32, #tpu.memory_space<vmem>>) dst(%dma_wait3A_509 : memref<8x128xf32, #tpu.memory_space<hbm>>)
    %dma_wait3A_513 = arith.constant 199 : i32
    %dma_wait3A_514 = arith.constant 1 : i32
    %dma_wait3A_515 = arith.constant 3 : i32
    %dma_wait3A_516 = arith.constant 8 : i32
    %dma_wait3A_517 = arith.constant 0 : i32
    %dma_wait3A_518 = tpu.memref_slice %arg15[%dma_wait3A_516, %dma_wait3A_517] : memref<64x129xf32, #tpu.memory_space<vmem>> -> memref<8x128xf32, #tpu.memory_space<vmem>>
    %dma_wait3A_519 = arith.constant 0 : i32
    %dma_wait3A_520 = arith.constant 0 : i32
    %dma_wait3A_521 = tpu.memref_slice %arg5[%dma_wait3A_513, %dma_wait3A_514, %add3A, %dma_wait3A_519, %dma_wait3A_520] : memref<200x8x32x8x128xf32, #tpu.memory_space<hbm>> -> memref<1x1x1x8x128xf32, #tpu.memory_space<hbm>>
    %dma_wait3A_522 = tpu.memref_squeeze %dma_wait3A_521 : memref<1x1x1x8x128xf32, #tpu.memory_space<hbm>> -> memref<8x128xf32, #tpu.memory_space<hbm>>
    %dma_wait3A_523 = tpu.memref_slice %arg17[%dma_wait3A_515] : memref<4x!tpu.dma_semaphore, #tpu.memory_space<semaphore_mem>> -> memref<1x!tpu.dma_semaphore, #tpu.memory_space<semaphore_mem>>
    %dma_wait3A_524 = tpu.memref_squeeze %dma_wait3A_523 : memref<1x!tpu.dma_semaphore, #tpu.memory_space<semaphore_mem>> -> memref<!tpu.dma_semaphore, #tpu.memory_space<semaphore_mem>>
    %dma_wait3A_525 = arith.constant 0 : i32
    %dma_wait3A_526 = arith.constant 0 : i32
    %dma_wait3A_527 = tpu.memref_slice %arg5[%dma_wait3A_513, %dma_wait3A_514, %add3A, %dma_wait3A_525, %dma_wait3A_526] : memref<200x8x32x8x128xf32, #tpu.memory_space<hbm>> -> memref<1x1x1x8x128xf32, #tpu.memory_space<hbm>>
    %dma_wait3A_528 = tpu.memref_squeeze %dma_wait3A_527 : memref<1x1x1x8x128xf32, #tpu.memory_space<hbm>> -> memref<8x128xf32, #tpu.memory_space<hbm>>
    %dma_wait3A_529 = arith.constant 8 : i32
    %dma_wait3A_530 = arith.constant 0 : i32
    %dma_wait3A_531 = tpu.memref_slice %arg15[%dma_wait3A_529, %dma_wait3A_530] : memref<64x129xf32, #tpu.memory_space<vmem>> -> memref<8x128xf32, #tpu.memory_space<vmem>>
    tpu.wait_dma2 semaphore(%dma_wait3A_524 : memref<!tpu.dma_semaphore, #tpu.memory_space<semaphore_mem>>) src(%dma_wait3A_531 : memref<8x128xf32, #tpu.memory_space<vmem>>) dst(%dma_wait3A_528 : memref<8x128xf32, #tpu.memory_space<hbm>>)
    %dma_wait3A_532 = arith.constant 199 : i32
    %dma_wait3A_533 = arith.constant 2 : i32
    %dma_wait3A_534 = arith.constant 3 : i32
    %dma_wait3A_535 = arith.constant 16 : i32
    %dma_wait3A_536 = arith.constant 0 : i32
    %dma_wait3A_537 = tpu.memref_slice %arg15[%dma_wait3A_535, %dma_wait3A_536] : memref<64x129xf32, #tpu.memory_space<vmem>> -> memref<8x128xf32, #tpu.memory_space<vmem>>
    %dma_wait3A_538 = arith.constant 0 : i32
    %dma_wait3A_539 = arith.constant 0 : i32
    %dma_wait3A_540 = tpu.memref_slice %arg5[%dma_wait3A_532, %dma_wait3A_533, %add3A, %dma_wait3A_538, %dma_wait3A_539] : memref<200x8x32x8x128xf32, #tpu.memory_space<hbm>> -> memref<1x1x1x8x128xf32, #tpu.memory_space<hbm>>
    %dma_wait3A_541 = tpu.memref_squeeze %dma_wait3A_540 : memref<1x1x1x8x128xf32, #tpu.memory_space<hbm>> -> memref<8x128xf32, #tpu.memory_space<hbm>>
    %dma_wait3A_542 = tpu.memref_slice %arg17[%dma_wait3A_534] : memref<4x!tpu.dma_semaphore, #tpu.memory_space<semaphore_mem>> -> memref<1x!tpu.dma_semaphore, #tpu.memory_space<semaphore_mem>>
    %dma_wait3A_543 = tpu.memref_squeeze %dma_wait3A_542 : memref<1x!tpu.dma_semaphore, #tpu.memory_space<semaphore_mem>> -> memref<!tpu.dma_semaphore, #tpu.memory_space<semaphore_mem>>
    %dma_wait3A_544 = arith.constant 0 : i32
    %dma_wait3A_545 = arith.constant 0 : i32
    %dma_wait3A_546 = tpu.memref_slice %arg5[%dma_wait3A_532, %dma_wait3A_533, %add3A, %dma_wait3A_544, %dma_wait3A_545] : memref<200x8x32x8x128xf32, #tpu.memory_space<hbm>> -> memref<1x1x1x8x128xf32, #tpu.memory_space<hbm>>
    %dma_wait3A_547 = tpu.memref_squeeze %dma_wait3A_546 : memref<1x1x1x8x128xf32, #tpu.memory_space<hbm>> -> memref<8x128xf32, #tpu.memory_space<hbm>>
    %dma_wait3A_548 = arith.constant 16 : i32
    %dma_wait3A_549 = arith.constant 0 : i32
    %dma_wait3A_550 = tpu.memref_slice %arg15[%dma_wait3A_548, %dma_wait3A_549] : memref<64x129xf32, #tpu.memory_space<vmem>> -> memref<8x128xf32, #tpu.memory_space<vmem>>
    tpu.wait_dma2 semaphore(%dma_wait3A_543 : memref<!tpu.dma_semaphore, #tpu.memory_space<semaphore_mem>>) src(%dma_wait3A_550 : memref<8x128xf32, #tpu.memory_space<vmem>>) dst(%dma_wait3A_547 : memref<8x128xf32, #tpu.memory_space<hbm>>)
    %dma_wait3A_551 = arith.constant 199 : i32
    %dma_wait3A_552 = arith.constant 3 : i32
    %dma_wait3A_553 = arith.constant 3 : i32
    %dma_wait3A_554 = arith.constant 24 : i32
    %dma_wait3A_555 = arith.constant 0 : i32
    %dma_wait3A_556 = tpu.memref_slice %arg15[%dma_wait3A_554, %dma_wait3A_555] : memref<64x129xf32, #tpu.memory_space<vmem>> -> memref<8x128xf32, #tpu.memory_space<vmem>>
    %dma_wait3A_557 = arith.constant 0 : i32
    %dma_wait3A_558 = arith.constant 0 : i32
    %dma_wait3A_559 = tpu.memref_slice %arg5[%dma_wait3A_551, %dma_wait3A_552, %add3A, %dma_wait3A_557, %dma_wait3A_558] : memref<200x8x32x8x128xf32, #tpu.memory_space<hbm>> -> memref<1x1x1x8x128xf32, #tpu.memory_space<hbm>>
    %dma_wait3A_560 = tpu.memref_squeeze %dma_wait3A_559 : memref<1x1x1x8x128xf32, #tpu.memory_space<hbm>> -> memref<8x128xf32, #tpu.memory_space<hbm>>
    %dma_wait3A_561 = tpu.memref_slice %arg17[%dma_wait3A_553] : memref<4x!tpu.dma_semaphore, #tpu.memory_space<semaphore_mem>> -> memref<1x!tpu.dma_semaphore, #tpu.memory_space<semaphore_mem>>
    %dma_wait3A_562 = tpu.memref_squeeze %dma_wait3A_561 : memref<1x!tpu.dma_semaphore, #tpu.memory_space<semaphore_mem>> -> memref<!tpu.dma_semaphore, #tpu.memory_space<semaphore_mem>>
    %dma_wait3A_563 = arith.constant 0 : i32
    %dma_wait3A_564 = arith.constant 0 : i32
    %dma_wait3A_565 = tpu.memref_slice %arg5[%dma_wait3A_551, %dma_wait3A_552, %add3A, %dma_wait3A_563, %dma_wait3A_564] : memref<200x8x32x8x128xf32, #tpu.memory_space<hbm>> -> memref<1x1x1x8x128xf32, #tpu.memory_space<hbm>>
    %dma_wait3A_566 = tpu.memref_squeeze %dma_wait3A_565 : memref<1x1x1x8x128xf32, #tpu.memory_space<hbm>> -> memref<8x128xf32, #tpu.memory_space<hbm>>
    %dma_wait3A_567 = arith.constant 24 : i32
    %dma_wait3A_568 = arith.constant 0 : i32
    %dma_wait3A_569 = tpu.memref_slice %arg15[%dma_wait3A_567, %dma_wait3A_568] : memref<64x129xf32, #tpu.memory_space<vmem>> -> memref<8x128xf32, #tpu.memory_space<vmem>>
    tpu.wait_dma2 semaphore(%dma_wait3A_562 : memref<!tpu.dma_semaphore, #tpu.memory_space<semaphore_mem>>) src(%dma_wait3A_569 : memref<8x128xf32, #tpu.memory_space<vmem>>) dst(%dma_wait3A_566 : memref<8x128xf32, #tpu.memory_space<hbm>>)
    %dma_wait3A_570 = arith.constant 199 : i32
    %dma_wait3A_571 = arith.constant 4 : i32
    %dma_wait3A_572 = arith.constant 3 : i32
    %dma_wait3A_573 = arith.constant 32 : i32
    %dma_wait3A_574 = arith.constant 0 : i32
    %dma_wait3A_575 = tpu.memref_slice %arg15[%dma_wait3A_573, %dma_wait3A_574] : memref<64x129xf32, #tpu.memory_space<vmem>> -> memref<8x128xf32, #tpu.memory_space<vmem>>
    %dma_wait3A_576 = arith.constant 0 : i32
    %dma_wait3A_577 = arith.constant 0 : i32
    %dma_wait3A_578 = tpu.memref_slice %arg5[%dma_wait3A_570, %dma_wait3A_571, %add3A, %dma_wait3A_576, %dma_wait3A_577] : memref<200x8x32x8x128xf32, #tpu.memory_space<hbm>> -> memref<1x1x1x8x128xf32, #tpu.memory_space<hbm>>
    %dma_wait3A_579 = tpu.memref_squeeze %dma_wait3A_578 : memref<1x1x1x8x128xf32, #tpu.memory_space<hbm>> -> memref<8x128xf32, #tpu.memory_space<hbm>>
    %dma_wait3A_580 = tpu.memref_slice %arg17[%dma_wait3A_572] : memref<4x!tpu.dma_semaphore, #tpu.memory_space<semaphore_mem>> -> memref<1x!tpu.dma_semaphore, #tpu.memory_space<semaphore_mem>>
    %dma_wait3A_581 = tpu.memref_squeeze %dma_wait3A_580 : memref<1x!tpu.dma_semaphore, #tpu.memory_space<semaphore_mem>> -> memref<!tpu.dma_semaphore, #tpu.memory_space<semaphore_mem>>
    %dma_wait3A_582 = arith.constant 0 : i32
    %dma_wait3A_583 = arith.constant 0 : i32
    %dma_wait3A_584 = tpu.memref_slice %arg5[%dma_wait3A_570, %dma_wait3A_571, %add3A, %dma_wait3A_582, %dma_wait3A_583] : memref<200x8x32x8x128xf32, #tpu.memory_space<hbm>> -> memref<1x1x1x8x128xf32, #tpu.memory_space<hbm>>
    %dma_wait3A_585 = tpu.memref_squeeze %dma_wait3A_584 : memref<1x1x1x8x128xf32, #tpu.memory_space<hbm>> -> memref<8x128xf32, #tpu.memory_space<hbm>>
    %dma_wait3A_586 = arith.constant 32 : i32
    %dma_wait3A_587 = arith.constant 0 : i32
    %dma_wait3A_588 = tpu.memref_slice %arg15[%dma_wait3A_586, %dma_wait3A_587] : memref<64x129xf32, #tpu.memory_space<vmem>> -> memref<8x128xf32, #tpu.memory_space<vmem>>
    tpu.wait_dma2 semaphore(%dma_wait3A_581 : memref<!tpu.dma_semaphore, #tpu.memory_space<semaphore_mem>>) src(%dma_wait3A_588 : memref<8x128xf32, #tpu.memory_space<vmem>>) dst(%dma_wait3A_585 : memref<8x128xf32, #tpu.memory_space<hbm>>)
    %dma_wait3A_589 = arith.constant 199 : i32
    %dma_wait3A_590 = arith.constant 5 : i32
    %dma_wait3A_591 = arith.constant 3 : i32
    %dma_wait3A_592 = arith.constant 40 : i32
    %dma_wait3A_593 = arith.constant 0 : i32
    %dma_wait3A_594 = tpu.memref_slice %arg15[%dma_wait3A_592, %dma_wait3A_593] : memref<64x129xf32, #tpu.memory_space<vmem>> -> memref<8x128xf32, #tpu.memory_space<vmem>>
    %dma_wait3A_595 = arith.constant 0 : i32
    %dma_wait3A_596 = arith.constant 0 : i32
    %dma_wait3A_597 = tpu.memref_slice %arg5[%dma_wait3A_589, %dma_wait3A_590, %add3A, %dma_wait3A_595, %dma_wait3A_596] : memref<200x8x32x8x128xf32, #tpu.memory_space<hbm>> -> memref<1x1x1x8x128xf32, #tpu.memory_space<hbm>>
    %dma_wait3A_598 = tpu.memref_squeeze %dma_wait3A_597 : memref<1x1x1x8x128xf32, #tpu.memory_space<hbm>> -> memref<8x128xf32, #tpu.memory_space<hbm>>
    %dma_wait3A_599 = tpu.memref_slice %arg17[%dma_wait3A_591] : memref<4x!tpu.dma_semaphore, #tpu.memory_space<semaphore_mem>> -> memref<1x!tpu.dma_semaphore, #tpu.memory_space<semaphore_mem>>
    %dma_wait3A_600 = tpu.memref_squeeze %dma_wait3A_599 : memref<1x!tpu.dma_semaphore, #tpu.memory_space<semaphore_mem>> -> memref<!tpu.dma_semaphore, #tpu.memory_space<semaphore_mem>>
    %dma_wait3A_601 = arith.constant 0 : i32
    %dma_wait3A_602 = arith.constant 0 : i32
    %dma_wait3A_603 = tpu.memref_slice %arg5[%dma_wait3A_589, %dma_wait3A_590, %add3A, %dma_wait3A_601, %dma_wait3A_602] : memref<200x8x32x8x128xf32, #tpu.memory_space<hbm>> -> memref<1x1x1x8x128xf32, #tpu.memory_space<hbm>>
    %dma_wait3A_604 = tpu.memref_squeeze %dma_wait3A_603 : memref<1x1x1x8x128xf32, #tpu.memory_space<hbm>> -> memref<8x128xf32, #tpu.memory_space<hbm>>
    %dma_wait3A_605 = arith.constant 40 : i32
    %dma_wait3A_606 = arith.constant 0 : i32
    %dma_wait3A_607 = tpu.memref_slice %arg15[%dma_wait3A_605, %dma_wait3A_606] : memref<64x129xf32, #tpu.memory_space<vmem>> -> memref<8x128xf32, #tpu.memory_space<vmem>>
    tpu.wait_dma2 semaphore(%dma_wait3A_600 : memref<!tpu.dma_semaphore, #tpu.memory_space<semaphore_mem>>) src(%dma_wait3A_607 : memref<8x128xf32, #tpu.memory_space<vmem>>) dst(%dma_wait3A_604 : memref<8x128xf32, #tpu.memory_space<hbm>>)
    %dma_wait3A_608 = arith.constant 199 : i32
    %dma_wait3A_609 = arith.constant 6 : i32
    %dma_wait3A_610 = arith.constant 3 : i32
    %dma_wait3A_611 = arith.constant 48 : i32
    %dma_wait3A_612 = arith.constant 0 : i32
    %dma_wait3A_613 = tpu.memref_slice %arg15[%dma_wait3A_611, %dma_wait3A_612] : memref<64x129xf32, #tpu.memory_space<vmem>> -> memref<8x128xf32, #tpu.memory_space<vmem>>
    %dma_wait3A_614 = arith.constant 0 : i32
    %dma_wait3A_615 = arith.constant 0 : i32
    %dma_wait3A_616 = tpu.memref_slice %arg5[%dma_wait3A_608, %dma_wait3A_609, %add3A, %dma_wait3A_614, %dma_wait3A_615] : memref<200x8x32x8x128xf32, #tpu.memory_space<hbm>> -> memref<1x1x1x8x128xf32, #tpu.memory_space<hbm>>
    %dma_wait3A_617 = tpu.memref_squeeze %dma_wait3A_616 : memref<1x1x1x8x128xf32, #tpu.memory_space<hbm>> -> memref<8x128xf32, #tpu.memory_space<hbm>>
    %dma_wait3A_618 = tpu.memref_slice %arg17[%dma_wait3A_610] : memref<4x!tpu.dma_semaphore, #tpu.memory_space<semaphore_mem>> -> memref<1x!tpu.dma_semaphore, #tpu.memory_space<semaphore_mem>>
    %dma_wait3A_619 = tpu.memref_squeeze %dma_wait3A_618 : memref<1x!tpu.dma_semaphore, #tpu.memory_space<semaphore_mem>> -> memref<!tpu.dma_semaphore, #tpu.memory_space<semaphore_mem>>
    %dma_wait3A_620 = arith.constant 0 : i32
    %dma_wait3A_621 = arith.constant 0 : i32
    %dma_wait3A_622 = tpu.memref_slice %arg5[%dma_wait3A_608, %dma_wait3A_609, %add3A, %dma_wait3A_620, %dma_wait3A_621] : memref<200x8x32x8x128xf32, #tpu.memory_space<hbm>> -> memref<1x1x1x8x128xf32, #tpu.memory_space<hbm>>
    %dma_wait3A_623 = tpu.memref_squeeze %dma_wait3A_622 : memref<1x1x1x8x128xf32, #tpu.memory_space<hbm>> -> memref<8x128xf32, #tpu.memory_space<hbm>>
    %dma_wait3A_624 = arith.constant 48 : i32
    %dma_wait3A_625 = arith.constant 0 : i32
    %dma_wait3A_626 = tpu.memref_slice %arg15[%dma_wait3A_624, %dma_wait3A_625] : memref<64x129xf32, #tpu.memory_space<vmem>> -> memref<8x128xf32, #tpu.memory_space<vmem>>
    tpu.wait_dma2 semaphore(%dma_wait3A_619 : memref<!tpu.dma_semaphore, #tpu.memory_space<semaphore_mem>>) src(%dma_wait3A_626 : memref<8x128xf32, #tpu.memory_space<vmem>>) dst(%dma_wait3A_623 : memref<8x128xf32, #tpu.memory_space<hbm>>)
    %dma_wait3A_627 = arith.constant 199 : i32
    %dma_wait3A_628 = arith.constant 7 : i32
    %dma_wait3A_629 = arith.constant 3 : i32
    %dma_wait3A_630 = arith.constant 56 : i32
    %dma_wait3A_631 = arith.constant 0 : i32
    %dma_wait3A_632 = tpu.memref_slice %arg15[%dma_wait3A_630, %dma_wait3A_631] : memref<64x129xf32, #tpu.memory_space<vmem>> -> memref<8x128xf32, #tpu.memory_space<vmem>>
    %dma_wait3A_633 = arith.constant 0 : i32
    %dma_wait3A_634 = arith.constant 0 : i32
    %dma_wait3A_635 = tpu.memref_slice %arg5[%dma_wait3A_627, %dma_wait3A_628, %add3A, %dma_wait3A_633, %dma_wait3A_634] : memref<200x8x32x8x128xf32, #tpu.memory_space<hbm>> -> memref<1x1x1x8x128xf32, #tpu.memory_space<hbm>>
    %dma_wait3A_636 = tpu.memref_squeeze %dma_wait3A_635 : memref<1x1x1x8x128xf32, #tpu.memory_space<hbm>> -> memref<8x128xf32, #tpu.memory_space<hbm>>
    %dma_wait3A_637 = tpu.memref_slice %arg17[%dma_wait3A_629] : memref<4x!tpu.dma_semaphore, #tpu.memory_space<semaphore_mem>> -> memref<1x!tpu.dma_semaphore, #tpu.memory_space<semaphore_mem>>
    %dma_wait3A_638 = tpu.memref_squeeze %dma_wait3A_637 : memref<1x!tpu.dma_semaphore, #tpu.memory_space<semaphore_mem>> -> memref<!tpu.dma_semaphore, #tpu.memory_space<semaphore_mem>>
    %dma_wait3A_639 = arith.constant 0 : i32
    %dma_wait3A_640 = arith.constant 0 : i32
    %dma_wait3A_641 = tpu.memref_slice %arg5[%dma_wait3A_627, %dma_wait3A_628, %add3A, %dma_wait3A_639, %dma_wait3A_640] : memref<200x8x32x8x128xf32, #tpu.memory_space<hbm>> -> memref<1x1x1x8x128xf32, #tpu.memory_space<hbm>>
    %dma_wait3A_642 = tpu.memref_squeeze %dma_wait3A_641 : memref<1x1x1x8x128xf32, #tpu.memory_space<hbm>> -> memref<8x128xf32, #tpu.memory_space<hbm>>
    %dma_wait3A_643 = arith.constant 56 : i32
    %dma_wait3A_644 = arith.constant 0 : i32
    %dma_wait3A_645 = tpu.memref_slice %arg15[%dma_wait3A_643, %dma_wait3A_644] : memref<64x129xf32, #tpu.memory_space<vmem>> -> memref<8x128xf32, #tpu.memory_space<vmem>>
    tpu.wait_dma2 semaphore(%dma_wait3A_638 : memref<!tpu.dma_semaphore, #tpu.memory_space<semaphore_mem>>) src(%dma_wait3A_645 : memref<8x128xf32, #tpu.memory_space<vmem>>) dst(%dma_wait3A_642 : memref<8x128xf32, #tpu.memory_space<hbm>>)
    return
  }
}

</mosaic_0001>

<sc_bundles>
// kernel: _run.3.cloned.1.call-start
scs
__scs_entry_jumppad:
0x0: {  	(pc) =	sbr.rel $0x88, $3  }
0x1: {  	(tag) =	ssettag $0x0;
	lr =	simm.s32 $0x1  }
0x2: {  	[smem:$0x3F9E] =	sst lr;
	_ =	strace $0xD0000000  }
0x3: {  	_ = 	snop  }
0x4: {  	_ = 	snop  }
0x5: {  	_ = 	snop  }
0x6: {  	_ = 	snop  }
0x7: {  	_ = 	snop  }
__scs_overlays_trampoline_lowered:
0x8: {  	[smem:$0x3FAD] =	sst s0  }
0x9: {  	[smem:$0x3FAE] =	sst s1  }
0xa: {  	[smem:$0x3FAF] =	sst s2  }
0xb: {  	[smem:$0x3FB0] =	sst s3  }
0xc: {  	[smem:$0x3FB1] =	sst s4  }
0xd: {  	[smem:$0x3FB2] =	sst s5  }
0xe: {  	[smem:$0x3FB3] =	sst s6  }
0xf: {  	[smem:$0x3FB4] =	sst s7  }
0x10: {  	[smem:$0x3FB5] =	sst s8  }
0x11: {  	[smem:$0x3FB6] =	sst s9;
	s0 =	simm.s32 @!p0 $0x0  }
0x12: {  	s1 =	sld [smem:$0x3F9C];
	s0 =	simm.s32 @p0 $0x1  }
0x13: {  	[smem:$0x3FB7] =	sst s0;
	s0 =	simm.s32 @!p1 $0x0  }
0x14: {  	s2 =	sld [smem:$0x3F9B];
	s0 =	simm.s32 @p1 $0x1  }
0x15: {  	[smem:$0x3FB8] =	sst s0;
	s0 =	simm.s32 @!p2 $0x0  }
0x16: {  	s3 =	sld [smem:$0x3FDB];
	s0 =	simm.s32 @p2 $0x1  }
0x17: {  	s4 =	simm.s32 $0x1BF5;
	[smem:$0x3FBA] =	sst s0  }
0x18: {  	s0 =	sld [smem:$0x3F9D];
	_ =	swait.ge [sflag:s4], $0x0  }
0x19: {  	s7 =	sld [smem:$0x3F9E]  }
0x1a: {  	s8 =	sadd.s32 $0xFFFFE003, lr  }
0x1b: {  	s9 =	sadd.s32 $0xFFFFFEF7, lr;
	s5 =	simm.s32 $0xFFFFFFFF;
	p2 =	slt.u32 s8, $0xFFFFF086  }
0x1c: {  	p1 =	slt.u32 s9, $0xF7A;
	s5 =	simm.s32 @!p2 $0x0  }
0x1d: {  	s5 =	simm.s32 @p1 $0x1;
	p0 =	seq.s32 s7, s2  }
0x1e: {  	s7 =	smul.u32 @!p0 $0xF7A, s2;
	p2 =	seq.s32 @!p0 s5, $0x0  }
0x1f: {  	s9 =	smul.u32 $0xF7A, s1;
	s8 =	simm.s32 @!p0 $0x1BF5;
	p2 =	por !p2, p0  }
0x20: {  	[sflag:s8] =	ssyncset.s32 @!p0 $0xFFFFF086;
	s6 =	sadd.s32 @!p0 s3, s7;
	s7 =	simm.s32 @!p0 $0x108  }
0x21: {  	s3 =	sadd.s32 s3, s9;
	s6 =	sadd.s32 @!p0 $0x88, s6;
	s7 =	simm.s32 @p2 $0x1082  }
0x22: {  	[simem:s7], [sflag:s8] =	dma.local @!p0 [hbm:s6], $0xF7A  }
0x23: {  	s9 =	sor.u32 $0xD0000000, s2;
	s6 =	simm.s32 $0x108;
	_ =	swait.ge @!p0 [sflag:s8], $0x0  }
0x24: {  	s3 =	sadd.s32 $0x88, s3;
	s6 =	simm.s32 @!p1 $0x1082;
	[sflag:s4] =	ssyncset.s32 $0xFFFFF086  }
0x25: {  	[simem:s6], [sflag:s4] =	dma.local [hbm:s3], $0xF7A  }
0x26: {  	[smem:$0x3F9E] =	sst s1;
	(tag) =	ssettag s2;
	_ =	strace s9  }
0x27: {  	s1 =	sld [smem:$0x3FAE]  }
0x28: {  	s2 =	sld [smem:$0x3FAF]  }
0x29: {  	s4 =	sld [smem:$0x3FB1]  }
0x2a: {  	p0 =	seq.s32 s5, $0x0;
	s5 =	sld [smem:$0x3FB2]  }
0x2b: {  	s6 =	sld [smem:$0x3FB3]  }
0x2c: {  	s7 =	sld [smem:$0x3FB4]  }
0x2d: {  	s3 =	simm.s32 $0x108;
	s8 =	sld [smem:$0x3FB5]  }
0x2e: {  	s3 =	simm.s32 @!p0 $0x1082;
	s9 =	sld [smem:$0x3FB6]  }
0x2f: {  	lr =	sadd.s32 s0, s3;
	s0 =	sld [smem:$0x3FAD]  }
0x30: {  	s3 =	sld [smem:$0x3FB0]  }
0x31: {  	[smem:$0x3FB9] =	sst s10  }
0x32: {  	s10 =	sld [smem:$0x3FB7];
	_ =	sdelay $0x3  }
0x33: {  	p0 =	seq.s32 s10, $0x1;
	s10 =	sld [smem:$0x3FB9];
	_ =	sdelay $0x3  }
0x34: {  	[smem:$0x3FB9] =	sst s10  }
0x35: {  	s10 =	sld [smem:$0x3FB8];
	_ =	sdelay $0x3  }
0x36: {  	p1 =	seq.s32 s10, $0x1;
	s10 =	sld [smem:$0x3FB9];
	_ =	sdelay $0x3  }
0x37: {  	[smem:$0x3FB9] =	sst s10  }
0x38: {  	s10 =	sld [smem:$0x3FBA]  }
0x39: {  	_ = 	snop;
	(pc) =	sbr.ind lr, $3  }
0x3a: {  	_ = 	snop  }
0x3b: {  	_ = 	snop  }
0x3c: {  	p2 =	seq.s32 s10, $0x1;
	s10 =	sld [smem:$0x3FB9]  }
0x3d: {  	_ =	shalt  }
0x3e: {  	_ =	shalt  }
0x3f: {  	_ =	shalt  }
0x40: {  	_ =	shalt  }
0x41: {  	_ =	shalt  }
0x42: {  	_ =	shalt  }
0x43: {  	_ =	shalt  }
0x44: {  	_ =	shalt  }
0x45: {  	_ =	shalt  }
0x46: {  	_ =	shalt  }
0x47: {  	_ =	shalt  }
0x48: {  	_ =	shalt  }
0x49: {  	_ =	shalt  }
0x4a: {  	_ =	shalt  }
0x4b: {  	_ =	shalt  }
0x4c: {  	_ =	shalt  }
0x4d: {  	_ =	shalt  }
0x4e: {  	_ =	shalt  }
0x4f: {  	_ =	shalt  }
0x50: {  	_ =	shalt  }
0x51: {  	_ =	shalt  }
0x52: {  	_ =	shalt  }
0x53: {  	_ =	shalt  }
0x54: {  	_ =	shalt  }
0x55: {  	_ =	shalt  }
0x56: {  	_ =	shalt  }
0x57: {  	_ =	shalt  }
0x58: {  	_ =	shalt  }
0x59: {  	_ =	shalt  }
0x5a: {  	_ =	shalt  }
0x5b: {  	_ =	shalt  }
0x5c: {  	_ =	shalt  }
0x5d: {  	_ =	shalt  }
0x5e: {  	_ =	shalt  }
0x5f: {  	_ =	shalt  }
0x60: {  	_ =	shalt  }
0x61: {  	_ =	shalt  }
0x62: {  	_ =	shalt  }
0x63: {  	_ =	shalt  }
0x64: {  	_ =	shalt  }
0x65: {  	_ =	shalt  }
0x66: {  	_ =	shalt  }
0x67: {  	_ =	shalt  }
0x68: {  	_ =	shalt  }
0x69: {  	_ =	shalt  }
0x6a: {  	_ =	shalt  }
0x6b: {  	_ =	shalt  }
0x6c: {  	_ =	shalt  }
0x6d: {  	_ =	shalt  }
0x6e: {  	_ =	shalt  }
0x6f: {  	_ =	shalt  }
0x70: {  	_ =	shalt  }
0x71: {  	_ =	shalt  }
0x72: {  	_ =	shalt  }
0x73: {  	_ =	shalt  }
0x74: {  	_ =	shalt  }
0x75: {  	_ =	shalt  }
0x76: {  	_ =	shalt  }
0x77: {  	_ =	shalt  }
0x78: {  	_ =	shalt  }
0x79: {  	_ =	shalt  }
0x7a: {  	_ =	shalt  }
0x7b: {  	_ =	shalt  }
0x7c: {  	_ =	shalt  }
0x7d: {  	_ =	shalt  }
0x7e: {  	_ =	shalt  }
0x7f: {  	_ =	shalt  }
0x80: {  	_ =	shalt  }
0x81: {  	_ =	shalt  }
0x82: {  	_ =	shalt  }
0x83: {  	_ =	shalt  }
0x84: {  	_ =	shalt  }
0x85: {  	_ =	shalt  }
0x86: {  	_ =	shalt  }
0x87: {  	_ =	shalt  }
.Lfunc_end0:
.L_simem_size_0:
called_computation_lowered:
.L_overlay_start_0:
0x88: {  	s2 =	sld [smem:$0x3FD9]  }
0x89: {  	s3 =	sld [smem:$0x3FFE];
	_ =	sdelay $0x1  }
0x8a: {  	s1 =	srdreg.scid  }
0x8b: {  	s0 =	sand.u32 $0x1, s1  }
0x8c: {  	s17 =	sshll.u32 s0, $0xA;
	s2 =	sadd.s32 s3, s2  }
0x8d: {  	s2 =	sadd.s32 s2, s17  }
0x8e: {  	[smem:$0x3FC5] =	sst s2  }
0x8f: {  	_ = 	snop  }
0x90: {  	s2 =	sld [smem:$0x3FC9]  }
0x91: {  	s18 =	sld [smem:$0x3FD0];
	(tm) =	ssettm $0x1  }
0x92: {  	s4 =	sld [smem:$0x3FFB];
	_ =	sdelay $0x3  }
0x93: {  	_ =	strace s4  }
0x94: {  	s4 =	sld [smem:$0x3FFC];
	_ =	sdelay $0x3  }
0x95: {  	_ =	strace s4  }
0x96: {  	s4 =	sld [smem:$0x3FFD];
	_ =	sdelay $0x3  }
0x97: {  	_ =	strace s4  }
0x98: {  	_ =	strace $0x8FFFFFFF  }
0x99: {  	s19 =	sld [smem:$0x3FDB];
	_ =	sdelay $0x1  }
0x9a: {  	s5 =	simm.s32 $_scs_section_size  }
0x9b: {  	s6 =	simm.s32 $_size__tile_overlayer_lowered;
	s7 =	simm.s32 $_tile_overlayer_lowered  }
0x9c: {  	s22 =	simm.s32 $0x1BFF;
	s21 =	sshll.u32 s7, $0x1;
	s4 =	sadd.s32 s5, s19  }
0x9d: {  	s8 =	simm.s32 $0x0;
	s20 =	sshll.u32 s6, $0x1;
	s6 =	sadd.s32 s21, s4  }
0x9e: {  	[timem:s8], [sflag:s22] =	dma.local [hbm:s6], s20  }
0x9f: {  	_ =	swait.ge [sflag:s22], s20  }
0xa0: {  	s5 =	ssub.s32 $0x0, s20;
	[sflag:s22] =	ssyncset.done $0x0  }
0xa1: {  	[sflag:s22] =	ssyncadd.s32 s5;
	_ =	sdelay $0x1  }
0xa2: {  	s23 =	simm.s32 $0x1B8B  }
0xa3: {  	_ =	swait.ge [sflag:s23], $0x1  }
0xa4: {  	[sflag:s23] =	ssyncset.done $0x0  }
0xa5: {  	s25 =	simm.s32 $0x1B8E;
	s24 =	sld [smem:$0x3FFE];
	[sflag:s23] =	ssyncadd.s32 $0xFFFFFFFF  }
0xa6: {  	s26 =	simm.s32 $execute0_lowered;
	[smem:$0x3FD2] =	sst s25  }
0xa7: {  	s6 =	sshll.u32 s26, $0x1;
	_ =	strace $0x80000046;
	[dreg:$0x1] =	wrdreg $0xFFFFFFFF  }
0xa8: {  	s28 =	simm.s32 $_size_execute0_lowered;
	s4 =	sadd.s32 s4, s6;
	[dreg:$0x0] =	wrdreg $0x0  }
0xa9: {  	s6 =	sshll.u32 s28, $0x1;
	[dreg:$0x2] =	wrdreg s4  }
0xaa: {  	[dreg:$0x3] =	wrdreg s6  }
0xab: {  	[dreg:$0x4] =	wrdreg $0xC0  }
0xac: {  	_ =	task [dreg:s8], $0x5FFFF  }
0xad: {  	[dreg:$0x1] =	wrdreg $0xFFFFFFFF  }
0xae: {  	[dreg:$0x0] =	wrdreg $0x60  }
0xaf: {  	[dreg:$0x2] =	wrdreg s2  }
0xb0: {  	[dreg:$0x3] =	wrdreg s24  }
0xb1: {  	[dreg:$0x4] =	wrdreg s18  }
0xb2: {  	[dreg:$0x5] =	wrdreg $0x9  }
0xb3: {  	_ =	task.clear_ibuf [dreg:s8], $0x6FFFF;
	_ =	strace $0x90000046  }
0xb4: {  	s29 =	simm.s32 $0x9;
	_ =	strace $0x80000048  }
0xb5: {  	_ =	swait.ge [sflag:s29], $0x1  }
0xb6: {  	[sflag:s29] =	ssyncadd.s32 $0xFFFFFFFF  }
0xb7: {  	_ =	strace $0x90000048  }
0xb8: {  	_ =	sfence  }
0xb9: {  	s30 =	sld [smem:$0x0];
	_ =	sdelay $0x2  }
0xba: {  	s31 =	sshll.u32 s1, $0xD;
	s1 =	sshrl.u32 s1, $0x2  }
0xbb: {  	s3 =	sand.u32 $0x4000, s31;
	s1 =	sadd.s32 s1, s30  }
0xbc: {  	s0 =	sor.u32 s3, s0;
	s1 =	sshll.u32 s1, $0x11  }
0xbd: {  	s0 =	sor.u32 s1, s0  }
0xbe: {  	s0 =	sadd.s32 $0x8F2B, s0  }
0xbf: {  	[sflag:s0] =	ssyncadd.remote.s32 $0x1  }
0xc0: {  	_ =	sfence.sel $0xFFFF  }
0xc1: {  	[dreg:$0x0] =	wrdreg $0xFFFFFFFF;
	(pc) =	sbr.abs _section_cstart, $3  }
0xc2: {  	[dreg:$0x1] =	wrdreg $0xFFFFFFFF  }
0xc3: {  	_ =	task.clear_ibuf [dreg:s8], $0x2FFFF;
	_ =	strace $0x9FFFFFFF  }
0xc4: {  	(tm) =	ssettm $0x7FFFFFFF  }
0xc5: {  	_ =	shalt  }
tec
execute0_lowered:
.L_overlay_start_1:
0x0: {  	(tag) =	ssettag $0x1  }
0x1: {  	s0 =	rddreg [dreg:$0x0]  }
0x2: {  	s1 =	rddreg [dreg:$0x1]  }
0x3: {  	s2 =	rddreg [dreg:$0x2];
	s4 =	srdreg.scid;
	s3 =	simm.s32 $0x0;
	v0 =	vlaneseq.u32  }
0x4: {  	s5 =	stileid.u32;
	s20 =	simm.s32 $0x80;
	s23 =	simm.s32 $0x1;
	v0 =	vmul.u32 $0x88, v0  }
0x5: {  	s24 =	simm.s32 $0x11600;
	s15 =	simm.s32 $0x2;
	s17 =	simm.s32 $0x13800;
	v1 =	vimm.s32 $0x0;
	vm0 =	vcmask $0x300  }
0x6: {  	s28 =	simm.s32 $0x3;
	s29 =	simm.s32 $0x15A00;
	s30 =	simm.s32 $0x17C00;
	v1 =	vsel vm0, $0x3, v1;
	v2 =	vadd.s32 $0x880, v0  }
0x7: {  	s4 =	sand.u32 $0x1, s4;
	[smem:$0x7FF] =	sst s3;
	s5 =	sshll.u32 s5, $0xB;
	v3 =	vadd.s32 $0x1100, v0;
	v4 =	vadd.s32 $0x1980, v0;
	v5 =	vor.u32 $0x1, v0  }
0x8: {  	s9 =	sadd.s32 $0x2000, s2;
	s10 =	sadd.s32 $0x3000, s2;
	s11 =	sadd.s32 $0x4000, s2;
	v6 =	vadd.s32 $0x881, v0;
	v7 =	vadd.s32 $0x1101, v0;
	v8 =	vadd.s32 $0x1981, v0  }
0x9: {  	s12 =	sadd.s32 $0x5000, s2;
	s13 =	sadd.s32 $0x6000, s2;
	s14 =	sadd.s32 $0x7000, s2;
	v9 =	vor.u32 $0x2, v0;
	v10 =	vadd.s32 $0x882, v0;
	v11 =	vadd.s32 $0x1102, v0  }
0xa: {  	s6 =	sshll.u32 s4, $0xA;
	_ =	strace $0x80000047;
	s7 =	ssub.s32 $0x2, s4;
	v12 =	vadd.s32 $0x1982, v0;
	v13 =	vor.u32 $0x3, v0;
	v14 =	vadd.s32 $0x883, v0  }
0xb: {  	s4 =	sor.u32 s6, s5;
	s5 =	sadd.s32 $0xF42A00, s1;
	s25 =	sshrl.u32 s7, $0x1;
	v15 =	vadd.s32 $0x1103, v0;
	v16 =	vadd.s32 $0x1983, v0;
	v17 =	vor.u32 $0x4, v0  }
.Ltmp0:
0xc: {  	s1 =	sadd.s32 $0x600, s1;
	v18 =	vadd.s32 $0x884, v0;
	v19 =	vadd.s32 $0x1104, v0;
	v20 =	vadd.s32 $0x1984, v0;
	s8 =	sshrl.u32 s4, $0x3;
	(pc) =	sbr.rel .LBB2_1-.Ltmp0, $4  }
0xd: {  	v21 =	vor.u32 $0x5, v0;
	v22 =	vadd.s32 $0x885, v0;
	v23 =	vadd.s32 $0x1105, v0;
	[dreg:$0x4] =	wrdreg s1;
	s26 =	ssub.s32 s7, s25;
	s25 =	simm.s32 $0x4  }
0xe: {  	v24 =	vadd.s32 $0x1985, v0;
	v25 =	vor.u32 $0x6, v0;
	v26 =	vadd.s32 $0x886, v0;
	s1 =	simm.s32 $0x18E10;
	s7 =	simm.s32 $0x0;
	s0 =	sadd.s32 s0, s8  }
0xf: {  	v27 =	vadd.s32 $0x1106, v0;
	v28 =	vadd.s32 $0x1986, v0;
	v29 =	vor.u32 $0x7, v0;
	s8 =	sadd.s32 $0x1000, s2;
	s31 =	smax.u32 s26, $0x1;
	[dreg:$0x5] =	wrdreg s0  }
0x10: {  	v30 =	vadd.s32 $0x887, v0;
	v31 =	vadd.s32 $0x1107, v0;
	v32 =	vadd.s32 $0x1987, v0;
	s26 =	simm.s32 $0x8;
	[dreg:$0x6] =	wrdreg s31;
	s0 =	simm.s32 $0x18D88  }
.LBB2_16:
0x11: {  	s6 =	simm.s32 $0x5  }
0x12: {  	_ =	swait.ge [sflag:s6], $0x400  }
0x13: {  	[sflag:s6] =	ssyncset.done $0x0  }
0x14: {  	[sflag:s6] =	ssyncadd.s32 $0xFFFFFC00  }
0x15: {  	_ =	swait.ge [sflag:s6], $0x400  }
0x16: {  	[sflag:s6] =	ssyncset.done $0x0  }
0x17: {  	[sflag:s6] =	ssyncadd.s32 $0xFFFFFC00  }
0x18: {  	_ =	swait.ge [sflag:s6], $0x400  }
0x19: {  	[sflag:s6] =	ssyncset.done $0x0  }
0x1a: {  	[sflag:s6] =	ssyncadd.s32 $0xFFFFFC00  }
0x1b: {  	_ =	swait.ge [sflag:s6], $0x400  }
0x1c: {  	[sflag:s6] =	ssyncset.done $0x0  }
0x1d: {  	[sflag:s6] =	ssyncadd.s32 $0xFFFFFC00  }
0x1e: {  	_ =	swait.ge [sflag:s6], $0x400  }
0x1f: {  	[sflag:s6] =	ssyncset.done $0x0  }
0x20: {  	[sflag:s6] =	ssyncadd.s32 $0xFFFFFC00  }
0x21: {  	_ =	swait.ge [sflag:s6], $0x400  }
0x22: {  	[sflag:s6] =	ssyncset.done $0x0  }
0x23: {  	[sflag:s6] =	ssyncadd.s32 $0xFFFFFC00  }
0x24: {  	_ =	swait.ge [sflag:s6], $0x400  }
0x25: {  	[sflag:s6] =	ssyncset.done $0x0  }
0x26: {  	[sflag:s6] =	ssyncadd.s32 $0xFFFFFC00  }
0x27: {  	_ =	swait.ge [sflag:s6], $0x400  }
0x28: {  	[sflag:s6] =	ssyncset.done $0x0  }
0x29: {  	s21 =	simm.s32 $0x6;
	[sflag:s6] =	ssyncadd.s32 $0xFFFFFC00  }
0x2a: {  	_ =	swait.ge [sflag:s21], $0x400  }
0x2b: {  	[sflag:s21] =	ssyncset.done $0x0  }
0x2c: {  	[sflag:s21] =	ssyncadd.s32 $0xFFFFFC00  }
0x2d: {  	_ =	swait.ge [sflag:s21], $0x400  }
0x2e: {  	[sflag:s21] =	ssyncset.done $0x0  }
0x2f: {  	[sflag:s21] =	ssyncadd.s32 $0xFFFFFC00  }
0x30: {  	_ =	swait.ge [sflag:s21], $0x400  }
0x31: {  	[sflag:s21] =	ssyncset.done $0x0  }
0x32: {  	[sflag:s21] =	ssyncadd.s32 $0xFFFFFC00  }
0x33: {  	_ =	swait.ge [sflag:s21], $0x400  }
0x34: {  	[sflag:s21] =	ssyncset.done $0x0  }
0x35: {  	[sflag:s21] =	ssyncadd.s32 $0xFFFFFC00  }
0x36: {  	_ =	swait.ge [sflag:s21], $0x400  }
0x37: {  	[sflag:s21] =	ssyncset.done $0x0  }
0x38: {  	[sflag:s21] =	ssyncadd.s32 $0xFFFFFC00  }
0x39: {  	_ =	swait.ge [sflag:s21], $0x400  }
0x3a: {  	[sflag:s21] =	ssyncset.done $0x0  }
0x3b: {  	[sflag:s21] =	ssyncadd.s32 $0xFFFFFC00  }
0x3c: {  	_ =	swait.ge [sflag:s21], $0x400  }
0x3d: {  	[sflag:s21] =	ssyncset.done $0x0  }
0x3e: {  	[sflag:s21] =	ssyncadd.s32 $0xFFFFFC00  }
0x3f: {  	_ =	swait.ge [sflag:s21], $0x400  }
0x40: {  	[sflag:s21] =	ssyncset.done $0x0  }
0x41: {  	s22 =	simm.s32 $0x7;
	[sflag:s21] =	ssyncadd.s32 $0xFFFFFC00  }
0x42: {  	_ =	swait.ge [sflag:s22], $0x400  }
0x43: {  	[sflag:s22] =	ssyncset.done $0x0  }
0x44: {  	[sflag:s22] =	ssyncadd.s32 $0xFFFFFC00  }
0x45: {  	_ =	swait.ge [sflag:s22], $0x400  }
0x46: {  	[sflag:s22] =	ssyncset.done $0x0  }
0x47: {  	[sflag:s22] =	ssyncadd.s32 $0xFFFFFC00  }
0x48: {  	_ =	swait.ge [sflag:s22], $0x400  }
0x49: {  	[sflag:s22] =	ssyncset.done $0x0  }
0x4a: {  	[sflag:s22] =	ssyncadd.s32 $0xFFFFFC00  }
0x4b: {  	_ =	swait.ge [sflag:s22], $0x400  }
0x4c: {  	[sflag:s22] =	ssyncset.done $0x0  }
0x4d: {  	[sflag:s22] =	ssyncadd.s32 $0xFFFFFC00  }
0x4e: {  	_ =	swait.ge [sflag:s22], $0x400  }
0x4f: {  	[sflag:s22] =	ssyncset.done $0x0  }
0x50: {  	[sflag:s22] =	ssyncadd.s32 $0xFFFFFC00  }
0x51: {  	_ =	swait.ge [sflag:s22], $0x400  }
0x52: {  	[sflag:s22] =	ssyncset.done $0x0  }
0x53: {  	[sflag:s22] =	ssyncadd.s32 $0xFFFFFC00  }
0x54: {  	_ =	swait.ge [sflag:s22], $0x400  }
0x55: {  	[sflag:s22] =	ssyncset.done $0x0  }
0x56: {  	[sflag:s22] =	ssyncadd.s32 $0xFFFFFC00  }
0x57: {  	_ =	swait.ge [sflag:s22], $0x400  }
0x58: {  	[sflag:s22] =	ssyncset.done $0x0  }
0x59: {  	[sflag:s22] =	ssyncadd.s32 $0xFFFFFC00  }
0x5a: {  	_ =	swait.ge [sflag:s26], $0x400  }
0x5b: {  	[sflag:s26] =	ssyncset.done $0x0  }
0x5c: {  	[sflag:s26] =	ssyncadd.s32 $0xFFFFFC00  }
0x5d: {  	_ =	swait.ge [sflag:s26], $0x400  }
0x5e: {  	[sflag:s26] =	ssyncset.done $0x0  }
0x5f: {  	[sflag:s26] =	ssyncadd.s32 $0xFFFFFC00  }
0x60: {  	_ =	swait.ge [sflag:s26], $0x400  }
0x61: {  	[sflag:s26] =	ssyncset.done $0x0  }
0x62: {  	[sflag:s26] =	ssyncadd.s32 $0xFFFFFC00  }
0x63: {  	_ =	swait.ge [sflag:s26], $0x400  }
0x64: {  	[sflag:s26] =	ssyncset.done $0x0  }
0x65: {  	[sflag:s26] =	ssyncadd.s32 $0xFFFFFC00  }
0x66: {  	_ =	swait.ge [sflag:s26], $0x400  }
0x67: {  	[sflag:s26] =	ssyncset.done $0x0  }
0x68: {  	[sflag:s26] =	ssyncadd.s32 $0xFFFFFC00  }
0x69: {  	_ =	swait.ge [sflag:s26], $0x400  }
0x6a: {  	[sflag:s26] =	ssyncset.done $0x0  }
0x6b: {  	[sflag:s26] =	ssyncadd.s32 $0xFFFFFC00  }
0x6c: {  	_ =	swait.ge [sflag:s26], $0x400  }
0x6d: {  	[sflag:s26] =	ssyncset.done $0x0  }
0x6e: {  	[sflag:s26] =	ssyncadd.s32 $0xFFFFFC00  }
0x6f: {  	_ =	swait.ge [sflag:s26], $0x400  }
0x70: {  	s7 =	rddreg [dreg:$0x7]  }
0x71: {  	s31 =	rddreg [dreg:$0x6];
	s7 =	sadd.s32 $0x1, s7  }
0x72: {  	p0 =	sne.s32 s7, s31  }
.Ltmp1:
0x73: {  	_ = 	snop;
	(pc) =	sbr.rel @!p0 .LBB2_17-.Ltmp1, $3  }
0x74: {  	_ =	sdelay $0x1  }
0x75: {  	[sflag:s26] =	ssyncset.done $0x0  }
0x76: {  	[sflag:s26] =	ssyncadd.s32 $0xFFFFFC00  }
.LBB2_1:
0x77: {  	[dreg:$0x7] =	wrdreg s7  }
0x78: {  	s6 =	rddreg [dreg:$0x4];
	s18 =	simm.s32 $0x6400;
	s19 =	simm.s32 $0x9  }
0x79: {  	[tilespmem:s18], [sflag:$0x9] =	stream.linear.gather [hbm4b:s6+s3], $0x3200, $0x38;
	[tilespmem:$0x19E00] =	vst v63  }
0x7a: {  	_ =	swait.ge [sflag:s19], $0x3200  }
0x7b: {  	s16 =	simm.s32 $0x400;
	[sflag:s19] =	ssyncset.done $0x0  }
0x7c: {  	s18 =	simm.s32 $0x8000;
	s21 =	rddreg [dreg:$0x5];
	[sflag:s19] =	ssyncadd.s32 $0xFFFFCE00  }
0x7d: {  	[tilespmem:s3], [sflag:$0x9] =	stream.strided.gather [hbm4b:s21+s16], $0x6400, s18, s16, $0x38;
	[tilespmem:$0x19E00] =	vst v63  }
0x7e: {  	_ =	swait.ge [sflag:s19], $0x6400  }
0x7f: {  	[sflag:s19] =	ssyncset.done $0x0  }
0x80: {  	s22 =	simm.s32 $0x9600;
	[sflag:s19] =	ssyncadd.s32 $0xFFFF9C00  }
0x81: {  	[tilespmem:s22], [sflag:$0x1] =	stream.indirect.gather [hbm4b:s5+s20], $0x40, s3, s20, $0xb8;
	[tilespmem:$0x19E00] =	vst v63  }
0x82: {  	s31 =	simm.s32 $0xB600;
	s16 =	simm.s32 $0x0  }
0x83: {  	[tilespmem:s31], [sflag:$0x2] =	stream.indirect.gather [hbm4b:s5+s20], $0x40, s20, s20, $0xb8;
	[tilespmem:$0x19E00] =	vst v63  }
.LBB2_2:
0x84: {  	_ =	swait.ge [sflag:s23], $0x2000  }
0x85: {  	p0 =	seq.s32 s16, $0x0;
	[sflag:s23] =	ssyncset.done $0x0  }
0x86: {  	s6 =	simm.s32 @!p0 $0x5;
	[sflag:s23] =	ssyncadd.s32 $0xFFFFE000  }
0x87: {  	_ =	swait.ge @!p0 [sflag:s6], $0x400  }
0x88: {  	[sflag:s6] =	ssyncset.done @!p0 $0x0  }
0x89: {  	[sflag:s6] =	ssyncadd.s32 @!p0 $0xFFFFFC00  }
0x8a: {  	_ =	swait.ge @!p0 [sflag:s6], $0x400  }
0x8b: {  	[sflag:s6] =	ssyncset.done @!p0 $0x0  }
0x8c: {  	[sflag:s6] =	ssyncadd.s32 @!p0 $0xFFFFFC00  }
0x8d: {  	_ =	swait.ge @!p0 [sflag:s6], $0x400  }
0x8e: {  	[sflag:s6] =	ssyncset.done @!p0 $0x0  }
0x8f: {  	[sflag:s6] =	ssyncadd.s32 @!p0 $0xFFFFFC00  }
0x90: {  	_ =	swait.ge @!p0 [sflag:s6], $0x400  }
0x91: {  	[sflag:s6] =	ssyncset.done @!p0 $0x0  }
0x92: {  	[sflag:s6] =	ssyncadd.s32 @!p0 $0xFFFFFC00  }
0x93: {  	_ =	swait.ge @!p0 [sflag:s6], $0x400  }
0x94: {  	[sflag:s6] =	ssyncset.done @!p0 $0x0  }
0x95: {  	[sflag:s6] =	ssyncadd.s32 @!p0 $0xFFFFFC00  }
0x96: {  	_ =	swait.ge @!p0 [sflag:s6], $0x400  }
0x97: {  	[sflag:s6] =	ssyncset.done @!p0 $0x0  }
0x98: {  	[sflag:s6] =	ssyncadd.s32 @!p0 $0xFFFFFC00  }
0x99: {  	_ =	swait.ge @!p0 [sflag:s6], $0x400  }
0x9a: {  	[sflag:s6] =	ssyncset.done @!p0 $0x0  }
0x9b: {  	[sflag:s6] =	ssyncadd.s32 @!p0 $0xFFFFFC00  }
0x9c: {  	_ =	swait.ge @!p0 [sflag:s6], $0x400  }
0x9d: {  	s7 =	sshll.u32 s16, $0x8;
	[sflag:s6] =	ssyncset.done @!p0 $0x0  }
0x9e: {  	s31 =	sand.u32 $0x3FFFFF00, s7;
	[sflag:s6] =	ssyncadd.s32 @!p0 $0xFFFFFC00  }
0x9f: {  	v33 =	vld [tilespmem:s31+$0x6400]  }
0xa0: {  	v34 =	vld [tilespmem:s31+$0x6410]  }
0xa1: {  	v35 =	vld [tilespmem:s31+$0x6420]  }
0xa2: {  	s18 =	sshll.u32 s16, $0x2;
	s7 =	simm.s32 $0x9700;
	s6 =	simm.s32 $0x0;
	v36 =	vld [tilespmem:s31+$0x6430]  }
.LBB2_3:
0xa3: {  	v37 =	vmov s6  }
0xa4: {  	v38 =	vld [tilespmem:s7+$0xFFFFFF00];
	v37 =	vshrl.u32 v37, $0x3  }
0xa5: {  	v37 =	vshll.u32 v37, v1  }
0xa6: {  	v37 =	vbroadcast v37, $0x0;
	_ =	sdelay $0x1  }
0xa7: {  	v39 =	vadd.s32 v0, v37  }
0xa8: {  	v38 =	vmul.f32 $8.000000000e+00, v38;
	_ =	sdelay $0x1  }
0xa9: {  	v38 =	vadd.f32 v38, v33;
	_ =	sdelay $0x1  }
0xaa: {  	[tilespmem:v39+s24+$0x0] =	vst.idx.msk $0xffff, v38  }
0xab: {  	v38 =	vld [tilespmem:s7+$0xFFFFFF10];
	_ =	sdelay $0x3  }
0xac: {  	v56 =	vadd.s32 v2, v37  }
0xad: {  	v38 =	vmul.f32 $8.000000000e+00, v38;
	_ =	sdelay $0x1  }
0xae: {  	v38 =	vadd.f32 v38, v34;
	_ =	sdelay $0x1  }
0xaf: {  	[tilespmem:v56+s24+$0x0] =	vst.idx.msk $0xffff, v38  }
0xb0: {  	v38 =	vld [tilespmem:s7+$0xFFFFFF20];
	_ =	sdelay $0x3  }
0xb1: {  	v57 =	vadd.s32 v3, v37  }
0xb2: {  	v38 =	vmul.f32 $8.000000000e+00, v38;
	_ =	sdelay $0x1  }
0xb3: {  	v38 =	vadd.f32 v38, v35;
	_ =	sdelay $0x1  }
0xb4: {  	[tilespmem:v57+s24+$0x0] =	vst.idx.msk $0xffff, v38  }
0xb5: {  	v38 =	vld [tilespmem:s7+$0xFFFFFF30];
	_ =	sdelay $0x3  }
0xb6: {  	v37 =	vadd.s32 v4, v37  }
0xb7: {  	v38 =	vmul.f32 $8.000000000e+00, v38;
	_ =	sdelay $0x1  }
0xb8: {  	v38 =	vadd.f32 v38, v36  }
0xb9: {  	s19 =	sadd.s32 $0x1, s6  }
0xba: {  	v58 =	vmov s19;
	[tilespmem:v37+s24+$0x0] =	vst.idx.msk $0xffff, v38  }
0xbb: {  	v37 =	vshrl.u32 v58, $0x3;
	v38 =	vld [tilespmem:s7+$0xFFFFFF40]  }
0xbc: {  	v37 =	vshll.u32 v37, v1  }
0xbd: {  	v37 =	vbroadcast v37, $0x0;
	_ =	sdelay $0x1  }
0xbe: {  	v59 =	vadd.s32 v5, v37  }
0xbf: {  	v38 =	vmul.f32 $8.000000000e+00, v38;
	_ =	sdelay $0x1  }
0xc0: {  	v38 =	vadd.f32 v38, v33;
	_ =	sdelay $0x1  }
0xc1: {  	[tilespmem:v59+s24+$0x0] =	vst.idx.msk $0xffff, v38  }
0xc2: {  	v38 =	vld [tilespmem:s7+$0xFFFFFF50];
	_ =	sdelay $0x3  }
0xc3: {  	v60 =	vadd.s32 v6, v37  }
0xc4: {  	v38 =	vmul.f32 $8.000000000e+00, v38;
	_ =	sdelay $0x1  }
0xc5: {  	v38 =	vadd.f32 v38, v34;
	_ =	sdelay $0x1  }
0xc6: {  	[tilespmem:v60+s24+$0x0] =	vst.idx.msk $0xffff, v38  }
0xc7: {  	v38 =	vld [tilespmem:s7+$0xFFFFFF60];
	_ =	sdelay $0x3  }
0xc8: {  	v61 =	vadd.s32 v7, v37  }
0xc9: {  	v38 =	vmul.f32 $8.000000000e+00, v38;
	_ =	sdelay $0x1  }
0xca: {  	v38 =	vadd.f32 v38, v35;
	_ =	sdelay $0x1  }
0xcb: {  	[tilespmem:v61+s24+$0x0] =	vst.idx.msk $0xffff, v38  }
0xcc: {  	v38 =	vld [tilespmem:s7+$0xFFFFFF70];
	_ =	sdelay $0x3  }
0xcd: {  	v37 =	vadd.s32 v8, v37  }
0xce: {  	v38 =	vmul.f32 $8.000000000e+00, v38;
	_ =	sdelay $0x1  }
0xcf: {  	v38 =	vadd.f32 v38, v36  }
0xd0: {  	s21 =	sadd.s32 $0x2, s6  }
0xd1: {  	v62 =	vmov s21;
	[tilespmem:v37+s24+$0x0] =	vst.idx.msk $0xffff, v38  }
0xd2: {  	v37 =	vshrl.u32 v62, $0x3;
	v38 =	vld [tilespmem:s7+$0xFFFFFF80]  }
0xd3: {  	v37 =	vshll.u32 v37, v1  }
0xd4: {  	v37 =	vbroadcast v37, $0x0;
	_ =	sdelay $0x1  }
0xd5: {  	v63 =	vadd.s32 v9, v37  }
0xd6: {  	v38 =	vmul.f32 $8.000000000e+00, v38;
	_ =	sdelay $0x1  }
0xd7: {  	v38 =	vadd.f32 v38, v33;
	_ =	sdelay $0x1  }
0xd8: {  	[tilespmem:v63+s24+$0x0] =	vst.idx.msk $0xffff, v38  }
0xd9: {  	v38 =	vld [tilespmem:s7+$0xFFFFFF90];
	_ =	sdelay $0x3  }
0xda: {  	v42 =	vadd.s32 v10, v37  }
0xdb: {  	v38 =	vmul.f32 $8.000000000e+00, v38;
	_ =	sdelay $0x1  }
0xdc: {  	v38 =	vadd.f32 v38, v34;
	_ =	sdelay $0x1  }
0xdd: {  	[tilespmem:v42+s24+$0x0] =	vst.idx.msk $0xffff, v38  }
0xde: {  	v38 =	vld [tilespmem:s7+$0xFFFFFFA0];
	_ =	sdelay $0x3  }
0xdf: {  	v43 =	vadd.s32 v11, v37  }
0xe0: {  	v38 =	vmul.f32 $8.000000000e+00, v38;
	_ =	sdelay $0x1  }
0xe1: {  	v38 =	vadd.f32 v38, v35;
	_ =	sdelay $0x1  }
0xe2: {  	[tilespmem:v43+s24+$0x0] =	vst.idx.msk $0xffff, v38  }
0xe3: {  	v38 =	vld [tilespmem:s7+$0xFFFFFFB0];
	_ =	sdelay $0x3  }
0xe4: {  	v37 =	vadd.s32 v12, v37  }
0xe5: {  	v38 =	vmul.f32 $8.000000000e+00, v38;
	_ =	sdelay $0x1  }
0xe6: {  	v38 =	vadd.f32 v38, v36  }
0xe7: {  	s22 =	sadd.s32 $0x3, s6  }
0xe8: {  	v44 =	vmov s22;
	[tilespmem:v37+s24+$0x0] =	vst.idx.msk $0xffff, v38  }
0xe9: {  	v37 =	vshrl.u32 v44, $0x3;
	v38 =	vld [tilespmem:s7+$0xFFFFFFC0]  }
0xea: {  	v37 =	vshll.u32 v37, v1  }
0xeb: {  	v37 =	vbroadcast v37, $0x0;
	_ =	sdelay $0x1  }
0xec: {  	v45 =	vadd.s32 v13, v37  }
0xed: {  	v38 =	vmul.f32 $8.000000000e+00, v38;
	_ =	sdelay $0x1  }
0xee: {  	v38 =	vadd.f32 v38, v33;
	_ =	sdelay $0x1  }
0xef: {  	[tilespmem:v45+s24+$0x0] =	vst.idx.msk $0xffff, v38  }
0xf0: {  	v38 =	vld [tilespmem:s7+$0xFFFFFFD0];
	_ =	sdelay $0x3  }
0xf1: {  	v46 =	vadd.s32 v14, v37  }
0xf2: {  	v38 =	vmul.f32 $8.000000000e+00, v38;
	_ =	sdelay $0x1  }
0xf3: {  	v38 =	vadd.f32 v38, v34;
	_ =	sdelay $0x1  }
0xf4: {  	[tilespmem:v46+s24+$0x0] =	vst.idx.msk $0xffff, v38  }
0xf5: {  	v38 =	vld [tilespmem:s7+$0xFFFFFFE0];
	_ =	sdelay $0x3  }
0xf6: {  	v47 =	vadd.s32 v15, v37  }
0xf7: {  	v38 =	vmul.f32 $8.000000000e+00, v38;
	_ =	sdelay $0x1  }
0xf8: {  	v38 =	vadd.f32 v38, v35;
	_ =	sdelay $0x1  }
0xf9: {  	[tilespmem:v47+s24+$0x0] =	vst.idx.msk $0xffff, v38  }
0xfa: {  	v38 =	vld [tilespmem:s7+$0xFFFFFFF0];
	_ =	sdelay $0x3  }
0xfb: {  	v37 =	vadd.s32 v16, v37  }
0xfc: {  	v38 =	vmul.f32 $8.000000000e+00, v38;
	_ =	sdelay $0x1  }
0xfd: {  	v38 =	vadd.f32 v38, v36  }
0xfe: {  	s31 =	sadd.s32 $0x4, s6  }
0xff: {  	v48 =	vmov s31;
	[tilespmem:v37+s24+$0x0] =	vst.idx.msk $0xffff, v38  }
0x100: {  	v37 =	vshrl.u32 v48, $0x3;
	v38 =	vld [tilespmem:s7+$0x0]  }
0x101: {  	v37 =	vshll.u32 v37, v1  }
0x102: {  	v37 =	vbroadcast v37, $0x0;
	_ =	sdelay $0x1  }
0x103: {  	v49 =	vadd.s32 v17, v37  }
0x104: {  	v38 =	vmul.f32 $8.000000000e+00, v38;
	_ =	sdelay $0x1  }
0x105: {  	v38 =	vadd.f32 v38, v33;
	_ =	sdelay $0x1  }
0x106: {  	[tilespmem:v49+s24+$0x0] =	vst.idx.msk $0xffff, v38  }
0x107: {  	v38 =	vld [tilespmem:s7+$0x10];
	_ =	sdelay $0x3  }
0x108: {  	v50 =	vadd.s32 v18, v37  }
0x109: {  	v38 =	vmul.f32 $8.000000000e+00, v38;
	_ =	sdelay $0x1  }
0x10a: {  	v38 =	vadd.f32 v38, v34;
	_ =	sdelay $0x1  }
0x10b: {  	[tilespmem:v50+s24+$0x0] =	vst.idx.msk $0xffff, v38  }
0x10c: {  	v38 =	vld [tilespmem:s7+$0x20];
	_ =	sdelay $0x3  }
0x10d: {  	v51 =	vadd.s32 v19, v37  }
0x10e: {  	v38 =	vmul.f32 $8.000000000e+00, v38;
	_ =	sdelay $0x1  }
0x10f: {  	v38 =	vadd.f32 v38, v35;
	_ =	sdelay $0x1  }
0x110: {  	[tilespmem:v51+s24+$0x0] =	vst.idx.msk $0xffff, v38  }
0x111: {  	v38 =	vld [tilespmem:s7+$0x30];
	_ =	sdelay $0x3  }
0x112: {  	v37 =	vadd.s32 v20, v37  }
0x113: {  	v38 =	vmul.f32 $8.000000000e+00, v38;
	_ =	sdelay $0x1  }
0x114: {  	v38 =	vadd.f32 v38, v36  }
0x115: {  	s21 =	sadd.s32 $0x5, s6  }
0x116: {  	v52 =	vmov s21;
	[tilespmem:v37+s24+$0x0] =	vst.idx.msk $0xffff, v38  }
0x117: {  	v37 =	vshrl.u32 v52, $0x3;
	v38 =	vld [tilespmem:s7+$0x40]  }
0x118: {  	v37 =	vshll.u32 v37, v1  }
0x119: {  	v37 =	vbroadcast v37, $0x0;
	_ =	sdelay $0x1  }
0x11a: {  	v53 =	vadd.s32 v21, v37  }
0x11b: {  	v38 =	vmul.f32 $8.000000000e+00, v38;
	_ =	sdelay $0x1  }
0x11c: {  	v38 =	vadd.f32 v38, v33;
	_ =	sdelay $0x1  }
0x11d: {  	[tilespmem:v53+s24+$0x0] =	vst.idx.msk $0xffff, v38  }
0x11e: {  	v38 =	vld [tilespmem:s7+$0x50];
	_ =	sdelay $0x3  }
0x11f: {  	v54 =	vadd.s32 v22, v37  }
0x120: {  	v38 =	vmul.f32 $8.000000000e+00, v38;
	_ =	sdelay $0x1  }
0x121: {  	v38 =	vadd.f32 v38, v34;
	_ =	sdelay $0x1  }
0x122: {  	[tilespmem:v54+s24+$0x0] =	vst.idx.msk $0xffff, v38  }
0x123: {  	v38 =	vld [tilespmem:s7+$0x60];
	_ =	sdelay $0x3  }
0x124: {  	v55 =	vadd.s32 v23, v37  }
0x125: {  	v38 =	vmul.f32 $8.000000000e+00, v38;
	_ =	sdelay $0x1  }
0x126: {  	v38 =	vadd.f32 v38, v35;
	_ =	sdelay $0x1  }
0x127: {  	[tilespmem:v55+s24+$0x0] =	vst.idx.msk $0xffff, v38  }
0x128: {  	v38 =	vld [tilespmem:s7+$0x70];
	_ =	sdelay $0x3  }
0x129: {  	v37 =	vadd.s32 v24, v37  }
0x12a: {  	v38 =	vmul.f32 $8.000000000e+00, v38;
	_ =	sdelay $0x1  }
0x12b: {  	v38 =	vadd.f32 v38, v36  }
0x12c: {  	s22 =	sadd.s32 $0x6, s6  }
0x12d: {  	v56 =	vmov s22;
	[tilespmem:v37+s24+$0x0] =	vst.idx.msk $0xffff, v38  }
0x12e: {  	v37 =	vshrl.u32 v56, $0x3;
	v38 =	vld [tilespmem:s7+$0x80]  }
0x12f: {  	v37 =	vshll.u32 v37, v1  }
0x130: {  	v37 =	vbroadcast v37, $0x0;
	_ =	sdelay $0x1  }
0x131: {  	v57 =	vadd.s32 v25, v37  }
0x132: {  	v38 =	vmul.f32 $8.000000000e+00, v38;
	_ =	sdelay $0x1  }
0x133: {  	v38 =	vadd.f32 v38, v33;
	_ =	sdelay $0x1  }
0x134: {  	[tilespmem:v57+s24+$0x0] =	vst.idx.msk $0xffff, v38  }
0x135: {  	v38 =	vld [tilespmem:s7+$0x90];
	_ =	sdelay $0x3  }
0x136: {  	v58 =	vadd.s32 v26, v37  }
0x137: {  	v38 =	vmul.f32 $8.000000000e+00, v38;
	_ =	sdelay $0x1  }
0x138: {  	v38 =	vadd.f32 v38, v34;
	_ =	sdelay $0x1  }
0x139: {  	[tilespmem:v58+s24+$0x0] =	vst.idx.msk $0xffff, v38  }
0x13a: {  	v38 =	vld [tilespmem:s7+$0xA0];
	_ =	sdelay $0x3  }
0x13b: {  	v59 =	vadd.s32 v27, v37  }
0x13c: {  	v38 =	vmul.f32 $8.000000000e+00, v38;
	_ =	sdelay $0x1  }
0x13d: {  	v38 =	vadd.f32 v38, v35;
	_ =	sdelay $0x1  }
0x13e: {  	[tilespmem:v59+s24+$0x0] =	vst.idx.msk $0xffff, v38  }
0x13f: {  	v38 =	vld [tilespmem:s7+$0xB0];
	_ =	sdelay $0x3  }
0x140: {  	v37 =	vadd.s32 v28, v37  }
0x141: {  	v38 =	vmul.f32 $8.000000000e+00, v38;
	_ =	sdelay $0x1  }
0x142: {  	v38 =	vadd.f32 v38, v36  }
0x143: {  	s31 =	sadd.s32 $0x7, s6  }
0x144: {  	v60 =	vmov s31;
	[tilespmem:v37+s24+$0x0] =	vst.idx.msk $0xffff, v38  }
0x145: {  	v37 =	vshrl.u32 v60, $0x3;
	v38 =	vld [tilespmem:s7+$0xC0]  }
0x146: {  	v37 =	vshll.u32 v37, v1  }
0x147: {  	v37 =	vbroadcast v37, $0x0;
	_ =	sdelay $0x1  }
0x148: {  	v61 =	vadd.s32 v29, v37  }
0x149: {  	v38 =	vmul.f32 $8.000000000e+00, v38;
	_ =	sdelay $0x1  }
0x14a: {  	v38 =	vadd.f32 v38, v33;
	_ =	sdelay $0x1  }
0x14b: {  	[tilespmem:v61+s24+$0x0] =	vst.idx.msk $0xffff, v38  }
0x14c: {  	v38 =	vld [tilespmem:s7+$0xD0];
	_ =	sdelay $0x3  }
0x14d: {  	v62 =	vadd.s32 v30, v37  }
0x14e: {  	v38 =	vmul.f32 $8.000000000e+00, v38;
	_ =	sdelay $0x1  }
0x14f: {  	v38 =	vadd.f32 v38, v34;
	_ =	sdelay $0x1  }
0x150: {  	[tilespmem:v62+s24+$0x0] =	vst.idx.msk $0xffff, v38  }
0x151: {  	v38 =	vld [tilespmem:s7+$0xE0];
	_ =	sdelay $0x3  }
0x152: {  	v63 =	vadd.s32 v31, v37  }
0x153: {  	v38 =	vmul.f32 $8.000000000e+00, v38;
	_ =	sdelay $0x1  }
0x154: {  	v38 =	vadd.f32 v38, v35;
	_ =	sdelay $0x1  }
0x155: {  	[tilespmem:v63+s24+$0x0] =	vst.idx.msk $0xffff, v38  }
0x156: {  	v38 =	vld [tilespmem:s7+$0xF0];
	_ =	sdelay $0x3  }
0x157: {  	p1 =	slt.u32 s6, $0x78;
	v37 =	vadd.s32 v32, v37  }
.Ltmp2:
0x158: {  	v38 =	vmul.f32 $8.000000000e+00, v38;
	(pc) =	sbr.rel @p1 .LBB2_3-.Ltmp2, $3  }
0x159: {  	_ = 	snop  }
0x15a: {  	v38 =	vadd.f32 v38, v36;
	_ =	sdelay $0x1  }
0x15b: {  	s6 =	sadd.s32 $0x8, s6;
	s7 =	sadd.s32 $0x200, s7;
	[tilespmem:v37+s24+$0x0] =	vst.idx.msk $0xffff, v38  }
0x15c: {  	s6 =	sshll.u32 s16, $0x14  }
0x15d: {  	s6 =	sor.u32 s4, s6  }
0x15e: {  	s6 =	sshrl.u32 s6, $0x3  }
0x15f: {  	s7 =	sadd.s32 s2, s6  }
0x160: {  	[hbm4b:s7+s3] =	stream.linear.scatter [tilespmem:s24], [sflag:$0x5], $0x80, $0x38;
	[tilespmem:$0x19E00] =	vst v63  }
0x161: {  	s21 =	simm.s32 $0x11688;
	s19 =	sadd.s32 $0x10, s7  }
0x162: {  	[hbm4b:s19+s3] =	stream.linear.scatter [tilespmem:s21], [sflag:$0x5], $0x80, $0x38;
	[tilespmem:$0x19E00] =	vst v63  }
0x163: {  	s31 =	simm.s32 $0x11710;
	s22 =	sadd.s32 $0x20, s7  }
0x164: {  	[hbm4b:s22+s3] =	stream.linear.scatter [tilespmem:s31], [sflag:$0x5], $0x80, $0x38;
	[tilespmem:$0x19E00] =	vst v63  }
0x165: {  	s22 =	sadd.s32 $0x30, s7;
	s31 =	simm.s32 $0x11798  }
0x166: {  	[hbm4b:s22+s3] =	stream.linear.scatter [tilespmem:s31], [sflag:$0x5], $0x80, $0x38;
	[tilespmem:$0x19E00] =	vst v63  }
0x167: {  	s22 =	sadd.s32 $0x40, s7;
	s31 =	simm.s32 $0x11820  }
0x168: {  	[hbm4b:s22+s3] =	stream.linear.scatter [tilespmem:s31], [sflag:$0x5], $0x80, $0x38;
	[tilespmem:$0x19E00] =	vst v63  }
0x169: {  	s22 =	sadd.s32 $0x50, s7;
	s31 =	simm.s32 $0x118A8  }
0x16a: {  	[hbm4b:s22+s3] =	stream.linear.scatter [tilespmem:s31], [sflag:$0x5], $0x80, $0x38;
	[tilespmem:$0x19E00] =	vst v63  }
0x16b: {  	s21 =	sadd.s32 $0x60, s7;
	s22 =	simm.s32 $0x11930  }
0x16c: {  	[hbm4b:s21+s3] =	stream.linear.scatter [tilespmem:s22], [sflag:$0x5], $0x80, $0x38;
	[tilespmem:$0x19E00] =	vst v63  }
0x16d: {  	s7 =	sadd.s32 $0x70, s7;
	s31 =	simm.s32 $0x119B8  }
0x16e: {  	[hbm4b:s7+s3] =	stream.linear.scatter [tilespmem:s31], [sflag:$0x5], $0x80, $0x38;
	[tilespmem:$0x19E00] =	vst v63  }
0x16f: {  	s21 =	simm.s32 $0x11A40;
	s7 =	sadd.s32 s6, s8  }
0x170: {  	[hbm4b:s7+s3] =	stream.linear.scatter [tilespmem:s21], [sflag:$0x5], $0x80, $0x38;
	[tilespmem:$0x19E00] =	vst v63  }
0x171: {  	s31 =	simm.s32 $0x11AC8;
	s22 =	sadd.s32 $0x10, s7  }
0x172: {  	[hbm4b:s22+s3] =	stream.linear.scatter [tilespmem:s31], [sflag:$0x5], $0x80, $0x38;
	[tilespmem:$0x19E00] =	vst v63  }
0x173: {  	s22 =	sadd.s32 $0x20, s7;
	s31 =	simm.s32 $0x11B50  }
0x174: {  	[hbm4b:s22+s3] =	stream.linear.scatter [tilespmem:s31], [sflag:$0x5], $0x80, $0x38;
	[tilespmem:$0x19E00] =	vst v63  }
0x175: {  	s22 =	sadd.s32 $0x30, s7;
	s31 =	simm.s32 $0x11BD8  }
0x176: {  	[hbm4b:s22+s3] =	stream.linear.scatter [tilespmem:s31], [sflag:$0x5], $0x80, $0x38;
	[tilespmem:$0x19E00] =	vst v63  }
0x177: {  	s22 =	sadd.s32 $0x40, s7;
	s31 =	simm.s32 $0x11C60  }
0x178: {  	[hbm4b:s22+s3] =	stream.linear.scatter [tilespmem:s31], [sflag:$0x5], $0x80, $0x38;
	[tilespmem:$0x19E00] =	vst v63  }
0x179: {  	s22 =	sadd.s32 $0x50, s7;
	s31 =	simm.s32 $0x11CE8  }
0x17a: {  	[hbm4b:s22+s3] =	stream.linear.scatter [tilespmem:s31], [sflag:$0x5], $0x80, $0x38;
	[tilespmem:$0x19E00] =	vst v63  }
0x17b: {  	s21 =	sadd.s32 $0x60, s7;
	s22 =	simm.s32 $0x11D70  }
0x17c: {  	[hbm4b:s21+s3] =	stream.linear.scatter [tilespmem:s22], [sflag:$0x5], $0x80, $0x38;
	[tilespmem:$0x19E00] =	vst v63  }
0x17d: {  	s7 =	sadd.s32 $0x70, s7;
	s31 =	simm.s32 $0x11DF8  }
0x17e: {  	[hbm4b:s7+s3] =	stream.linear.scatter [tilespmem:s31], [sflag:$0x5], $0x80, $0x38;
	[tilespmem:$0x19E00] =	vst v63  }
0x17f: {  	s21 =	simm.s32 $0x11E80;
	s7 =	sadd.s32 s6, s9  }
0x180: {  	[hbm4b:s7+s3] =	stream.linear.scatter [tilespmem:s21], [sflag:$0x5], $0x80, $0x38;
	[tilespmem:$0x19E00] =	vst v63  }
0x181: {  	s31 =	simm.s32 $0x11F08;
	s22 =	sadd.s32 $0x10, s7  }
0x182: {  	[hbm4b:s22+s3] =	stream.linear.scatter [tilespmem:s31], [sflag:$0x5], $0x80, $0x38;
	[tilespmem:$0x19E00] =	vst v63  }
0x183: {  	s22 =	sadd.s32 $0x20, s7;
	s31 =	simm.s32 $0x11F90  }
0x184: {  	[hbm4b:s22+s3] =	stream.linear.scatter [tilespmem:s31], [sflag:$0x5], $0x80, $0x38;
	[tilespmem:$0x19E00] =	vst v63  }
0x185: {  	s22 =	sadd.s32 $0x30, s7;
	s31 =	simm.s32 $0x12018  }
0x186: {  	[hbm4b:s22+s3] =	stream.linear.scatter [tilespmem:s31], [sflag:$0x5], $0x80, $0x38;
	[tilespmem:$0x19E00] =	vst v63  }
0x187: {  	s22 =	sadd.s32 $0x40, s7;
	s31 =	simm.s32 $0x120A0  }
0x188: {  	[hbm4b:s22+s3] =	stream.linear.scatter [tilespmem:s31], [sflag:$0x5], $0x80, $0x38;
	[tilespmem:$0x19E00] =	vst v63  }
0x189: {  	s22 =	sadd.s32 $0x50, s7;
	s31 =	simm.s32 $0x12128  }
0x18a: {  	[hbm4b:s22+s3] =	stream.linear.scatter [tilespmem:s31], [sflag:$0x5], $0x80, $0x38;
	[tilespmem:$0x19E00] =	vst v63  }
0x18b: {  	s21 =	sadd.s32 $0x60, s7;
	s22 =	simm.s32 $0x121B0  }
0x18c: {  	[hbm4b:s21+s3] =	stream.linear.scatter [tilespmem:s22], [sflag:$0x5], $0x80, $0x38;
	[tilespmem:$0x19E00] =	vst v63  }
0x18d: {  	s7 =	sadd.s32 $0x70, s7;
	s31 =	simm.s32 $0x12238  }
0x18e: {  	[hbm4b:s7+s3] =	stream.linear.scatter [tilespmem:s31], [sflag:$0x5], $0x80, $0x38;
	[tilespmem:$0x19E00] =	vst v63  }
0x18f: {  	s21 =	simm.s32 $0x122C0;
	s7 =	sadd.s32 s6, s10  }
0x190: {  	[hbm4b:s7+s3] =	stream.linear.scatter [tilespmem:s21], [sflag:$0x5], $0x80, $0x38;
	[tilespmem:$0x19E00] =	vst v63  }
0x191: {  	s31 =	simm.s32 $0x12348;
	s22 =	sadd.s32 $0x10, s7  }
0x192: {  	[hbm4b:s22+s3] =	stream.linear.scatter [tilespmem:s31], [sflag:$0x5], $0x80, $0x38;
	[tilespmem:$0x19E00] =	vst v63  }
0x193: {  	s22 =	sadd.s32 $0x20, s7;
	s31 =	simm.s32 $0x123D0  }
0x194: {  	[hbm4b:s22+s3] =	stream.linear.scatter [tilespmem:s31], [sflag:$0x5], $0x80, $0x38;
	[tilespmem:$0x19E00] =	vst v63  }
0x195: {  	s22 =	sadd.s32 $0x30, s7;
	s31 =	simm.s32 $0x12458  }
0x196: {  	[hbm4b:s22+s3] =	stream.linear.scatter [tilespmem:s31], [sflag:$0x5], $0x80, $0x38;
	[tilespmem:$0x19E00] =	vst v63  }
0x197: {  	s22 =	sadd.s32 $0x40, s7;
	s31 =	simm.s32 $0x124E0  }
0x198: {  	[hbm4b:s22+s3] =	stream.linear.scatter [tilespmem:s31], [sflag:$0x5], $0x80, $0x38;
	[tilespmem:$0x19E00] =	vst v63  }
0x199: {  	s22 =	sadd.s32 $0x50, s7;
	s31 =	simm.s32 $0x12568  }
0x19a: {  	[hbm4b:s22+s3] =	stream.linear.scatter [tilespmem:s31], [sflag:$0x5], $0x80, $0x38;
	[tilespmem:$0x19E00] =	vst v63  }
0x19b: {  	s21 =	sadd.s32 $0x60, s7;
	s22 =	simm.s32 $0x125F0  }
0x19c: {  	[hbm4b:s21+s3] =	stream.linear.scatter [tilespmem:s22], [sflag:$0x5], $0x80, $0x38;
	[tilespmem:$0x19E00] =	vst v63  }
0x19d: {  	s7 =	sadd.s32 $0x70, s7;
	s31 =	simm.s32 $0x12678  }
0x19e: {  	[hbm4b:s7+s3] =	stream.linear.scatter [tilespmem:s31], [sflag:$0x5], $0x80, $0x38;
	[tilespmem:$0x19E00] =	vst v63  }
0x19f: {  	s21 =	simm.s32 $0x12700;
	s7 =	sadd.s32 s6, s11  }
0x1a0: {  	[hbm4b:s7+s3] =	stream.linear.scatter [tilespmem:s21], [sflag:$0x5], $0x80, $0x38;
	[tilespmem:$0x19E00] =	vst v63  }
0x1a1: {  	s31 =	simm.s32 $0x12788;
	s22 =	sadd.s32 $0x10, s7  }
0x1a2: {  	[hbm4b:s22+s3] =	stream.linear.scatter [tilespmem:s31], [sflag:$0x5], $0x80, $0x38;
	[tilespmem:$0x19E00] =	vst v63  }
0x1a3: {  	s22 =	sadd.s32 $0x20, s7;
	s31 =	simm.s32 $0x12810  }
0x1a4: {  	[hbm4b:s22+s3] =	stream.linear.scatter [tilespmem:s31], [sflag:$0x5], $0x80, $0x38;
	[tilespmem:$0x19E00] =	vst v63  }
0x1a5: {  	s22 =	sadd.s32 $0x30, s7;
	s31 =	simm.s32 $0x12898  }
0x1a6: {  	[hbm4b:s22+s3] =	stream.linear.scatter [tilespmem:s31], [sflag:$0x5], $0x80, $0x38;
	[tilespmem:$0x19E00] =	vst v63  }
0x1a7: {  	s22 =	sadd.s32 $0x40, s7;
	s31 =	simm.s32 $0x12920  }
0x1a8: {  	[hbm4b:s22+s3] =	stream.linear.scatter [tilespmem:s31], [sflag:$0x5], $0x80, $0x38;
	[tilespmem:$0x19E00] =	vst v63  }
0x1a9: {  	s22 =	sadd.s32 $0x50, s7;
	s31 =	simm.s32 $0x129A8  }
0x1aa: {  	[hbm4b:s22+s3] =	stream.linear.scatter [tilespmem:s31], [sflag:$0x5], $0x80, $0x38;
	[tilespmem:$0x19E00] =	vst v63  }
0x1ab: {  	s21 =	sadd.s32 $0x60, s7;
	s22 =	simm.s32 $0x12A30  }
0x1ac: {  	[hbm4b:s21+s3] =	stream.linear.scatter [tilespmem:s22], [sflag:$0x5], $0x80, $0x38;
	[tilespmem:$0x19E00] =	vst v63  }
0x1ad: {  	s7 =	sadd.s32 $0x70, s7;
	s31 =	simm.s32 $0x12AB8  }
0x1ae: {  	[hbm4b:s7+s3] =	stream.linear.scatter [tilespmem:s31], [sflag:$0x5], $0x80, $0x38;
	[tilespmem:$0x19E00] =	vst v63  }
0x1af: {  	s21 =	simm.s32 $0x12B40;
	s7 =	sadd.s32 s6, s12  }
0x1b0: {  	[hbm4b:s7+s3] =	stream.linear.scatter [tilespmem:s21], [sflag:$0x5], $0x80, $0x38;
	[tilespmem:$0x19E00] =	vst v63  }
0x1b1: {  	s31 =	simm.s32 $0x12BC8;
	s22 =	sadd.s32 $0x10, s7  }
0x1b2: {  	[hbm4b:s22+s3] =	stream.linear.scatter [tilespmem:s31], [sflag:$0x5], $0x80, $0x38;
	[tilespmem:$0x19E00] =	vst v63  }
0x1b3: {  	s22 =	sadd.s32 $0x20, s7;
	s31 =	simm.s32 $0x12C50  }
0x1b4: {  	[hbm4b:s22+s3] =	stream.linear.scatter [tilespmem:s31], [sflag:$0x5], $0x80, $0x38;
	[tilespmem:$0x19E00] =	vst v63  }
0x1b5: {  	s22 =	sadd.s32 $0x30, s7;
	s31 =	simm.s32 $0x12CD8  }
0x1b6: {  	[hbm4b:s22+s3] =	stream.linear.scatter [tilespmem:s31], [sflag:$0x5], $0x80, $0x38;
	[tilespmem:$0x19E00] =	vst v63  }
0x1b7: {  	s22 =	sadd.s32 $0x40, s7;
	s31 =	simm.s32 $0x12D60  }
0x1b8: {  	[hbm4b:s22+s3] =	stream.linear.scatter [tilespmem:s31], [sflag:$0x5], $0x80, $0x38;
	[tilespmem:$0x19E00] =	vst v63  }
0x1b9: {  	s22 =	sadd.s32 $0x50, s7;
	s31 =	simm.s32 $0x12DE8  }
0x1ba: {  	[hbm4b:s22+s3] =	stream.linear.scatter [tilespmem:s31], [sflag:$0x5], $0x80, $0x38;
	[tilespmem:$0x19E00] =	vst v63  }
0x1bb: {  	s21 =	sadd.s32 $0x60, s7;
	s22 =	simm.s32 $0x12E70  }
0x1bc: {  	[hbm4b:s21+s3] =	stream.linear.scatter [tilespmem:s22], [sflag:$0x5], $0x80, $0x38;
	[tilespmem:$0x19E00] =	vst v63  }
0x1bd: {  	s7 =	sadd.s32 $0x70, s7;
	s31 =	simm.s32 $0x12EF8  }
0x1be: {  	[hbm4b:s7+s3] =	stream.linear.scatter [tilespmem:s31], [sflag:$0x5], $0x80, $0x38;
	[tilespmem:$0x19E00] =	vst v63  }
0x1bf: {  	s21 =	simm.s32 $0x12F80;
	s7 =	sadd.s32 s6, s13  }
0x1c0: {  	[hbm4b:s7+s3] =	stream.linear.scatter [tilespmem:s21], [sflag:$0x5], $0x80, $0x38;
	[tilespmem:$0x19E00] =	vst v63  }
0x1c1: {  	s31 =	simm.s32 $0x13008;
	s22 =	sadd.s32 $0x10, s7  }
0x1c2: {  	[hbm4b:s22+s3] =	stream.linear.scatter [tilespmem:s31], [sflag:$0x5], $0x80, $0x38;
	[tilespmem:$0x19E00] =	vst v63  }
0x1c3: {  	s22 =	sadd.s32 $0x20, s7;
	s31 =	simm.s32 $0x13090  }
0x1c4: {  	[hbm4b:s22+s3] =	stream.linear.scatter [tilespmem:s31], [sflag:$0x5], $0x80, $0x38;
	[tilespmem:$0x19E00] =	vst v63  }
0x1c5: {  	s22 =	sadd.s32 $0x30, s7;
	s31 =	simm.s32 $0x13118  }
0x1c6: {  	[hbm4b:s22+s3] =	stream.linear.scatter [tilespmem:s31], [sflag:$0x5], $0x80, $0x38;
	[tilespmem:$0x19E00] =	vst v63  }
0x1c7: {  	s22 =	sadd.s32 $0x40, s7;
	s31 =	simm.s32 $0x131A0  }
0x1c8: {  	[hbm4b:s22+s3] =	stream.linear.scatter [tilespmem:s31], [sflag:$0x5], $0x80, $0x38;
	[tilespmem:$0x19E00] =	vst v63  }
0x1c9: {  	s22 =	sadd.s32 $0x50, s7;
	s31 =	simm.s32 $0x13228  }
0x1ca: {  	[hbm4b:s22+s3] =	stream.linear.scatter [tilespmem:s31], [sflag:$0x5], $0x80, $0x38;
	[tilespmem:$0x19E00] =	vst v63  }
0x1cb: {  	s22 =	sadd.s32 $0x60, s7;
	s31 =	simm.s32 $0x132B0  }
0x1cc: {  	[hbm4b:s22+s3] =	stream.linear.scatter [tilespmem:s31], [sflag:$0x5], $0x80, $0x38;
	[tilespmem:$0x19E00] =	vst v63  }
0x1cd: {  	s7 =	sadd.s32 $0x70, s7;
	s22 =	simm.s32 $0x13338  }
0x1ce: {  	[hbm4b:s7+s3] =	stream.linear.scatter [tilespmem:s22], [sflag:$0x5], $0x80, $0x38;
	[tilespmem:$0x19E00] =	vst v63  }
0x1cf: {  	s6 =	sadd.s32 s6, s14;
	s31 =	simm.s32 $0x133C0  }
0x1d0: {  	[hbm4b:s6+s3] =	stream.linear.scatter [tilespmem:s31], [sflag:$0x5], $0x80, $0x38;
	[tilespmem:$0x19E00] =	vst v63  }
0x1d1: {  	s19 =	sadd.s32 $0x10, s6;
	s21 =	simm.s32 $0x13448  }
0x1d2: {  	[hbm4b:s19+s3] =	stream.linear.scatter [tilespmem:s21], [sflag:$0x5], $0x80, $0x38;
	[tilespmem:$0x19E00] =	vst v63  }
0x1d3: {  	s22 =	sadd.s32 $0x20, s6;
	s31 =	simm.s32 $0x134D0  }
0x1d4: {  	[hbm4b:s22+s3] =	stream.linear.scatter [tilespmem:s31], [sflag:$0x5], $0x80, $0x38;
	[tilespmem:$0x19E00] =	vst v63  }
0x1d5: {  	s19 =	sadd.s32 $0x30, s6;
	s21 =	simm.s32 $0x13558  }
0x1d6: {  	[hbm4b:s19+s3] =	stream.linear.scatter [tilespmem:s21], [sflag:$0x5], $0x80, $0x38;
	[tilespmem:$0x19E00] =	vst v63  }
0x1d7: {  	s22 =	sadd.s32 $0x40, s6;
	s31 =	simm.s32 $0x135E0  }
0x1d8: {  	[hbm4b:s22+s3] =	stream.linear.scatter [tilespmem:s31], [sflag:$0x5], $0x80, $0x38;
	[tilespmem:$0x19E00] =	vst v63  }
0x1d9: {  	s19 =	sadd.s32 $0x50, s6;
	s21 =	simm.s32 $0x13668  }
0x1da: {  	[hbm4b:s19+s3] =	stream.linear.scatter [tilespmem:s21], [sflag:$0x5], $0x80, $0x38;
	[tilespmem:$0x19E00] =	vst v63  }
0x1db: {  	s22 =	sadd.s32 $0x60, s6;
	s31 =	simm.s32 $0x136F0  }
0x1dc: {  	[hbm4b:s22+s3] =	stream.linear.scatter [tilespmem:s31], [sflag:$0x5], $0x80, $0x38;
	[tilespmem:$0x19E00] =	vst v63  }
0x1dd: {  	s6 =	sadd.s32 $0x70, s6;
	s19 =	simm.s32 $0x13778  }
0x1de: {  	[hbm4b:s6+s3] =	stream.linear.scatter [tilespmem:s19], [sflag:$0x5], $0x80, $0x38;
	[tilespmem:$0x19E00] =	vst v63  }
0x1df: {  	s6 =	sor.u32 $0x2, s18  }
0x1e0: {  	s22 =	sshll.u32 s16, $0x9;
	s21 =	sshll.u32 s6, $0x7  }
0x1e1: {  	s7 =	sand.u32 $0x7C00, s22;
	s31 =	sand.u32 $0x300, s21  }
0x1e2: {  	s22 =	simm.s32 $0xD600;
	s19 =	sor.u32 s31, s7  }
0x1e3: {  	[tilespmem:s22], [sflag:$0x3] =	stream.indirect.gather [hbm4b:s5+s20], $0x40, s19, s20, $0xb8;
	[tilespmem:$0x19E00] =	vst v63  }
0x1e4: {  	_ =	swait.ge [sflag:s15], $0x2000  }
0x1e5: {  	[sflag:s15] =	ssyncset.done $0x0  }
0x1e6: {  	s21 =	simm.s32 @!p0 $0x6;
	[sflag:s15] =	ssyncadd.s32 $0xFFFFE000  }
0x1e7: {  	_ =	swait.ge @!p0 [sflag:s21], $0x400  }
0x1e8: {  	[sflag:s21] =	ssyncset.done @!p0 $0x0  }
0x1e9: {  	[sflag:s21] =	ssyncadd.s32 @!p0 $0xFFFFFC00  }
0x1ea: {  	_ =	swait.ge @!p0 [sflag:s21], $0x400  }
0x1eb: {  	[sflag:s21] =	ssyncset.done @!p0 $0x0  }
0x1ec: {  	[sflag:s21] =	ssyncadd.s32 @!p0 $0xFFFFFC00  }
0x1ed: {  	_ =	swait.ge @!p0 [sflag:s21], $0x400  }
0x1ee: {  	[sflag:s21] =	ssyncset.done @!p0 $0x0  }
0x1ef: {  	[sflag:s21] =	ssyncadd.s32 @!p0 $0xFFFFFC00  }
0x1f0: {  	_ =	swait.ge @!p0 [sflag:s21], $0x400  }
0x1f1: {  	[sflag:s21] =	ssyncset.done @!p0 $0x0  }
0x1f2: {  	[sflag:s21] =	ssyncadd.s32 @!p0 $0xFFFFFC00  }
0x1f3: {  	_ =	swait.ge @!p0 [sflag:s21], $0x400  }
0x1f4: {  	[sflag:s21] =	ssyncset.done @!p0 $0x0  }
0x1f5: {  	[sflag:s21] =	ssyncadd.s32 @!p0 $0xFFFFFC00  }
0x1f6: {  	_ =	swait.ge @!p0 [sflag:s21], $0x400  }
0x1f7: {  	[sflag:s21] =	ssyncset.done @!p0 $0x0  }
0x1f8: {  	[sflag:s21] =	ssyncadd.s32 @!p0 $0xFFFFFC00  }
0x1f9: {  	_ =	swait.ge @!p0 [sflag:s21], $0x400  }
0x1fa: {  	[sflag:s21] =	ssyncset.done @!p0 $0x0  }
0x1fb: {  	[sflag:s21] =	ssyncadd.s32 @!p0 $0xFFFFFC00  }
0x1fc: {  	s19 =	sor.u32 $0x1, s18;
	_ =	swait.ge @!p0 [sflag:s21], $0x400  }
0x1fd: {  	s22 =	sshll.u32 s19, $0x6;
	[sflag:s21] =	ssyncset.done @!p0 $0x0  }
0x1fe: {  	s31 =	sand.u32 $0x3FFFFFC0, s22;
	[sflag:s21] =	ssyncadd.s32 @!p0 $0xFFFFFC00  }
0x1ff: {  	v33 =	vld [tilespmem:s31+$0x6400]  }
0x200: {  	v34 =	vld [tilespmem:s31+$0x6410]  }
0x201: {  	v35 =	vld [tilespmem:s31+$0x6420]  }
0x202: {  	s22 =	simm.s32 $0xB700;
	s21 =	simm.s32 $0x0;
	v36 =	vld [tilespmem:s31+$0x6430]  }
.LBB2_5:
0x203: {  	v37 =	vmov s21  }
0x204: {  	v38 =	vld [tilespmem:s22+$0xFFFFFF00];
	v37 =	vshrl.u32 v37, $0x3  }
0x205: {  	v37 =	vshll.u32 v37, v1  }
0x206: {  	v37 =	vbroadcast v37, $0x0;
	_ =	sdelay $0x1  }
0x207: {  	v39 =	vadd.s32 v0, v37  }
0x208: {  	v38 =	vmul.f32 $8.000000000e+00, v38;
	_ =	sdelay $0x1  }
0x209: {  	v38 =	vadd.f32 v38, v33;
	_ =	sdelay $0x1  }
0x20a: {  	[tilespmem:v39+s17+$0x0] =	vst.idx.msk $0xffff, v38  }
0x20b: {  	v38 =	vld [tilespmem:s22+$0xFFFFFF10];
	_ =	sdelay $0x3  }
0x20c: {  	v56 =	vadd.s32 v2, v37  }
0x20d: {  	v38 =	vmul.f32 $8.000000000e+00, v38;
	_ =	sdelay $0x1  }
0x20e: {  	v38 =	vadd.f32 v38, v34;
	_ =	sdelay $0x1  }
0x20f: {  	[tilespmem:v56+s17+$0x0] =	vst.idx.msk $0xffff, v38  }
0x210: {  	v38 =	vld [tilespmem:s22+$0xFFFFFF20];
	_ =	sdelay $0x3  }
0x211: {  	v57 =	vadd.s32 v3, v37  }
0x212: {  	v38 =	vmul.f32 $8.000000000e+00, v38;
	_ =	sdelay $0x1  }
0x213: {  	v38 =	vadd.f32 v38, v35;
	_ =	sdelay $0x1  }
0x214: {  	[tilespmem:v57+s17+$0x0] =	vst.idx.msk $0xffff, v38  }
0x215: {  	v38 =	vld [tilespmem:s22+$0xFFFFFF30];
	_ =	sdelay $0x3  }
0x216: {  	v37 =	vadd.s32 v4, v37  }
0x217: {  	v38 =	vmul.f32 $8.000000000e+00, v38;
	_ =	sdelay $0x1  }
0x218: {  	v38 =	vadd.f32 v38, v36  }
0x219: {  	s31 =	sadd.s32 $0x1, s21  }
0x21a: {  	v58 =	vmov s31;
	[tilespmem:v37+s17+$0x0] =	vst.idx.msk $0xffff, v38  }
0x21b: {  	v37 =	vshrl.u32 v58, $0x3;
	v38 =	vld [tilespmem:s22+$0xFFFFFF40]  }
0x21c: {  	v37 =	vshll.u32 v37, v1  }
0x21d: {  	v37 =	vbroadcast v37, $0x0;
	_ =	sdelay $0x1  }
0x21e: {  	v59 =	vadd.s32 v5, v37  }
0x21f: {  	v38 =	vmul.f32 $8.000000000e+00, v38;
	_ =	sdelay $0x1  }
0x220: {  	v38 =	vadd.f32 v38, v33;
	_ =	sdelay $0x1  }
0x221: {  	[tilespmem:v59+s17+$0x0] =	vst.idx.msk $0xffff, v38  }
0x222: {  	v38 =	vld [tilespmem:s22+$0xFFFFFF50];
	_ =	sdelay $0x3  }
0x223: {  	v60 =	vadd.s32 v6, v37  }
0x224: {  	v38 =	vmul.f32 $8.000000000e+00, v38;
	_ =	sdelay $0x1  }
0x225: {  	v38 =	vadd.f32 v38, v34;
	_ =	sdelay $0x1  }
0x226: {  	[tilespmem:v60+s17+$0x0] =	vst.idx.msk $0xffff, v38  }
0x227: {  	v38 =	vld [tilespmem:s22+$0xFFFFFF60];
	_ =	sdelay $0x3  }
0x228: {  	v61 =	vadd.s32 v7, v37  }
0x229: {  	v38 =	vmul.f32 $8.000000000e+00, v38;
	_ =	sdelay $0x1  }
0x22a: {  	v38 =	vadd.f32 v38, v35;
	_ =	sdelay $0x1  }
0x22b: {  	[tilespmem:v61+s17+$0x0] =	vst.idx.msk $0xffff, v38  }
0x22c: {  	v38 =	vld [tilespmem:s22+$0xFFFFFF70];
	_ =	sdelay $0x3  }
0x22d: {  	v37 =	vadd.s32 v8, v37  }
0x22e: {  	v38 =	vmul.f32 $8.000000000e+00, v38;
	_ =	sdelay $0x1  }
0x22f: {  	v38 =	vadd.f32 v38, v36  }
0x230: {  	s31 =	sadd.s32 $0x2, s21  }
0x231: {  	v62 =	vmov s31;
	[tilespmem:v37+s17+$0x0] =	vst.idx.msk $0xffff, v38  }
0x232: {  	v37 =	vshrl.u32 v62, $0x3;
	v38 =	vld [tilespmem:s22+$0xFFFFFF80]  }
0x233: {  	v37 =	vshll.u32 v37, v1  }
0x234: {  	v37 =	vbroadcast v37, $0x0;
	_ =	sdelay $0x1  }
0x235: {  	v63 =	vadd.s32 v9, v37  }
0x236: {  	v38 =	vmul.f32 $8.000000000e+00, v38;
	_ =	sdelay $0x1  }
0x237: {  	v38 =	vadd.f32 v38, v33;
	_ =	sdelay $0x1  }
0x238: {  	[tilespmem:v63+s17+$0x0] =	vst.idx.msk $0xffff, v38  }
0x239: {  	v38 =	vld [tilespmem:s22+$0xFFFFFF90];
	_ =	sdelay $0x3  }
0x23a: {  	v42 =	vadd.s32 v10, v37  }
0x23b: {  	v38 =	vmul.f32 $8.000000000e+00, v38;
	_ =	sdelay $0x1  }
0x23c: {  	v38 =	vadd.f32 v38, v34;
	_ =	sdelay $0x1  }
0x23d: {  	[tilespmem:v42+s17+$0x0] =	vst.idx.msk $0xffff, v38  }
0x23e: {  	v38 =	vld [tilespmem:s22+$0xFFFFFFA0];
	_ =	sdelay $0x3  }
0x23f: {  	v43 =	vadd.s32 v11, v37  }
0x240: {  	v38 =	vmul.f32 $8.000000000e+00, v38;
	_ =	sdelay $0x1  }
0x241: {  	v38 =	vadd.f32 v38, v35;
	_ =	sdelay $0x1  }
0x242: {  	[tilespmem:v43+s17+$0x0] =	vst.idx.msk $0xffff, v38  }
0x243: {  	v38 =	vld [tilespmem:s22+$0xFFFFFFB0];
	_ =	sdelay $0x3  }
0x244: {  	v37 =	vadd.s32 v12, v37  }
0x245: {  	v38 =	vmul.f32 $8.000000000e+00, v38;
	_ =	sdelay $0x1  }
0x246: {  	v38 =	vadd.f32 v38, v36  }
0x247: {  	s31 =	sadd.s32 $0x3, s21  }
0x248: {  	v44 =	vmov s31;
	[tilespmem:v37+s17+$0x0] =	vst.idx.msk $0xffff, v38  }
0x249: {  	v37 =	vshrl.u32 v44, $0x3;
	v38 =	vld [tilespmem:s22+$0xFFFFFFC0]  }
0x24a: {  	v37 =	vshll.u32 v37, v1  }
0x24b: {  	v37 =	vbroadcast v37, $0x0;
	_ =	sdelay $0x1  }
0x24c: {  	v45 =	vadd.s32 v13, v37  }
0x24d: {  	v38 =	vmul.f32 $8.000000000e+00, v38;
	_ =	sdelay $0x1  }
0x24e: {  	v38 =	vadd.f32 v38, v33;
	_ =	sdelay $0x1  }
0x24f: {  	[tilespmem:v45+s17+$0x0] =	vst.idx.msk $0xffff, v38  }
0x250: {  	v38 =	vld [tilespmem:s22+$0xFFFFFFD0];
	_ =	sdelay $0x3  }
0x251: {  	v46 =	vadd.s32 v14, v37  }
0x252: {  	v38 =	vmul.f32 $8.000000000e+00, v38;
	_ =	sdelay $0x1  }
0x253: {  	v38 =	vadd.f32 v38, v34;
	_ =	sdelay $0x1  }
0x254: {  	[tilespmem:v46+s17+$0x0] =	vst.idx.msk $0xffff, v38  }
0x255: {  	v38 =	vld [tilespmem:s22+$0xFFFFFFE0];
	_ =	sdelay $0x3  }
0x256: {  	v47 =	vadd.s32 v15, v37  }
0x257: {  	v38 =	vmul.f32 $8.000000000e+00, v38;
	_ =	sdelay $0x1  }
0x258: {  	v38 =	vadd.f32 v38, v35;
	_ =	sdelay $0x1  }
0x259: {  	[tilespmem:v47+s17+$0x0] =	vst.idx.msk $0xffff, v38  }
0x25a: {  	v38 =	vld [tilespmem:s22+$0xFFFFFFF0];
	_ =	sdelay $0x3  }
0x25b: {  	v37 =	vadd.s32 v16, v37  }
0x25c: {  	v38 =	vmul.f32 $8.000000000e+00, v38;
	_ =	sdelay $0x1  }
0x25d: {  	v38 =	vadd.f32 v38, v36  }
0x25e: {  	s31 =	sadd.s32 $0x4, s21  }
0x25f: {  	v48 =	vmov s31;
	[tilespmem:v37+s17+$0x0] =	vst.idx.msk $0xffff, v38  }
0x260: {  	v37 =	vshrl.u32 v48, $0x3;
	v38 =	vld [tilespmem:s22+$0x0]  }
0x261: {  	v37 =	vshll.u32 v37, v1  }
0x262: {  	v37 =	vbroadcast v37, $0x0;
	_ =	sdelay $0x1  }
0x263: {  	v49 =	vadd.s32 v17, v37  }
0x264: {  	v38 =	vmul.f32 $8.000000000e+00, v38;
	_ =	sdelay $0x1  }
0x265: {  	v38 =	vadd.f32 v38, v33;
	_ =	sdelay $0x1  }
0x266: {  	[tilespmem:v49+s17+$0x0] =	vst.idx.msk $0xffff, v38  }
0x267: {  	v38 =	vld [tilespmem:s22+$0x10];
	_ =	sdelay $0x3  }
0x268: {  	v50 =	vadd.s32 v18, v37  }
0x269: {  	v38 =	vmul.f32 $8.000000000e+00, v38;
	_ =	sdelay $0x1  }
0x26a: {  	v38 =	vadd.f32 v38, v34;
	_ =	sdelay $0x1  }
0x26b: {  	[tilespmem:v50+s17+$0x0] =	vst.idx.msk $0xffff, v38  }
0x26c: {  	v38 =	vld [tilespmem:s22+$0x20];
	_ =	sdelay $0x3  }
0x26d: {  	v51 =	vadd.s32 v19, v37  }
0x26e: {  	v38 =	vmul.f32 $8.000000000e+00, v38;
	_ =	sdelay $0x1  }
0x26f: {  	v38 =	vadd.f32 v38, v35;
	_ =	sdelay $0x1  }
0x270: {  	[tilespmem:v51+s17+$0x0] =	vst.idx.msk $0xffff, v38  }
0x271: {  	v38 =	vld [tilespmem:s22+$0x30];
	_ =	sdelay $0x3  }
0x272: {  	v37 =	vadd.s32 v20, v37  }
0x273: {  	v38 =	vmul.f32 $8.000000000e+00, v38;
	_ =	sdelay $0x1  }
0x274: {  	v38 =	vadd.f32 v38, v36  }
0x275: {  	s31 =	sadd.s32 $0x5, s21  }
0x276: {  	v52 =	vmov s31;
	[tilespmem:v37+s17+$0x0] =	vst.idx.msk $0xffff, v38  }
0x277: {  	v37 =	vshrl.u32 v52, $0x3;
	v38 =	vld [tilespmem:s22+$0x40]  }
0x278: {  	v37 =	vshll.u32 v37, v1  }
0x279: {  	v37 =	vbroadcast v37, $0x0;
	_ =	sdelay $0x1  }
0x27a: {  	v53 =	vadd.s32 v21, v37  }
0x27b: {  	v38 =	vmul.f32 $8.000000000e+00, v38;
	_ =	sdelay $0x1  }
0x27c: {  	v38 =	vadd.f32 v38, v33;
	_ =	sdelay $0x1  }
0x27d: {  	[tilespmem:v53+s17+$0x0] =	vst.idx.msk $0xffff, v38  }
0x27e: {  	v38 =	vld [tilespmem:s22+$0x50];
	_ =	sdelay $0x3  }
0x27f: {  	v54 =	vadd.s32 v22, v37  }
0x280: {  	v38 =	vmul.f32 $8.000000000e+00, v38;
	_ =	sdelay $0x1  }
0x281: {  	v38 =	vadd.f32 v38, v34;
	_ =	sdelay $0x1  }
0x282: {  	[tilespmem:v54+s17+$0x0] =	vst.idx.msk $0xffff, v38  }
0x283: {  	v38 =	vld [tilespmem:s22+$0x60];
	_ =	sdelay $0x3  }
0x284: {  	v55 =	vadd.s32 v23, v37  }
0x285: {  	v38 =	vmul.f32 $8.000000000e+00, v38;
	_ =	sdelay $0x1  }
0x286: {  	v38 =	vadd.f32 v38, v35;
	_ =	sdelay $0x1  }
0x287: {  	[tilespmem:v55+s17+$0x0] =	vst.idx.msk $0xffff, v38  }
0x288: {  	v38 =	vld [tilespmem:s22+$0x70];
	_ =	sdelay $0x3  }
0x289: {  	v37 =	vadd.s32 v24, v37  }
0x28a: {  	v38 =	vmul.f32 $8.000000000e+00, v38;
	_ =	sdelay $0x1  }
0x28b: {  	v38 =	vadd.f32 v38, v36  }
0x28c: {  	s31 =	sadd.s32 $0x6, s21  }
0x28d: {  	v56 =	vmov s31;
	[tilespmem:v37+s17+$0x0] =	vst.idx.msk $0xffff, v38  }
0x28e: {  	v37 =	vshrl.u32 v56, $0x3;
	v38 =	vld [tilespmem:s22+$0x80]  }
0x28f: {  	v37 =	vshll.u32 v37, v1  }
0x290: {  	v37 =	vbroadcast v37, $0x0;
	_ =	sdelay $0x1  }
0x291: {  	v57 =	vadd.s32 v25, v37  }
0x292: {  	v38 =	vmul.f32 $8.000000000e+00, v38;
	_ =	sdelay $0x1  }
0x293: {  	v38 =	vadd.f32 v38, v33;
	_ =	sdelay $0x1  }
0x294: {  	[tilespmem:v57+s17+$0x0] =	vst.idx.msk $0xffff, v38  }
0x295: {  	v38 =	vld [tilespmem:s22+$0x90];
	_ =	sdelay $0x3  }
0x296: {  	v58 =	vadd.s32 v26, v37  }
0x297: {  	v38 =	vmul.f32 $8.000000000e+00, v38;
	_ =	sdelay $0x1  }
0x298: {  	v38 =	vadd.f32 v38, v34;
	_ =	sdelay $0x1  }
0x299: {  	[tilespmem:v58+s17+$0x0] =	vst.idx.msk $0xffff, v38  }
0x29a: {  	v38 =	vld [tilespmem:s22+$0xA0];
	_ =	sdelay $0x3  }
0x29b: {  	v59 =	vadd.s32 v27, v37  }
0x29c: {  	v38 =	vmul.f32 $8.000000000e+00, v38;
	_ =	sdelay $0x1  }
0x29d: {  	v38 =	vadd.f32 v38, v35;
	_ =	sdelay $0x1  }
0x29e: {  	[tilespmem:v59+s17+$0x0] =	vst.idx.msk $0xffff, v38  }
0x29f: {  	v38 =	vld [tilespmem:s22+$0xB0];
	_ =	sdelay $0x3  }
0x2a0: {  	v37 =	vadd.s32 v28, v37  }
0x2a1: {  	v38 =	vmul.f32 $8.000000000e+00, v38;
	_ =	sdelay $0x1  }
0x2a2: {  	v38 =	vadd.f32 v38, v36  }
0x2a3: {  	s31 =	sadd.s32 $0x7, s21  }
0x2a4: {  	v60 =	vmov s31;
	[tilespmem:v37+s17+$0x0] =	vst.idx.msk $0xffff, v38  }
0x2a5: {  	v37 =	vshrl.u32 v60, $0x3;
	v38 =	vld [tilespmem:s22+$0xC0]  }
0x2a6: {  	v37 =	vshll.u32 v37, v1  }
0x2a7: {  	v37 =	vbroadcast v37, $0x0;
	_ =	sdelay $0x1  }
0x2a8: {  	v61 =	vadd.s32 v29, v37  }
0x2a9: {  	v38 =	vmul.f32 $8.000000000e+00, v38;
	_ =	sdelay $0x1  }
0x2aa: {  	v38 =	vadd.f32 v38, v33;
	_ =	sdelay $0x1  }
0x2ab: {  	[tilespmem:v61+s17+$0x0] =	vst.idx.msk $0xffff, v38  }
0x2ac: {  	v38 =	vld [tilespmem:s22+$0xD0];
	_ =	sdelay $0x3  }
0x2ad: {  	v62 =	vadd.s32 v30, v37  }
0x2ae: {  	v38 =	vmul.f32 $8.000000000e+00, v38;
	_ =	sdelay $0x1  }
0x2af: {  	v38 =	vadd.f32 v38, v34;
	_ =	sdelay $0x1  }
0x2b0: {  	[tilespmem:v62+s17+$0x0] =	vst.idx.msk $0xffff, v38  }
0x2b1: {  	v38 =	vld [tilespmem:s22+$0xE0];
	_ =	sdelay $0x3  }
0x2b2: {  	v63 =	vadd.s32 v31, v37  }
0x2b3: {  	v38 =	vmul.f32 $8.000000000e+00, v38;
	_ =	sdelay $0x1  }
0x2b4: {  	v38 =	vadd.f32 v38, v35;
	_ =	sdelay $0x1  }
0x2b5: {  	[tilespmem:v63+s17+$0x0] =	vst.idx.msk $0xffff, v38  }
0x2b6: {  	v38 =	vld [tilespmem:s22+$0xF0];
	_ =	sdelay $0x3  }
0x2b7: {  	p1 =	slt.u32 s21, $0x78;
	v37 =	vadd.s32 v32, v37  }
.Ltmp3:
0x2b8: {  	v38 =	vmul.f32 $8.000000000e+00, v38;
	(pc) =	sbr.rel @p1 .LBB2_5-.Ltmp3, $3  }
0x2b9: {  	_ = 	snop  }
0x2ba: {  	v38 =	vadd.f32 v38, v36;
	_ =	sdelay $0x1  }
0x2bb: {  	s21 =	sadd.s32 $0x8, s21;
	s22 =	sadd.s32 $0x200, s22;
	[tilespmem:v37+s17+$0x0] =	vst.idx.msk $0xffff, v38  }
0x2bc: {  	s19 =	sshll.u32 s19, $0x12  }
0x2bd: {  	s19 =	sor.u32 s4, s19  }
0x2be: {  	s19 =	sshrl.u32 s19, $0x3  }
0x2bf: {  	s21 =	sadd.s32 s2, s19  }
0x2c0: {  	[hbm4b:s21+s3] =	stream.linear.scatter [tilespmem:s17], [sflag:$0x6], $0x80, $0x38;
	[tilespmem:$0x19E00] =	vst v63  }
0x2c1: {  	s31 =	simm.s32 $0x13888;
	s22 =	sadd.s32 $0x10, s21  }
0x2c2: {  	[hbm4b:s22+s3] =	stream.linear.scatter [tilespmem:s31], [sflag:$0x6], $0x80, $0x38;
	[tilespmem:$0x19E00] =	vst v63  }
0x2c3: {  	s22 =	sadd.s32 $0x20, s21;
	s31 =	simm.s32 $0x13910  }
0x2c4: {  	[hbm4b:s22+s3] =	stream.linear.scatter [tilespmem:s31], [sflag:$0x6], $0x80, $0x38;
	[tilespmem:$0x19E00] =	vst v63  }
0x2c5: {  	s22 =	sadd.s32 $0x30, s21;
	s31 =	simm.s32 $0x13998  }
0x2c6: {  	[hbm4b:s22+s3] =	stream.linear.scatter [tilespmem:s31], [sflag:$0x6], $0x80, $0x38;
	[tilespmem:$0x19E00] =	vst v63  }
0x2c7: {  	s22 =	sadd.s32 $0x40, s21;
	s31 =	simm.s32 $0x13A20  }
0x2c8: {  	[hbm4b:s22+s3] =	stream.linear.scatter [tilespmem:s31], [sflag:$0x6], $0x80, $0x38;
	[tilespmem:$0x19E00] =	vst v63  }
0x2c9: {  	s22 =	sadd.s32 $0x50, s21;
	s31 =	simm.s32 $0x13AA8  }
0x2ca: {  	[hbm4b:s22+s3] =	stream.linear.scatter [tilespmem:s31], [sflag:$0x6], $0x80, $0x38;
	[tilespmem:$0x19E00] =	vst v63  }
0x2cb: {  	s22 =	sadd.s32 $0x60, s21;
	s31 =	simm.s32 $0x13B30  }
0x2cc: {  	[hbm4b:s22+s3] =	stream.linear.scatter [tilespmem:s31], [sflag:$0x6], $0x80, $0x38;
	[tilespmem:$0x19E00] =	vst v63  }
0x2cd: {  	s21 =	sadd.s32 $0x70, s21;
	s31 =	simm.s32 $0x13BB8  }
0x2ce: {  	[hbm4b:s21+s3] =	stream.linear.scatter [tilespmem:s31], [sflag:$0x6], $0x80, $0x38;
	[tilespmem:$0x19E00] =	vst v63  }
0x2cf: {  	s21 =	sadd.s32 s19, s8;
	s31 =	simm.s32 $0x13C40  }
0x2d0: {  	[hbm4b:s21+s3] =	stream.linear.scatter [tilespmem:s31], [sflag:$0x6], $0x80, $0x38;
	[tilespmem:$0x19E00] =	vst v63  }
0x2d1: {  	s22 =	sadd.s32 $0x10, s21;
	s31 =	simm.s32 $0x13CC8  }
0x2d2: {  	[hbm4b:s22+s3] =	stream.linear.scatter [tilespmem:s31], [sflag:$0x6], $0x80, $0x38;
	[tilespmem:$0x19E00] =	vst v63  }
0x2d3: {  	s22 =	sadd.s32 $0x20, s21;
	s31 =	simm.s32 $0x13D50  }
0x2d4: {  	[hbm4b:s22+s3] =	stream.linear.scatter [tilespmem:s31], [sflag:$0x6], $0x80, $0x38;
	[tilespmem:$0x19E00] =	vst v63  }
0x2d5: {  	s22 =	sadd.s32 $0x30, s21;
	s31 =	simm.s32 $0x13DD8  }
0x2d6: {  	[hbm4b:s22+s3] =	stream.linear.scatter [tilespmem:s31], [sflag:$0x6], $0x80, $0x38;
	[tilespmem:$0x19E00] =	vst v63  }
0x2d7: {  	s22 =	sadd.s32 $0x40, s21;
	s31 =	simm.s32 $0x13E60  }
0x2d8: {  	[hbm4b:s22+s3] =	stream.linear.scatter [tilespmem:s31], [sflag:$0x6], $0x80, $0x38;
	[tilespmem:$0x19E00] =	vst v63  }
0x2d9: {  	s22 =	sadd.s32 $0x50, s21;
	s31 =	simm.s32 $0x13EE8  }
0x2da: {  	[hbm4b:s22+s3] =	stream.linear.scatter [tilespmem:s31], [sflag:$0x6], $0x80, $0x38;
	[tilespmem:$0x19E00] =	vst v63  }
0x2db: {  	s22 =	sadd.s32 $0x60, s21;
	s31 =	simm.s32 $0x13F70  }
0x2dc: {  	[hbm4b:s22+s3] =	stream.linear.scatter [tilespmem:s31], [sflag:$0x6], $0x80, $0x38;
	[tilespmem:$0x19E00] =	vst v63  }
0x2dd: {  	s21 =	sadd.s32 $0x70, s21;
	s31 =	simm.s32 $0x13FF8  }
0x2de: {  	[hbm4b:s21+s3] =	stream.linear.scatter [tilespmem:s31], [sflag:$0x6], $0x80, $0x38;
	[tilespmem:$0x19E00] =	vst v63  }
0x2df: {  	s21 =	sadd.s32 s19, s9;
	s31 =	simm.s32 $0x14080  }
0x2e0: {  	[hbm4b:s21+s3] =	stream.linear.scatter [tilespmem:s31], [sflag:$0x6], $0x80, $0x38;
	[tilespmem:$0x19E00] =	vst v63  }
0x2e1: {  	s22 =	sadd.s32 $0x10, s21;
	s31 =	simm.s32 $0x14108  }
0x2e2: {  	[hbm4b:s22+s3] =	stream.linear.scatter [tilespmem:s31], [sflag:$0x6], $0x80, $0x38;
	[tilespmem:$0x19E00] =	vst v63  }
0x2e3: {  	s22 =	sadd.s32 $0x20, s21;
	s31 =	simm.s32 $0x14190  }
0x2e4: {  	[hbm4b:s22+s3] =	stream.linear.scatter [tilespmem:s31], [sflag:$0x6], $0x80, $0x38;
	[tilespmem:$0x19E00] =	vst v63  }
0x2e5: {  	s22 =	sadd.s32 $0x30, s21;
	s31 =	simm.s32 $0x14218  }
0x2e6: {  	[hbm4b:s22+s3] =	stream.linear.scatter [tilespmem:s31], [sflag:$0x6], $0x80, $0x38;
	[tilespmem:$0x19E00] =	vst v63  }
0x2e7: {  	s22 =	sadd.s32 $0x40, s21;
	s31 =	simm.s32 $0x142A0  }
0x2e8: {  	[hbm4b:s22+s3] =	stream.linear.scatter [tilespmem:s31], [sflag:$0x6], $0x80, $0x38;
	[tilespmem:$0x19E00] =	vst v63  }
0x2e9: {  	s22 =	sadd.s32 $0x50, s21;
	s31 =	simm.s32 $0x14328  }
0x2ea: {  	[hbm4b:s22+s3] =	stream.linear.scatter [tilespmem:s31], [sflag:$0x6], $0x80, $0x38;
	[tilespmem:$0x19E00] =	vst v63  }
0x2eb: {  	s22 =	sadd.s32 $0x60, s21;
	s31 =	simm.s32 $0x143B0  }
0x2ec: {  	[hbm4b:s22+s3] =	stream.linear.scatter [tilespmem:s31], [sflag:$0x6], $0x80, $0x38;
	[tilespmem:$0x19E00] =	vst v63  }
0x2ed: {  	s21 =	sadd.s32 $0x70, s21;
	s31 =	simm.s32 $0x14438  }
0x2ee: {  	[hbm4b:s21+s3] =	stream.linear.scatter [tilespmem:s31], [sflag:$0x6], $0x80, $0x38;
	[tilespmem:$0x19E00] =	vst v63  }
0x2ef: {  	s21 =	sadd.s32 s19, s10;
	s31 =	simm.s32 $0x144C0  }
0x2f0: {  	[hbm4b:s21+s3] =	stream.linear.scatter [tilespmem:s31], [sflag:$0x6], $0x80, $0x38;
	[tilespmem:$0x19E00] =	vst v63  }
0x2f1: {  	s22 =	sadd.s32 $0x10, s21;
	s31 =	simm.s32 $0x14548  }
0x2f2: {  	[hbm4b:s22+s3] =	stream.linear.scatter [tilespmem:s31], [sflag:$0x6], $0x80, $0x38;
	[tilespmem:$0x19E00] =	vst v63  }
0x2f3: {  	s22 =	sadd.s32 $0x20, s21;
	s31 =	simm.s32 $0x145D0  }
0x2f4: {  	[hbm4b:s22+s3] =	stream.linear.scatter [tilespmem:s31], [sflag:$0x6], $0x80, $0x38;
	[tilespmem:$0x19E00] =	vst v63  }
0x2f5: {  	s22 =	sadd.s32 $0x30, s21;
	s31 =	simm.s32 $0x14658  }
0x2f6: {  	[hbm4b:s22+s3] =	stream.linear.scatter [tilespmem:s31], [sflag:$0x6], $0x80, $0x38;
	[tilespmem:$0x19E00] =	vst v63  }
0x2f7: {  	s22 =	sadd.s32 $0x40, s21;
	s31 =	simm.s32 $0x146E0  }
0x2f8: {  	[hbm4b:s22+s3] =	stream.linear.scatter [tilespmem:s31], [sflag:$0x6], $0x80, $0x38;
	[tilespmem:$0x19E00] =	vst v63  }
0x2f9: {  	s22 =	sadd.s32 $0x50, s21;
	s31 =	simm.s32 $0x14768  }
0x2fa: {  	[hbm4b:s22+s3] =	stream.linear.scatter [tilespmem:s31], [sflag:$0x6], $0x80, $0x38;
	[tilespmem:$0x19E00] =	vst v63  }
0x2fb: {  	s22 =	sadd.s32 $0x60, s21;
	s31 =	simm.s32 $0x147F0  }
0x2fc: {  	[hbm4b:s22+s3] =	stream.linear.scatter [tilespmem:s31], [sflag:$0x6], $0x80, $0x38;
	[tilespmem:$0x19E00] =	vst v63  }
0x2fd: {  	s21 =	sadd.s32 $0x70, s21;
	s31 =	simm.s32 $0x14878  }
0x2fe: {  	[hbm4b:s21+s3] =	stream.linear.scatter [tilespmem:s31], [sflag:$0x6], $0x80, $0x38;
	[tilespmem:$0x19E00] =	vst v63  }
0x2ff: {  	s21 =	sadd.s32 s19, s11;
	s31 =	simm.s32 $0x14900  }
0x300: {  	[hbm4b:s21+s3] =	stream.linear.scatter [tilespmem:s31], [sflag:$0x6], $0x80, $0x38;
	[tilespmem:$0x19E00] =	vst v63  }
0x301: {  	s22 =	sadd.s32 $0x10, s21;
	s31 =	simm.s32 $0x14988  }
0x302: {  	[hbm4b:s22+s3] =	stream.linear.scatter [tilespmem:s31], [sflag:$0x6], $0x80, $0x38;
	[tilespmem:$0x19E00] =	vst v63  }
0x303: {  	s22 =	sadd.s32 $0x20, s21;
	s31 =	simm.s32 $0x14A10  }
0x304: {  	[hbm4b:s22+s3] =	stream.linear.scatter [tilespmem:s31], [sflag:$0x6], $0x80, $0x38;
	[tilespmem:$0x19E00] =	vst v63  }
0x305: {  	s22 =	sadd.s32 $0x30, s21;
	s31 =	simm.s32 $0x14A98  }
0x306: {  	[hbm4b:s22+s3] =	stream.linear.scatter [tilespmem:s31], [sflag:$0x6], $0x80, $0x38;
	[tilespmem:$0x19E00] =	vst v63  }
0x307: {  	s22 =	sadd.s32 $0x40, s21;
	s31 =	simm.s32 $0x14B20  }
0x308: {  	[hbm4b:s22+s3] =	stream.linear.scatter [tilespmem:s31], [sflag:$0x6], $0x80, $0x38;
	[tilespmem:$0x19E00] =	vst v63  }
0x309: {  	s22 =	sadd.s32 $0x50, s21;
	s31 =	simm.s32 $0x14BA8  }
0x30a: {  	[hbm4b:s22+s3] =	stream.linear.scatter [tilespmem:s31], [sflag:$0x6], $0x80, $0x38;
	[tilespmem:$0x19E00] =	vst v63  }
0x30b: {  	s22 =	sadd.s32 $0x60, s21;
	s31 =	simm.s32 $0x14C30  }
0x30c: {  	[hbm4b:s22+s3] =	stream.linear.scatter [tilespmem:s31], [sflag:$0x6], $0x80, $0x38;
	[tilespmem:$0x19E00] =	vst v63  }
0x30d: {  	s21 =	sadd.s32 $0x70, s21;
	s31 =	simm.s32 $0x14CB8  }
0x30e: {  	[hbm4b:s21+s3] =	stream.linear.scatter [tilespmem:s31], [sflag:$0x6], $0x80, $0x38;
	[tilespmem:$0x19E00] =	vst v63  }
0x30f: {  	s21 =	sadd.s32 s19, s12;
	s31 =	simm.s32 $0x14D40  }
0x310: {  	[hbm4b:s21+s3] =	stream.linear.scatter [tilespmem:s31], [sflag:$0x6], $0x80, $0x38;
	[tilespmem:$0x19E00] =	vst v63  }
0x311: {  	s22 =	sadd.s32 $0x10, s21;
	s31 =	simm.s32 $0x14DC8  }
0x312: {  	[hbm4b:s22+s3] =	stream.linear.scatter [tilespmem:s31], [sflag:$0x6], $0x80, $0x38;
	[tilespmem:$0x19E00] =	vst v63  }
0x313: {  	s22 =	sadd.s32 $0x20, s21;
	s31 =	simm.s32 $0x14E50  }
0x314: {  	[hbm4b:s22+s3] =	stream.linear.scatter [tilespmem:s31], [sflag:$0x6], $0x80, $0x38;
	[tilespmem:$0x19E00] =	vst v63  }
0x315: {  	s22 =	sadd.s32 $0x30, s21;
	s31 =	simm.s32 $0x14ED8  }
0x316: {  	[hbm4b:s22+s3] =	stream.linear.scatter [tilespmem:s31], [sflag:$0x6], $0x80, $0x38;
	[tilespmem:$0x19E00] =	vst v63  }
0x317: {  	s22 =	sadd.s32 $0x40, s21;
	s31 =	simm.s32 $0x14F60  }
0x318: {  	[hbm4b:s22+s3] =	stream.linear.scatter [tilespmem:s31], [sflag:$0x6], $0x80, $0x38;
	[tilespmem:$0x19E00] =	vst v63  }
0x319: {  	s22 =	sadd.s32 $0x50, s21;
	s31 =	simm.s32 $0x14FE8  }
0x31a: {  	[hbm4b:s22+s3] =	stream.linear.scatter [tilespmem:s31], [sflag:$0x6], $0x80, $0x38;
	[tilespmem:$0x19E00] =	vst v63  }
0x31b: {  	s22 =	sadd.s32 $0x60, s21;
	s31 =	simm.s32 $0x15070  }
0x31c: {  	[hbm4b:s22+s3] =	stream.linear.scatter [tilespmem:s31], [sflag:$0x6], $0x80, $0x38;
	[tilespmem:$0x19E00] =	vst v63  }
0x31d: {  	s21 =	sadd.s32 $0x70, s21;
	s31 =	simm.s32 $0x150F8  }
0x31e: {  	[hbm4b:s21+s3] =	stream.linear.scatter [tilespmem:s31], [sflag:$0x6], $0x80, $0x38;
	[tilespmem:$0x19E00] =	vst v63  }
0x31f: {  	s21 =	sadd.s32 s19, s13;
	s31 =	simm.s32 $0x15180  }
0x320: {  	[hbm4b:s21+s3] =	stream.linear.scatter [tilespmem:s31], [sflag:$0x6], $0x80, $0x38;
	[tilespmem:$0x19E00] =	vst v63  }
0x321: {  	s22 =	sadd.s32 $0x10, s21;
	s31 =	simm.s32 $0x15208  }
0x322: {  	[hbm4b:s22+s3] =	stream.linear.scatter [tilespmem:s31], [sflag:$0x6], $0x80, $0x38;
	[tilespmem:$0x19E00] =	vst v63  }
0x323: {  	s22 =	sadd.s32 $0x20, s21;
	s31 =	simm.s32 $0x15290  }
0x324: {  	[hbm4b:s22+s3] =	stream.linear.scatter [tilespmem:s31], [sflag:$0x6], $0x80, $0x38;
	[tilespmem:$0x19E00] =	vst v63  }
0x325: {  	s22 =	sadd.s32 $0x30, s21;
	s31 =	simm.s32 $0x15318  }
0x326: {  	[hbm4b:s22+s3] =	stream.linear.scatter [tilespmem:s31], [sflag:$0x6], $0x80, $0x38;
	[tilespmem:$0x19E00] =	vst v63  }
0x327: {  	s22 =	sadd.s32 $0x40, s21;
	s31 =	simm.s32 $0x153A0  }
0x328: {  	[hbm4b:s22+s3] =	stream.linear.scatter [tilespmem:s31], [sflag:$0x6], $0x80, $0x38;
	[tilespmem:$0x19E00] =	vst v63  }
0x329: {  	s22 =	sadd.s32 $0x50, s21;
	s31 =	simm.s32 $0x15428  }
0x32a: {  	[hbm4b:s22+s3] =	stream.linear.scatter [tilespmem:s31], [sflag:$0x6], $0x80, $0x38;
	[tilespmem:$0x19E00] =	vst v63  }
0x32b: {  	s22 =	sadd.s32 $0x60, s21;
	s31 =	simm.s32 $0x154B0  }
0x32c: {  	[hbm4b:s22+s3] =	stream.linear.scatter [tilespmem:s31], [sflag:$0x6], $0x80, $0x38;
	[tilespmem:$0x19E00] =	vst v63  }
0x32d: {  	s21 =	sadd.s32 $0x70, s21;
	s31 =	simm.s32 $0x15538  }
0x32e: {  	[hbm4b:s21+s3] =	stream.linear.scatter [tilespmem:s31], [sflag:$0x6], $0x80, $0x38;
	[tilespmem:$0x19E00] =	vst v63  }
0x32f: {  	s19 =	sadd.s32 s19, s14;
	s31 =	simm.s32 $0x155C0  }
0x330: {  	[hbm4b:s19+s3] =	stream.linear.scatter [tilespmem:s31], [sflag:$0x6], $0x80, $0x38;
	[tilespmem:$0x19E00] =	vst v63  }
0x331: {  	s22 =	sadd.s32 $0x10, s19;
	s31 =	simm.s32 $0x15648  }
0x332: {  	[hbm4b:s22+s3] =	stream.linear.scatter [tilespmem:s31], [sflag:$0x6], $0x80, $0x38;
	[tilespmem:$0x19E00] =	vst v63  }
0x333: {  	s22 =	sadd.s32 $0x20, s19;
	s31 =	simm.s32 $0x156D0  }
0x334: {  	[hbm4b:s22+s3] =	stream.linear.scatter [tilespmem:s31], [sflag:$0x6], $0x80, $0x38;
	[tilespmem:$0x19E00] =	vst v63  }
0x335: {  	s22 =	sadd.s32 $0x30, s19;
	s31 =	simm.s32 $0x15758  }
0x336: {  	[hbm4b:s22+s3] =	stream.linear.scatter [tilespmem:s31], [sflag:$0x6], $0x80, $0x38;
	[tilespmem:$0x19E00] =	vst v63  }
0x337: {  	s22 =	sadd.s32 $0x40, s19;
	s31 =	simm.s32 $0x157E0  }
0x338: {  	[hbm4b:s22+s3] =	stream.linear.scatter [tilespmem:s31], [sflag:$0x6], $0x80, $0x38;
	[tilespmem:$0x19E00] =	vst v63  }
0x339: {  	s22 =	sadd.s32 $0x50, s19;
	s31 =	simm.s32 $0x15868  }
0x33a: {  	[hbm4b:s22+s3] =	stream.linear.scatter [tilespmem:s31], [sflag:$0x6], $0x80, $0x38;
	[tilespmem:$0x19E00] =	vst v63  }
0x33b: {  	s22 =	sadd.s32 $0x60, s19;
	s31 =	simm.s32 $0x158F0  }
0x33c: {  	[hbm4b:s22+s3] =	stream.linear.scatter [tilespmem:s31], [sflag:$0x6], $0x80, $0x38;
	[tilespmem:$0x19E00] =	vst v63  }
0x33d: {  	s19 =	sadd.s32 $0x70, s19;
	s31 =	simm.s32 $0x15978  }
0x33e: {  	[hbm4b:s19+s3] =	stream.linear.scatter [tilespmem:s31], [sflag:$0x6], $0x80, $0x38;
	[tilespmem:$0x19E00] =	vst v63  }
0x33f: {  	s19 =	sor.u32 $0x3, s18  }
0x340: {  	s22 =	sshll.u32 s19, $0x7  }
0x341: {  	s21 =	sand.u32 $0x380, s22  }
0x342: {  	s31 =	simm.s32 $0xF600;
	s7 =	sadd.s32 s21, s7  }
0x343: {  	[tilespmem:s31], [sflag:$0x4] =	stream.indirect.gather [hbm4b:s5+s20], $0x40, s7, s20, $0xb8;
	[tilespmem:$0x19E00] =	vst v63  }
0x344: {  	_ =	swait.ge [sflag:s28], $0x2000  }
0x345: {  	[sflag:s28] =	ssyncset.done $0x0  }
0x346: {  	s7 =	simm.s32 @!p0 $0x7;
	[sflag:s28] =	ssyncadd.s32 $0xFFFFE000  }
0x347: {  	_ =	swait.ge @!p0 [sflag:s7], $0x400  }
0x348: {  	[sflag:s7] =	ssyncset.done @!p0 $0x0  }
0x349: {  	[sflag:s7] =	ssyncadd.s32 @!p0 $0xFFFFFC00  }
0x34a: {  	_ =	swait.ge @!p0 [sflag:s7], $0x400  }
0x34b: {  	[sflag:s7] =	ssyncset.done @!p0 $0x0  }
0x34c: {  	[sflag:s7] =	ssyncadd.s32 @!p0 $0xFFFFFC00  }
0x34d: {  	_ =	swait.ge @!p0 [sflag:s7], $0x400  }
0x34e: {  	[sflag:s7] =	ssyncset.done @!p0 $0x0  }
0x34f: {  	[sflag:s7] =	ssyncadd.s32 @!p0 $0xFFFFFC00  }
0x350: {  	_ =	swait.ge @!p0 [sflag:s7], $0x400  }
0x351: {  	[sflag:s7] =	ssyncset.done @!p0 $0x0  }
0x352: {  	[sflag:s7] =	ssyncadd.s32 @!p0 $0xFFFFFC00  }
0x353: {  	_ =	swait.ge @!p0 [sflag:s7], $0x400  }
0x354: {  	[sflag:s7] =	ssyncset.done @!p0 $0x0  }
0x355: {  	[sflag:s7] =	ssyncadd.s32 @!p0 $0xFFFFFC00  }
0x356: {  	_ =	swait.ge @!p0 [sflag:s7], $0x400  }
0x357: {  	[sflag:s7] =	ssyncset.done @!p0 $0x0  }
0x358: {  	[sflag:s7] =	ssyncadd.s32 @!p0 $0xFFFFFC00  }
0x359: {  	_ =	swait.ge @!p0 [sflag:s7], $0x400  }
0x35a: {  	[sflag:s7] =	ssyncset.done @!p0 $0x0  }
0x35b: {  	[sflag:s7] =	ssyncadd.s32 @!p0 $0xFFFFFC00  }
0x35c: {  	_ =	swait.ge @!p0 [sflag:s7], $0x400  }
0x35d: {  	s22 =	sshll.u32 s6, $0x6;
	[sflag:s7] =	ssyncset.done @!p0 $0x0  }
0x35e: {  	s31 =	sand.u32 $0x3FFFFFC0, s22;
	[sflag:s7] =	ssyncadd.s32 @!p0 $0xFFFFFC00  }
0x35f: {  	v33 =	vld [tilespmem:s31+$0x6400]  }
0x360: {  	v34 =	vld [tilespmem:s31+$0x6410]  }
0x361: {  	v35 =	vld [tilespmem:s31+$0x6420]  }
0x362: {  	s21 =	simm.s32 $0xD700;
	s7 =	simm.s32 $0x0;
	v36 =	vld [tilespmem:s31+$0x6430]  }
.LBB2_7:
0x363: {  	v37 =	vmov s7  }
0x364: {  	v38 =	vld [tilespmem:s21+$0xFFFFFF00];
	v37 =	vshrl.u32 v37, $0x3  }
0x365: {  	v37 =	vshll.u32 v37, v1  }
0x366: {  	v37 =	vbroadcast v37, $0x0;
	_ =	sdelay $0x1  }
0x367: {  	v39 =	vadd.s32 v0, v37  }
0x368: {  	v38 =	vmul.f32 $8.000000000e+00, v38;
	_ =	sdelay $0x1  }
0x369: {  	v38 =	vadd.f32 v38, v33;
	_ =	sdelay $0x1  }
0x36a: {  	[tilespmem:v39+s29+$0x0] =	vst.idx.msk $0xffff, v38  }
0x36b: {  	v38 =	vld [tilespmem:s21+$0xFFFFFF10];
	_ =	sdelay $0x3  }
0x36c: {  	v56 =	vadd.s32 v2, v37  }
0x36d: {  	v38 =	vmul.f32 $8.000000000e+00, v38;
	_ =	sdelay $0x1  }
0x36e: {  	v38 =	vadd.f32 v38, v34;
	_ =	sdelay $0x1  }
0x36f: {  	[tilespmem:v56+s29+$0x0] =	vst.idx.msk $0xffff, v38  }
0x370: {  	v38 =	vld [tilespmem:s21+$0xFFFFFF20];
	_ =	sdelay $0x3  }
0x371: {  	v57 =	vadd.s32 v3, v37  }
0x372: {  	v38 =	vmul.f32 $8.000000000e+00, v38;
	_ =	sdelay $0x1  }
0x373: {  	v38 =	vadd.f32 v38, v35;
	_ =	sdelay $0x1  }
0x374: {  	[tilespmem:v57+s29+$0x0] =	vst.idx.msk $0xffff, v38  }
0x375: {  	v38 =	vld [tilespmem:s21+$0xFFFFFF30];
	_ =	sdelay $0x3  }
0x376: {  	v37 =	vadd.s32 v4, v37  }
0x377: {  	v38 =	vmul.f32 $8.000000000e+00, v38;
	_ =	sdelay $0x1  }
0x378: {  	v38 =	vadd.f32 v38, v36  }
0x379: {  	s22 =	sadd.s32 $0x1, s7  }
0x37a: {  	v58 =	vmov s22;
	[tilespmem:v37+s29+$0x0] =	vst.idx.msk $0xffff, v38  }
0x37b: {  	v37 =	vshrl.u32 v58, $0x3;
	v38 =	vld [tilespmem:s21+$0xFFFFFF40]  }
0x37c: {  	v37 =	vshll.u32 v37, v1  }
0x37d: {  	v37 =	vbroadcast v37, $0x0;
	_ =	sdelay $0x1  }
0x37e: {  	v59 =	vadd.s32 v5, v37  }
0x37f: {  	v38 =	vmul.f32 $8.000000000e+00, v38;
	_ =	sdelay $0x1  }
0x380: {  	v38 =	vadd.f32 v38, v33;
	_ =	sdelay $0x1  }
0x381: {  	[tilespmem:v59+s29+$0x0] =	vst.idx.msk $0xffff, v38  }
0x382: {  	v38 =	vld [tilespmem:s21+$0xFFFFFF50];
	_ =	sdelay $0x3  }
0x383: {  	v60 =	vadd.s32 v6, v37  }
0x384: {  	v38 =	vmul.f32 $8.000000000e+00, v38;
	_ =	sdelay $0x1  }
0x385: {  	v38 =	vadd.f32 v38, v34;
	_ =	sdelay $0x1  }
0x386: {  	[tilespmem:v60+s29+$0x0] =	vst.idx.msk $0xffff, v38  }
0x387: {  	v38 =	vld [tilespmem:s21+$0xFFFFFF60];
	_ =	sdelay $0x3  }
0x388: {  	v61 =	vadd.s32 v7, v37  }
0x389: {  	v38 =	vmul.f32 $8.000000000e+00, v38;
	_ =	sdelay $0x1  }
0x38a: {  	v38 =	vadd.f32 v38, v35;
	_ =	sdelay $0x1  }
0x38b: {  	[tilespmem:v61+s29+$0x0] =	vst.idx.msk $0xffff, v38  }
0x38c: {  	v38 =	vld [tilespmem:s21+$0xFFFFFF70];
	_ =	sdelay $0x3  }
0x38d: {  	v37 =	vadd.s32 v8, v37  }
0x38e: {  	v38 =	vmul.f32 $8.000000000e+00, v38;
	_ =	sdelay $0x1  }
0x38f: {  	v38 =	vadd.f32 v38, v36  }
0x390: {  	s31 =	sadd.s32 $0x2, s7  }
0x391: {  	v62 =	vmov s31;
	[tilespmem:v37+s29+$0x0] =	vst.idx.msk $0xffff, v38  }
0x392: {  	v37 =	vshrl.u32 v62, $0x3;
	v38 =	vld [tilespmem:s21+$0xFFFFFF80]  }
0x393: {  	v37 =	vshll.u32 v37, v1  }
0x394: {  	v37 =	vbroadcast v37, $0x0;
	_ =	sdelay $0x1  }
0x395: {  	v63 =	vadd.s32 v9, v37  }
0x396: {  	v38 =	vmul.f32 $8.000000000e+00, v38;
	_ =	sdelay $0x1  }
0x397: {  	v38 =	vadd.f32 v38, v33;
	_ =	sdelay $0x1  }
0x398: {  	[tilespmem:v63+s29+$0x0] =	vst.idx.msk $0xffff, v38  }
0x399: {  	v38 =	vld [tilespmem:s21+$0xFFFFFF90];
	_ =	sdelay $0x3  }
0x39a: {  	v42 =	vadd.s32 v10, v37  }
0x39b: {  	v38 =	vmul.f32 $8.000000000e+00, v38;
	_ =	sdelay $0x1  }
0x39c: {  	v38 =	vadd.f32 v38, v34;
	_ =	sdelay $0x1  }
0x39d: {  	[tilespmem:v42+s29+$0x0] =	vst.idx.msk $0xffff, v38  }
0x39e: {  	v38 =	vld [tilespmem:s21+$0xFFFFFFA0];
	_ =	sdelay $0x3  }
0x39f: {  	v43 =	vadd.s32 v11, v37  }
0x3a0: {  	v38 =	vmul.f32 $8.000000000e+00, v38;
	_ =	sdelay $0x1  }
0x3a1: {  	v38 =	vadd.f32 v38, v35;
	_ =	sdelay $0x1  }
0x3a2: {  	[tilespmem:v43+s29+$0x0] =	vst.idx.msk $0xffff, v38  }
0x3a3: {  	v38 =	vld [tilespmem:s21+$0xFFFFFFB0];
	_ =	sdelay $0x3  }
0x3a4: {  	v37 =	vadd.s32 v12, v37  }
0x3a5: {  	v38 =	vmul.f32 $8.000000000e+00, v38;
	_ =	sdelay $0x1  }
0x3a6: {  	v38 =	vadd.f32 v38, v36  }
0x3a7: {  	s31 =	sadd.s32 $0x3, s7  }
0x3a8: {  	v44 =	vmov s31;
	[tilespmem:v37+s29+$0x0] =	vst.idx.msk $0xffff, v38  }
0x3a9: {  	v37 =	vshrl.u32 v44, $0x3;
	v38 =	vld [tilespmem:s21+$0xFFFFFFC0]  }
0x3aa: {  	v37 =	vshll.u32 v37, v1  }
0x3ab: {  	v37 =	vbroadcast v37, $0x0;
	_ =	sdelay $0x1  }
0x3ac: {  	v45 =	vadd.s32 v13, v37  }
0x3ad: {  	v38 =	vmul.f32 $8.000000000e+00, v38;
	_ =	sdelay $0x1  }
0x3ae: {  	v38 =	vadd.f32 v38, v33;
	_ =	sdelay $0x1  }
0x3af: {  	[tilespmem:v45+s29+$0x0] =	vst.idx.msk $0xffff, v38  }
0x3b0: {  	v38 =	vld [tilespmem:s21+$0xFFFFFFD0];
	_ =	sdelay $0x3  }
0x3b1: {  	v46 =	vadd.s32 v14, v37  }
0x3b2: {  	v38 =	vmul.f32 $8.000000000e+00, v38;
	_ =	sdelay $0x1  }
0x3b3: {  	v38 =	vadd.f32 v38, v34;
	_ =	sdelay $0x1  }
0x3b4: {  	[tilespmem:v46+s29+$0x0] =	vst.idx.msk $0xffff, v38  }
0x3b5: {  	v38 =	vld [tilespmem:s21+$0xFFFFFFE0];
	_ =	sdelay $0x3  }
0x3b6: {  	v47 =	vadd.s32 v15, v37  }
0x3b7: {  	v38 =	vmul.f32 $8.000000000e+00, v38;
	_ =	sdelay $0x1  }
0x3b8: {  	v38 =	vadd.f32 v38, v35;
	_ =	sdelay $0x1  }
0x3b9: {  	[tilespmem:v47+s29+$0x0] =	vst.idx.msk $0xffff, v38  }
0x3ba: {  	v38 =	vld [tilespmem:s21+$0xFFFFFFF0];
	_ =	sdelay $0x3  }
0x3bb: {  	v37 =	vadd.s32 v16, v37  }
0x3bc: {  	v38 =	vmul.f32 $8.000000000e+00, v38;
	_ =	sdelay $0x1  }
0x3bd: {  	v38 =	vadd.f32 v38, v36  }
0x3be: {  	s31 =	sadd.s32 $0x4, s7  }
0x3bf: {  	v48 =	vmov s31;
	[tilespmem:v37+s29+$0x0] =	vst.idx.msk $0xffff, v38  }
0x3c0: {  	v37 =	vshrl.u32 v48, $0x3;
	v38 =	vld [tilespmem:s21+$0x0]  }
0x3c1: {  	v37 =	vshll.u32 v37, v1  }
0x3c2: {  	v37 =	vbroadcast v37, $0x0;
	_ =	sdelay $0x1  }
0x3c3: {  	v49 =	vadd.s32 v17, v37  }
0x3c4: {  	v38 =	vmul.f32 $8.000000000e+00, v38;
	_ =	sdelay $0x1  }
0x3c5: {  	v38 =	vadd.f32 v38, v33;
	_ =	sdelay $0x1  }
0x3c6: {  	[tilespmem:v49+s29+$0x0] =	vst.idx.msk $0xffff, v38  }
0x3c7: {  	v38 =	vld [tilespmem:s21+$0x10];
	_ =	sdelay $0x3  }
0x3c8: {  	v50 =	vadd.s32 v18, v37  }
0x3c9: {  	v38 =	vmul.f32 $8.000000000e+00, v38;
	_ =	sdelay $0x1  }
0x3ca: {  	v38 =	vadd.f32 v38, v34;
	_ =	sdelay $0x1  }
0x3cb: {  	[tilespmem:v50+s29+$0x0] =	vst.idx.msk $0xffff, v38  }
0x3cc: {  	v38 =	vld [tilespmem:s21+$0x20];
	_ =	sdelay $0x3  }
0x3cd: {  	v51 =	vadd.s32 v19, v37  }
0x3ce: {  	v38 =	vmul.f32 $8.000000000e+00, v38;
	_ =	sdelay $0x1  }
0x3cf: {  	v38 =	vadd.f32 v38, v35;
	_ =	sdelay $0x1  }
0x3d0: {  	[tilespmem:v51+s29+$0x0] =	vst.idx.msk $0xffff, v38  }
0x3d1: {  	v38 =	vld [tilespmem:s21+$0x30];
	_ =	sdelay $0x3  }
0x3d2: {  	v37 =	vadd.s32 v20, v37  }
0x3d3: {  	v38 =	vmul.f32 $8.000000000e+00, v38;
	_ =	sdelay $0x1  }
0x3d4: {  	v38 =	vadd.f32 v38, v36  }
0x3d5: {  	s31 =	sadd.s32 $0x5, s7  }
0x3d6: {  	v52 =	vmov s31;
	[tilespmem:v37+s29+$0x0] =	vst.idx.msk $0xffff, v38  }
0x3d7: {  	v37 =	vshrl.u32 v52, $0x3;
	v38 =	vld [tilespmem:s21+$0x40]  }
0x3d8: {  	v37 =	vshll.u32 v37, v1  }
0x3d9: {  	v37 =	vbroadcast v37, $0x0;
	_ =	sdelay $0x1  }
0x3da: {  	v53 =	vadd.s32 v21, v37  }
0x3db: {  	v38 =	vmul.f32 $8.000000000e+00, v38;
	_ =	sdelay $0x1  }
0x3dc: {  	v38 =	vadd.f32 v38, v33;
	_ =	sdelay $0x1  }
0x3dd: {  	[tilespmem:v53+s29+$0x0] =	vst.idx.msk $0xffff, v38  }
0x3de: {  	v38 =	vld [tilespmem:s21+$0x50];
	_ =	sdelay $0x3  }
0x3df: {  	v54 =	vadd.s32 v22, v37  }
0x3e0: {  	v38 =	vmul.f32 $8.000000000e+00, v38;
	_ =	sdelay $0x1  }
0x3e1: {  	v38 =	vadd.f32 v38, v34;
	_ =	sdelay $0x1  }
0x3e2: {  	[tilespmem:v54+s29+$0x0] =	vst.idx.msk $0xffff, v38  }
0x3e3: {  	v38 =	vld [tilespmem:s21+$0x60];
	_ =	sdelay $0x3  }
0x3e4: {  	v55 =	vadd.s32 v23, v37  }
0x3e5: {  	v38 =	vmul.f32 $8.000000000e+00, v38;
	_ =	sdelay $0x1  }
0x3e6: {  	v38 =	vadd.f32 v38, v35;
	_ =	sdelay $0x1  }
0x3e7: {  	[tilespmem:v55+s29+$0x0] =	vst.idx.msk $0xffff, v38  }
0x3e8: {  	v38 =	vld [tilespmem:s21+$0x70];
	_ =	sdelay $0x3  }
0x3e9: {  	v37 =	vadd.s32 v24, v37  }
0x3ea: {  	v38 =	vmul.f32 $8.000000000e+00, v38;
	_ =	sdelay $0x1  }
0x3eb: {  	v38 =	vadd.f32 v38, v36  }
0x3ec: {  	s31 =	sadd.s32 $0x6, s7  }
0x3ed: {  	v56 =	vmov s31;
	[tilespmem:v37+s29+$0x0] =	vst.idx.msk $0xffff, v38  }
0x3ee: {  	v37 =	vshrl.u32 v56, $0x3;
	v38 =	vld [tilespmem:s21+$0x80]  }
0x3ef: {  	v37 =	vshll.u32 v37, v1  }
0x3f0: {  	v37 =	vbroadcast v37, $0x0;
	_ =	sdelay $0x1  }
0x3f1: {  	v57 =	vadd.s32 v25, v37  }
0x3f2: {  	v38 =	vmul.f32 $8.000000000e+00, v38;
	_ =	sdelay $0x1  }
0x3f3: {  	v38 =	vadd.f32 v38, v33;
	_ =	sdelay $0x1  }
0x3f4: {  	[tilespmem:v57+s29+$0x0] =	vst.idx.msk $0xffff, v38  }
0x3f5: {  	v38 =	vld [tilespmem:s21+$0x90];
	_ =	sdelay $0x3  }
0x3f6: {  	v58 =	vadd.s32 v26, v37  }
0x3f7: {  	v38 =	vmul.f32 $8.000000000e+00, v38;
	_ =	sdelay $0x1  }
0x3f8: {  	v38 =	vadd.f32 v38, v34;
	_ =	sdelay $0x1  }
0x3f9: {  	[tilespmem:v58+s29+$0x0] =	vst.idx.msk $0xffff, v38  }
0x3fa: {  	v38 =	vld [tilespmem:s21+$0xA0];
	_ =	sdelay $0x3  }
0x3fb: {  	v59 =	vadd.s32 v27, v37  }
0x3fc: {  	v38 =	vmul.f32 $8.000000000e+00, v38;
	_ =	sdelay $0x1  }
0x3fd: {  	v38 =	vadd.f32 v38, v35;
	_ =	sdelay $0x1  }
0x3fe: {  	[tilespmem:v59+s29+$0x0] =	vst.idx.msk $0xffff, v38  }
0x3ff: {  	v38 =	vld [tilespmem:s21+$0xB0];
	_ =	sdelay $0x3  }
0x400: {  	v37 =	vadd.s32 v28, v37  }
0x401: {  	v38 =	vmul.f32 $8.000000000e+00, v38;
	_ =	sdelay $0x1  }
0x402: {  	v38 =	vadd.f32 v38, v36  }
0x403: {  	s31 =	sadd.s32 $0x7, s7  }
0x404: {  	v60 =	vmov s31;
	[tilespmem:v37+s29+$0x0] =	vst.idx.msk $0xffff, v38  }
0x405: {  	v37 =	vshrl.u32 v60, $0x3;
	v38 =	vld [tilespmem:s21+$0xC0]  }
0x406: {  	v37 =	vshll.u32 v37, v1  }
0x407: {  	v37 =	vbroadcast v37, $0x0;
	_ =	sdelay $0x1  }
0x408: {  	v61 =	vadd.s32 v29, v37  }
0x409: {  	v38 =	vmul.f32 $8.000000000e+00, v38;
	_ =	sdelay $0x1  }
0x40a: {  	v38 =	vadd.f32 v38, v33;
	_ =	sdelay $0x1  }
0x40b: {  	[tilespmem:v61+s29+$0x0] =	vst.idx.msk $0xffff, v38  }
0x40c: {  	v38 =	vld [tilespmem:s21+$0xD0];
	_ =	sdelay $0x3  }
0x40d: {  	v62 =	vadd.s32 v30, v37  }
0x40e: {  	v38 =	vmul.f32 $8.000000000e+00, v38;
	_ =	sdelay $0x1  }
0x40f: {  	v38 =	vadd.f32 v38, v34;
	_ =	sdelay $0x1  }
0x410: {  	[tilespmem:v62+s29+$0x0] =	vst.idx.msk $0xffff, v38  }
0x411: {  	v38 =	vld [tilespmem:s21+$0xE0];
	_ =	sdelay $0x3  }
0x412: {  	v63 =	vadd.s32 v31, v37  }
0x413: {  	v38 =	vmul.f32 $8.000000000e+00, v38;
	_ =	sdelay $0x1  }
0x414: {  	v38 =	vadd.f32 v38, v35;
	_ =	sdelay $0x1  }
0x415: {  	[tilespmem:v63+s29+$0x0] =	vst.idx.msk $0xffff, v38  }
0x416: {  	v38 =	vld [tilespmem:s21+$0xF0];
	_ =	sdelay $0x3  }
0x417: {  	p1 =	slt.u32 s7, $0x78;
	v37 =	vadd.s32 v32, v37  }
.Ltmp4:
0x418: {  	v38 =	vmul.f32 $8.000000000e+00, v38;
	(pc) =	sbr.rel @p1 .LBB2_7-.Ltmp4, $3  }
0x419: {  	_ = 	snop  }
0x41a: {  	v38 =	vadd.f32 v38, v36;
	_ =	sdelay $0x1  }
0x41b: {  	s7 =	sadd.s32 $0x8, s7;
	s21 =	sadd.s32 $0x200, s21;
	[tilespmem:v37+s29+$0x0] =	vst.idx.msk $0xffff, v38  }
0x41c: {  	s6 =	sshll.u32 s6, $0x12  }
0x41d: {  	s6 =	sor.u32 s4, s6  }
0x41e: {  	s6 =	sshrl.u32 s6, $0x3  }
0x41f: {  	s7 =	sadd.s32 s2, s6  }
0x420: {  	[hbm4b:s7+s3] =	stream.linear.scatter [tilespmem:s29], [sflag:$0x7], $0x80, $0x38;
	[tilespmem:$0x19E00] =	vst v63  }
0x421: {  	s22 =	simm.s32 $0x15A88;
	s21 =	sadd.s32 $0x10, s7  }
0x422: {  	[hbm4b:s21+s3] =	stream.linear.scatter [tilespmem:s22], [sflag:$0x7], $0x80, $0x38;
	[tilespmem:$0x19E00] =	vst v63  }
0x423: {  	s31 =	simm.s32 $0x15B10;
	s22 =	sadd.s32 $0x20, s7  }
0x424: {  	[hbm4b:s22+s3] =	stream.linear.scatter [tilespmem:s31], [sflag:$0x7], $0x80, $0x38;
	[tilespmem:$0x19E00] =	vst v63  }
0x425: {  	s22 =	sadd.s32 $0x30, s7;
	s31 =	simm.s32 $0x15B98  }
0x426: {  	[hbm4b:s22+s3] =	stream.linear.scatter [tilespmem:s31], [sflag:$0x7], $0x80, $0x38;
	[tilespmem:$0x19E00] =	vst v63  }
0x427: {  	s22 =	sadd.s32 $0x40, s7;
	s31 =	simm.s32 $0x15C20  }
0x428: {  	[hbm4b:s22+s3] =	stream.linear.scatter [tilespmem:s31], [sflag:$0x7], $0x80, $0x38;
	[tilespmem:$0x19E00] =	vst v63  }
0x429: {  	s22 =	sadd.s32 $0x50, s7;
	s31 =	simm.s32 $0x15CA8  }
0x42a: {  	[hbm4b:s22+s3] =	stream.linear.scatter [tilespmem:s31], [sflag:$0x7], $0x80, $0x38;
	[tilespmem:$0x19E00] =	vst v63  }
0x42b: {  	s22 =	sadd.s32 $0x60, s7;
	s31 =	simm.s32 $0x15D30  }
0x42c: {  	[hbm4b:s22+s3] =	stream.linear.scatter [tilespmem:s31], [sflag:$0x7], $0x80, $0x38;
	[tilespmem:$0x19E00] =	vst v63  }
0x42d: {  	s7 =	sadd.s32 $0x70, s7;
	s22 =	simm.s32 $0x15DB8  }
0x42e: {  	[hbm4b:s7+s3] =	stream.linear.scatter [tilespmem:s22], [sflag:$0x7], $0x80, $0x38;
	[tilespmem:$0x19E00] =	vst v63  }
0x42f: {  	s31 =	simm.s32 $0x15E40;
	s7 =	sadd.s32 s6, s8  }
0x430: {  	[hbm4b:s7+s3] =	stream.linear.scatter [tilespmem:s31], [sflag:$0x7], $0x80, $0x38;
	[tilespmem:$0x19E00] =	vst v63  }
0x431: {  	s22 =	sadd.s32 $0x10, s7;
	s31 =	simm.s32 $0x15EC8  }
0x432: {  	[hbm4b:s22+s3] =	stream.linear.scatter [tilespmem:s31], [sflag:$0x7], $0x80, $0x38;
	[tilespmem:$0x19E00] =	vst v63  }
0x433: {  	s22 =	sadd.s32 $0x20, s7;
	s31 =	simm.s32 $0x15F50  }
0x434: {  	[hbm4b:s22+s3] =	stream.linear.scatter [tilespmem:s31], [sflag:$0x7], $0x80, $0x38;
	[tilespmem:$0x19E00] =	vst v63  }
0x435: {  	s22 =	sadd.s32 $0x30, s7;
	s31 =	simm.s32 $0x15FD8  }
0x436: {  	[hbm4b:s22+s3] =	stream.linear.scatter [tilespmem:s31], [sflag:$0x7], $0x80, $0x38;
	[tilespmem:$0x19E00] =	vst v63  }
0x437: {  	s22 =	sadd.s32 $0x40, s7;
	s31 =	simm.s32 $0x16060  }
0x438: {  	[hbm4b:s22+s3] =	stream.linear.scatter [tilespmem:s31], [sflag:$0x7], $0x80, $0x38;
	[tilespmem:$0x19E00] =	vst v63  }
0x439: {  	s22 =	sadd.s32 $0x50, s7;
	s31 =	simm.s32 $0x160E8  }
0x43a: {  	[hbm4b:s22+s3] =	stream.linear.scatter [tilespmem:s31], [sflag:$0x7], $0x80, $0x38;
	[tilespmem:$0x19E00] =	vst v63  }
0x43b: {  	s22 =	sadd.s32 $0x60, s7;
	s31 =	simm.s32 $0x16170  }
0x43c: {  	[hbm4b:s22+s3] =	stream.linear.scatter [tilespmem:s31], [sflag:$0x7], $0x80, $0x38;
	[tilespmem:$0x19E00] =	vst v63  }
0x43d: {  	s7 =	sadd.s32 $0x70, s7;
	s22 =	simm.s32 $0x161F8  }
0x43e: {  	[hbm4b:s7+s3] =	stream.linear.scatter [tilespmem:s22], [sflag:$0x7], $0x80, $0x38;
	[tilespmem:$0x19E00] =	vst v63  }
0x43f: {  	s31 =	simm.s32 $0x16280;
	s7 =	sadd.s32 s6, s9  }
0x440: {  	[hbm4b:s7+s3] =	stream.linear.scatter [tilespmem:s31], [sflag:$0x7], $0x80, $0x38;
	[tilespmem:$0x19E00] =	vst v63  }
0x441: {  	s22 =	sadd.s32 $0x10, s7;
	s31 =	simm.s32 $0x16308  }
0x442: {  	[hbm4b:s22+s3] =	stream.linear.scatter [tilespmem:s31], [sflag:$0x7], $0x80, $0x38;
	[tilespmem:$0x19E00] =	vst v63  }
0x443: {  	s22 =	sadd.s32 $0x20, s7;
	s31 =	simm.s32 $0x16390  }
0x444: {  	[hbm4b:s22+s3] =	stream.linear.scatter [tilespmem:s31], [sflag:$0x7], $0x80, $0x38;
	[tilespmem:$0x19E00] =	vst v63  }
0x445: {  	s22 =	sadd.s32 $0x30, s7;
	s31 =	simm.s32 $0x16418  }
0x446: {  	[hbm4b:s22+s3] =	stream.linear.scatter [tilespmem:s31], [sflag:$0x7], $0x80, $0x38;
	[tilespmem:$0x19E00] =	vst v63  }
0x447: {  	s22 =	sadd.s32 $0x40, s7;
	s31 =	simm.s32 $0x164A0  }
0x448: {  	[hbm4b:s22+s3] =	stream.linear.scatter [tilespmem:s31], [sflag:$0x7], $0x80, $0x38;
	[tilespmem:$0x19E00] =	vst v63  }
0x449: {  	s22 =	sadd.s32 $0x50, s7;
	s31 =	simm.s32 $0x16528  }
0x44a: {  	[hbm4b:s22+s3] =	stream.linear.scatter [tilespmem:s31], [sflag:$0x7], $0x80, $0x38;
	[tilespmem:$0x19E00] =	vst v63  }
0x44b: {  	s22 =	sadd.s32 $0x60, s7;
	s31 =	simm.s32 $0x165B0  }
0x44c: {  	[hbm4b:s22+s3] =	stream.linear.scatter [tilespmem:s31], [sflag:$0x7], $0x80, $0x38;
	[tilespmem:$0x19E00] =	vst v63  }
0x44d: {  	s7 =	sadd.s32 $0x70, s7;
	s22 =	simm.s32 $0x16638  }
0x44e: {  	[hbm4b:s7+s3] =	stream.linear.scatter [tilespmem:s22], [sflag:$0x7], $0x80, $0x38;
	[tilespmem:$0x19E00] =	vst v63  }
0x44f: {  	s31 =	simm.s32 $0x166C0;
	s7 =	sadd.s32 s6, s10  }
0x450: {  	[hbm4b:s7+s3] =	stream.linear.scatter [tilespmem:s31], [sflag:$0x7], $0x80, $0x38;
	[tilespmem:$0x19E00] =	vst v63  }
0x451: {  	s22 =	sadd.s32 $0x10, s7;
	s31 =	simm.s32 $0x16748  }
0x452: {  	[hbm4b:s22+s3] =	stream.linear.scatter [tilespmem:s31], [sflag:$0x7], $0x80, $0x38;
	[tilespmem:$0x19E00] =	vst v63  }
0x453: {  	s22 =	sadd.s32 $0x20, s7;
	s31 =	simm.s32 $0x167D0  }
0x454: {  	[hbm4b:s22+s3] =	stream.linear.scatter [tilespmem:s31], [sflag:$0x7], $0x80, $0x38;
	[tilespmem:$0x19E00] =	vst v63  }
0x455: {  	s22 =	sadd.s32 $0x30, s7;
	s31 =	simm.s32 $0x16858  }
0x456: {  	[hbm4b:s22+s3] =	stream.linear.scatter [tilespmem:s31], [sflag:$0x7], $0x80, $0x38;
	[tilespmem:$0x19E00] =	vst v63  }
0x457: {  	s22 =	sadd.s32 $0x40, s7;
	s31 =	simm.s32 $0x168E0  }
0x458: {  	[hbm4b:s22+s3] =	stream.linear.scatter [tilespmem:s31], [sflag:$0x7], $0x80, $0x38;
	[tilespmem:$0x19E00] =	vst v63  }
0x459: {  	s22 =	sadd.s32 $0x50, s7;
	s31 =	simm.s32 $0x16968  }
0x45a: {  	[hbm4b:s22+s3] =	stream.linear.scatter [tilespmem:s31], [sflag:$0x7], $0x80, $0x38;
	[tilespmem:$0x19E00] =	vst v63  }
0x45b: {  	s22 =	sadd.s32 $0x60, s7;
	s31 =	simm.s32 $0x169F0  }
0x45c: {  	[hbm4b:s22+s3] =	stream.linear.scatter [tilespmem:s31], [sflag:$0x7], $0x80, $0x38;
	[tilespmem:$0x19E00] =	vst v63  }
0x45d: {  	s7 =	sadd.s32 $0x70, s7;
	s22 =	simm.s32 $0x16A78  }
0x45e: {  	[hbm4b:s7+s3] =	stream.linear.scatter [tilespmem:s22], [sflag:$0x7], $0x80, $0x38;
	[tilespmem:$0x19E00] =	vst v63  }
0x45f: {  	s31 =	simm.s32 $0x16B00;
	s7 =	sadd.s32 s6, s11  }
0x460: {  	[hbm4b:s7+s3] =	stream.linear.scatter [tilespmem:s31], [sflag:$0x7], $0x80, $0x38;
	[tilespmem:$0x19E00] =	vst v63  }
0x461: {  	s22 =	sadd.s32 $0x10, s7;
	s31 =	simm.s32 $0x16B88  }
0x462: {  	[hbm4b:s22+s3] =	stream.linear.scatter [tilespmem:s31], [sflag:$0x7], $0x80, $0x38;
	[tilespmem:$0x19E00] =	vst v63  }
0x463: {  	s22 =	sadd.s32 $0x20, s7;
	s31 =	simm.s32 $0x16C10  }
0x464: {  	[hbm4b:s22+s3] =	stream.linear.scatter [tilespmem:s31], [sflag:$0x7], $0x80, $0x38;
	[tilespmem:$0x19E00] =	vst v63  }
0x465: {  	s22 =	sadd.s32 $0x30, s7;
	s31 =	simm.s32 $0x16C98  }
0x466: {  	[hbm4b:s22+s3] =	stream.linear.scatter [tilespmem:s31], [sflag:$0x7], $0x80, $0x38;
	[tilespmem:$0x19E00] =	vst v63  }
0x467: {  	s22 =	sadd.s32 $0x40, s7;
	s31 =	simm.s32 $0x16D20  }
0x468: {  	[hbm4b:s22+s3] =	stream.linear.scatter [tilespmem:s31], [sflag:$0x7], $0x80, $0x38;
	[tilespmem:$0x19E00] =	vst v63  }
0x469: {  	s22 =	sadd.s32 $0x50, s7;
	s31 =	simm.s32 $0x16DA8  }
0x46a: {  	[hbm4b:s22+s3] =	stream.linear.scatter [tilespmem:s31], [sflag:$0x7], $0x80, $0x38;
	[tilespmem:$0x19E00] =	vst v63  }
0x46b: {  	s22 =	sadd.s32 $0x60, s7;
	s31 =	simm.s32 $0x16E30  }
0x46c: {  	[hbm4b:s22+s3] =	stream.linear.scatter [tilespmem:s31], [sflag:$0x7], $0x80, $0x38;
	[tilespmem:$0x19E00] =	vst v63  }
0x46d: {  	s7 =	sadd.s32 $0x70, s7;
	s22 =	simm.s32 $0x16EB8  }
0x46e: {  	[hbm4b:s7+s3] =	stream.linear.scatter [tilespmem:s22], [sflag:$0x7], $0x80, $0x38;
	[tilespmem:$0x19E00] =	vst v63  }
0x46f: {  	s31 =	simm.s32 $0x16F40;
	s7 =	sadd.s32 s6, s12  }
0x470: {  	[hbm4b:s7+s3] =	stream.linear.scatter [tilespmem:s31], [sflag:$0x7], $0x80, $0x38;
	[tilespmem:$0x19E00] =	vst v63  }
0x471: {  	s22 =	sadd.s32 $0x10, s7;
	s31 =	simm.s32 $0x16FC8  }
0x472: {  	[hbm4b:s22+s3] =	stream.linear.scatter [tilespmem:s31], [sflag:$0x7], $0x80, $0x38;
	[tilespmem:$0x19E00] =	vst v63  }
0x473: {  	s22 =	sadd.s32 $0x20, s7;
	s31 =	simm.s32 $0x17050  }
0x474: {  	[hbm4b:s22+s3] =	stream.linear.scatter [tilespmem:s31], [sflag:$0x7], $0x80, $0x38;
	[tilespmem:$0x19E00] =	vst v63  }
0x475: {  	s22 =	sadd.s32 $0x30, s7;
	s31 =	simm.s32 $0x170D8  }
0x476: {  	[hbm4b:s22+s3] =	stream.linear.scatter [tilespmem:s31], [sflag:$0x7], $0x80, $0x38;
	[tilespmem:$0x19E00] =	vst v63  }
0x477: {  	s22 =	sadd.s32 $0x40, s7;
	s31 =	simm.s32 $0x17160  }
0x478: {  	[hbm4b:s22+s3] =	stream.linear.scatter [tilespmem:s31], [sflag:$0x7], $0x80, $0x38;
	[tilespmem:$0x19E00] =	vst v63  }
0x479: {  	s22 =	sadd.s32 $0x50, s7;
	s31 =	simm.s32 $0x171E8  }
0x47a: {  	[hbm4b:s22+s3] =	stream.linear.scatter [tilespmem:s31], [sflag:$0x7], $0x80, $0x38;
	[tilespmem:$0x19E00] =	vst v63  }
0x47b: {  	s22 =	sadd.s32 $0x60, s7;
	s31 =	simm.s32 $0x17270  }
0x47c: {  	[hbm4b:s22+s3] =	stream.linear.scatter [tilespmem:s31], [sflag:$0x7], $0x80, $0x38;
	[tilespmem:$0x19E00] =	vst v63  }
0x47d: {  	s7 =	sadd.s32 $0x70, s7;
	s22 =	simm.s32 $0x172F8  }
0x47e: {  	[hbm4b:s7+s3] =	stream.linear.scatter [tilespmem:s22], [sflag:$0x7], $0x80, $0x38;
	[tilespmem:$0x19E00] =	vst v63  }
0x47f: {  	s31 =	simm.s32 $0x17380;
	s7 =	sadd.s32 s6, s13  }
0x480: {  	[hbm4b:s7+s3] =	stream.linear.scatter [tilespmem:s31], [sflag:$0x7], $0x80, $0x38;
	[tilespmem:$0x19E00] =	vst v63  }
0x481: {  	s22 =	sadd.s32 $0x10, s7;
	s31 =	simm.s32 $0x17408  }
0x482: {  	[hbm4b:s22+s3] =	stream.linear.scatter [tilespmem:s31], [sflag:$0x7], $0x80, $0x38;
	[tilespmem:$0x19E00] =	vst v63  }
0x483: {  	s22 =	sadd.s32 $0x20, s7;
	s31 =	simm.s32 $0x17490  }
0x484: {  	[hbm4b:s22+s3] =	stream.linear.scatter [tilespmem:s31], [sflag:$0x7], $0x80, $0x38;
	[tilespmem:$0x19E00] =	vst v63  }
0x485: {  	s22 =	sadd.s32 $0x30, s7;
	s31 =	simm.s32 $0x17518  }
0x486: {  	[hbm4b:s22+s3] =	stream.linear.scatter [tilespmem:s31], [sflag:$0x7], $0x80, $0x38;
	[tilespmem:$0x19E00] =	vst v63  }
0x487: {  	s22 =	sadd.s32 $0x40, s7;
	s31 =	simm.s32 $0x175A0  }
0x488: {  	[hbm4b:s22+s3] =	stream.linear.scatter [tilespmem:s31], [sflag:$0x7], $0x80, $0x38;
	[tilespmem:$0x19E00] =	vst v63  }
0x489: {  	s22 =	sadd.s32 $0x50, s7;
	s31 =	simm.s32 $0x17628  }
0x48a: {  	[hbm4b:s22+s3] =	stream.linear.scatter [tilespmem:s31], [sflag:$0x7], $0x80, $0x38;
	[tilespmem:$0x19E00] =	vst v63  }
0x48b: {  	s22 =	sadd.s32 $0x60, s7;
	s31 =	simm.s32 $0x176B0  }
0x48c: {  	[hbm4b:s22+s3] =	stream.linear.scatter [tilespmem:s31], [sflag:$0x7], $0x80, $0x38;
	[tilespmem:$0x19E00] =	vst v63  }
0x48d: {  	s7 =	sadd.s32 $0x70, s7;
	s31 =	simm.s32 $0x17738  }
0x48e: {  	[hbm4b:s7+s3] =	stream.linear.scatter [tilespmem:s31], [sflag:$0x7], $0x80, $0x38;
	[tilespmem:$0x19E00] =	vst v63  }
0x48f: {  	s21 =	simm.s32 $0x177C0;
	s6 =	sadd.s32 s6, s14  }
0x490: {  	[hbm4b:s6+s3] =	stream.linear.scatter [tilespmem:s21], [sflag:$0x7], $0x80, $0x38;
	[tilespmem:$0x19E00] =	vst v63  }
0x491: {  	s22 =	sadd.s32 $0x10, s6;
	s31 =	simm.s32 $0x17848  }
0x492: {  	[hbm4b:s22+s3] =	stream.linear.scatter [tilespmem:s31], [sflag:$0x7], $0x80, $0x38;
	[tilespmem:$0x19E00] =	vst v63  }
0x493: {  	s22 =	sadd.s32 $0x20, s6;
	s31 =	simm.s32 $0x178D0  }
0x494: {  	[hbm4b:s22+s3] =	stream.linear.scatter [tilespmem:s31], [sflag:$0x7], $0x80, $0x38;
	[tilespmem:$0x19E00] =	vst v63  }
0x495: {  	s22 =	sadd.s32 $0x30, s6;
	s31 =	simm.s32 $0x17958  }
0x496: {  	[hbm4b:s22+s3] =	stream.linear.scatter [tilespmem:s31], [sflag:$0x7], $0x80, $0x38;
	[tilespmem:$0x19E00] =	vst v63  }
0x497: {  	s22 =	sadd.s32 $0x40, s6;
	s31 =	simm.s32 $0x179E0  }
0x498: {  	[hbm4b:s22+s3] =	stream.linear.scatter [tilespmem:s31], [sflag:$0x7], $0x80, $0x38;
	[tilespmem:$0x19E00] =	vst v63  }
0x499: {  	p1 =	sne.s32 s16, $0x31;
	s22 =	sadd.s32 $0x50, s6;
	s31 =	simm.s32 $0x17A68  }
0x49a: {  	[hbm4b:s22+s3] =	stream.linear.scatter [tilespmem:s31], [sflag:$0x7], $0x80, $0x38;
	[tilespmem:$0x19E00] =	vst v63  }
.Ltmp5:
0x49b: {  	_ = 	snop;
	(pc) =	sbr.rel @p1 .LBB2_10-.Ltmp5, $4  }
0x49c: {  	s21 =	sadd.s32 $0x60, s6;
	s22 =	simm.s32 $0x17AF0  }
0x49d: {  	[hbm4b:s21+s3] =	stream.linear.scatter [tilespmem:s22], [sflag:$0x7], $0x80, $0x38;
	[tilespmem:$0x19E00] =	vst v63  }
0x49e: {  	s6 =	sadd.s32 $0x70, s6;
	s31 =	simm.s32 $0x17B78  }
0x49f: {  	[hbm4b:s6+s3] =	stream.linear.scatter [tilespmem:s31], [sflag:$0x7], $0x80, $0x38;
	[tilespmem:$0x19E00] =	vst v63  }
.Ltmp6:
0x4a0: {  	(pc) =	sbr.rel .LBB2_11-.Ltmp6, $4  }
0x4a1: {  	_ = 	snop  }
0x4a2: {  	_ =	swait.ge [sflag:s25], $0x2000  }
0x4a3: {  	[sflag:s25] =	ssyncset.done $0x0  }
0x4a4: {  	[sflag:s25] =	ssyncadd.s32 $0xFFFFE000  }
.LBB2_10:
0x4a5: {  	s6 =	sshll.u32 s18, $0x7  }
0x4a6: {  	s6 =	sadd.s32 $0x200, s6  }
.Ltmp7:
0x4a7: {  	s7 =	simm.s32 $0x9600;
	s6 =	sand.u32 $0xFE00, s6;
	(pc) =	sbr.rel @p0 .LBB2_12-.Ltmp7, $4  }
0x4a8: {  	[tilespmem:s7], [sflag:$0x1] =	stream.indirect.gather [hbm4b:s5+s20], $0x40, s6, s20, $0xb8;
	[tilespmem:$0x19E00] =	vst v63  }
0x4a9: {  	_ =	swait.ge [sflag:s25], $0x2000  }
0x4aa: {  	[sflag:s25] =	ssyncset.done $0x0  }
0x4ab: {  	[sflag:s25] =	ssyncadd.s32 $0xFFFFE000  }
.LBB2_11:
0x4ac: {  	_ =	swait.ge [sflag:s26], $0x400  }
0x4ad: {  	[sflag:s26] =	ssyncset.done $0x0  }
0x4ae: {  	[sflag:s26] =	ssyncadd.s32 $0xFFFFFC00  }
0x4af: {  	_ =	swait.ge [sflag:s26], $0x400  }
0x4b0: {  	[sflag:s26] =	ssyncset.done $0x0  }
0x4b1: {  	[sflag:s26] =	ssyncadd.s32 $0xFFFFFC00  }
0x4b2: {  	_ =	swait.ge [sflag:s26], $0x400  }
0x4b3: {  	[sflag:s26] =	ssyncset.done $0x0  }
0x4b4: {  	[sflag:s26] =	ssyncadd.s32 $0xFFFFFC00  }
0x4b5: {  	_ =	swait.ge [sflag:s26], $0x400  }
0x4b6: {  	[sflag:s26] =	ssyncset.done $0x0  }
0x4b7: {  	[sflag:s26] =	ssyncadd.s32 $0xFFFFFC00  }
0x4b8: {  	_ =	swait.ge [sflag:s26], $0x400  }
0x4b9: {  	[sflag:s26] =	ssyncset.done $0x0  }
0x4ba: {  	[sflag:s26] =	ssyncadd.s32 $0xFFFFFC00  }
0x4bb: {  	_ =	swait.ge [sflag:s26], $0x400  }
0x4bc: {  	[sflag:s26] =	ssyncset.done $0x0  }
0x4bd: {  	[sflag:s26] =	ssyncadd.s32 $0xFFFFFC00  }
0x4be: {  	_ =	swait.ge [sflag:s26], $0x400  }
0x4bf: {  	[sflag:s26] =	ssyncset.done $0x0  }
0x4c0: {  	[sflag:s26] =	ssyncadd.s32 $0xFFFFFC00  }
0x4c1: {  	_ =	swait.ge [sflag:s26], $0x400  }
0x4c2: {  	[sflag:s26] =	ssyncset.done $0x0  }
0x4c3: {  	[sflag:s26] =	ssyncadd.s32 $0xFFFFFC00  }
.LBB2_12:
0x4c4: {  	s6 =	sshll.u32 s19, $0x6  }
0x4c5: {  	s6 =	sand.u32 $0x3FFFFFC0, s6  }
0x4c6: {  	v33 =	vld [tilespmem:s6+$0x6400]  }
0x4c7: {  	v34 =	vld [tilespmem:s6+$0x6410]  }
0x4c8: {  	v35 =	vld [tilespmem:s6+$0x6420]  }
0x4c9: {  	s7 =	simm.s32 $0xF700;
	v36 =	vld [tilespmem:s6+$0x6430];
	s6 =	simm.s32 $0x0  }
.LBB2_13:
0x4ca: {  	v37 =	vmov s6  }
0x4cb: {  	v38 =	vld [tilespmem:s7+$0xFFFFFF00];
	v37 =	vshrl.u32 v37, $0x3  }
0x4cc: {  	v37 =	vshll.u32 v37, v1  }
0x4cd: {  	v37 =	vbroadcast v37, $0x0;
	_ =	sdelay $0x1  }
0x4ce: {  	v39 =	vadd.s32 v0, v37  }
0x4cf: {  	v38 =	vmul.f32 $8.000000000e+00, v38;
	_ =	sdelay $0x1  }
0x4d0: {  	v38 =	vadd.f32 v38, v33;
	_ =	sdelay $0x1  }
0x4d1: {  	[tilespmem:v39+s30+$0x0] =	vst.idx.msk $0xffff, v38  }
0x4d2: {  	v38 =	vld [tilespmem:s7+$0xFFFFFF10];
	_ =	sdelay $0x3  }
0x4d3: {  	v56 =	vadd.s32 v2, v37  }
0x4d4: {  	v38 =	vmul.f32 $8.000000000e+00, v38;
	_ =	sdelay $0x1  }
0x4d5: {  	v38 =	vadd.f32 v38, v34;
	_ =	sdelay $0x1  }
0x4d6: {  	[tilespmem:v56+s30+$0x0] =	vst.idx.msk $0xffff, v38  }
0x4d7: {  	v38 =	vld [tilespmem:s7+$0xFFFFFF20];
	_ =	sdelay $0x3  }
0x4d8: {  	v57 =	vadd.s32 v3, v37  }
0x4d9: {  	v38 =	vmul.f32 $8.000000000e+00, v38;
	_ =	sdelay $0x1  }
0x4da: {  	v38 =	vadd.f32 v38, v35;
	_ =	sdelay $0x1  }
0x4db: {  	[tilespmem:v57+s30+$0x0] =	vst.idx.msk $0xffff, v38  }
0x4dc: {  	v38 =	vld [tilespmem:s7+$0xFFFFFF30];
	_ =	sdelay $0x3  }
0x4dd: {  	v37 =	vadd.s32 v4, v37  }
0x4de: {  	v38 =	vmul.f32 $8.000000000e+00, v38;
	_ =	sdelay $0x1  }
0x4df: {  	v38 =	vadd.f32 v38, v36  }
0x4e0: {  	s21 =	sadd.s32 $0x1, s6  }
0x4e1: {  	v58 =	vmov s21;
	[tilespmem:v37+s30+$0x0] =	vst.idx.msk $0xffff, v38  }
0x4e2: {  	v37 =	vshrl.u32 v58, $0x3;
	v38 =	vld [tilespmem:s7+$0xFFFFFF40]  }
0x4e3: {  	v37 =	vshll.u32 v37, v1  }
0x4e4: {  	v37 =	vbroadcast v37, $0x0;
	_ =	sdelay $0x1  }
0x4e5: {  	v59 =	vadd.s32 v5, v37  }
0x4e6: {  	v38 =	vmul.f32 $8.000000000e+00, v38;
	_ =	sdelay $0x1  }
0x4e7: {  	v38 =	vadd.f32 v38, v33;
	_ =	sdelay $0x1  }
0x4e8: {  	[tilespmem:v59+s30+$0x0] =	vst.idx.msk $0xffff, v38  }
0x4e9: {  	v38 =	vld [tilespmem:s7+$0xFFFFFF50];
	_ =	sdelay $0x3  }
0x4ea: {  	v60 =	vadd.s32 v6, v37  }
0x4eb: {  	v38 =	vmul.f32 $8.000000000e+00, v38;
	_ =	sdelay $0x1  }
0x4ec: {  	v38 =	vadd.f32 v38, v34;
	_ =	sdelay $0x1  }
0x4ed: {  	[tilespmem:v60+s30+$0x0] =	vst.idx.msk $0xffff, v38  }
0x4ee: {  	v38 =	vld [tilespmem:s7+$0xFFFFFF60];
	_ =	sdelay $0x3  }
0x4ef: {  	v61 =	vadd.s32 v7, v37  }
0x4f0: {  	v38 =	vmul.f32 $8.000000000e+00, v38;
	_ =	sdelay $0x1  }
0x4f1: {  	v38 =	vadd.f32 v38, v35;
	_ =	sdelay $0x1  }
0x4f2: {  	[tilespmem:v61+s30+$0x0] =	vst.idx.msk $0xffff, v38  }
0x4f3: {  	v38 =	vld [tilespmem:s7+$0xFFFFFF70];
	_ =	sdelay $0x3  }
0x4f4: {  	v37 =	vadd.s32 v8, v37  }
0x4f5: {  	v38 =	vmul.f32 $8.000000000e+00, v38;
	_ =	sdelay $0x1  }
0x4f6: {  	v38 =	vadd.f32 v38, v36  }
0x4f7: {  	s22 =	sadd.s32 $0x2, s6  }
0x4f8: {  	v62 =	vmov s22;
	[tilespmem:v37+s30+$0x0] =	vst.idx.msk $0xffff, v38  }
0x4f9: {  	v37 =	vshrl.u32 v62, $0x3;
	v38 =	vld [tilespmem:s7+$0xFFFFFF80]  }
0x4fa: {  	v37 =	vshll.u32 v37, v1  }
0x4fb: {  	v37 =	vbroadcast v37, $0x0;
	_ =	sdelay $0x1  }
0x4fc: {  	v63 =	vadd.s32 v9, v37  }
0x4fd: {  	v38 =	vmul.f32 $8.000000000e+00, v38;
	_ =	sdelay $0x1  }
0x4fe: {  	v38 =	vadd.f32 v38, v33;
	_ =	sdelay $0x1  }
0x4ff: {  	[tilespmem:v63+s30+$0x0] =	vst.idx.msk $0xffff, v38  }
0x500: {  	v38 =	vld [tilespmem:s7+$0xFFFFFF90];
	_ =	sdelay $0x3  }
0x501: {  	v42 =	vadd.s32 v10, v37  }
0x502: {  	v38 =	vmul.f32 $8.000000000e+00, v38;
	_ =	sdelay $0x1  }
0x503: {  	v38 =	vadd.f32 v38, v34;
	_ =	sdelay $0x1  }
0x504: {  	[tilespmem:v42+s30+$0x0] =	vst.idx.msk $0xffff, v38  }
0x505: {  	v38 =	vld [tilespmem:s7+$0xFFFFFFA0];
	_ =	sdelay $0x3  }
0x506: {  	v43 =	vadd.s32 v11, v37  }
0x507: {  	v38 =	vmul.f32 $8.000000000e+00, v38;
	_ =	sdelay $0x1  }
0x508: {  	v38 =	vadd.f32 v38, v35;
	_ =	sdelay $0x1  }
0x509: {  	[tilespmem:v43+s30+$0x0] =	vst.idx.msk $0xffff, v38  }
0x50a: {  	v38 =	vld [tilespmem:s7+$0xFFFFFFB0];
	_ =	sdelay $0x3  }
0x50b: {  	v37 =	vadd.s32 v12, v37  }
0x50c: {  	v38 =	vmul.f32 $8.000000000e+00, v38;
	_ =	sdelay $0x1  }
0x50d: {  	v38 =	vadd.f32 v38, v36  }
0x50e: {  	s31 =	sadd.s32 $0x3, s6  }
0x50f: {  	v44 =	vmov s31;
	[tilespmem:v37+s30+$0x0] =	vst.idx.msk $0xffff, v38  }
0x510: {  	v37 =	vshrl.u32 v44, $0x3;
	v38 =	vld [tilespmem:s7+$0xFFFFFFC0]  }
0x511: {  	v37 =	vshll.u32 v37, v1  }
0x512: {  	v37 =	vbroadcast v37, $0x0;
	_ =	sdelay $0x1  }
0x513: {  	v45 =	vadd.s32 v13, v37  }
0x514: {  	v38 =	vmul.f32 $8.000000000e+00, v38;
	_ =	sdelay $0x1  }
0x515: {  	v38 =	vadd.f32 v38, v33;
	_ =	sdelay $0x1  }
0x516: {  	[tilespmem:v45+s30+$0x0] =	vst.idx.msk $0xffff, v38  }
0x517: {  	v38 =	vld [tilespmem:s7+$0xFFFFFFD0];
	_ =	sdelay $0x3  }
0x518: {  	v46 =	vadd.s32 v14, v37  }
0x519: {  	v38 =	vmul.f32 $8.000000000e+00, v38;
	_ =	sdelay $0x1  }
0x51a: {  	v38 =	vadd.f32 v38, v34;
	_ =	sdelay $0x1  }
0x51b: {  	[tilespmem:v46+s30+$0x0] =	vst.idx.msk $0xffff, v38  }
0x51c: {  	v38 =	vld [tilespmem:s7+$0xFFFFFFE0];
	_ =	sdelay $0x3  }
0x51d: {  	v47 =	vadd.s32 v15, v37  }
0x51e: {  	v38 =	vmul.f32 $8.000000000e+00, v38;
	_ =	sdelay $0x1  }
0x51f: {  	v38 =	vadd.f32 v38, v35;
	_ =	sdelay $0x1  }
0x520: {  	[tilespmem:v47+s30+$0x0] =	vst.idx.msk $0xffff, v38  }
0x521: {  	v38 =	vld [tilespmem:s7+$0xFFFFFFF0];
	_ =	sdelay $0x3  }
0x522: {  	v37 =	vadd.s32 v16, v37  }
0x523: {  	v38 =	vmul.f32 $8.000000000e+00, v38;
	_ =	sdelay $0x1  }
0x524: {  	v38 =	vadd.f32 v38, v36  }
0x525: {  	s22 =	sadd.s32 $0x4, s6  }
0x526: {  	v48 =	vmov s22;
	[tilespmem:v37+s30+$0x0] =	vst.idx.msk $0xffff, v38  }
0x527: {  	v37 =	vshrl.u32 v48, $0x3;
	v38 =	vld [tilespmem:s7+$0x0]  }
0x528: {  	v37 =	vshll.u32 v37, v1  }
0x529: {  	v37 =	vbroadcast v37, $0x0;
	_ =	sdelay $0x1  }
0x52a: {  	v49 =	vadd.s32 v17, v37  }
0x52b: {  	v38 =	vmul.f32 $8.000000000e+00, v38;
	_ =	sdelay $0x1  }
0x52c: {  	v38 =	vadd.f32 v38, v33;
	_ =	sdelay $0x1  }
0x52d: {  	[tilespmem:v49+s30+$0x0] =	vst.idx.msk $0xffff, v38  }
0x52e: {  	v38 =	vld [tilespmem:s7+$0x10];
	_ =	sdelay $0x3  }
0x52f: {  	v50 =	vadd.s32 v18, v37  }
0x530: {  	v38 =	vmul.f32 $8.000000000e+00, v38;
	_ =	sdelay $0x1  }
0x531: {  	v38 =	vadd.f32 v38, v34;
	_ =	sdelay $0x1  }
0x532: {  	[tilespmem:v50+s30+$0x0] =	vst.idx.msk $0xffff, v38  }
0x533: {  	v38 =	vld [tilespmem:s7+$0x20];
	_ =	sdelay $0x3  }
0x534: {  	v51 =	vadd.s32 v19, v37  }
0x535: {  	v38 =	vmul.f32 $8.000000000e+00, v38;
	_ =	sdelay $0x1  }
0x536: {  	v38 =	vadd.f32 v38, v35;
	_ =	sdelay $0x1  }
0x537: {  	[tilespmem:v51+s30+$0x0] =	vst.idx.msk $0xffff, v38  }
0x538: {  	v38 =	vld [tilespmem:s7+$0x30];
	_ =	sdelay $0x3  }
0x539: {  	v37 =	vadd.s32 v20, v37  }
0x53a: {  	v38 =	vmul.f32 $8.000000000e+00, v38;
	_ =	sdelay $0x1  }
0x53b: {  	v38 =	vadd.f32 v38, v36  }
0x53c: {  	s31 =	sadd.s32 $0x5, s6  }
0x53d: {  	v52 =	vmov s31;
	[tilespmem:v37+s30+$0x0] =	vst.idx.msk $0xffff, v38  }
0x53e: {  	v37 =	vshrl.u32 v52, $0x3;
	v38 =	vld [tilespmem:s7+$0x40]  }
0x53f: {  	v37 =	vshll.u32 v37, v1  }
0x540: {  	v37 =	vbroadcast v37, $0x0;
	_ =	sdelay $0x1  }
0x541: {  	v53 =	vadd.s32 v21, v37  }
0x542: {  	v38 =	vmul.f32 $8.000000000e+00, v38;
	_ =	sdelay $0x1  }
0x543: {  	v38 =	vadd.f32 v38, v33;
	_ =	sdelay $0x1  }
0x544: {  	[tilespmem:v53+s30+$0x0] =	vst.idx.msk $0xffff, v38  }
0x545: {  	v38 =	vld [tilespmem:s7+$0x50];
	_ =	sdelay $0x3  }
0x546: {  	v54 =	vadd.s32 v22, v37  }
0x547: {  	v38 =	vmul.f32 $8.000000000e+00, v38;
	_ =	sdelay $0x1  }
0x548: {  	v38 =	vadd.f32 v38, v34;
	_ =	sdelay $0x1  }
0x549: {  	[tilespmem:v54+s30+$0x0] =	vst.idx.msk $0xffff, v38  }
0x54a: {  	v38 =	vld [tilespmem:s7+$0x60];
	_ =	sdelay $0x3  }
0x54b: {  	v55 =	vadd.s32 v23, v37  }
0x54c: {  	v38 =	vmul.f32 $8.000000000e+00, v38;
	_ =	sdelay $0x1  }
0x54d: {  	v38 =	vadd.f32 v38, v35;
	_ =	sdelay $0x1  }
0x54e: {  	[tilespmem:v55+s30+$0x0] =	vst.idx.msk $0xffff, v38  }
0x54f: {  	v38 =	vld [tilespmem:s7+$0x70];
	_ =	sdelay $0x3  }
0x550: {  	v37 =	vadd.s32 v24, v37  }
0x551: {  	v38 =	vmul.f32 $8.000000000e+00, v38;
	_ =	sdelay $0x1  }
0x552: {  	v38 =	vadd.f32 v38, v36  }
0x553: {  	s22 =	sadd.s32 $0x6, s6  }
0x554: {  	v56 =	vmov s22;
	[tilespmem:v37+s30+$0x0] =	vst.idx.msk $0xffff, v38  }
0x555: {  	v37 =	vshrl.u32 v56, $0x3;
	v38 =	vld [tilespmem:s7+$0x80]  }
0x556: {  	v37 =	vshll.u32 v37, v1  }
0x557: {  	v37 =	vbroadcast v37, $0x0;
	_ =	sdelay $0x1  }
0x558: {  	v57 =	vadd.s32 v25, v37  }
0x559: {  	v38 =	vmul.f32 $8.000000000e+00, v38;
	_ =	sdelay $0x1  }
0x55a: {  	v38 =	vadd.f32 v38, v33;
	_ =	sdelay $0x1  }
0x55b: {  	[tilespmem:v57+s30+$0x0] =	vst.idx.msk $0xffff, v38  }
0x55c: {  	v38 =	vld [tilespmem:s7+$0x90];
	_ =	sdelay $0x3  }
0x55d: {  	v58 =	vadd.s32 v26, v37  }
0x55e: {  	v38 =	vmul.f32 $8.000000000e+00, v38;
	_ =	sdelay $0x1  }
0x55f: {  	v38 =	vadd.f32 v38, v34;
	_ =	sdelay $0x1  }
0x560: {  	[tilespmem:v58+s30+$0x0] =	vst.idx.msk $0xffff, v38  }
0x561: {  	v38 =	vld [tilespmem:s7+$0xA0];
	_ =	sdelay $0x3  }
0x562: {  	v59 =	vadd.s32 v27, v37  }
0x563: {  	v38 =	vmul.f32 $8.000000000e+00, v38;
	_ =	sdelay $0x1  }
0x564: {  	v38 =	vadd.f32 v38, v35;
	_ =	sdelay $0x1  }
0x565: {  	[tilespmem:v59+s30+$0x0] =	vst.idx.msk $0xffff, v38  }
0x566: {  	v38 =	vld [tilespmem:s7+$0xB0];
	_ =	sdelay $0x3  }
0x567: {  	v37 =	vadd.s32 v28, v37  }
0x568: {  	v38 =	vmul.f32 $8.000000000e+00, v38;
	_ =	sdelay $0x1  }
0x569: {  	v38 =	vadd.f32 v38, v36  }
0x56a: {  	s31 =	sadd.s32 $0x7, s6  }
0x56b: {  	v60 =	vmov s31;
	[tilespmem:v37+s30+$0x0] =	vst.idx.msk $0xffff, v38  }
0x56c: {  	v37 =	vshrl.u32 v60, $0x3;
	v38 =	vld [tilespmem:s7+$0xC0]  }
0x56d: {  	v37 =	vshll.u32 v37, v1  }
0x56e: {  	v37 =	vbroadcast v37, $0x0;
	_ =	sdelay $0x1  }
0x56f: {  	v61 =	vadd.s32 v29, v37  }
0x570: {  	v38 =	vmul.f32 $8.000000000e+00, v38;
	_ =	sdelay $0x1  }
0x571: {  	v38 =	vadd.f32 v38, v33;
	_ =	sdelay $0x1  }
0x572: {  	[tilespmem:v61+s30+$0x0] =	vst.idx.msk $0xffff, v38  }
0x573: {  	v38 =	vld [tilespmem:s7+$0xD0];
	_ =	sdelay $0x3  }
0x574: {  	v62 =	vadd.s32 v30, v37  }
0x575: {  	v38 =	vmul.f32 $8.000000000e+00, v38;
	_ =	sdelay $0x1  }
0x576: {  	v38 =	vadd.f32 v38, v34;
	_ =	sdelay $0x1  }
0x577: {  	[tilespmem:v62+s30+$0x0] =	vst.idx.msk $0xffff, v38  }
0x578: {  	v38 =	vld [tilespmem:s7+$0xE0];
	_ =	sdelay $0x3  }
0x579: {  	v63 =	vadd.s32 v31, v37  }
0x57a: {  	v38 =	vmul.f32 $8.000000000e+00, v38;
	_ =	sdelay $0x1  }
0x57b: {  	v38 =	vadd.f32 v38, v35;
	_ =	sdelay $0x1  }
0x57c: {  	[tilespmem:v63+s30+$0x0] =	vst.idx.msk $0xffff, v38  }
0x57d: {  	v38 =	vld [tilespmem:s7+$0xF0];
	_ =	sdelay $0x3  }
0x57e: {  	p0 =	slt.u32 s6, $0x78;
	v37 =	vadd.s32 v32, v37  }
.Ltmp8:
0x57f: {  	v38 =	vmul.f32 $8.000000000e+00, v38;
	(pc) =	sbr.rel @p0 .LBB2_13-.Ltmp8, $3  }
0x580: {  	_ = 	snop  }
0x581: {  	v38 =	vadd.f32 v38, v36;
	_ =	sdelay $0x1  }
0x582: {  	s6 =	sadd.s32 $0x8, s6;
	s7 =	sadd.s32 $0x200, s7;
	[tilespmem:v37+s30+$0x0] =	vst.idx.msk $0xffff, v38  }
0x583: {  	s6 =	sshll.u32 s19, $0x12  }
0x584: {  	s6 =	sor.u32 s4, s6  }
0x585: {  	s6 =	sshrl.u32 s6, $0x3  }
0x586: {  	s7 =	sadd.s32 s2, s6  }
0x587: {  	[hbm4b:s7+s3] =	stream.linear.scatter [tilespmem:s30], [sflag:$0x8], $0x80, $0x38;
	[tilespmem:$0x19E00] =	vst v63  }
0x588: {  	s21 =	simm.s32 $0x17C88;
	s31 =	sadd.s32 $0x10, s7  }
0x589: {  	[hbm4b:s31+s3] =	stream.linear.scatter [tilespmem:s21], [sflag:$0x8], $0x80, $0x38;
	[tilespmem:$0x19E00] =	vst v63  }
0x58a: {  	s22 =	sadd.s32 $0x20, s7;
	s31 =	simm.s32 $0x17D10  }
0x58b: {  	[hbm4b:s22+s3] =	stream.linear.scatter [tilespmem:s31], [sflag:$0x8], $0x80, $0x38;
	[tilespmem:$0x19E00] =	vst v63  }
0x58c: {  	s22 =	sadd.s32 $0x30, s7;
	s31 =	simm.s32 $0x17D98  }
0x58d: {  	[hbm4b:s22+s3] =	stream.linear.scatter [tilespmem:s31], [sflag:$0x8], $0x80, $0x38;
	[tilespmem:$0x19E00] =	vst v63  }
0x58e: {  	s22 =	sadd.s32 $0x40, s7;
	s31 =	simm.s32 $0x17E20  }
0x58f: {  	[hbm4b:s22+s3] =	stream.linear.scatter [tilespmem:s31], [sflag:$0x8], $0x80, $0x38;
	[tilespmem:$0x19E00] =	vst v63  }
0x590: {  	s22 =	sadd.s32 $0x50, s7;
	s31 =	simm.s32 $0x17EA8  }
0x591: {  	[hbm4b:s22+s3] =	stream.linear.scatter [tilespmem:s31], [sflag:$0x8], $0x80, $0x38;
	[tilespmem:$0x19E00] =	vst v63  }
0x592: {  	s21 =	sadd.s32 $0x60, s7;
	s22 =	simm.s32 $0x17F30  }
0x593: {  	[hbm4b:s21+s3] =	stream.linear.scatter [tilespmem:s22], [sflag:$0x8], $0x80, $0x38;
	[tilespmem:$0x19E00] =	vst v63  }
0x594: {  	s7 =	sadd.s32 $0x70, s7;
	s31 =	simm.s32 $0x17FB8  }
0x595: {  	[hbm4b:s7+s3] =	stream.linear.scatter [tilespmem:s31], [sflag:$0x8], $0x80, $0x38;
	[tilespmem:$0x19E00] =	vst v63  }
0x596: {  	s21 =	simm.s32 $0x18040;
	s7 =	sadd.s32 s6, s8  }
0x597: {  	[hbm4b:s7+s3] =	stream.linear.scatter [tilespmem:s21], [sflag:$0x8], $0x80, $0x38;
	[tilespmem:$0x19E00] =	vst v63  }
0x598: {  	s31 =	simm.s32 $0x180C8;
	s22 =	sadd.s32 $0x10, s7  }
0x599: {  	[hbm4b:s22+s3] =	stream.linear.scatter [tilespmem:s31], [sflag:$0x8], $0x80, $0x38;
	[tilespmem:$0x19E00] =	vst v63  }
0x59a: {  	s22 =	sadd.s32 $0x20, s7;
	s31 =	simm.s32 $0x18150  }
0x59b: {  	[hbm4b:s22+s3] =	stream.linear.scatter [tilespmem:s31], [sflag:$0x8], $0x80, $0x38;
	[tilespmem:$0x19E00] =	vst v63  }
0x59c: {  	s22 =	sadd.s32 $0x30, s7;
	s31 =	simm.s32 $0x181D8  }
0x59d: {  	[hbm4b:s22+s3] =	stream.linear.scatter [tilespmem:s31], [sflag:$0x8], $0x80, $0x38;
	[tilespmem:$0x19E00] =	vst v63  }
0x59e: {  	s22 =	sadd.s32 $0x40, s7;
	s31 =	simm.s32 $0x18260  }
0x59f: {  	[hbm4b:s22+s3] =	stream.linear.scatter [tilespmem:s31], [sflag:$0x8], $0x80, $0x38;
	[tilespmem:$0x19E00] =	vst v63  }
0x5a0: {  	s22 =	sadd.s32 $0x50, s7;
	s31 =	simm.s32 $0x182E8  }
0x5a1: {  	[hbm4b:s22+s3] =	stream.linear.scatter [tilespmem:s31], [sflag:$0x8], $0x80, $0x38;
	[tilespmem:$0x19E00] =	vst v63  }
0x5a2: {  	s21 =	sadd.s32 $0x60, s7;
	s22 =	simm.s32 $0x18370  }
0x5a3: {  	[hbm4b:s21+s3] =	stream.linear.scatter [tilespmem:s22], [sflag:$0x8], $0x80, $0x38;
	[tilespmem:$0x19E00] =	vst v63  }
0x5a4: {  	s7 =	sadd.s32 $0x70, s7;
	s31 =	simm.s32 $0x183F8  }
0x5a5: {  	[hbm4b:s7+s3] =	stream.linear.scatter [tilespmem:s31], [sflag:$0x8], $0x80, $0x38;
	[tilespmem:$0x19E00] =	vst v63  }
0x5a6: {  	s21 =	simm.s32 $0x18480;
	s7 =	sadd.s32 s6, s9  }
0x5a7: {  	[hbm4b:s7+s3] =	stream.linear.scatter [tilespmem:s21], [sflag:$0x8], $0x80, $0x38;
	[tilespmem:$0x19E00] =	vst v63  }
0x5a8: {  	s31 =	simm.s32 $0x18508;
	s22 =	sadd.s32 $0x10, s7  }
0x5a9: {  	[hbm4b:s22+s3] =	stream.linear.scatter [tilespmem:s31], [sflag:$0x8], $0x80, $0x38;
	[tilespmem:$0x19E00] =	vst v63  }
0x5aa: {  	s22 =	sadd.s32 $0x20, s7;
	s31 =	simm.s32 $0x18590  }
0x5ab: {  	[hbm4b:s22+s3] =	stream.linear.scatter [tilespmem:s31], [sflag:$0x8], $0x80, $0x38;
	[tilespmem:$0x19E00] =	vst v63  }
0x5ac: {  	s22 =	sadd.s32 $0x30, s7;
	s31 =	simm.s32 $0x18618  }
0x5ad: {  	[hbm4b:s22+s3] =	stream.linear.scatter [tilespmem:s31], [sflag:$0x8], $0x80, $0x38;
	[tilespmem:$0x19E00] =	vst v63  }
0x5ae: {  	s22 =	sadd.s32 $0x40, s7;
	s31 =	simm.s32 $0x186A0  }
0x5af: {  	[hbm4b:s22+s3] =	stream.linear.scatter [tilespmem:s31], [sflag:$0x8], $0x80, $0x38;
	[tilespmem:$0x19E00] =	vst v63  }
0x5b0: {  	s22 =	sadd.s32 $0x50, s7;
	s31 =	simm.s32 $0x18728  }
0x5b1: {  	[hbm4b:s22+s3] =	stream.linear.scatter [tilespmem:s31], [sflag:$0x8], $0x80, $0x38;
	[tilespmem:$0x19E00] =	vst v63  }
0x5b2: {  	s21 =	sadd.s32 $0x60, s7;
	s22 =	simm.s32 $0x187B0  }
0x5b3: {  	[hbm4b:s21+s3] =	stream.linear.scatter [tilespmem:s22], [sflag:$0x8], $0x80, $0x38;
	[tilespmem:$0x19E00] =	vst v63  }
0x5b4: {  	s7 =	sadd.s32 $0x70, s7;
	s31 =	simm.s32 $0x18838  }
0x5b5: {  	[hbm4b:s7+s3] =	stream.linear.scatter [tilespmem:s31], [sflag:$0x8], $0x80, $0x38;
	[tilespmem:$0x19E00] =	vst v63  }
0x5b6: {  	s21 =	simm.s32 $0x188C0;
	s7 =	sadd.s32 s6, s10  }
0x5b7: {  	[hbm4b:s7+s3] =	stream.linear.scatter [tilespmem:s21], [sflag:$0x8], $0x80, $0x38;
	[tilespmem:$0x19E00] =	vst v63  }
0x5b8: {  	s31 =	simm.s32 $0x18948;
	s22 =	sadd.s32 $0x10, s7  }
0x5b9: {  	[hbm4b:s22+s3] =	stream.linear.scatter [tilespmem:s31], [sflag:$0x8], $0x80, $0x38;
	[tilespmem:$0x19E00] =	vst v63  }
0x5ba: {  	s22 =	sadd.s32 $0x20, s7;
	s31 =	simm.s32 $0x189D0  }
0x5bb: {  	[hbm4b:s22+s3] =	stream.linear.scatter [tilespmem:s31], [sflag:$0x8], $0x80, $0x38;
	[tilespmem:$0x19E00] =	vst v63  }
0x5bc: {  	s22 =	sadd.s32 $0x30, s7;
	s31 =	simm.s32 $0x18A58  }
0x5bd: {  	[hbm4b:s22+s3] =	stream.linear.scatter [tilespmem:s31], [sflag:$0x8], $0x80, $0x38;
	[tilespmem:$0x19E00] =	vst v63  }
0x5be: {  	s22 =	sadd.s32 $0x40, s7;
	s31 =	simm.s32 $0x18AE0  }
0x5bf: {  	[hbm4b:s22+s3] =	stream.linear.scatter [tilespmem:s31], [sflag:$0x8], $0x80, $0x38;
	[tilespmem:$0x19E00] =	vst v63  }
0x5c0: {  	s22 =	sadd.s32 $0x50, s7;
	s31 =	simm.s32 $0x18B68  }
0x5c1: {  	[hbm4b:s22+s3] =	stream.linear.scatter [tilespmem:s31], [sflag:$0x8], $0x80, $0x38;
	[tilespmem:$0x19E00] =	vst v63  }
0x5c2: {  	s22 =	sadd.s32 $0x60, s7;
	s31 =	simm.s32 $0x18BF0  }
0x5c3: {  	[hbm4b:s22+s3] =	stream.linear.scatter [tilespmem:s31], [sflag:$0x8], $0x80, $0x38;
	[tilespmem:$0x19E00] =	vst v63  }
0x5c4: {  	s21 =	simm.s32 $0x18C78;
	s7 =	sadd.s32 $0x70, s7  }
0x5c5: {  	[hbm4b:s7+s3] =	stream.linear.scatter [tilespmem:s21], [sflag:$0x8], $0x80, $0x38;
	[tilespmem:$0x19E00] =	vst v63  }
0x5c6: {  	s22 =	simm.s32 $0x18D00;
	s7 =	sadd.s32 s6, s11  }
0x5c7: {  	[hbm4b:s7+s3] =	stream.linear.scatter [tilespmem:s22], [sflag:$0x8], $0x80, $0x38;
	[tilespmem:$0x19E00] =	vst v63  }
0x5c8: {  	s31 =	sadd.s32 $0x10, s7  }
0x5c9: {  	[hbm4b:s31+s3] =	stream.linear.scatter [tilespmem:s0], [sflag:$0x8], $0x80, $0x38;
	[tilespmem:$0x19E00] =	vst v63  }
0x5ca: {  	s21 =	sadd.s32 $0x20, s7  }
0x5cb: {  	[hbm4b:s21+s3] =	stream.linear.scatter [tilespmem:s1], [sflag:$0x8], $0x80, $0x38;
	[tilespmem:$0x19E00] =	vst v63  }
0x5cc: {  	s22 =	sadd.s32 $0x30, s7;
	s31 =	simm.s32 $0x18E98  }
0x5cd: {  	[hbm4b:s22+s3] =	stream.linear.scatter [tilespmem:s31], [sflag:$0x8], $0x80, $0x38;
	[tilespmem:$0x19E00] =	vst v63  }
0x5ce: {  	s22 =	sadd.s32 $0x40, s7;
	s31 =	simm.s32 $0x18F20  }
0x5cf: {  	[hbm4b:s22+s3] =	stream.linear.scatter [tilespmem:s31], [sflag:$0x8], $0x80, $0x38;
	[tilespmem:$0x19E00] =	vst v63  }
0x5d0: {  	s22 =	sadd.s32 $0x50, s7;
	s31 =	simm.s32 $0x18FA8  }
0x5d1: {  	[hbm4b:s22+s3] =	stream.linear.scatter [tilespmem:s31], [sflag:$0x8], $0x80, $0x38;
	[tilespmem:$0x19E00] =	vst v63  }
0x5d2: {  	s21 =	sadd.s32 $0x60, s7;
	s22 =	simm.s32 $0x19030  }
0x5d3: {  	[hbm4b:s21+s3] =	stream.linear.scatter [tilespmem:s22], [sflag:$0x8], $0x80, $0x38;
	[tilespmem:$0x19E00] =	vst v63  }
0x5d4: {  	s7 =	sadd.s32 $0x70, s7;
	s31 =	simm.s32 $0x190B8  }
0x5d5: {  	[hbm4b:s7+s3] =	stream.linear.scatter [tilespmem:s31], [sflag:$0x8], $0x80, $0x38;
	[tilespmem:$0x19E00] =	vst v63  }
0x5d6: {  	s21 =	simm.s32 $0x19140;
	s7 =	sadd.s32 s6, s12  }
0x5d7: {  	[hbm4b:s7+s3] =	stream.linear.scatter [tilespmem:s21], [sflag:$0x8], $0x80, $0x38;
	[tilespmem:$0x19E00] =	vst v63  }
0x5d8: {  	s31 =	simm.s32 $0x191C8;
	s22 =	sadd.s32 $0x10, s7  }
0x5d9: {  	[hbm4b:s22+s3] =	stream.linear.scatter [tilespmem:s31], [sflag:$0x8], $0x80, $0x38;
	[tilespmem:$0x19E00] =	vst v63  }
0x5da: {  	s22 =	sadd.s32 $0x20, s7;
	s31 =	simm.s32 $0x19250  }
0x5db: {  	[hbm4b:s22+s3] =	stream.linear.scatter [tilespmem:s31], [sflag:$0x8], $0x80, $0x38;
	[tilespmem:$0x19E00] =	vst v63  }
0x5dc: {  	s22 =	sadd.s32 $0x30, s7;
	s31 =	simm.s32 $0x192D8  }
0x5dd: {  	[hbm4b:s22+s3] =	stream.linear.scatter [tilespmem:s31], [sflag:$0x8], $0x80, $0x38;
	[tilespmem:$0x19E00] =	vst v63  }
0x5de: {  	s22 =	sadd.s32 $0x40, s7;
	s31 =	simm.s32 $0x19360  }
0x5df: {  	[hbm4b:s22+s3] =	stream.linear.scatter [tilespmem:s31], [sflag:$0x8], $0x80, $0x38;
	[tilespmem:$0x19E00] =	vst v63  }
0x5e0: {  	s22 =	sadd.s32 $0x50, s7;
	s31 =	simm.s32 $0x193E8  }
0x5e1: {  	[hbm4b:s22+s3] =	stream.linear.scatter [tilespmem:s31], [sflag:$0x8], $0x80, $0x38;
	[tilespmem:$0x19E00] =	vst v63  }
0x5e2: {  	s21 =	sadd.s32 $0x60, s7;
	s22 =	simm.s32 $0x19470  }
0x5e3: {  	[hbm4b:s21+s3] =	stream.linear.scatter [tilespmem:s22], [sflag:$0x8], $0x80, $0x38;
	[tilespmem:$0x19E00] =	vst v63  }
0x5e4: {  	s7 =	sadd.s32 $0x70, s7;
	s31 =	simm.s32 $0x194F8  }
0x5e5: {  	[hbm4b:s7+s3] =	stream.linear.scatter [tilespmem:s31], [sflag:$0x8], $0x80, $0x38;
	[tilespmem:$0x19E00] =	vst v63  }
0x5e6: {  	s21 =	simm.s32 $0x19580;
	s7 =	sadd.s32 s6, s13  }
0x5e7: {  	[hbm4b:s7+s3] =	stream.linear.scatter [tilespmem:s21], [sflag:$0x8], $0x80, $0x38;
	[tilespmem:$0x19E00] =	vst v63  }
0x5e8: {  	s31 =	simm.s32 $0x19608;
	s22 =	sadd.s32 $0x10, s7  }
0x5e9: {  	[hbm4b:s22+s3] =	stream.linear.scatter [tilespmem:s31], [sflag:$0x8], $0x80, $0x38;
	[tilespmem:$0x19E00] =	vst v63  }
0x5ea: {  	s22 =	sadd.s32 $0x20, s7;
	s31 =	simm.s32 $0x19690  }
0x5eb: {  	[hbm4b:s22+s3] =	stream.linear.scatter [tilespmem:s31], [sflag:$0x8], $0x80, $0x38;
	[tilespmem:$0x19E00] =	vst v63  }
0x5ec: {  	s22 =	sadd.s32 $0x30, s7;
	s31 =	simm.s32 $0x19718  }
0x5ed: {  	[hbm4b:s22+s3] =	stream.linear.scatter [tilespmem:s31], [sflag:$0x8], $0x80, $0x38;
	[tilespmem:$0x19E00] =	vst v63  }
0x5ee: {  	s22 =	sadd.s32 $0x40, s7;
	s31 =	simm.s32 $0x197A0  }
0x5ef: {  	[hbm4b:s22+s3] =	stream.linear.scatter [tilespmem:s31], [sflag:$0x8], $0x80, $0x38;
	[tilespmem:$0x19E00] =	vst v63  }
0x5f0: {  	s22 =	sadd.s32 $0x50, s7;
	s31 =	simm.s32 $0x19828  }
0x5f1: {  	[hbm4b:s22+s3] =	stream.linear.scatter [tilespmem:s31], [sflag:$0x8], $0x80, $0x38;
	[tilespmem:$0x19E00] =	vst v63  }
0x5f2: {  	s21 =	sadd.s32 $0x60, s7;
	s22 =	simm.s32 $0x198B0  }
0x5f3: {  	[hbm4b:s21+s3] =	stream.linear.scatter [tilespmem:s22], [sflag:$0x8], $0x80, $0x38;
	[tilespmem:$0x19E00] =	vst v63  }
0x5f4: {  	s7 =	sadd.s32 $0x70, s7;
	s31 =	simm.s32 $0x19938  }
0x5f5: {  	[hbm4b:s7+s3] =	stream.linear.scatter [tilespmem:s31], [sflag:$0x8], $0x80, $0x38;
	[tilespmem:$0x19E00] =	vst v63  }
0x5f6: {  	s6 =	sadd.s32 s6, s14;
	s21 =	simm.s32 $0x199C0  }
0x5f7: {  	[hbm4b:s6+s3] =	stream.linear.scatter [tilespmem:s21], [sflag:$0x8], $0x80, $0x38;
	[tilespmem:$0x19E00] =	vst v63  }
0x5f8: {  	s22 =	sadd.s32 $0x10, s6;
	s31 =	simm.s32 $0x19A48  }
0x5f9: {  	[hbm4b:s22+s3] =	stream.linear.scatter [tilespmem:s31], [sflag:$0x8], $0x80, $0x38;
	[tilespmem:$0x19E00] =	vst v63  }
0x5fa: {  	s19 =	sadd.s32 $0x20, s6;
	s21 =	simm.s32 $0x19AD0  }
0x5fb: {  	[hbm4b:s19+s3] =	stream.linear.scatter [tilespmem:s21], [sflag:$0x8], $0x80, $0x38;
	[tilespmem:$0x19E00] =	vst v63  }
0x5fc: {  	s22 =	sadd.s32 $0x30, s6;
	s31 =	simm.s32 $0x19B58  }
0x5fd: {  	[hbm4b:s22+s3] =	stream.linear.scatter [tilespmem:s31], [sflag:$0x8], $0x80, $0x38;
	[tilespmem:$0x19E00] =	vst v63  }
0x5fe: {  	s19 =	sadd.s32 $0x40, s6;
	s21 =	simm.s32 $0x19BE0  }
0x5ff: {  	[hbm4b:s19+s3] =	stream.linear.scatter [tilespmem:s21], [sflag:$0x8], $0x80, $0x38;
	[tilespmem:$0x19E00] =	vst v63  }
0x600: {  	p0 =	seq.s32 s16, $0x31;
	s22 =	sadd.s32 $0x50, s6;
	s31 =	simm.s32 $0x19C68  }
0x601: {  	[hbm4b:s22+s3] =	stream.linear.scatter [tilespmem:s31], [sflag:$0x8], $0x80, $0x38;
	[tilespmem:$0x19E00] =	vst v63  }
.Ltmp9:
0x602: {  	_ = 	snop;
	(pc) =	sbr.rel @p0 .LBB2_16-.Ltmp9, $4  }
0x603: {  	s21 =	sadd.s32 $0x60, s6;
	s22 =	simm.s32 $0x19CF0  }
0x604: {  	[hbm4b:s21+s3] =	stream.linear.scatter [tilespmem:s22], [sflag:$0x8], $0x80, $0x38;
	[tilespmem:$0x19E00] =	vst v63  }
0x605: {  	s6 =	sadd.s32 $0x70, s6;
	s31 =	simm.s32 $0x19D78  }
0x606: {  	[hbm4b:s6+s3] =	stream.linear.scatter [tilespmem:s31], [sflag:$0x8], $0x80, $0x38;
	[tilespmem:$0x19E00] =	vst v63  }
.Ltmp10:
0x607: {  	(pc) =	sbr.rel .LBB2_2-.Ltmp10, $4  }
0x608: {  	s6 =	sshll.u32 s18, $0x7  }
0x609: {  	s6 =	sadd.s32 $0x280, s6  }
0x60a: {  	s7 =	simm.s32 $0xB600;
	s16 =	sadd.s32 $0x1, s16;
	s6 =	sand.u32 $0xFE80, s6  }
0x60b: {  	[tilespmem:s7], [sflag:$0x2] =	stream.indirect.gather [hbm4b:s5+s20], $0x40, s6, s20, $0xb8;
	[tilespmem:$0x19E00] =	vst v63  }
.LBB2_17:
0x60c: {  	_ =	sfence.sel $0x180000  }
0x60d: {  	[bflag:$0x0] =	sbarrier.arrive $0xFFFF  }
0x60e: {  	_ =	strace $0x90000047  }
0x60f: {  	s0 =	stileid.u32;
	[bflag:$0x2] =	sbarrier.arrive $0xFFFF  }
0x610: {  	p0 =	sne.s32 s0, $0x0;
	s0 =	rddreg [dreg:$0x3]  }
0x611: {  	s0 =	sadd.s32 @!p0 $0x100000, s0  }
0x612: {  	[sflag:s0] =	ssyncadd.tile.s32 @!p0 $0x1;
	_ =	shalt  }
.Lfunc_end2:
_tile_overlayer_lowered:
.L_overlay_start_2:
0x613: {  	(tag) =	ssettag $0x2  }
0x614: {  	s0 =	rddreg [dreg:$0x0];
	s2 =	stileid.u32  }
0x615: {  	s1 =	rddreg [dreg:$0x1];
	p0 =	sne.s32 s2, $0x0  }
0x616: {  	s3 =	rddreg [dreg:$0x2];
	[bflag:$0x3] =	sbarrier.arrive $0xFFFF;
	s2 =	simm.s32 @!p0 $0x1C09  }
0x617: {  	[timem:s3], [sflag:s2] =	dma.local @!p0 [hbm:s0], s1  }
0x618: {  	s0 =	simm.s32 @!p0 $0x9  }
0x619: {  	_ =	swait.ge @!p0 [sflag:s0], s1  }
0x61a: {  	s1 =	ssub.s32 @!p0 $0x0, s1;
	[sflag:s0] =	ssyncset.done @!p0 $0x0  }
0x61b: {  	[sflag:s0] =	ssyncadd.s32 @!p0 s1  }
0x61c: {  	[bflag:$0x3] =	sbarrier.arrive $0xFFFF  }
0x61d: {  	_ =	shalt  }

</sc_bundles>
